<compile_context>
chip_gen: v7x
topology: tpu7x:2x2x1
jax: 0.10.2.dev20260603
libtpu: 0.0.44.dev20260713+nightly
codegen_flags: <defaults>
</compile_context>

<pallas_src>
import functools

import jax
import jax.numpy as jnp
from jax import lax
from jax.experimental import pallas as pl
from jax.experimental.pallas import tpu as pltpu
from jax.experimental.pallas import tpu_sc as plsc

N = 10000
E = 320000
D = 128
HD = 64
D_EDGE = 16
N_GRAPHS = 128

NPAD = 10240
EP = 327680
EPT = EP // 16
RPT = EPT // 128
NJ = EPT // 1024
SUB = 512
ROWS_PER_TILE = NPAD // 16
ZROWS = 128


@functools.cache
def _make_edge_sc():
    mesh = plsc.VectorSubcoreMesh(core_axis_name="c", subcore_axis_name="s")

    @functools.partial(
        pl.kernel,
        mesh=mesh,
        compiler_params=pltpu.CompilerParams(use_tc_tiling_on_sc=False),
        out_type=jax.ShapeDtypeStruct((2, NPAD, HD), jnp.float32),
        scratch_types=[
            pltpu.VMEM((8, 128), jnp.int32),
            pltpu.VMEM((8, 128), jnp.int32),
            pltpu.VMEM((SUB, HD), jnp.float32),
            pltpu.VMEM((SUB, HD), jnp.float32),
            pltpu.VMEM((ZROWS, HD), jnp.float32),
            pltpu.VMEM_SHARED((NPAD, HD), jnp.float32),
            pltpu.SemaphoreType.DMA,
        ],
    )
    def edge_sc(x_hbm, src_hbm, dst_hbm, e_hbm, out_hbm,
                sidx, didx, xr, ev, zbuf, agg, sem):
        c = lax.axis_index("c")
        s = lax.axis_index("s")

        def zrow(r, carry):
            for k in range(HD // 16):
                zbuf[r, pl.ds(k * 16, 16)] = jnp.zeros((16,), jnp.float32)
            return carry
        lax.fori_loop(0, ZROWS, zrow, 0)
        for t in range(5):
            row0 = pl.multiple_of(s * ROWS_PER_TILE + t * ZROWS, 8)
            pltpu.sync_copy(zbuf, agg.at[pl.ds(row0, ZROWS), :])
        plsc.subcore_barrier()

        def body(j, carry):
            r0 = pl.multiple_of(s * RPT + j * 8, 8)
            pltpu.sync_copy(src_hbm.at[pl.ds(r0, 8)], sidx)
            pltpu.sync_copy(dst_hbm.at[pl.ds(r0, 8)], didx)
            for i in range(1024 // SUB):
                e0 = pl.multiple_of(r0 * 128 + i * SUB, 8)
                pltpu.sync_copy(e_hbm.at[c, pl.ds(e0, SUB), :], ev)
                cps = [pltpu.async_copy(
                           x_hbm.at[c].at[sidx.at[(SUB // 128) * i + u]],
                           xr.at[pl.ds(u * 128, 128)], sem)
                       for u in range(SUB // 128)]
                for cp in cps:
                    cp.wait()

                def crow(r, cc):
                    for k in range(HD // 16):
                        sl = pl.ds(k * 16, 16)
                        xr[r, sl] = jnp.maximum(xr[r, sl] + ev[r, sl], 0.0)
                    return cc
                lax.fori_loop(0, SUB, crow, 0)

                for u in range(SUB // 128):
                    pltpu.sync_copy(xr.at[pl.ds(u * 128, 128)],
                                    agg.at[didx.at[(SUB // 128) * i + u]],
                                    add=True)
            return carry
        lax.fori_loop(0, NJ, body, 0)
        plsc.subcore_barrier()

        for t in range(5):
            row0 = pl.multiple_of(s * ROWS_PER_TILE + t * ZROWS, 8)
            pltpu.sync_copy(agg.at[pl.ds(row0, ZROWS), :], zbuf)
            pltpu.sync_copy(zbuf, out_hbm.at[c, pl.ds(row0, ZROWS), :])

    return edge_sc


_EBLK = 2560


def _emb_body(attr, WeS, bES, e1, e2, e3):
    prod = jnp.dot(attr[...], WeS[...],
                   preferred_element_type=jnp.float32) + bES[...]
    for l, e_ref in enumerate((e1, e2, e3)):
        e_ref[0] = prod[:, l * D:l * D + HD]
        e_ref[1] = prod[:, l * D + HD:(l + 1) * D]


def _edge_embed(attr_p, WeS, bES):
    grid = (EP // _EBLK,)
    return pl.pallas_call(
        _emb_body,
        grid=grid,
        in_specs=[
            pl.BlockSpec((_EBLK, D_EDGE), lambda i: (i, 0)),
            pl.BlockSpec((D_EDGE, 3 * D), lambda i: (0, 0)),
            pl.BlockSpec((1, 3 * D), lambda i: (0, 0)),
        ],
        out_specs=[
            pl.BlockSpec((2, _EBLK, HD), lambda i: (0, i, 0)),
            pl.BlockSpec((2, _EBLK, HD), lambda i: (0, i, 0)),
            pl.BlockSpec((2, _EBLK, HD), lambda i: (0, i, 0)),
        ],
        out_shape=[jax.ShapeDtypeStruct((2, EP, HD), jnp.float32)] * 3,
    )(attr_p, WeS, bES)


def _dot3(a, b):
    ahi = a.astype(jnp.bfloat16)
    alo = (a - ahi.astype(jnp.float32)).astype(jnp.bfloat16)
    bhi = b.astype(jnp.bfloat16)
    blo = (b - bhi.astype(jnp.float32)).astype(jnp.bfloat16)
    f32 = jnp.float32
    return (jnp.dot(alo, bhi, preferred_element_type=f32)
            + jnp.dot(ahi, blo, preferred_element_type=f32)
            + jnp.dot(ahi, bhi, preferred_element_type=f32))


def _node_body(x, a2, b2d, W1, b1, gam, bet, W2, b2, h_out, hs_out, p_out):
    agg = jnp.concatenate([a2[0, 0:N, :], a2[1, 0:N, :]], axis=1)
    h = x[...] + agg
    h = jnp.dot(h, W1[...], preferred_element_type=jnp.float32) + b1[...]
    mu = jnp.mean(h, axis=0, keepdims=True)
    var = jnp.mean((h - mu) ** 2, axis=0, keepdims=True)
    h = (h - mu) / jnp.sqrt(var + 1e-5) * gam[...] + bet[...]
    h = jnp.maximum(h, 0.0)
    h = jnp.dot(h, W2[...], preferred_element_type=jnp.float32) + b2[...]
    h = jnp.maximum(h, 0.0)
    h_out[...] = h
    hs_out[0] = h[:, 0:HD]
    hs_out[1] = h[:, HD:D]
    oh = (lax.broadcasted_iota(jnp.int32, (N_GRAPHS, N), 0)
          == b2d[...]).astype(jnp.float32)
    p_out[...] = jnp.dot(oh, h, preferred_element_type=jnp.float32,
                         precision=lax.Precision.HIGHEST)


def _node_mlp(x, agg2, b2d, W1, b1, gam, bet, W2, b2):
    return pl.pallas_call(
        _node_body,
        out_shape=[
            jax.ShapeDtypeStruct((N, D), jnp.float32),
            jax.ShapeDtypeStruct((2, N, HD), jnp.float32),
            jax.ShapeDtypeStruct((N_GRAPHS, D), jnp.float32),
        ],
    )(x, agg2, b2d, W1, b1, gam, bet, W2, b2)


def _head_body(p1, p2, p3, Wl1, bl1, Wl2, bl2, out):
    h = jnp.concatenate([p1[...], p2[...], p3[...]], axis=1)
    h = jnp.dot(h, Wl1[...], preferred_element_type=jnp.float32) + bl1[...]
    h = jnp.maximum(h, 0.0)
    out[...] = jnp.dot(h, Wl2[...], preferred_element_type=jnp.float32) + bl2[...]


def _head(p1, p2, p3, Wl1, bl1, Wl2, bl2):
    return pl.pallas_call(
        _head_body,
        out_shape=jax.ShapeDtypeStruct((N_GRAPHS, 1), jnp.float32),
    )(p1, p2, p3, Wl1, bl1, Wl2, bl2)


def kernel(x, edge_index, edge_attr, batch,
           We1, bE1, W1_1, b1_1, gam1, bet1, W2_1, b2_1,
           We2, bE2, W1_2, b1_2, gam2, bet2, W2_2, b2_2,
           We3, bE3, W1_3, b1_3, gam3, bet3, W2_3, b2_3,
           Wl1, bl1, Wl2, bl2):
    pad = EP - E
    src2d = jnp.concatenate(
        [edge_index[0], jnp.zeros((pad,), jnp.int32)]).reshape(EP // 128, 128)
    dst2d = jnp.concatenate(
        [edge_index[1], jnp.full((pad,), NPAD - 1, jnp.int32)]).reshape(
            EP // 128, 128)
    attr_p = jnp.concatenate(
        [edge_attr, jnp.zeros((pad, D_EDGE), jnp.float32)], axis=0)
    WeS = jnp.concatenate([We1, We2, We3], axis=1)
    bES = jnp.concatenate([bE1, bE2, bE3]).reshape(1, 3 * D)
    e1, e2, e3 = _edge_embed(attr_p, WeS, bES)
    b2d = batch.reshape(1, N)

    h = x
    hs = jnp.stack([x[:, 0:HD], x[:, HD:D]])
    ps = []
    for (e_l, W1, b1, gam, bet, W2, b2) in (
            (e1, W1_1, b1_1, gam1, bet1, W2_1, b2_1),
            (e2, W1_2, b1_2, gam2, bet2, W2_2, b2_2),
            (e3, W1_3, b1_3, gam3, bet3, W2_3, b2_3)):
        agg2 = _make_edge_sc()(hs, src2d, dst2d, e_l)
        h, hs, p = _node_mlp(h, agg2, b2d,
                             W1, b1.reshape(1, D), gam.reshape(1, D),
                             bet.reshape(1, D), W2, b2.reshape(1, D))
        ps.append(p)

    return _head(ps[0], ps[1], ps[2],
                 Wl1, bl1.reshape(1, 3 * D), Wl2, bl2.reshape(1, 1))

# --- scband reference (transcript-rebuilt; emitter-appended) ---
"""Pipeline reference for scband-ginenet-90048284328640 (READ-ONLY COPY).

The authoritative reference and input builder live on the scoring server;
editing this copy changes nothing except your own understanding.
"""

import jax, jax.numpy as jnp
import numpy as np

N = 10000
E = 320000
D_FEAT = 128
D_H = 128
D_EDGE = 16
N_GRAPHS = 128

def _nrm(key, shape, scale=0.05):
    return jax.random.normal(key, shape, dtype=jnp.float32) * scale

def setup_inputs(seed: int = 0):
    key = jax.random.key(seed)
    keys = iter(jax.random.split(key, 64))
    inp = {}
    inp["x"] = jax.random.normal(next(keys), (N, D_FEAT), dtype=jnp.float32)
    inp["edge_index"] = jax.random.randint(next(keys), (2, E), 0, N, dtype=jnp.int32)
    inp["edge_attr"] = jax.random.normal(next(keys), (E, D_EDGE), dtype=jnp.float32)
    inp["batch"] = jnp.sort(jax.random.randint(next(keys), (N,), 0, N_GRAPHS, dtype=jnp.int32))
    for i, d_in in zip((1, 2, 3), (D_FEAT, D_H, D_H)):
        inp["We%d" % i] = _nrm(next(keys), (D_EDGE, d_in))
        inp["bE%d" % i] = jnp.zeros((d_in,), dtype=jnp.float32)
        inp["W1_%d" % i] = _nrm(next(keys), (d_in, D_H))
        inp["b1_%d" % i] = jnp.zeros((D_H,), dtype=jnp.float32)
        inp["gam%d" % i] = jnp.ones((D_H,), dtype=jnp.float32)
        inp["bet%d" % i] = jnp.zeros((D_H,), dtype=jnp.float32)
        inp["W2_%d" % i] = _nrm(next(keys), (D_H, D_H))
        inp["b2_%d" % i] = jnp.zeros((D_H,), dtype=jnp.float32)
    inp["Wl1"] = _nrm(next(keys), (3 * D_H, 3 * D_H))
    inp["bl1"] = jnp.zeros((3 * D_H,), dtype=jnp.float32)
    inp["Wl2"] = _nrm(next(keys), (3 * D_H, 1))
    inp["bl2"] = jnp.zeros((1,), dtype=jnp.float32)
    return inp

def _gine_conv(x, edge_index, edge_attr, We, bE, W1, b1, gam, bet, W2, b2):
    # PyG GINEConv: out = nn((1+eps)*x + sum_j relu(x_j + lin_edge(e_ji))), eps=0
    src = edge_index[0]
    dst = edge_index[1]
    e = edge_attr @ We + bE
    m = jax.nn.relu(x[src] + e)
    agg = jax.ops.segment_sum(m, dst, num_segments=x.shape[0])
    h = x + agg
    # nn = Linear -> BatchNorm1d (batch stats) -> ReLU -> Linear -> ReLU
    h = h @ W1 + b1
    mu = jnp.mean(h, axis=0)
    var = jnp.var(h, axis=0)
    h = (h - mu) / jnp.sqrt(var + 1e-5) * gam + bet
    h = jax.nn.relu(h)
    h = h @ W2 + b2
    h = jax.nn.relu(h)
    return h

def reference(x, edge_index, edge_attr, batch,
              We1, bE1, W1_1, b1_1, gam1, bet1, W2_1, b2_1,
              We2, bE2, W1_2, b1_2, gam2, bet2, W2_2, b2_2,
              We3, bE3, W1_3, b1_3, gam3, bet3, W2_3, b2_3,
              Wl1, bl1, Wl2, bl2):
    h1 = _gine_conv(x, edge_index, edge_attr, We1, bE1, W1_1, b1_1, gam1, bet1, W2_1, b2_1)
    h2 = _gine_conv(h1, edge_index, edge_attr, We2, bE2, W1_2, b1_2, gam2, bet2, W2_2, b2_2)
    h3 = _gine_conv(h2, edge_index, edge_attr, We3, bE3, W1_3, b1_3, gam3, bet3, W2_3, b2_3)
    p1 = jax.ops.segment_sum(h1, batch, num_segments=N_GRAPHS)
    p2 = jax.ops.segment_sum(h2, batch, num_segments=N_GRAPHS)
    p3 = jax.ops.segment_sum(h3, batch, num_segments=N_GRAPHS)
    h = jnp.concatenate((p1, p2, p3), axis=1)
    h = jax.nn.relu(h @ Wl1 + bl1)
    # dropout p=0.5 omitted (eval-mode / deterministic reference)
    h = h @ Wl2 + bl2
    return h

if __name__ == "__main__":
    import jax
    _d = setup_inputs()
    print(jax.jit(kernel)(*tuple(_d.values())))

</pallas_src>

<mosaic_0001>
#map = affine_map<(d0, d1) -> (0, 0, 0)>
#map1 = affine_map<(d0, d1) -> (0, 0)>
module attributes {stable_mosaic.version = 14 : i64} {
  func.func @edge_sc(%arg0: i32, %arg1: i32, %arg2: memref<2x10000x64xf32, #tpu.memory_space<hbm>>, %arg3: memref<2560x128xi32, #tpu.memory_space<hbm>>, %arg4: memref<2560x128xi32, #tpu.memory_space<hbm>>, %arg5: memref<2x327680x64xf32, #tpu.memory_space<hbm>>, %arg6: memref<2x10240x64xf32, #tpu.memory_space<hbm>>, %arg7: memref<8x128xi32, #tpu.memory_space<vmem>>, %arg8: memref<8x128xi32, #tpu.memory_space<vmem>>, %arg9: memref<512x64xf32, #tpu.memory_space<vmem>>, %arg10: memref<512x64xf32, #tpu.memory_space<vmem>>, %arg11: memref<128x64xf32, #tpu.memory_space<vmem>>, %arg12: memref<10240x64xf32, #tpu.memory_space<vmem_shared>>, %arg13: memref<!tpu.dma_semaphore, #tpu.memory_space<semaphore_mem>>) attributes {dimension_semantics = [#tpu.dimension_semantics<core_parallel>, #tpu.dimension_semantics<subcore_parallel>], iteration_bounds = array<i64: 2, 16>, scalar_prefetch = 0 : i64, scratch_operands = 7 : i64, tpu.core_type = #tpu.core_type<sc_vector_subcore>, window_params = [{transform_indices = #map}, {transform_indices = #map1}, {transform_indices = #map1}, {transform_indices = #map}, {transform_indices = #map}]} {
    %scan3A = arith.constant 0 : i32
    %scan3A_0 = arith.constant 0 : i32
    %scan3A_1 = arith.constant 128 : i32
    %scan3A_2 = arith.addi %scan3A_0, %scan3A_1 : i32
    %scan3A_3 = arith.constant 1 : i32
    scf.for %scan3A_59 = %scan3A_0 to %scan3A_2 step %scan3A_3  : i32 {
      %broadcast_in_dim3A = arith.constant 0.000000e+00 : f32
      %broadcast_in_dim3A_60 = vector.broadcast %broadcast_in_dim3A : f32 to vector<16xf32>
      %swap3A = arith.index_cast %scan3A_59 : i32 to index
      %swap3A_61 = arith.constant 0 : index
      %swap3A_62 = tpu.vector_load %arg11[%swap3A, %swap3A_61] {strides = array<i32>} : memref<128x64xf32, #tpu.memory_space<vmem>>, vector<1x16xf32>,
      %swap3A_63 = vector.shape_cast %swap3A_62 : vector<1x16xf32> to vector<16xf32>
      %swap3A_64 = vector.shape_cast %broadcast_in_dim3A_60 : vector<16xf32> to vector<1x16xf32>
      tpu.vector_store %arg11[%swap3A, %swap3A_61], %swap3A_64 {strides = array<i32>} : memref<128x64xf32, #tpu.memory_space<vmem>>, vector<1x16xf32>,
      %broadcast_in_dim3A_65 = arith.constant 0.000000e+00 : f32
      %broadcast_in_dim3A_66 = vector.broadcast %broadcast_in_dim3A_65 : f32 to vector<16xf32>
      %swap3A_67 = arith.index_cast %scan3A_59 : i32 to index
      %swap3A_68 = arith.constant 16 : index
      %swap3A_69 = tpu.vector_load %arg11[%swap3A_67, %swap3A_68] {strides = array<i32>} : memref<128x64xf32, #tpu.memory_space<vmem>>, vector<1x16xf32>,
      %swap3A_70 = vector.shape_cast %swap3A_69 : vector<1x16xf32> to vector<16xf32>
      %swap3A_71 = vector.shape_cast %broadcast_in_dim3A_66 : vector<16xf32> to vector<1x16xf32>
      tpu.vector_store %arg11[%swap3A_67, %swap3A_68], %swap3A_71 {strides = array<i32>} : memref<128x64xf32, #tpu.memory_space<vmem>>, vector<1x16xf32>,
      %broadcast_in_dim3A_72 = arith.constant 0.000000e+00 : f32
      %broadcast_in_dim3A_73 = vector.broadcast %broadcast_in_dim3A_72 : f32 to vector<16xf32>
      %swap3A_74 = arith.index_cast %scan3A_59 : i32 to index
      %swap3A_75 = arith.constant 32 : index
      %swap3A_76 = tpu.vector_load %arg11[%swap3A_74, %swap3A_75] {strides = array<i32>} : memref<128x64xf32, #tpu.memory_space<vmem>>, vector<1x16xf32>,
      %swap3A_77 = vector.shape_cast %swap3A_76 : vector<1x16xf32> to vector<16xf32>
      %swap3A_78 = vector.shape_cast %broadcast_in_dim3A_73 : vector<16xf32> to vector<1x16xf32>
      tpu.vector_store %arg11[%swap3A_74, %swap3A_75], %swap3A_78 {strides = array<i32>} : memref<128x64xf32, #tpu.memory_space<vmem>>, vector<1x16xf32>,
      %broadcast_in_dim3A_79 = arith.constant 0.000000e+00 : f32
      %broadcast_in_dim3A_80 = vector.broadcast %broadcast_in_dim3A_79 : f32 to vector<16xf32>
      %swap3A_81 = arith.index_cast %scan3A_59 : i32 to index
      %swap3A_82 = arith.constant 48 : index
      %swap3A_83 = tpu.vector_load %arg11[%swap3A_81, %swap3A_82] {strides = array<i32>} : memref<128x64xf32, #tpu.memory_space<vmem>>, vector<1x16xf32>,
      %swap3A_84 = vector.shape_cast %swap3A_83 : vector<1x16xf32> to vector<16xf32>
      %swap3A_85 = vector.shape_cast %broadcast_in_dim3A_80 : vector<16xf32> to vector<1x16xf32>
      tpu.vector_store %arg11[%swap3A_81, %swap3A_82], %swap3A_85 {strides = array<i32>} : memref<128x64xf32, #tpu.memory_space<vmem>>, vector<1x16xf32>,
    }
    %scan3A_4 = arith.constant 128 : i32
    %mul3A = arith.constant 640 : i32
    %mul3A_5 = arith.muli %arg1, %mul3A : i32
    %add3A = arith.constant 0 : i32
    %add3A_6 = arith.addi %mul3A_5, %add3A : i32
    %multiple_of3A = tpu.assume_multiple %add3A_6, 8 : i32
    "tpu.region"() ({
      %run_scoped3A = tpu.sem_alloc : memref<!tpu.dma_semaphore, #tpu.memory_space<semaphore_mem>>
      %dma_start3A = arith.constant 0 : i32
      %dma_start3A_59 = tpu.memref_slice %arg12[%multiple_of3A, %dma_start3A] : memref<10240x64xf32, #tpu.memory_space<vmem_shared>> -> memref<128x64xf32, #tpu.memory_space<vmem_shared>>
      %dma_start3A_60 = arith.constant 0 : i32
      %dma_start3A_61 = tpu.memref_slice %arg12[%multiple_of3A, %dma_start3A_60] : memref<10240x64xf32, #tpu.memory_space<vmem_shared>> -> memref<128x64xf32, #tpu.memory_space<vmem_shared>>
      tpu.enqueue_dma source(%arg11 : memref<128x64xf32, #tpu.memory_space<vmem>>) target(%dma_start3A_61 : memref<128x64xf32, #tpu.memory_space<vmem_shared>>) target_semaphore(%run_scoped3A : memref<!tpu.dma_semaphore, #tpu.memory_space<semaphore_mem>>)
      %dma_wait3A = arith.constant 0 : i32
      %dma_wait3A_62 = tpu.memref_slice %arg12[%multiple_of3A, %dma_wait3A] : memref<10240x64xf32, #tpu.memory_space<vmem_shared>> -> memref<128x64xf32, #tpu.memory_space<vmem_shared>>
      %dma_wait3A_63 = arith.constant 0 : i32
      %dma_wait3A_64 = tpu.memref_slice %arg12[%multiple_of3A, %dma_wait3A_63] : memref<10240x64xf32, #tpu.memory_space<vmem_shared>> -> memref<128x64xf32, #tpu.memory_space<vmem_shared>>
      tpu.wait_dma2 semaphore(%run_scoped3A : memref<!tpu.dma_semaphore, #tpu.memory_space<semaphore_mem>>) src(%arg11 : memref<128x64xf32, #tpu.memory_space<vmem>>) dst(%dma_wait3A_64 : memref<128x64xf32, #tpu.memory_space<vmem_shared>>)
      tpu.yield
    }) : () -> ()
    %mul3A_7 = arith.constant 640 : i32
    %mul3A_8 = arith.muli %arg1, %mul3A_7 : i32
    %add3A_9 = arith.constant 128 : i32
    %add3A_10 = arith.addi %mul3A_8, %add3A_9 : i32
    %multiple_of3A_11 = tpu.assume_multiple %add3A_10, 8 : i32
    "tpu.region"() ({
      %run_scoped3A = tpu.sem_alloc : memref<!tpu.dma_semaphore, #tpu.memory_space<semaphore_mem>>
      %dma_start3A = arith.constant 0 : i32
      %dma_start3A_59 = tpu.memref_slice %arg12[%multiple_of3A_11, %dma_start3A] : memref<10240x64xf32, #tpu.memory_space<vmem_shared>> -> memref<128x64xf32, #tpu.memory_space<vmem_shared>>
      %dma_start3A_60 = arith.constant 0 : i32
      %dma_start3A_61 = tpu.memref_slice %arg12[%multiple_of3A_11, %dma_start3A_60] : memref<10240x64xf32, #tpu.memory_space<vmem_shared>> -> memref<128x64xf32, #tpu.memory_space<vmem_shared>>
      tpu.enqueue_dma source(%arg11 : memref<128x64xf32, #tpu.memory_space<vmem>>) target(%dma_start3A_61 : memref<128x64xf32, #tpu.memory_space<vmem_shared>>) target_semaphore(%run_scoped3A : memref<!tpu.dma_semaphore, #tpu.memory_space<semaphore_mem>>)
      %dma_wait3A = arith.constant 0 : i32
      %dma_wait3A_62 = tpu.memref_slice %arg12[%multiple_of3A_11, %dma_wait3A] : memref<10240x64xf32, #tpu.memory_space<vmem_shared>> -> memref<128x64xf32, #tpu.memory_space<vmem_shared>>
      %dma_wait3A_63 = arith.constant 0 : i32
      %dma_wait3A_64 = tpu.memref_slice %arg12[%multiple_of3A_11, %dma_wait3A_63] : memref<10240x64xf32, #tpu.memory_space<vmem_shared>> -> memref<128x64xf32, #tpu.memory_space<vmem_shared>>
      tpu.wait_dma2 semaphore(%run_scoped3A : memref<!tpu.dma_semaphore, #tpu.memory_space<semaphore_mem>>) src(%arg11 : memref<128x64xf32, #tpu.memory_space<vmem>>) dst(%dma_wait3A_64 : memref<128x64xf32, #tpu.memory_space<vmem_shared>>)
      tpu.yield
    }) : () -> ()
    %mul3A_12 = arith.constant 640 : i32
    %mul3A_13 = arith.muli %arg1, %mul3A_12 : i32
    %add3A_14 = arith.constant 256 : i32
    %add3A_15 = arith.addi %mul3A_13, %add3A_14 : i32
    %multiple_of3A_16 = tpu.assume_multiple %add3A_15, 8 : i32
    "tpu.region"() ({
      %run_scoped3A = tpu.sem_alloc : memref<!tpu.dma_semaphore, #tpu.memory_space<semaphore_mem>>
      %dma_start3A = arith.constant 0 : i32
      %dma_start3A_59 = tpu.memref_slice %arg12[%multiple_of3A_16, %dma_start3A] : memref<10240x64xf32, #tpu.memory_space<vmem_shared>> -> memref<128x64xf32, #tpu.memory_space<vmem_shared>>
      %dma_start3A_60 = arith.constant 0 : i32
      %dma_start3A_61 = tpu.memref_slice %arg12[%multiple_of3A_16, %dma_start3A_60] : memref<10240x64xf32, #tpu.memory_space<vmem_shared>> -> memref<128x64xf32, #tpu.memory_space<vmem_shared>>
      tpu.enqueue_dma source(%arg11 : memref<128x64xf32, #tpu.memory_space<vmem>>) target(%dma_start3A_61 : memref<128x64xf32, #tpu.memory_space<vmem_shared>>) target_semaphore(%run_scoped3A : memref<!tpu.dma_semaphore, #tpu.memory_space<semaphore_mem>>)
      %dma_wait3A = arith.constant 0 : i32
      %dma_wait3A_62 = tpu.memref_slice %arg12[%multiple_of3A_16, %dma_wait3A] : memref<10240x64xf32, #tpu.memory_space<vmem_shared>> -> memref<128x64xf32, #tpu.memory_space<vmem_shared>>
      %dma_wait3A_63 = arith.constant 0 : i32
      %dma_wait3A_64 = tpu.memref_slice %arg12[%multiple_of3A_16, %dma_wait3A_63] : memref<10240x64xf32, #tpu.memory_space<vmem_shared>> -> memref<128x64xf32, #tpu.memory_space<vmem_shared>>
      tpu.wait_dma2 semaphore(%run_scoped3A : memref<!tpu.dma_semaphore, #tpu.memory_space<semaphore_mem>>) src(%arg11 : memref<128x64xf32, #tpu.memory_space<vmem>>) dst(%dma_wait3A_64 : memref<128x64xf32, #tpu.memory_space<vmem_shared>>)
      tpu.yield
    }) : () -> ()
    %mul3A_17 = arith.constant 640 : i32
    %mul3A_18 = arith.muli %arg1, %mul3A_17 : i32
    %add3A_19 = arith.constant 384 : i32
    %add3A_20 = arith.addi %mul3A_18, %add3A_19 : i32
    %multiple_of3A_21 = tpu.assume_multiple %add3A_20, 8 : i32
    "tpu.region"() ({
      %run_scoped3A = tpu.sem_alloc : memref<!tpu.dma_semaphore, #tpu.memory_space<semaphore_mem>>
      %dma_start3A = arith.constant 0 : i32
      %dma_start3A_59 = tpu.memref_slice %arg12[%multiple_of3A_21, %dma_start3A] : memref<10240x64xf32, #tpu.memory_space<vmem_shared>> -> memref<128x64xf32, #tpu.memory_space<vmem_shared>>
      %dma_start3A_60 = arith.constant 0 : i32
      %dma_start3A_61 = tpu.memref_slice %arg12[%multiple_of3A_21, %dma_start3A_60] : memref<10240x64xf32, #tpu.memory_space<vmem_shared>> -> memref<128x64xf32, #tpu.memory_space<vmem_shared>>
      tpu.enqueue_dma source(%arg11 : memref<128x64xf32, #tpu.memory_space<vmem>>) target(%dma_start3A_61 : memref<128x64xf32, #tpu.memory_space<vmem_shared>>) target_semaphore(%run_scoped3A : memref<!tpu.dma_semaphore, #tpu.memory_space<semaphore_mem>>)
      %dma_wait3A = arith.constant 0 : i32
      %dma_wait3A_62 = tpu.memref_slice %arg12[%multiple_of3A_21, %dma_wait3A] : memref<10240x64xf32, #tpu.memory_space<vmem_shared>> -> memref<128x64xf32, #tpu.memory_space<vmem_shared>>
      %dma_wait3A_63 = arith.constant 0 : i32
      %dma_wait3A_64 = tpu.memref_slice %arg12[%multiple_of3A_21, %dma_wait3A_63] : memref<10240x64xf32, #tpu.memory_space<vmem_shared>> -> memref<128x64xf32, #tpu.memory_space<vmem_shared>>
      tpu.wait_dma2 semaphore(%run_scoped3A : memref<!tpu.dma_semaphore, #tpu.memory_space<semaphore_mem>>) src(%arg11 : memref<128x64xf32, #tpu.memory_space<vmem>>) dst(%dma_wait3A_64 : memref<128x64xf32, #tpu.memory_space<vmem_shared>>)
      tpu.yield
    }) : () -> ()
    %mul3A_22 = arith.constant 640 : i32
    %mul3A_23 = arith.muli %arg1, %mul3A_22 : i32
    %add3A_24 = arith.constant 512 : i32
    %add3A_25 = arith.addi %mul3A_23, %add3A_24 : i32
    %multiple_of3A_26 = tpu.assume_multiple %add3A_25, 8 : i32
    "tpu.region"() ({
      %run_scoped3A = tpu.sem_alloc : memref<!tpu.dma_semaphore, #tpu.memory_space<semaphore_mem>>
      %dma_start3A = arith.constant 0 : i32
      %dma_start3A_59 = tpu.memref_slice %arg12[%multiple_of3A_26, %dma_start3A] : memref<10240x64xf32, #tpu.memory_space<vmem_shared>> -> memref<128x64xf32, #tpu.memory_space<vmem_shared>>
      %dma_start3A_60 = arith.constant 0 : i32
      %dma_start3A_61 = tpu.memref_slice %arg12[%multiple_of3A_26, %dma_start3A_60] : memref<10240x64xf32, #tpu.memory_space<vmem_shared>> -> memref<128x64xf32, #tpu.memory_space<vmem_shared>>
      tpu.enqueue_dma source(%arg11 : memref<128x64xf32, #tpu.memory_space<vmem>>) target(%dma_start3A_61 : memref<128x64xf32, #tpu.memory_space<vmem_shared>>) target_semaphore(%run_scoped3A : memref<!tpu.dma_semaphore, #tpu.memory_space<semaphore_mem>>)
      %dma_wait3A = arith.constant 0 : i32
      %dma_wait3A_62 = tpu.memref_slice %arg12[%multiple_of3A_26, %dma_wait3A] : memref<10240x64xf32, #tpu.memory_space<vmem_shared>> -> memref<128x64xf32, #tpu.memory_space<vmem_shared>>
      %dma_wait3A_63 = arith.constant 0 : i32
      %dma_wait3A_64 = tpu.memref_slice %arg12[%multiple_of3A_26, %dma_wait3A_63] : memref<10240x64xf32, #tpu.memory_space<vmem_shared>> -> memref<128x64xf32, #tpu.memory_space<vmem_shared>>
      tpu.wait_dma2 semaphore(%run_scoped3A : memref<!tpu.dma_semaphore, #tpu.memory_space<semaphore_mem>>) src(%arg11 : memref<128x64xf32, #tpu.memory_space<vmem>>) dst(%dma_wait3A_64 : memref<128x64xf32, #tpu.memory_space<vmem_shared>>)
      tpu.yield
    }) : () -> ()
    %barrier3A = arith.constant 0 : index
    tpu.barrier barrier_id(%barrier3A)
    %scan3A_27 = arith.constant 0 : i32
    %scan3A_28 = arith.constant 0 : i32
    %scan3A_29 = arith.constant 20 : i32
    %scan3A_30 = arith.addi %scan3A_28, %scan3A_29 : i32
    %scan3A_31 = arith.constant 1 : i32
    scf.for %scan3A_59 = %scan3A_28 to %scan3A_30 step %scan3A_31  : i32 {
      %mul3A_60 = arith.constant 160 : i32
      %mul3A_61 = arith.muli %arg1, %mul3A_60 : i32
      %mul3A_62 = arith.constant 8 : i32
      %mul3A_63 = arith.muli %scan3A_59, %mul3A_62 : i32
      %add3A_64 = arith.addi %mul3A_61, %mul3A_63 : i32
      %multiple_of3A_65 = tpu.assume_multiple %add3A_64, 8 : i32
      "tpu.region"() ({
        %run_scoped3A_317 = tpu.sem_alloc : memref<!tpu.dma_semaphore, #tpu.memory_space<semaphore_mem>>
        %dma_start3A_318 = arith.constant 0 : i32
        %dma_start3A_319 = tpu.memref_slice %arg3[%multiple_of3A_65, %dma_start3A_318] : memref<2560x128xi32, #tpu.memory_space<hbm>> -> memref<8x128xi32, #tpu.memory_space<hbm>>
        %dma_start3A_320 = arith.constant 0 : i32
        %dma_start3A_321 = tpu.memref_slice %arg3[%multiple_of3A_65, %dma_start3A_320] : memref<2560x128xi32, #tpu.memory_space<hbm>> -> memref<8x128xi32, #tpu.memory_space<hbm>>
        tpu.enqueue_dma source(%dma_start3A_321 : memref<8x128xi32, #tpu.memory_space<hbm>>) target(%arg7 : memref<8x128xi32, #tpu.memory_space<vmem>>) target_semaphore(%run_scoped3A_317 : memref<!tpu.dma_semaphore, #tpu.memory_space<semaphore_mem>>)
        %dma_wait3A_322 = arith.constant 0 : i32
        %dma_wait3A_323 = tpu.memref_slice %arg3[%multiple_of3A_65, %dma_wait3A_322] : memref<2560x128xi32, #tpu.memory_space<hbm>> -> memref<8x128xi32, #tpu.memory_space<hbm>>
        %dma_wait3A_324 = arith.constant 0 : i32
        %dma_wait3A_325 = tpu.memref_slice %arg3[%multiple_of3A_65, %dma_wait3A_324] : memref<2560x128xi32, #tpu.memory_space<hbm>> -> memref<8x128xi32, #tpu.memory_space<hbm>>
        tpu.wait_dma2 semaphore(%run_scoped3A_317 : memref<!tpu.dma_semaphore, #tpu.memory_space<semaphore_mem>>) src(%dma_wait3A_325 : memref<8x128xi32, #tpu.memory_space<hbm>>) dst(%arg7 : memref<8x128xi32, #tpu.memory_space<vmem>>)
        tpu.yield
      }) : () -> ()
      "tpu.region"() ({
        %run_scoped3A_317 = tpu.sem_alloc : memref<!tpu.dma_semaphore, #tpu.memory_space<semaphore_mem>>
        %dma_start3A_318 = arith.constant 0 : i32
        %dma_start3A_319 = tpu.memref_slice %arg4[%multiple_of3A_65, %dma_start3A_318] : memref<2560x128xi32, #tpu.memory_space<hbm>> -> memref<8x128xi32, #tpu.memory_space<hbm>>
        %dma_start3A_320 = arith.constant 0 : i32
        %dma_start3A_321 = tpu.memref_slice %arg4[%multiple_of3A_65, %dma_start3A_320] : memref<2560x128xi32, #tpu.memory_space<hbm>> -> memref<8x128xi32, #tpu.memory_space<hbm>>
        tpu.enqueue_dma source(%dma_start3A_321 : memref<8x128xi32, #tpu.memory_space<hbm>>) target(%arg8 : memref<8x128xi32, #tpu.memory_space<vmem>>) target_semaphore(%run_scoped3A_317 : memref<!tpu.dma_semaphore, #tpu.memory_space<semaphore_mem>>)
        %dma_wait3A_322 = arith.constant 0 : i32
        %dma_wait3A_323 = tpu.memref_slice %arg4[%multiple_of3A_65, %dma_wait3A_322] : memref<2560x128xi32, #tpu.memory_space<hbm>> -> memref<8x128xi32, #tpu.memory_space<hbm>>
        %dma_wait3A_324 = arith.constant 0 : i32
        %dma_wait3A_325 = tpu.memref_slice %arg4[%multiple_of3A_65, %dma_wait3A_324] : memref<2560x128xi32, #tpu.memory_space<hbm>> -> memref<8x128xi32, #tpu.memory_space<hbm>>
        tpu.wait_dma2 semaphore(%run_scoped3A_317 : memref<!tpu.dma_semaphore, #tpu.memory_space<semaphore_mem>>) src(%dma_wait3A_325 : memref<8x128xi32, #tpu.memory_space<hbm>>) dst(%arg8 : memref<8x128xi32, #tpu.memory_space<vmem>>)
        tpu.yield
      }) : () -> ()
      %mul3A_66 = arith.constant 128 : i32
      %mul3A_67 = arith.muli %multiple_of3A_65, %mul3A_66 : i32
      %add3A_68 = arith.constant 0 : i32
      %add3A_69 = arith.addi %mul3A_67, %add3A_68 : i32
      %multiple_of3A_70 = tpu.assume_multiple %add3A_69, 8 : i32
      "tpu.region"() ({
        %run_scoped3A_317 = tpu.sem_alloc : memref<!tpu.dma_semaphore, #tpu.memory_space<semaphore_mem>>
        %dma_start3A_318 = arith.constant 0 : i32
        %dma_start3A_319 = tpu.memref_slice %arg5[%arg0, %multiple_of3A_70, %dma_start3A_318] : memref<2x327680x64xf32, #tpu.memory_space<hbm>> -> memref<1x512x64xf32, #tpu.memory_space<hbm>>
        %dma_start3A_320 = tpu.memref_squeeze %dma_start3A_319 : memref<1x512x64xf32, #tpu.memory_space<hbm>> -> memref<512x64xf32, #tpu.memory_space<hbm>>
        %dma_start3A_321 = arith.constant 0 : i32
        %dma_start3A_322 = tpu.memref_slice %arg5[%arg0, %multiple_of3A_70, %dma_start3A_321] : memref<2x327680x64xf32, #tpu.memory_space<hbm>> -> memref<1x512x64xf32, #tpu.memory_space<hbm>>
        %dma_start3A_323 = tpu.memref_squeeze %dma_start3A_322 : memref<1x512x64xf32, #tpu.memory_space<hbm>> -> memref<512x64xf32, #tpu.memory_space<hbm>>
        tpu.enqueue_dma source(%dma_start3A_323 : memref<512x64xf32, #tpu.memory_space<hbm>>) target(%arg10 : memref<512x64xf32, #tpu.memory_space<vmem>>) target_semaphore(%run_scoped3A_317 : memref<!tpu.dma_semaphore, #tpu.memory_space<semaphore_mem>>)
        %dma_wait3A_324 = arith.constant 0 : i32
        %dma_wait3A_325 = tpu.memref_slice %arg5[%arg0, %multiple_of3A_70, %dma_wait3A_324] : memref<2x327680x64xf32, #tpu.memory_space<hbm>> -> memref<1x512x64xf32, #tpu.memory_space<hbm>>
        %dma_wait3A_326 = tpu.memref_squeeze %dma_wait3A_325 : memref<1x512x64xf32, #tpu.memory_space<hbm>> -> memref<512x64xf32, #tpu.memory_space<hbm>>
        %dma_wait3A_327 = arith.constant 0 : i32
        %dma_wait3A_328 = tpu.memref_slice %arg5[%arg0, %multiple_of3A_70, %dma_wait3A_327] : memref<2x327680x64xf32, #tpu.memory_space<hbm>> -> memref<1x512x64xf32, #tpu.memory_space<hbm>>
        %dma_wait3A_329 = tpu.memref_squeeze %dma_wait3A_328 : memref<1x512x64xf32, #tpu.memory_space<hbm>> -> memref<512x64xf32, #tpu.memory_space<hbm>>
        tpu.wait_dma2 semaphore(%run_scoped3A_317 : memref<!tpu.dma_semaphore, #tpu.memory_space<semaphore_mem>>) src(%dma_wait3A_329 : memref<512x64xf32, #tpu.memory_space<hbm>>) dst(%arg10 : memref<512x64xf32, #tpu.memory_space<vmem>>)
        tpu.yield
      }) : () -> ()
      %dma_start3A = arith.constant 0 : i32
      %dma_start3A_71 = arith.constant 0 : i32
      %dma_start3A_72 = arith.constant 0 : i32
      %dma_start3A_73 = tpu.memref_slice %arg9[%dma_start3A_71, %dma_start3A_72] : memref<512x64xf32, #tpu.memory_space<vmem>> -> memref<128x64xf32, #tpu.memory_space<vmem>>
      %dma_start3A_74 = arith.constant 0 : i32
      %dma_start3A_75 = tpu.memref_slice %arg7[%dma_start3A, %dma_start3A_74] : memref<8x128xi32, #tpu.memory_space<vmem>> -> memref<1x128xi32, #tpu.memory_space<vmem>>
      %dma_start3A_76 = tpu.memref_squeeze %dma_start3A_75 : memref<1x128xi32, #tpu.memory_space<vmem>> -> memref<128xi32, #tpu.memory_space<vmem>>
      %dma_start3A_77 = arith.constant 0 : i32
      %dma_start3A_78 = arith.constant 0 : i32
      %dma_start3A_79 = tpu.memref_slice %arg2[%arg0, %dma_start3A_77, %dma_start3A_78] : memref<2x10000x64xf32, #tpu.memory_space<hbm>> -> memref<1x10000x64xf32, #tpu.memory_space<hbm>>
      %dma_start3A_80 = tpu.memref_squeeze %dma_start3A_79 : memref<1x10000x64xf32, #tpu.memory_space<hbm>> -> memref<10000x64xf32, #tpu.memory_space<hbm>>
      %dma_start3A_81 = arith.constant 0 : i32
      %dma_start3A_82 = arith.constant 0 : i32
      %dma_start3A_83 = tpu.memref_slice %dma_start3A_80[%dma_start3A_81, %dma_start3A_82] : memref<10000x64xf32, #tpu.memory_space<hbm>> -> memref<10000x64xf32, #tpu.memory_space<hbm>>
      tpu.enqueue_indirect_dma source(%dma_start3A_83 : memref<10000x64xf32, #tpu.memory_space<hbm>>) target(%dma_start3A_73 : memref<128x64xf32, #tpu.memory_space<vmem>>) offsets(%dma_start3A_76 : memref<128xi32, #tpu.memory_space<vmem>>) semaphore(%arg13 : memref<!tpu.dma_semaphore, #tpu.memory_space<semaphore_mem>>)
      %dma_start3A_84 = arith.constant 1 : i32
      %dma_start3A_85 = arith.constant 128 : i32
      %dma_start3A_86 = arith.constant 0 : i32
      %dma_start3A_87 = tpu.memref_slice %arg9[%dma_start3A_85, %dma_start3A_86] : memref<512x64xf32, #tpu.memory_space<vmem>> -> memref<128x64xf32, #tpu.memory_space<vmem>>
      %dma_start3A_88 = arith.constant 0 : i32
      %dma_start3A_89 = tpu.memref_slice %arg7[%dma_start3A_84, %dma_start3A_88] : memref<8x128xi32, #tpu.memory_space<vmem>> -> memref<1x128xi32, #tpu.memory_space<vmem>>
      %dma_start3A_90 = tpu.memref_squeeze %dma_start3A_89 : memref<1x128xi32, #tpu.memory_space<vmem>> -> memref<128xi32, #tpu.memory_space<vmem>>
      %dma_start3A_91 = arith.constant 0 : i32
      %dma_start3A_92 = arith.constant 0 : i32
      %dma_start3A_93 = tpu.memref_slice %arg2[%arg0, %dma_start3A_91, %dma_start3A_92] : memref<2x10000x64xf32, #tpu.memory_space<hbm>> -> memref<1x10000x64xf32, #tpu.memory_space<hbm>>
      %dma_start3A_94 = tpu.memref_squeeze %dma_start3A_93 : memref<1x10000x64xf32, #tpu.memory_space<hbm>> -> memref<10000x64xf32, #tpu.memory_space<hbm>>
      %dma_start3A_95 = arith.constant 0 : i32
      %dma_start3A_96 = arith.constant 0 : i32
      %dma_start3A_97 = tpu.memref_slice %dma_start3A_94[%dma_start3A_95, %dma_start3A_96] : memref<10000x64xf32, #tpu.memory_space<hbm>> -> memref<10000x64xf32, #tpu.memory_space<hbm>>
      tpu.enqueue_indirect_dma source(%dma_start3A_97 : memref<10000x64xf32, #tpu.memory_space<hbm>>) target(%dma_start3A_87 : memref<128x64xf32, #tpu.memory_space<vmem>>) offsets(%dma_start3A_90 : memref<128xi32, #tpu.memory_space<vmem>>) semaphore(%arg13 : memref<!tpu.dma_semaphore, #tpu.memory_space<semaphore_mem>>)
      %dma_start3A_98 = arith.constant 2 : i32
      %dma_start3A_99 = arith.constant 256 : i32
      %dma_start3A_100 = arith.constant 0 : i32
      %dma_start3A_101 = tpu.memref_slice %arg9[%dma_start3A_99, %dma_start3A_100] : memref<512x64xf32, #tpu.memory_space<vmem>> -> memref<128x64xf32, #tpu.memory_space<vmem>>
      %dma_start3A_102 = arith.constant 0 : i32
      %dma_start3A_103 = tpu.memref_slice %arg7[%dma_start3A_98, %dma_start3A_102] : memref<8x128xi32, #tpu.memory_space<vmem>> -> memref<1x128xi32, #tpu.memory_space<vmem>>
      %dma_start3A_104 = tpu.memref_squeeze %dma_start3A_103 : memref<1x128xi32, #tpu.memory_space<vmem>> -> memref<128xi32, #tpu.memory_space<vmem>>
      %dma_start3A_105 = arith.constant 0 : i32
      %dma_start3A_106 = arith.constant 0 : i32
      %dma_start3A_107 = tpu.memref_slice %arg2[%arg0, %dma_start3A_105, %dma_start3A_106] : memref<2x10000x64xf32, #tpu.memory_space<hbm>> -> memref<1x10000x64xf32, #tpu.memory_space<hbm>>
      %dma_start3A_108 = tpu.memref_squeeze %dma_start3A_107 : memref<1x10000x64xf32, #tpu.memory_space<hbm>> -> memref<10000x64xf32, #tpu.memory_space<hbm>>
      %dma_start3A_109 = arith.constant 0 : i32
      %dma_start3A_110 = arith.constant 0 : i32
      %dma_start3A_111 = tpu.memref_slice %dma_start3A_108[%dma_start3A_109, %dma_start3A_110] : memref<10000x64xf32, #tpu.memory_space<hbm>> -> memref<10000x64xf32, #tpu.memory_space<hbm>>
      tpu.enqueue_indirect_dma source(%dma_start3A_111 : memref<10000x64xf32, #tpu.memory_space<hbm>>) target(%dma_start3A_101 : memref<128x64xf32, #tpu.memory_space<vmem>>) offsets(%dma_start3A_104 : memref<128xi32, #tpu.memory_space<vmem>>) semaphore(%arg13 : memref<!tpu.dma_semaphore, #tpu.memory_space<semaphore_mem>>)
      %dma_start3A_112 = arith.constant 3 : i32
      %dma_start3A_113 = arith.constant 384 : i32
      %dma_start3A_114 = arith.constant 0 : i32
      %dma_start3A_115 = tpu.memref_slice %arg9[%dma_start3A_113, %dma_start3A_114] : memref<512x64xf32, #tpu.memory_space<vmem>> -> memref<128x64xf32, #tpu.memory_space<vmem>>
      %dma_start3A_116 = arith.constant 0 : i32
      %dma_start3A_117 = tpu.memref_slice %arg7[%dma_start3A_112, %dma_start3A_116] : memref<8x128xi32, #tpu.memory_space<vmem>> -> memref<1x128xi32, #tpu.memory_space<vmem>>
      %dma_start3A_118 = tpu.memref_squeeze %dma_start3A_117 : memref<1x128xi32, #tpu.memory_space<vmem>> -> memref<128xi32, #tpu.memory_space<vmem>>
      %dma_start3A_119 = arith.constant 0 : i32
      %dma_start3A_120 = arith.constant 0 : i32
      %dma_start3A_121 = tpu.memref_slice %arg2[%arg0, %dma_start3A_119, %dma_start3A_120] : memref<2x10000x64xf32, #tpu.memory_space<hbm>> -> memref<1x10000x64xf32, #tpu.memory_space<hbm>>
      %dma_start3A_122 = tpu.memref_squeeze %dma_start3A_121 : memref<1x10000x64xf32, #tpu.memory_space<hbm>> -> memref<10000x64xf32, #tpu.memory_space<hbm>>
      %dma_start3A_123 = arith.constant 0 : i32
      %dma_start3A_124 = arith.constant 0 : i32
      %dma_start3A_125 = tpu.memref_slice %dma_start3A_122[%dma_start3A_123, %dma_start3A_124] : memref<10000x64xf32, #tpu.memory_space<hbm>> -> memref<10000x64xf32, #tpu.memory_space<hbm>>
      tpu.enqueue_indirect_dma source(%dma_start3A_125 : memref<10000x64xf32, #tpu.memory_space<hbm>>) target(%dma_start3A_115 : memref<128x64xf32, #tpu.memory_space<vmem>>) offsets(%dma_start3A_118 : memref<128xi32, #tpu.memory_space<vmem>>) semaphore(%arg13 : memref<!tpu.dma_semaphore, #tpu.memory_space<semaphore_mem>>)
      %dma_wait3A = arith.constant 0 : i32
      %dma_wait3A_126 = arith.constant 0 : i32
      %dma_wait3A_127 = arith.constant 0 : i32
      %dma_wait3A_128 = tpu.memref_slice %arg9[%dma_wait3A_126, %dma_wait3A_127] : memref<512x64xf32, #tpu.memory_space<vmem>> -> memref<128x64xf32, #tpu.memory_space<vmem>>
      %dma_wait3A_129 = arith.constant 0 : i32
      %dma_wait3A_130 = tpu.memref_slice %arg7[%dma_wait3A, %dma_wait3A_129] : memref<8x128xi32, #tpu.memory_space<vmem>> -> memref<1x128xi32, #tpu.memory_space<vmem>>
      %dma_wait3A_131 = tpu.memref_squeeze %dma_wait3A_130 : memref<1x128xi32, #tpu.memory_space<vmem>> -> memref<128xi32, #tpu.memory_space<vmem>>
      %dma_wait3A_132 = arith.constant 0 : i32
      %dma_wait3A_133 = arith.constant 0 : i32
      %dma_wait3A_134 = tpu.memref_slice %arg2[%arg0, %dma_wait3A_132, %dma_wait3A_133] : memref<2x10000x64xf32, #tpu.memory_space<hbm>> -> memref<1x10000x64xf32, #tpu.memory_space<hbm>>
      %dma_wait3A_135 = tpu.memref_squeeze %dma_wait3A_134 : memref<1x10000x64xf32, #tpu.memory_space<hbm>> -> memref<10000x64xf32, #tpu.memory_space<hbm>>
      %dma_wait3A_136 = arith.constant 0 : i32
      %dma_wait3A_137 = arith.constant 0 : i32
      %dma_wait3A_138 = tpu.memref_slice %dma_wait3A_135[%dma_wait3A_136, %dma_wait3A_137] : memref<10000x64xf32, #tpu.memory_space<hbm>> -> memref<10000x64xf32, #tpu.memory_space<hbm>>
      tpu.wait_indirect_dma semaphore(%arg13 : memref<!tpu.dma_semaphore, #tpu.memory_space<semaphore_mem>>) src(%dma_wait3A_138 : memref<10000x64xf32, #tpu.memory_space<hbm>>) dst(%dma_wait3A_128 : memref<128x64xf32, #tpu.memory_space<vmem>>)
      %dma_wait3A_139 = arith.constant 1 : i32
      %dma_wait3A_140 = arith.constant 128 : i32
      %dma_wait3A_141 = arith.constant 0 : i32
      %dma_wait3A_142 = tpu.memref_slice %arg9[%dma_wait3A_140, %dma_wait3A_141] : memref<512x64xf32, #tpu.memory_space<vmem>> -> memref<128x64xf32, #tpu.memory_space<vmem>>
      %dma_wait3A_143 = arith.constant 0 : i32
      %dma_wait3A_144 = tpu.memref_slice %arg7[%dma_wait3A_139, %dma_wait3A_143] : memref<8x128xi32, #tpu.memory_space<vmem>> -> memref<1x128xi32, #tpu.memory_space<vmem>>
      %dma_wait3A_145 = tpu.memref_squeeze %dma_wait3A_144 : memref<1x128xi32, #tpu.memory_space<vmem>> -> memref<128xi32, #tpu.memory_space<vmem>>
      %dma_wait3A_146 = arith.constant 0 : i32
      %dma_wait3A_147 = arith.constant 0 : i32
      %dma_wait3A_148 = tpu.memref_slice %arg2[%arg0, %dma_wait3A_146, %dma_wait3A_147] : memref<2x10000x64xf32, #tpu.memory_space<hbm>> -> memref<1x10000x64xf32, #tpu.memory_space<hbm>>
      %dma_wait3A_149 = tpu.memref_squeeze %dma_wait3A_148 : memref<1x10000x64xf32, #tpu.memory_space<hbm>> -> memref<10000x64xf32, #tpu.memory_space<hbm>>
      %dma_wait3A_150 = arith.constant 0 : i32
      %dma_wait3A_151 = arith.constant 0 : i32
      %dma_wait3A_152 = tpu.memref_slice %dma_wait3A_149[%dma_wait3A_150, %dma_wait3A_151] : memref<10000x64xf32, #tpu.memory_space<hbm>> -> memref<10000x64xf32, #tpu.memory_space<hbm>>
      tpu.wait_indirect_dma semaphore(%arg13 : memref<!tpu.dma_semaphore, #tpu.memory_space<semaphore_mem>>) src(%dma_wait3A_152 : memref<10000x64xf32, #tpu.memory_space<hbm>>) dst(%dma_wait3A_142 : memref<128x64xf32, #tpu.memory_space<vmem>>)
      %dma_wait3A_153 = arith.constant 2 : i32
      %dma_wait3A_154 = arith.constant 256 : i32
      %dma_wait3A_155 = arith.constant 0 : i32
      %dma_wait3A_156 = tpu.memref_slice %arg9[%dma_wait3A_154, %dma_wait3A_155] : memref<512x64xf32, #tpu.memory_space<vmem>> -> memref<128x64xf32, #tpu.memory_space<vmem>>
      %dma_wait3A_157 = arith.constant 0 : i32
      %dma_wait3A_158 = tpu.memref_slice %arg7[%dma_wait3A_153, %dma_wait3A_157] : memref<8x128xi32, #tpu.memory_space<vmem>> -> memref<1x128xi32, #tpu.memory_space<vmem>>
      %dma_wait3A_159 = tpu.memref_squeeze %dma_wait3A_158 : memref<1x128xi32, #tpu.memory_space<vmem>> -> memref<128xi32, #tpu.memory_space<vmem>>
      %dma_wait3A_160 = arith.constant 0 : i32
      %dma_wait3A_161 = arith.constant 0 : i32
      %dma_wait3A_162 = tpu.memref_slice %arg2[%arg0, %dma_wait3A_160, %dma_wait3A_161] : memref<2x10000x64xf32, #tpu.memory_space<hbm>> -> memref<1x10000x64xf32, #tpu.memory_space<hbm>>
      %dma_wait3A_163 = tpu.memref_squeeze %dma_wait3A_162 : memref<1x10000x64xf32, #tpu.memory_space<hbm>> -> memref<10000x64xf32, #tpu.memory_space<hbm>>
      %dma_wait3A_164 = arith.constant 0 : i32
      %dma_wait3A_165 = arith.constant 0 : i32
      %dma_wait3A_166 = tpu.memref_slice %dma_wait3A_163[%dma_wait3A_164, %dma_wait3A_165] : memref<10000x64xf32, #tpu.memory_space<hbm>> -> memref<10000x64xf32, #tpu.memory_space<hbm>>
      tpu.wait_indirect_dma semaphore(%arg13 : memref<!tpu.dma_semaphore, #tpu.memory_space<semaphore_mem>>) src(%dma_wait3A_166 : memref<10000x64xf32, #tpu.memory_space<hbm>>) dst(%dma_wait3A_156 : memref<128x64xf32, #tpu.memory_space<vmem>>)
      %dma_wait3A_167 = arith.constant 3 : i32
      %dma_wait3A_168 = arith.constant 384 : i32
      %dma_wait3A_169 = arith.constant 0 : i32
      %dma_wait3A_170 = tpu.memref_slice %arg9[%dma_wait3A_168, %dma_wait3A_169] : memref<512x64xf32, #tpu.memory_space<vmem>> -> memref<128x64xf32, #tpu.memory_space<vmem>>
      %dma_wait3A_171 = arith.constant 0 : i32
      %dma_wait3A_172 = tpu.memref_slice %arg7[%dma_wait3A_167, %dma_wait3A_171] : memref<8x128xi32, #tpu.memory_space<vmem>> -> memref<1x128xi32, #tpu.memory_space<vmem>>
      %dma_wait3A_173 = tpu.memref_squeeze %dma_wait3A_172 : memref<1x128xi32, #tpu.memory_space<vmem>> -> memref<128xi32, #tpu.memory_space<vmem>>
      %dma_wait3A_174 = arith.constant 0 : i32
      %dma_wait3A_175 = arith.constant 0 : i32
      %dma_wait3A_176 = tpu.memref_slice %arg2[%arg0, %dma_wait3A_174, %dma_wait3A_175] : memref<2x10000x64xf32, #tpu.memory_space<hbm>> -> memref<1x10000x64xf32, #tpu.memory_space<hbm>>
      %dma_wait3A_177 = tpu.memref_squeeze %dma_wait3A_176 : memref<1x10000x64xf32, #tpu.memory_space<hbm>> -> memref<10000x64xf32, #tpu.memory_space<hbm>>
      %dma_wait3A_178 = arith.constant 0 : i32
      %dma_wait3A_179 = arith.constant 0 : i32
      %dma_wait3A_180 = tpu.memref_slice %dma_wait3A_177[%dma_wait3A_178, %dma_wait3A_179] : memref<10000x64xf32, #tpu.memory_space<hbm>> -> memref<10000x64xf32, #tpu.memory_space<hbm>>
      tpu.wait_indirect_dma semaphore(%arg13 : memref<!tpu.dma_semaphore, #tpu.memory_space<semaphore_mem>>) src(%dma_wait3A_180 : memref<10000x64xf32, #tpu.memory_space<hbm>>) dst(%dma_wait3A_170 : memref<128x64xf32, #tpu.memory_space<vmem>>)
      %scan3A_181 = arith.constant 0 : i32
      %scan3A_182 = arith.constant 0 : i32
      %scan3A_183 = arith.constant 512 : i32
      %scan3A_184 = arith.addi %scan3A_182, %scan3A_183 : i32
      %scan3A_185 = arith.constant 1 : i32
      scf.for %scan3A_317 = %scan3A_182 to %scan3A_184 step %scan3A_185  : i32 {
        %get3A = arith.index_cast %scan3A_317 : i32 to index
        %get3A_318 = arith.constant 0 : index
        %get3A_319 = tpu.vector_load %arg9[%get3A, %get3A_318] {strides = array<i32>} : memref<512x64xf32, #tpu.memory_space<vmem>>, vector<1x16xf32>,
        %get3A_320 = vector.shape_cast %get3A_319 : vector<1x16xf32> to vector<16xf32>
        %get3A_321 = arith.index_cast %scan3A_317 : i32 to index
        %get3A_322 = arith.constant 0 : index
        %get3A_323 = tpu.vector_load %arg10[%get3A_321, %get3A_322] {strides = array<i32>} : memref<512x64xf32, #tpu.memory_space<vmem>>, vector<1x16xf32>,
        %get3A_324 = vector.shape_cast %get3A_323 : vector<1x16xf32> to vector<16xf32>
        %add3A_325 = arith.addf %get3A_320, %get3A_324 : vector<16xf32>
        %max3A = arith.constant 0.000000e+00 : f32
        %max3A_326 = vector.broadcast %max3A : f32 to vector<16xf32>
        %max3A_327 = arith.maximumf %add3A_325, %max3A_326 : vector<16xf32>
        %swap3A = arith.index_cast %scan3A_317 : i32 to index
        %swap3A_328 = arith.constant 0 : index
        %swap3A_329 = tpu.vector_load %arg9[%swap3A, %swap3A_328] {strides = array<i32>} : memref<512x64xf32, #tpu.memory_space<vmem>>, vector<1x16xf32>,
        %swap3A_330 = vector.shape_cast %swap3A_329 : vector<1x16xf32> to vector<16xf32>
        %swap3A_331 = vector.shape_cast %max3A_327 : vector<16xf32> to vector<1x16xf32>
        tpu.vector_store %arg9[%swap3A, %swap3A_328], %swap3A_331 {strides = array<i32>} : memref<512x64xf32, #tpu.memory_space<vmem>>, vector<1x16xf32>,
        %get3A_332 = arith.index_cast %scan3A_317 : i32 to index
        %get3A_333 = arith.constant 16 : index
        %get3A_334 = tpu.vector_load %arg9[%get3A_332, %get3A_333] {strides = array<i32>} : memref<512x64xf32, #tpu.memory_space<vmem>>, vector<1x16xf32>,
        %get3A_335 = vector.shape_cast %get3A_334 : vector<1x16xf32> to vector<16xf32>
        %get3A_336 = arith.index_cast %scan3A_317 : i32 to index
        %get3A_337 = arith.constant 16 : index
        %get3A_338 = tpu.vector_load %arg10[%get3A_336, %get3A_337] {strides = array<i32>} : memref<512x64xf32, #tpu.memory_space<vmem>>, vector<1x16xf32>,
        %get3A_339 = vector.shape_cast %get3A_338 : vector<1x16xf32> to vector<16xf32>
        %add3A_340 = arith.addf %get3A_335, %get3A_339 : vector<16xf32>
        %max3A_341 = arith.constant 0.000000e+00 : f32
        %max3A_342 = vector.broadcast %max3A_341 : f32 to vector<16xf32>
        %max3A_343 = arith.maximumf %add3A_340, %max3A_342 : vector<16xf32>
        %swap3A_344 = arith.index_cast %scan3A_317 : i32 to index
        %swap3A_345 = arith.constant 16 : index
        %swap3A_346 = tpu.vector_load %arg9[%swap3A_344, %swap3A_345] {strides = array<i32>} : memref<512x64xf32, #tpu.memory_space<vmem>>, vector<1x16xf32>,
        %swap3A_347 = vector.shape_cast %swap3A_346 : vector<1x16xf32> to vector<16xf32>
        %swap3A_348 = vector.shape_cast %max3A_343 : vector<16xf32> to vector<1x16xf32>
        tpu.vector_store %arg9[%swap3A_344, %swap3A_345], %swap3A_348 {strides = array<i32>} : memref<512x64xf32, #tpu.memory_space<vmem>>, vector<1x16xf32>,
        %get3A_349 = arith.index_cast %scan3A_317 : i32 to index
        %get3A_350 = arith.constant 32 : index
        %get3A_351 = tpu.vector_load %arg9[%get3A_349, %get3A_350] {strides = array<i32>} : memref<512x64xf32, #tpu.memory_space<vmem>>, vector<1x16xf32>,
        %get3A_352 = vector.shape_cast %get3A_351 : vector<1x16xf32> to vector<16xf32>
        %get3A_353 = arith.index_cast %scan3A_317 : i32 to index
        %get3A_354 = arith.constant 32 : index
        %get3A_355 = tpu.vector_load %arg10[%get3A_353, %get3A_354] {strides = array<i32>} : memref<512x64xf32, #tpu.memory_space<vmem>>, vector<1x16xf32>,
        %get3A_356 = vector.shape_cast %get3A_355 : vector<1x16xf32> to vector<16xf32>
        %add3A_357 = arith.addf %get3A_352, %get3A_356 : vector<16xf32>
        %max3A_358 = arith.constant 0.000000e+00 : f32
        %max3A_359 = vector.broadcast %max3A_358 : f32 to vector<16xf32>
        %max3A_360 = arith.maximumf %add3A_357, %max3A_359 : vector<16xf32>
        %swap3A_361 = arith.index_cast %scan3A_317 : i32 to index
        %swap3A_362 = arith.constant 32 : index
        %swap3A_363 = tpu.vector_load %arg9[%swap3A_361, %swap3A_362] {strides = array<i32>} : memref<512x64xf32, #tpu.memory_space<vmem>>, vector<1x16xf32>,
        %swap3A_364 = vector.shape_cast %swap3A_363 : vector<1x16xf32> to vector<16xf32>
        %swap3A_365 = vector.shape_cast %max3A_360 : vector<16xf32> to vector<1x16xf32>
        tpu.vector_store %arg9[%swap3A_361, %swap3A_362], %swap3A_365 {strides = array<i32>} : memref<512x64xf32, #tpu.memory_space<vmem>>, vector<1x16xf32>,
        %get3A_366 = arith.index_cast %scan3A_317 : i32 to index
        %get3A_367 = arith.constant 48 : index
        %get3A_368 = tpu.vector_load %arg9[%get3A_366, %get3A_367] {strides = array<i32>} : memref<512x64xf32, #tpu.memory_space<vmem>>, vector<1x16xf32>,
        %get3A_369 = vector.shape_cast %get3A_368 : vector<1x16xf32> to vector<16xf32>
        %get3A_370 = arith.index_cast %scan3A_317 : i32 to index
        %get3A_371 = arith.constant 48 : index
        %get3A_372 = tpu.vector_load %arg10[%get3A_370, %get3A_371] {strides = array<i32>} : memref<512x64xf32, #tpu.memory_space<vmem>>, vector<1x16xf32>,
        %get3A_373 = vector.shape_cast %get3A_372 : vector<1x16xf32> to vector<16xf32>
        %add3A_374 = arith.addf %get3A_369, %get3A_373 : vector<16xf32>
        %max3A_375 = arith.constant 0.000000e+00 : f32
        %max3A_376 = vector.broadcast %max3A_375 : f32 to vector<16xf32>
        %max3A_377 = arith.maximumf %add3A_374, %max3A_376 : vector<16xf32>
        %swap3A_378 = arith.index_cast %scan3A_317 : i32 to index
        %swap3A_379 = arith.constant 48 : index
        %swap3A_380 = tpu.vector_load %arg9[%swap3A_378, %swap3A_379] {strides = array<i32>} : memref<512x64xf32, #tpu.memory_space<vmem>>, vector<1x16xf32>,
        %swap3A_381 = vector.shape_cast %swap3A_380 : vector<1x16xf32> to vector<16xf32>
        %swap3A_382 = vector.shape_cast %max3A_377 : vector<16xf32> to vector<1x16xf32>
        tpu.vector_store %arg9[%swap3A_378, %swap3A_379], %swap3A_382 {strides = array<i32>} : memref<512x64xf32, #tpu.memory_space<vmem>>, vector<1x16xf32>,
      }
      %scan3A_186 = arith.constant 512 : i32
      %run_scoped3A = arith.constant 0 : i32
      "tpu.region"() ({
        %run_scoped3A_317 = tpu.sem_alloc : memref<!tpu.dma_semaphore, #tpu.memory_space<semaphore_mem>>
        %dma_start3A_318 = arith.constant 0 : i32
        %dma_start3A_319 = arith.constant 0 : i32
        %dma_start3A_320 = tpu.memref_slice %arg9[%dma_start3A_318, %dma_start3A_319] : memref<512x64xf32, #tpu.memory_space<vmem>> -> memref<128x64xf32, #tpu.memory_space<vmem>>
        %dma_start3A_321 = arith.constant 0 : i32
        %dma_start3A_322 = tpu.memref_slice %arg8[%run_scoped3A, %dma_start3A_321] : memref<8x128xi32, #tpu.memory_space<vmem>> -> memref<1x128xi32, #tpu.memory_space<vmem>>
        %dma_start3A_323 = tpu.memref_squeeze %dma_start3A_322 : memref<1x128xi32, #tpu.memory_space<vmem>> -> memref<128xi32, #tpu.memory_space<vmem>>
        %dma_start3A_324 = arith.constant 0 : i32
        %dma_start3A_325 = arith.constant 0 : i32
        %dma_start3A_326 = tpu.memref_slice %arg12[%dma_start3A_324, %dma_start3A_325] : memref<10240x64xf32, #tpu.memory_space<vmem_shared>> -> memref<10240x64xf32, #tpu.memory_space<vmem_shared>>
        tpu.enqueue_indirect_dma source(%dma_start3A_320 : memref<128x64xf32, #tpu.memory_space<vmem>>) target(%dma_start3A_326 : memref<10240x64xf32, #tpu.memory_space<vmem_shared>>) offsets(%dma_start3A_323 : memref<128xi32, #tpu.memory_space<vmem>>) semaphore(%run_scoped3A_317 : memref<!tpu.dma_semaphore, #tpu.memory_space<semaphore_mem>>) {add = true}
        %dma_wait3A_327 = arith.constant 0 : i32
        %dma_wait3A_328 = arith.constant 0 : i32
        %dma_wait3A_329 = tpu.memref_slice %arg9[%dma_wait3A_327, %dma_wait3A_328] : memref<512x64xf32, #tpu.memory_space<vmem>> -> memref<128x64xf32, #tpu.memory_space<vmem>>
        %dma_wait3A_330 = arith.constant 0 : i32
        %dma_wait3A_331 = tpu.memref_slice %arg8[%run_scoped3A, %dma_wait3A_330] : memref<8x128xi32, #tpu.memory_space<vmem>> -> memref<1x128xi32, #tpu.memory_space<vmem>>
        %dma_wait3A_332 = tpu.memref_squeeze %dma_wait3A_331 : memref<1x128xi32, #tpu.memory_space<vmem>> -> memref<128xi32, #tpu.memory_space<vmem>>
        %dma_wait3A_333 = arith.constant 0 : i32
        %dma_wait3A_334 = arith.constant 0 : i32
        %dma_wait3A_335 = tpu.memref_slice %arg12[%dma_wait3A_333, %dma_wait3A_334] : memref<10240x64xf32, #tpu.memory_space<vmem_shared>> -> memref<10240x64xf32, #tpu.memory_space<vmem_shared>>
        tpu.wait_indirect_dma semaphore(%run_scoped3A_317 : memref<!tpu.dma_semaphore, #tpu.memory_space<semaphore_mem>>) src(%dma_wait3A_329 : memref<128x64xf32, #tpu.memory_space<vmem>>) dst(%dma_wait3A_335 : memref<10240x64xf32, #tpu.memory_space<vmem_shared>>)
        tpu.yield
      }) : () -> ()
      %run_scoped3A_187 = arith.constant 1 : i32
      "tpu.region"() ({
        %run_scoped3A_317 = tpu.sem_alloc : memref<!tpu.dma_semaphore, #tpu.memory_space<semaphore_mem>>
        %dma_start3A_318 = arith.constant 128 : i32
        %dma_start3A_319 = arith.constant 0 : i32
        %dma_start3A_320 = tpu.memref_slice %arg9[%dma_start3A_318, %dma_start3A_319] : memref<512x64xf32, #tpu.memory_space<vmem>> -> memref<128x64xf32, #tpu.memory_space<vmem>>
        %dma_start3A_321 = arith.constant 0 : i32
        %dma_start3A_322 = tpu.memref_slice %arg8[%run_scoped3A_187, %dma_start3A_321] : memref<8x128xi32, #tpu.memory_space<vmem>> -> memref<1x128xi32, #tpu.memory_space<vmem>>
        %dma_start3A_323 = tpu.memref_squeeze %dma_start3A_322 : memref<1x128xi32, #tpu.memory_space<vmem>> -> memref<128xi32, #tpu.memory_space<vmem>>
        %dma_start3A_324 = arith.constant 0 : i32
        %dma_start3A_325 = arith.constant 0 : i32
        %dma_start3A_326 = tpu.memref_slice %arg12[%dma_start3A_324, %dma_start3A_325] : memref<10240x64xf32, #tpu.memory_space<vmem_shared>> -> memref<10240x64xf32, #tpu.memory_space<vmem_shared>>
        tpu.enqueue_indirect_dma source(%dma_start3A_320 : memref<128x64xf32, #tpu.memory_space<vmem>>) target(%dma_start3A_326 : memref<10240x64xf32, #tpu.memory_space<vmem_shared>>) offsets(%dma_start3A_323 : memref<128xi32, #tpu.memory_space<vmem>>) semaphore(%run_scoped3A_317 : memref<!tpu.dma_semaphore, #tpu.memory_space<semaphore_mem>>) {add = true}
        %dma_wait3A_327 = arith.constant 128 : i32
        %dma_wait3A_328 = arith.constant 0 : i32
        %dma_wait3A_329 = tpu.memref_slice %arg9[%dma_wait3A_327, %dma_wait3A_328] : memref<512x64xf32, #tpu.memory_space<vmem>> -> memref<128x64xf32, #tpu.memory_space<vmem>>
        %dma_wait3A_330 = arith.constant 0 : i32
        %dma_wait3A_331 = tpu.memref_slice %arg8[%run_scoped3A_187, %dma_wait3A_330] : memref<8x128xi32, #tpu.memory_space<vmem>> -> memref<1x128xi32, #tpu.memory_space<vmem>>
        %dma_wait3A_332 = tpu.memref_squeeze %dma_wait3A_331 : memref<1x128xi32, #tpu.memory_space<vmem>> -> memref<128xi32, #tpu.memory_space<vmem>>
        %dma_wait3A_333 = arith.constant 0 : i32
        %dma_wait3A_334 = arith.constant 0 : i32
        %dma_wait3A_335 = tpu.memref_slice %arg12[%dma_wait3A_333, %dma_wait3A_334] : memref<10240x64xf32, #tpu.memory_space<vmem_shared>> -> memref<10240x64xf32, #tpu.memory_space<vmem_shared>>
        tpu.wait_indirect_dma semaphore(%run_scoped3A_317 : memref<!tpu.dma_semaphore, #tpu.memory_space<semaphore_mem>>) src(%dma_wait3A_329 : memref<128x64xf32, #tpu.memory_space<vmem>>) dst(%dma_wait3A_335 : memref<10240x64xf32, #tpu.memory_space<vmem_shared>>)
        tpu.yield
      }) : () -> ()
      %run_scoped3A_188 = arith.constant 2 : i32
      "tpu.region"() ({
        %run_scoped3A_317 = tpu.sem_alloc : memref<!tpu.dma_semaphore, #tpu.memory_space<semaphore_mem>>
        %dma_start3A_318 = arith.constant 256 : i32
        %dma_start3A_319 = arith.constant 0 : i32
        %dma_start3A_320 = tpu.memref_slice %arg9[%dma_start3A_318, %dma_start3A_319] : memref<512x64xf32, #tpu.memory_space<vmem>> -> memref<128x64xf32, #tpu.memory_space<vmem>>
        %dma_start3A_321 = arith.constant 0 : i32
        %dma_start3A_322 = tpu.memref_slice %arg8[%run_scoped3A_188, %dma_start3A_321] : memref<8x128xi32, #tpu.memory_space<vmem>> -> memref<1x128xi32, #tpu.memory_space<vmem>>
        %dma_start3A_323 = tpu.memref_squeeze %dma_start3A_322 : memref<1x128xi32, #tpu.memory_space<vmem>> -> memref<128xi32, #tpu.memory_space<vmem>>
        %dma_start3A_324 = arith.constant 0 : i32
        %dma_start3A_325 = arith.constant 0 : i32
        %dma_start3A_326 = tpu.memref_slice %arg12[%dma_start3A_324, %dma_start3A_325] : memref<10240x64xf32, #tpu.memory_space<vmem_shared>> -> memref<10240x64xf32, #tpu.memory_space<vmem_shared>>
        tpu.enqueue_indirect_dma source(%dma_start3A_320 : memref<128x64xf32, #tpu.memory_space<vmem>>) target(%dma_start3A_326 : memref<10240x64xf32, #tpu.memory_space<vmem_shared>>) offsets(%dma_start3A_323 : memref<128xi32, #tpu.memory_space<vmem>>) semaphore(%run_scoped3A_317 : memref<!tpu.dma_semaphore, #tpu.memory_space<semaphore_mem>>) {add = true}
        %dma_wait3A_327 = arith.constant 256 : i32
        %dma_wait3A_328 = arith.constant 0 : i32
        %dma_wait3A_329 = tpu.memref_slice %arg9[%dma_wait3A_327, %dma_wait3A_328] : memref<512x64xf32, #tpu.memory_space<vmem>> -> memref<128x64xf32, #tpu.memory_space<vmem>>
        %dma_wait3A_330 = arith.constant 0 : i32
        %dma_wait3A_331 = tpu.memref_slice %arg8[%run_scoped3A_188, %dma_wait3A_330] : memref<8x128xi32, #tpu.memory_space<vmem>> -> memref<1x128xi32, #tpu.memory_space<vmem>>
        %dma_wait3A_332 = tpu.memref_squeeze %dma_wait3A_331 : memref<1x128xi32, #tpu.memory_space<vmem>> -> memref<128xi32, #tpu.memory_space<vmem>>
        %dma_wait3A_333 = arith.constant 0 : i32
        %dma_wait3A_334 = arith.constant 0 : i32
        %dma_wait3A_335 = tpu.memref_slice %arg12[%dma_wait3A_333, %dma_wait3A_334] : memref<10240x64xf32, #tpu.memory_space<vmem_shared>> -> memref<10240x64xf32, #tpu.memory_space<vmem_shared>>
        tpu.wait_indirect_dma semaphore(%run_scoped3A_317 : memref<!tpu.dma_semaphore, #tpu.memory_space<semaphore_mem>>) src(%dma_wait3A_329 : memref<128x64xf32, #tpu.memory_space<vmem>>) dst(%dma_wait3A_335 : memref<10240x64xf32, #tpu.memory_space<vmem_shared>>)
        tpu.yield
      }) : () -> ()
      %run_scoped3A_189 = arith.constant 3 : i32
      "tpu.region"() ({
        %run_scoped3A_317 = tpu.sem_alloc : memref<!tpu.dma_semaphore, #tpu.memory_space<semaphore_mem>>
        %dma_start3A_318 = arith.constant 384 : i32
        %dma_start3A_319 = arith.constant 0 : i32
        %dma_start3A_320 = tpu.memref_slice %arg9[%dma_start3A_318, %dma_start3A_319] : memref<512x64xf32, #tpu.memory_space<vmem>> -> memref<128x64xf32, #tpu.memory_space<vmem>>
        %dma_start3A_321 = arith.constant 0 : i32
        %dma_start3A_322 = tpu.memref_slice %arg8[%run_scoped3A_189, %dma_start3A_321] : memref<8x128xi32, #tpu.memory_space<vmem>> -> memref<1x128xi32, #tpu.memory_space<vmem>>
        %dma_start3A_323 = tpu.memref_squeeze %dma_start3A_322 : memref<1x128xi32, #tpu.memory_space<vmem>> -> memref<128xi32, #tpu.memory_space<vmem>>
        %dma_start3A_324 = arith.constant 0 : i32
        %dma_start3A_325 = arith.constant 0 : i32
        %dma_start3A_326 = tpu.memref_slice %arg12[%dma_start3A_324, %dma_start3A_325] : memref<10240x64xf32, #tpu.memory_space<vmem_shared>> -> memref<10240x64xf32, #tpu.memory_space<vmem_shared>>
        tpu.enqueue_indirect_dma source(%dma_start3A_320 : memref<128x64xf32, #tpu.memory_space<vmem>>) target(%dma_start3A_326 : memref<10240x64xf32, #tpu.memory_space<vmem_shared>>) offsets(%dma_start3A_323 : memref<128xi32, #tpu.memory_space<vmem>>) semaphore(%run_scoped3A_317 : memref<!tpu.dma_semaphore, #tpu.memory_space<semaphore_mem>>) {add = true}
        %dma_wait3A_327 = arith.constant 384 : i32
        %dma_wait3A_328 = arith.constant 0 : i32
        %dma_wait3A_329 = tpu.memref_slice %arg9[%dma_wait3A_327, %dma_wait3A_328] : memref<512x64xf32, #tpu.memory_space<vmem>> -> memref<128x64xf32, #tpu.memory_space<vmem>>
        %dma_wait3A_330 = arith.constant 0 : i32
        %dma_wait3A_331 = tpu.memref_slice %arg8[%run_scoped3A_189, %dma_wait3A_330] : memref<8x128xi32, #tpu.memory_space<vmem>> -> memref<1x128xi32, #tpu.memory_space<vmem>>
        %dma_wait3A_332 = tpu.memref_squeeze %dma_wait3A_331 : memref<1x128xi32, #tpu.memory_space<vmem>> -> memref<128xi32, #tpu.memory_space<vmem>>
        %dma_wait3A_333 = arith.constant 0 : i32
        %dma_wait3A_334 = arith.constant 0 : i32
        %dma_wait3A_335 = tpu.memref_slice %arg12[%dma_wait3A_333, %dma_wait3A_334] : memref<10240x64xf32, #tpu.memory_space<vmem_shared>> -> memref<10240x64xf32, #tpu.memory_space<vmem_shared>>
        tpu.wait_indirect_dma semaphore(%run_scoped3A_317 : memref<!tpu.dma_semaphore, #tpu.memory_space<semaphore_mem>>) src(%dma_wait3A_329 : memref<128x64xf32, #tpu.memory_space<vmem>>) dst(%dma_wait3A_335 : memref<10240x64xf32, #tpu.memory_space<vmem_shared>>)
        tpu.yield
      }) : () -> ()
      %mul3A_190 = arith.constant 128 : i32
      %mul3A_191 = arith.muli %multiple_of3A_65, %mul3A_190 : i32
      %add3A_192 = arith.constant 512 : i32
      %add3A_193 = arith.addi %mul3A_191, %add3A_192 : i32
      %multiple_of3A_194 = tpu.assume_multiple %add3A_193, 8 : i32
      "tpu.region"() ({
        %run_scoped3A_317 = tpu.sem_alloc : memref<!tpu.dma_semaphore, #tpu.memory_space<semaphore_mem>>
        %dma_start3A_318 = arith.constant 0 : i32
        %dma_start3A_319 = tpu.memref_slice %arg5[%arg0, %multiple_of3A_194, %dma_start3A_318] : memref<2x327680x64xf32, #tpu.memory_space<hbm>> -> memref<1x512x64xf32, #tpu.memory_space<hbm>>
        %dma_start3A_320 = tpu.memref_squeeze %dma_start3A_319 : memref<1x512x64xf32, #tpu.memory_space<hbm>> -> memref<512x64xf32, #tpu.memory_space<hbm>>
        %dma_start3A_321 = arith.constant 0 : i32
        %dma_start3A_322 = tpu.memref_slice %arg5[%arg0, %multiple_of3A_194, %dma_start3A_321] : memref<2x327680x64xf32, #tpu.memory_space<hbm>> -> memref<1x512x64xf32, #tpu.memory_space<hbm>>
        %dma_start3A_323 = tpu.memref_squeeze %dma_start3A_322 : memref<1x512x64xf32, #tpu.memory_space<hbm>> -> memref<512x64xf32, #tpu.memory_space<hbm>>
        tpu.enqueue_dma source(%dma_start3A_323 : memref<512x64xf32, #tpu.memory_space<hbm>>) target(%arg10 : memref<512x64xf32, #tpu.memory_space<vmem>>) target_semaphore(%run_scoped3A_317 : memref<!tpu.dma_semaphore, #tpu.memory_space<semaphore_mem>>)
        %dma_wait3A_324 = arith.constant 0 : i32
        %dma_wait3A_325 = tpu.memref_slice %arg5[%arg0, %multiple_of3A_194, %dma_wait3A_324] : memref<2x327680x64xf32, #tpu.memory_space<hbm>> -> memref<1x512x64xf32, #tpu.memory_space<hbm>>
        %dma_wait3A_326 = tpu.memref_squeeze %dma_wait3A_325 : memref<1x512x64xf32, #tpu.memory_space<hbm>> -> memref<512x64xf32, #tpu.memory_space<hbm>>
        %dma_wait3A_327 = arith.constant 0 : i32
        %dma_wait3A_328 = tpu.memref_slice %arg5[%arg0, %multiple_of3A_194, %dma_wait3A_327] : memref<2x327680x64xf32, #tpu.memory_space<hbm>> -> memref<1x512x64xf32, #tpu.memory_space<hbm>>
        %dma_wait3A_329 = tpu.memref_squeeze %dma_wait3A_328 : memref<1x512x64xf32, #tpu.memory_space<hbm>> -> memref<512x64xf32, #tpu.memory_space<hbm>>
        tpu.wait_dma2 semaphore(%run_scoped3A_317 : memref<!tpu.dma_semaphore, #tpu.memory_space<semaphore_mem>>) src(%dma_wait3A_329 : memref<512x64xf32, #tpu.memory_space<hbm>>) dst(%arg10 : memref<512x64xf32, #tpu.memory_space<vmem>>)
        tpu.yield
      }) : () -> ()
      %dma_start3A_195 = arith.constant 4 : i32
      %dma_start3A_196 = arith.constant 0 : i32
      %dma_start3A_197 = arith.constant 0 : i32
      %dma_start3A_198 = tpu.memref_slice %arg9[%dma_start3A_196, %dma_start3A_197] : memref<512x64xf32, #tpu.memory_space<vmem>> -> memref<128x64xf32, #tpu.memory_space<vmem>>
      %dma_start3A_199 = arith.constant 0 : i32
      %dma_start3A_200 = tpu.memref_slice %arg7[%dma_start3A_195, %dma_start3A_199] : memref<8x128xi32, #tpu.memory_space<vmem>> -> memref<1x128xi32, #tpu.memory_space<vmem>>
      %dma_start3A_201 = tpu.memref_squeeze %dma_start3A_200 : memref<1x128xi32, #tpu.memory_space<vmem>> -> memref<128xi32, #tpu.memory_space<vmem>>
      %dma_start3A_202 = arith.constant 0 : i32
      %dma_start3A_203 = arith.constant 0 : i32
      %dma_start3A_204 = tpu.memref_slice %arg2[%arg0, %dma_start3A_202, %dma_start3A_203] : memref<2x10000x64xf32, #tpu.memory_space<hbm>> -> memref<1x10000x64xf32, #tpu.memory_space<hbm>>
      %dma_start3A_205 = tpu.memref_squeeze %dma_start3A_204 : memref<1x10000x64xf32, #tpu.memory_space<hbm>> -> memref<10000x64xf32, #tpu.memory_space<hbm>>
      %dma_start3A_206 = arith.constant 0 : i32
      %dma_start3A_207 = arith.constant 0 : i32
      %dma_start3A_208 = tpu.memref_slice %dma_start3A_205[%dma_start3A_206, %dma_start3A_207] : memref<10000x64xf32, #tpu.memory_space<hbm>> -> memref<10000x64xf32, #tpu.memory_space<hbm>>
      tpu.enqueue_indirect_dma source(%dma_start3A_208 : memref<10000x64xf32, #tpu.memory_space<hbm>>) target(%dma_start3A_198 : memref<128x64xf32, #tpu.memory_space<vmem>>) offsets(%dma_start3A_201 : memref<128xi32, #tpu.memory_space<vmem>>) semaphore(%arg13 : memref<!tpu.dma_semaphore, #tpu.memory_space<semaphore_mem>>)
      %dma_start3A_209 = arith.constant 5 : i32
      %dma_start3A_210 = arith.constant 128 : i32
      %dma_start3A_211 = arith.constant 0 : i32
      %dma_start3A_212 = tpu.memref_slice %arg9[%dma_start3A_210, %dma_start3A_211] : memref<512x64xf32, #tpu.memory_space<vmem>> -> memref<128x64xf32, #tpu.memory_space<vmem>>
      %dma_start3A_213 = arith.constant 0 : i32
      %dma_start3A_214 = tpu.memref_slice %arg7[%dma_start3A_209, %dma_start3A_213] : memref<8x128xi32, #tpu.memory_space<vmem>> -> memref<1x128xi32, #tpu.memory_space<vmem>>
      %dma_start3A_215 = tpu.memref_squeeze %dma_start3A_214 : memref<1x128xi32, #tpu.memory_space<vmem>> -> memref<128xi32, #tpu.memory_space<vmem>>
      %dma_start3A_216 = arith.constant 0 : i32
      %dma_start3A_217 = arith.constant 0 : i32
      %dma_start3A_218 = tpu.memref_slice %arg2[%arg0, %dma_start3A_216, %dma_start3A_217] : memref<2x10000x64xf32, #tpu.memory_space<hbm>> -> memref<1x10000x64xf32, #tpu.memory_space<hbm>>
      %dma_start3A_219 = tpu.memref_squeeze %dma_start3A_218 : memref<1x10000x64xf32, #tpu.memory_space<hbm>> -> memref<10000x64xf32, #tpu.memory_space<hbm>>
      %dma_start3A_220 = arith.constant 0 : i32
      %dma_start3A_221 = arith.constant 0 : i32
      %dma_start3A_222 = tpu.memref_slice %dma_start3A_219[%dma_start3A_220, %dma_start3A_221] : memref<10000x64xf32, #tpu.memory_space<hbm>> -> memref<10000x64xf32, #tpu.memory_space<hbm>>
      tpu.enqueue_indirect_dma source(%dma_start3A_222 : memref<10000x64xf32, #tpu.memory_space<hbm>>) target(%dma_start3A_212 : memref<128x64xf32, #tpu.memory_space<vmem>>) offsets(%dma_start3A_215 : memref<128xi32, #tpu.memory_space<vmem>>) semaphore(%arg13 : memref<!tpu.dma_semaphore, #tpu.memory_space<semaphore_mem>>)
      %dma_start3A_223 = arith.constant 6 : i32
      %dma_start3A_224 = arith.constant 256 : i32
      %dma_start3A_225 = arith.constant 0 : i32
      %dma_start3A_226 = tpu.memref_slice %arg9[%dma_start3A_224, %dma_start3A_225] : memref<512x64xf32, #tpu.memory_space<vmem>> -> memref<128x64xf32, #tpu.memory_space<vmem>>
      %dma_start3A_227 = arith.constant 0 : i32
      %dma_start3A_228 = tpu.memref_slice %arg7[%dma_start3A_223, %dma_start3A_227] : memref<8x128xi32, #tpu.memory_space<vmem>> -> memref<1x128xi32, #tpu.memory_space<vmem>>
      %dma_start3A_229 = tpu.memref_squeeze %dma_start3A_228 : memref<1x128xi32, #tpu.memory_space<vmem>> -> memref<128xi32, #tpu.memory_space<vmem>>
      %dma_start3A_230 = arith.constant 0 : i32
      %dma_start3A_231 = arith.constant 0 : i32
      %dma_start3A_232 = tpu.memref_slice %arg2[%arg0, %dma_start3A_230, %dma_start3A_231] : memref<2x10000x64xf32, #tpu.memory_space<hbm>> -> memref<1x10000x64xf32, #tpu.memory_space<hbm>>
      %dma_start3A_233 = tpu.memref_squeeze %dma_start3A_232 : memref<1x10000x64xf32, #tpu.memory_space<hbm>> -> memref<10000x64xf32, #tpu.memory_space<hbm>>
      %dma_start3A_234 = arith.constant 0 : i32
      %dma_start3A_235 = arith.constant 0 : i32
      %dma_start3A_236 = tpu.memref_slice %dma_start3A_233[%dma_start3A_234, %dma_start3A_235] : memref<10000x64xf32, #tpu.memory_space<hbm>> -> memref<10000x64xf32, #tpu.memory_space<hbm>>
      tpu.enqueue_indirect_dma source(%dma_start3A_236 : memref<10000x64xf32, #tpu.memory_space<hbm>>) target(%dma_start3A_226 : memref<128x64xf32, #tpu.memory_space<vmem>>) offsets(%dma_start3A_229 : memref<128xi32, #tpu.memory_space<vmem>>) semaphore(%arg13 : memref<!tpu.dma_semaphore, #tpu.memory_space<semaphore_mem>>)
      %dma_start3A_237 = arith.constant 7 : i32
      %dma_start3A_238 = arith.constant 384 : i32
      %dma_start3A_239 = arith.constant 0 : i32
      %dma_start3A_240 = tpu.memref_slice %arg9[%dma_start3A_238, %dma_start3A_239] : memref<512x64xf32, #tpu.memory_space<vmem>> -> memref<128x64xf32, #tpu.memory_space<vmem>>
      %dma_start3A_241 = arith.constant 0 : i32
      %dma_start3A_242 = tpu.memref_slice %arg7[%dma_start3A_237, %dma_start3A_241] : memref<8x128xi32, #tpu.memory_space<vmem>> -> memref<1x128xi32, #tpu.memory_space<vmem>>
      %dma_start3A_243 = tpu.memref_squeeze %dma_start3A_242 : memref<1x128xi32, #tpu.memory_space<vmem>> -> memref<128xi32, #tpu.memory_space<vmem>>
      %dma_start3A_244 = arith.constant 0 : i32
      %dma_start3A_245 = arith.constant 0 : i32
      %dma_start3A_246 = tpu.memref_slice %arg2[%arg0, %dma_start3A_244, %dma_start3A_245] : memref<2x10000x64xf32, #tpu.memory_space<hbm>> -> memref<1x10000x64xf32, #tpu.memory_space<hbm>>
      %dma_start3A_247 = tpu.memref_squeeze %dma_start3A_246 : memref<1x10000x64xf32, #tpu.memory_space<hbm>> -> memref<10000x64xf32, #tpu.memory_space<hbm>>
      %dma_start3A_248 = arith.constant 0 : i32
      %dma_start3A_249 = arith.constant 0 : i32
      %dma_start3A_250 = tpu.memref_slice %dma_start3A_247[%dma_start3A_248, %dma_start3A_249] : memref<10000x64xf32, #tpu.memory_space<hbm>> -> memref<10000x64xf32, #tpu.memory_space<hbm>>
      tpu.enqueue_indirect_dma source(%dma_start3A_250 : memref<10000x64xf32, #tpu.memory_space<hbm>>) target(%dma_start3A_240 : memref<128x64xf32, #tpu.memory_space<vmem>>) offsets(%dma_start3A_243 : memref<128xi32, #tpu.memory_space<vmem>>) semaphore(%arg13 : memref<!tpu.dma_semaphore, #tpu.memory_space<semaphore_mem>>)
      %dma_wait3A_251 = arith.constant 4 : i32
      %dma_wait3A_252 = arith.constant 0 : i32
      %dma_wait3A_253 = arith.constant 0 : i32
      %dma_wait3A_254 = tpu.memref_slice %arg9[%dma_wait3A_252, %dma_wait3A_253] : memref<512x64xf32, #tpu.memory_space<vmem>> -> memref<128x64xf32, #tpu.memory_space<vmem>>
      %dma_wait3A_255 = arith.constant 0 : i32
      %dma_wait3A_256 = tpu.memref_slice %arg7[%dma_wait3A_251, %dma_wait3A_255] : memref<8x128xi32, #tpu.memory_space<vmem>> -> memref<1x128xi32, #tpu.memory_space<vmem>>
      %dma_wait3A_257 = tpu.memref_squeeze %dma_wait3A_256 : memref<1x128xi32, #tpu.memory_space<vmem>> -> memref<128xi32, #tpu.memory_space<vmem>>
      %dma_wait3A_258 = arith.constant 0 : i32
      %dma_wait3A_259 = arith.constant 0 : i32
      %dma_wait3A_260 = tpu.memref_slice %arg2[%arg0, %dma_wait3A_258, %dma_wait3A_259] : memref<2x10000x64xf32, #tpu.memory_space<hbm>> -> memref<1x10000x64xf32, #tpu.memory_space<hbm>>
      %dma_wait3A_261 = tpu.memref_squeeze %dma_wait3A_260 : memref<1x10000x64xf32, #tpu.memory_space<hbm>> -> memref<10000x64xf32, #tpu.memory_space<hbm>>
      %dma_wait3A_262 = arith.constant 0 : i32
      %dma_wait3A_263 = arith.constant 0 : i32
      %dma_wait3A_264 = tpu.memref_slice %dma_wait3A_261[%dma_wait3A_262, %dma_wait3A_263] : memref<10000x64xf32, #tpu.memory_space<hbm>> -> memref<10000x64xf32, #tpu.memory_space<hbm>>
      tpu.wait_indirect_dma semaphore(%arg13 : memref<!tpu.dma_semaphore, #tpu.memory_space<semaphore_mem>>) src(%dma_wait3A_264 : memref<10000x64xf32, #tpu.memory_space<hbm>>) dst(%dma_wait3A_254 : memref<128x64xf32, #tpu.memory_space<vmem>>)
      %dma_wait3A_265 = arith.constant 5 : i32
      %dma_wait3A_266 = arith.constant 128 : i32
      %dma_wait3A_267 = arith.constant 0 : i32
      %dma_wait3A_268 = tpu.memref_slice %arg9[%dma_wait3A_266, %dma_wait3A_267] : memref<512x64xf32, #tpu.memory_space<vmem>> -> memref<128x64xf32, #tpu.memory_space<vmem>>
      %dma_wait3A_269 = arith.constant 0 : i32
      %dma_wait3A_270 = tpu.memref_slice %arg7[%dma_wait3A_265, %dma_wait3A_269] : memref<8x128xi32, #tpu.memory_space<vmem>> -> memref<1x128xi32, #tpu.memory_space<vmem>>
      %dma_wait3A_271 = tpu.memref_squeeze %dma_wait3A_270 : memref<1x128xi32, #tpu.memory_space<vmem>> -> memref<128xi32, #tpu.memory_space<vmem>>
      %dma_wait3A_272 = arith.constant 0 : i32
      %dma_wait3A_273 = arith.constant 0 : i32
      %dma_wait3A_274 = tpu.memref_slice %arg2[%arg0, %dma_wait3A_272, %dma_wait3A_273] : memref<2x10000x64xf32, #tpu.memory_space<hbm>> -> memref<1x10000x64xf32, #tpu.memory_space<hbm>>
      %dma_wait3A_275 = tpu.memref_squeeze %dma_wait3A_274 : memref<1x10000x64xf32, #tpu.memory_space<hbm>> -> memref<10000x64xf32, #tpu.memory_space<hbm>>
      %dma_wait3A_276 = arith.constant 0 : i32
      %dma_wait3A_277 = arith.constant 0 : i32
      %dma_wait3A_278 = tpu.memref_slice %dma_wait3A_275[%dma_wait3A_276, %dma_wait3A_277] : memref<10000x64xf32, #tpu.memory_space<hbm>> -> memref<10000x64xf32, #tpu.memory_space<hbm>>
      tpu.wait_indirect_dma semaphore(%arg13 : memref<!tpu.dma_semaphore, #tpu.memory_space<semaphore_mem>>) src(%dma_wait3A_278 : memref<10000x64xf32, #tpu.memory_space<hbm>>) dst(%dma_wait3A_268 : memref<128x64xf32, #tpu.memory_space<vmem>>)
      %dma_wait3A_279 = arith.constant 6 : i32
      %dma_wait3A_280 = arith.constant 256 : i32
      %dma_wait3A_281 = arith.constant 0 : i32
      %dma_wait3A_282 = tpu.memref_slice %arg9[%dma_wait3A_280, %dma_wait3A_281] : memref<512x64xf32, #tpu.memory_space<vmem>> -> memref<128x64xf32, #tpu.memory_space<vmem>>
      %dma_wait3A_283 = arith.constant 0 : i32
      %dma_wait3A_284 = tpu.memref_slice %arg7[%dma_wait3A_279, %dma_wait3A_283] : memref<8x128xi32, #tpu.memory_space<vmem>> -> memref<1x128xi32, #tpu.memory_space<vmem>>
      %dma_wait3A_285 = tpu.memref_squeeze %dma_wait3A_284 : memref<1x128xi32, #tpu.memory_space<vmem>> -> memref<128xi32, #tpu.memory_space<vmem>>
      %dma_wait3A_286 = arith.constant 0 : i32
      %dma_wait3A_287 = arith.constant 0 : i32
      %dma_wait3A_288 = tpu.memref_slice %arg2[%arg0, %dma_wait3A_286, %dma_wait3A_287] : memref<2x10000x64xf32, #tpu.memory_space<hbm>> -> memref<1x10000x64xf32, #tpu.memory_space<hbm>>
      %dma_wait3A_289 = tpu.memref_squeeze %dma_wait3A_288 : memref<1x10000x64xf32, #tpu.memory_space<hbm>> -> memref<10000x64xf32, #tpu.memory_space<hbm>>
      %dma_wait3A_290 = arith.constant 0 : i32
      %dma_wait3A_291 = arith.constant 0 : i32
      %dma_wait3A_292 = tpu.memref_slice %dma_wait3A_289[%dma_wait3A_290, %dma_wait3A_291] : memref<10000x64xf32, #tpu.memory_space<hbm>> -> memref<10000x64xf32, #tpu.memory_space<hbm>>
      tpu.wait_indirect_dma semaphore(%arg13 : memref<!tpu.dma_semaphore, #tpu.memory_space<semaphore_mem>>) src(%dma_wait3A_292 : memref<10000x64xf32, #tpu.memory_space<hbm>>) dst(%dma_wait3A_282 : memref<128x64xf32, #tpu.memory_space<vmem>>)
      %dma_wait3A_293 = arith.constant 7 : i32
      %dma_wait3A_294 = arith.constant 384 : i32
      %dma_wait3A_295 = arith.constant 0 : i32
      %dma_wait3A_296 = tpu.memref_slice %arg9[%dma_wait3A_294, %dma_wait3A_295] : memref<512x64xf32, #tpu.memory_space<vmem>> -> memref<128x64xf32, #tpu.memory_space<vmem>>
      %dma_wait3A_297 = arith.constant 0 : i32
      %dma_wait3A_298 = tpu.memref_slice %arg7[%dma_wait3A_293, %dma_wait3A_297] : memref<8x128xi32, #tpu.memory_space<vmem>> -> memref<1x128xi32, #tpu.memory_space<vmem>>
      %dma_wait3A_299 = tpu.memref_squeeze %dma_wait3A_298 : memref<1x128xi32, #tpu.memory_space<vmem>> -> memref<128xi32, #tpu.memory_space<vmem>>
      %dma_wait3A_300 = arith.constant 0 : i32
      %dma_wait3A_301 = arith.constant 0 : i32
      %dma_wait3A_302 = tpu.memref_slice %arg2[%arg0, %dma_wait3A_300, %dma_wait3A_301] : memref<2x10000x64xf32, #tpu.memory_space<hbm>> -> memref<1x10000x64xf32, #tpu.memory_space<hbm>>
      %dma_wait3A_303 = tpu.memref_squeeze %dma_wait3A_302 : memref<1x10000x64xf32, #tpu.memory_space<hbm>> -> memref<10000x64xf32, #tpu.memory_space<hbm>>
      %dma_wait3A_304 = arith.constant 0 : i32
      %dma_wait3A_305 = arith.constant 0 : i32
      %dma_wait3A_306 = tpu.memref_slice %dma_wait3A_303[%dma_wait3A_304, %dma_wait3A_305] : memref<10000x64xf32, #tpu.memory_space<hbm>> -> memref<10000x64xf32, #tpu.memory_space<hbm>>
      tpu.wait_indirect_dma semaphore(%arg13 : memref<!tpu.dma_semaphore, #tpu.memory_space<semaphore_mem>>) src(%dma_wait3A_306 : memref<10000x64xf32, #tpu.memory_space<hbm>>) dst(%dma_wait3A_296 : memref<128x64xf32, #tpu.memory_space<vmem>>)
      %scan3A_307 = arith.constant 0 : i32
      %scan3A_308 = arith.constant 0 : i32
      %scan3A_309 = arith.constant 512 : i32
      %scan3A_310 = arith.addi %scan3A_308, %scan3A_309 : i32
      %scan3A_311 = arith.constant 1 : i32
      scf.for %scan3A_317 = %scan3A_308 to %scan3A_310 step %scan3A_311  : i32 {
        %get3A = arith.index_cast %scan3A_317 : i32 to index
        %get3A_318 = arith.constant 0 : index
        %get3A_319 = tpu.vector_load %arg9[%get3A, %get3A_318] {strides = array<i32>} : memref<512x64xf32, #tpu.memory_space<vmem>>, vector<1x16xf32>,
        %get3A_320 = vector.shape_cast %get3A_319 : vector<1x16xf32> to vector<16xf32>
        %get3A_321 = arith.index_cast %scan3A_317 : i32 to index
        %get3A_322 = arith.constant 0 : index
        %get3A_323 = tpu.vector_load %arg10[%get3A_321, %get3A_322] {strides = array<i32>} : memref<512x64xf32, #tpu.memory_space<vmem>>, vector<1x16xf32>,
        %get3A_324 = vector.shape_cast %get3A_323 : vector<1x16xf32> to vector<16xf32>
        %add3A_325 = arith.addf %get3A_320, %get3A_324 : vector<16xf32>
        %max3A = arith.constant 0.000000e+00 : f32
        %max3A_326 = vector.broadcast %max3A : f32 to vector<16xf32>
        %max3A_327 = arith.maximumf %add3A_325, %max3A_326 : vector<16xf32>
        %swap3A = arith.index_cast %scan3A_317 : i32 to index
        %swap3A_328 = arith.constant 0 : index
        %swap3A_329 = tpu.vector_load %arg9[%swap3A, %swap3A_328] {strides = array<i32>} : memref<512x64xf32, #tpu.memory_space<vmem>>, vector<1x16xf32>,
        %swap3A_330 = vector.shape_cast %swap3A_329 : vector<1x16xf32> to vector<16xf32>
        %swap3A_331 = vector.shape_cast %max3A_327 : vector<16xf32> to vector<1x16xf32>
        tpu.vector_store %arg9[%swap3A, %swap3A_328], %swap3A_331 {strides = array<i32>} : memref<512x64xf32, #tpu.memory_space<vmem>>, vector<1x16xf32>,
        %get3A_332 = arith.index_cast %scan3A_317 : i32 to index
        %get3A_333 = arith.constant 16 : index
        %get3A_334 = tpu.vector_load %arg9[%get3A_332, %get3A_333] {strides = array<i32>} : memref<512x64xf32, #tpu.memory_space<vmem>>, vector<1x16xf32>,
        %get3A_335 = vector.shape_cast %get3A_334 : vector<1x16xf32> to vector<16xf32>
        %get3A_336 = arith.index_cast %scan3A_317 : i32 to index
        %get3A_337 = arith.constant 16 : index
        %get3A_338 = tpu.vector_load %arg10[%get3A_336, %get3A_337] {strides = array<i32>} : memref<512x64xf32, #tpu.memory_space<vmem>>, vector<1x16xf32>,
        %get3A_339 = vector.shape_cast %get3A_338 : vector<1x16xf32> to vector<16xf32>
        %add3A_340 = arith.addf %get3A_335, %get3A_339 : vector<16xf32>
        %max3A_341 = arith.constant 0.000000e+00 : f32
        %max3A_342 = vector.broadcast %max3A_341 : f32 to vector<16xf32>
        %max3A_343 = arith.maximumf %add3A_340, %max3A_342 : vector<16xf32>
        %swap3A_344 = arith.index_cast %scan3A_317 : i32 to index
        %swap3A_345 = arith.constant 16 : index
        %swap3A_346 = tpu.vector_load %arg9[%swap3A_344, %swap3A_345] {strides = array<i32>} : memref<512x64xf32, #tpu.memory_space<vmem>>, vector<1x16xf32>,
        %swap3A_347 = vector.shape_cast %swap3A_346 : vector<1x16xf32> to vector<16xf32>
        %swap3A_348 = vector.shape_cast %max3A_343 : vector<16xf32> to vector<1x16xf32>
        tpu.vector_store %arg9[%swap3A_344, %swap3A_345], %swap3A_348 {strides = array<i32>} : memref<512x64xf32, #tpu.memory_space<vmem>>, vector<1x16xf32>,
        %get3A_349 = arith.index_cast %scan3A_317 : i32 to index
        %get3A_350 = arith.constant 32 : index
        %get3A_351 = tpu.vector_load %arg9[%get3A_349, %get3A_350] {strides = array<i32>} : memref<512x64xf32, #tpu.memory_space<vmem>>, vector<1x16xf32>,
        %get3A_352 = vector.shape_cast %get3A_351 : vector<1x16xf32> to vector<16xf32>
        %get3A_353 = arith.index_cast %scan3A_317 : i32 to index
        %get3A_354 = arith.constant 32 : index
        %get3A_355 = tpu.vector_load %arg10[%get3A_353, %get3A_354] {strides = array<i32>} : memref<512x64xf32, #tpu.memory_space<vmem>>, vector<1x16xf32>,
        %get3A_356 = vector.shape_cast %get3A_355 : vector<1x16xf32> to vector<16xf32>
        %add3A_357 = arith.addf %get3A_352, %get3A_356 : vector<16xf32>
        %max3A_358 = arith.constant 0.000000e+00 : f32
        %max3A_359 = vector.broadcast %max3A_358 : f32 to vector<16xf32>
        %max3A_360 = arith.maximumf %add3A_357, %max3A_359 : vector<16xf32>
        %swap3A_361 = arith.index_cast %scan3A_317 : i32 to index
        %swap3A_362 = arith.constant 32 : index
        %swap3A_363 = tpu.vector_load %arg9[%swap3A_361, %swap3A_362] {strides = array<i32>} : memref<512x64xf32, #tpu.memory_space<vmem>>, vector<1x16xf32>,
        %swap3A_364 = vector.shape_cast %swap3A_363 : vector<1x16xf32> to vector<16xf32>
        %swap3A_365 = vector.shape_cast %max3A_360 : vector<16xf32> to vector<1x16xf32>
        tpu.vector_store %arg9[%swap3A_361, %swap3A_362], %swap3A_365 {strides = array<i32>} : memref<512x64xf32, #tpu.memory_space<vmem>>, vector<1x16xf32>,
        %get3A_366 = arith.index_cast %scan3A_317 : i32 to index
        %get3A_367 = arith.constant 48 : index
        %get3A_368 = tpu.vector_load %arg9[%get3A_366, %get3A_367] {strides = array<i32>} : memref<512x64xf32, #tpu.memory_space<vmem>>, vector<1x16xf32>,
        %get3A_369 = vector.shape_cast %get3A_368 : vector<1x16xf32> to vector<16xf32>
        %get3A_370 = arith.index_cast %scan3A_317 : i32 to index
        %get3A_371 = arith.constant 48 : index
        %get3A_372 = tpu.vector_load %arg10[%get3A_370, %get3A_371] {strides = array<i32>} : memref<512x64xf32, #tpu.memory_space<vmem>>, vector<1x16xf32>,
        %get3A_373 = vector.shape_cast %get3A_372 : vector<1x16xf32> to vector<16xf32>
        %add3A_374 = arith.addf %get3A_369, %get3A_373 : vector<16xf32>
        %max3A_375 = arith.constant 0.000000e+00 : f32
        %max3A_376 = vector.broadcast %max3A_375 : f32 to vector<16xf32>
        %max3A_377 = arith.maximumf %add3A_374, %max3A_376 : vector<16xf32>
        %swap3A_378 = arith.index_cast %scan3A_317 : i32 to index
        %swap3A_379 = arith.constant 48 : index
        %swap3A_380 = tpu.vector_load %arg9[%swap3A_378, %swap3A_379] {strides = array<i32>} : memref<512x64xf32, #tpu.memory_space<vmem>>, vector<1x16xf32>,
        %swap3A_381 = vector.shape_cast %swap3A_380 : vector<1x16xf32> to vector<16xf32>
        %swap3A_382 = vector.shape_cast %max3A_377 : vector<16xf32> to vector<1x16xf32>
        tpu.vector_store %arg9[%swap3A_378, %swap3A_379], %swap3A_382 {strides = array<i32>} : memref<512x64xf32, #tpu.memory_space<vmem>>, vector<1x16xf32>,
      }
      %scan3A_312 = arith.constant 512 : i32
      %run_scoped3A_313 = arith.constant 4 : i32
      "tpu.region"() ({
        %run_scoped3A_317 = tpu.sem_alloc : memref<!tpu.dma_semaphore, #tpu.memory_space<semaphore_mem>>
        %dma_start3A_318 = arith.constant 0 : i32
        %dma_start3A_319 = arith.constant 0 : i32
        %dma_start3A_320 = tpu.memref_slice %arg9[%dma_start3A_318, %dma_start3A_319] : memref<512x64xf32, #tpu.memory_space<vmem>> -> memref<128x64xf32, #tpu.memory_space<vmem>>
        %dma_start3A_321 = arith.constant 0 : i32
        %dma_start3A_322 = tpu.memref_slice %arg8[%run_scoped3A_313, %dma_start3A_321] : memref<8x128xi32, #tpu.memory_space<vmem>> -> memref<1x128xi32, #tpu.memory_space<vmem>>
        %dma_start3A_323 = tpu.memref_squeeze %dma_start3A_322 : memref<1x128xi32, #tpu.memory_space<vmem>> -> memref<128xi32, #tpu.memory_space<vmem>>
        %dma_start3A_324 = arith.constant 0 : i32
        %dma_start3A_325 = arith.constant 0 : i32
        %dma_start3A_326 = tpu.memref_slice %arg12[%dma_start3A_324, %dma_start3A_325] : memref<10240x64xf32, #tpu.memory_space<vmem_shared>> -> memref<10240x64xf32, #tpu.memory_space<vmem_shared>>
        tpu.enqueue_indirect_dma source(%dma_start3A_320 : memref<128x64xf32, #tpu.memory_space<vmem>>) target(%dma_start3A_326 : memref<10240x64xf32, #tpu.memory_space<vmem_shared>>) offsets(%dma_start3A_323 : memref<128xi32, #tpu.memory_space<vmem>>) semaphore(%run_scoped3A_317 : memref<!tpu.dma_semaphore, #tpu.memory_space<semaphore_mem>>) {add = true}
        %dma_wait3A_327 = arith.constant 0 : i32
        %dma_wait3A_328 = arith.constant 0 : i32
        %dma_wait3A_329 = tpu.memref_slice %arg9[%dma_wait3A_327, %dma_wait3A_328] : memref<512x64xf32, #tpu.memory_space<vmem>> -> memref<128x64xf32, #tpu.memory_space<vmem>>
        %dma_wait3A_330 = arith.constant 0 : i32
        %dma_wait3A_331 = tpu.memref_slice %arg8[%run_scoped3A_313, %dma_wait3A_330] : memref<8x128xi32, #tpu.memory_space<vmem>> -> memref<1x128xi32, #tpu.memory_space<vmem>>
        %dma_wait3A_332 = tpu.memref_squeeze %dma_wait3A_331 : memref<1x128xi32, #tpu.memory_space<vmem>> -> memref<128xi32, #tpu.memory_space<vmem>>
        %dma_wait3A_333 = arith.constant 0 : i32
        %dma_wait3A_334 = arith.constant 0 : i32
        %dma_wait3A_335 = tpu.memref_slice %arg12[%dma_wait3A_333, %dma_wait3A_334] : memref<10240x64xf32, #tpu.memory_space<vmem_shared>> -> memref<10240x64xf32, #tpu.memory_space<vmem_shared>>
        tpu.wait_indirect_dma semaphore(%run_scoped3A_317 : memref<!tpu.dma_semaphore, #tpu.memory_space<semaphore_mem>>) src(%dma_wait3A_329 : memref<128x64xf32, #tpu.memory_space<vmem>>) dst(%dma_wait3A_335 : memref<10240x64xf32, #tpu.memory_space<vmem_shared>>)
        tpu.yield
      }) : () -> ()
      %run_scoped3A_314 = arith.constant 5 : i32
      "tpu.region"() ({
        %run_scoped3A_317 = tpu.sem_alloc : memref<!tpu.dma_semaphore, #tpu.memory_space<semaphore_mem>>
        %dma_start3A_318 = arith.constant 128 : i32
        %dma_start3A_319 = arith.constant 0 : i32
        %dma_start3A_320 = tpu.memref_slice %arg9[%dma_start3A_318, %dma_start3A_319] : memref<512x64xf32, #tpu.memory_space<vmem>> -> memref<128x64xf32, #tpu.memory_space<vmem>>
        %dma_start3A_321 = arith.constant 0 : i32
        %dma_start3A_322 = tpu.memref_slice %arg8[%run_scoped3A_314, %dma_start3A_321] : memref<8x128xi32, #tpu.memory_space<vmem>> -> memref<1x128xi32, #tpu.memory_space<vmem>>
        %dma_start3A_323 = tpu.memref_squeeze %dma_start3A_322 : memref<1x128xi32, #tpu.memory_space<vmem>> -> memref<128xi32, #tpu.memory_space<vmem>>
        %dma_start3A_324 = arith.constant 0 : i32
        %dma_start3A_325 = arith.constant 0 : i32
        %dma_start3A_326 = tpu.memref_slice %arg12[%dma_start3A_324, %dma_start3A_325] : memref<10240x64xf32, #tpu.memory_space<vmem_shared>> -> memref<10240x64xf32, #tpu.memory_space<vmem_shared>>
        tpu.enqueue_indirect_dma source(%dma_start3A_320 : memref<128x64xf32, #tpu.memory_space<vmem>>) target(%dma_start3A_326 : memref<10240x64xf32, #tpu.memory_space<vmem_shared>>) offsets(%dma_start3A_323 : memref<128xi32, #tpu.memory_space<vmem>>) semaphore(%run_scoped3A_317 : memref<!tpu.dma_semaphore, #tpu.memory_space<semaphore_mem>>) {add = true}
        %dma_wait3A_327 = arith.constant 128 : i32
        %dma_wait3A_328 = arith.constant 0 : i32
        %dma_wait3A_329 = tpu.memref_slice %arg9[%dma_wait3A_327, %dma_wait3A_328] : memref<512x64xf32, #tpu.memory_space<vmem>> -> memref<128x64xf32, #tpu.memory_space<vmem>>
        %dma_wait3A_330 = arith.constant 0 : i32
        %dma_wait3A_331 = tpu.memref_slice %arg8[%run_scoped3A_314, %dma_wait3A_330] : memref<8x128xi32, #tpu.memory_space<vmem>> -> memref<1x128xi32, #tpu.memory_space<vmem>>
        %dma_wait3A_332 = tpu.memref_squeeze %dma_wait3A_331 : memref<1x128xi32, #tpu.memory_space<vmem>> -> memref<128xi32, #tpu.memory_space<vmem>>
        %dma_wait3A_333 = arith.constant 0 : i32
        %dma_wait3A_334 = arith.constant 0 : i32
        %dma_wait3A_335 = tpu.memref_slice %arg12[%dma_wait3A_333, %dma_wait3A_334] : memref<10240x64xf32, #tpu.memory_space<vmem_shared>> -> memref<10240x64xf32, #tpu.memory_space<vmem_shared>>
        tpu.wait_indirect_dma semaphore(%run_scoped3A_317 : memref<!tpu.dma_semaphore, #tpu.memory_space<semaphore_mem>>) src(%dma_wait3A_329 : memref<128x64xf32, #tpu.memory_space<vmem>>) dst(%dma_wait3A_335 : memref<10240x64xf32, #tpu.memory_space<vmem_shared>>)
        tpu.yield
      }) : () -> ()
      %run_scoped3A_315 = arith.constant 6 : i32
      "tpu.region"() ({
        %run_scoped3A_317 = tpu.sem_alloc : memref<!tpu.dma_semaphore, #tpu.memory_space<semaphore_mem>>
        %dma_start3A_318 = arith.constant 256 : i32
        %dma_start3A_319 = arith.constant 0 : i32
        %dma_start3A_320 = tpu.memref_slice %arg9[%dma_start3A_318, %dma_start3A_319] : memref<512x64xf32, #tpu.memory_space<vmem>> -> memref<128x64xf32, #tpu.memory_space<vmem>>
        %dma_start3A_321 = arith.constant 0 : i32
        %dma_start3A_322 = tpu.memref_slice %arg8[%run_scoped3A_315, %dma_start3A_321] : memref<8x128xi32, #tpu.memory_space<vmem>> -> memref<1x128xi32, #tpu.memory_space<vmem>>
        %dma_start3A_323 = tpu.memref_squeeze %dma_start3A_322 : memref<1x128xi32, #tpu.memory_space<vmem>> -> memref<128xi32, #tpu.memory_space<vmem>>
        %dma_start3A_324 = arith.constant 0 : i32
        %dma_start3A_325 = arith.constant 0 : i32
        %dma_start3A_326 = tpu.memref_slice %arg12[%dma_start3A_324, %dma_start3A_325] : memref<10240x64xf32, #tpu.memory_space<vmem_shared>> -> memref<10240x64xf32, #tpu.memory_space<vmem_shared>>
        tpu.enqueue_indirect_dma source(%dma_start3A_320 : memref<128x64xf32, #tpu.memory_space<vmem>>) target(%dma_start3A_326 : memref<10240x64xf32, #tpu.memory_space<vmem_shared>>) offsets(%dma_start3A_323 : memref<128xi32, #tpu.memory_space<vmem>>) semaphore(%run_scoped3A_317 : memref<!tpu.dma_semaphore, #tpu.memory_space<semaphore_mem>>) {add = true}
        %dma_wait3A_327 = arith.constant 256 : i32
        %dma_wait3A_328 = arith.constant 0 : i32
        %dma_wait3A_329 = tpu.memref_slice %arg9[%dma_wait3A_327, %dma_wait3A_328] : memref<512x64xf32, #tpu.memory_space<vmem>> -> memref<128x64xf32, #tpu.memory_space<vmem>>
        %dma_wait3A_330 = arith.constant 0 : i32
        %dma_wait3A_331 = tpu.memref_slice %arg8[%run_scoped3A_315, %dma_wait3A_330] : memref<8x128xi32, #tpu.memory_space<vmem>> -> memref<1x128xi32, #tpu.memory_space<vmem>>
        %dma_wait3A_332 = tpu.memref_squeeze %dma_wait3A_331 : memref<1x128xi32, #tpu.memory_space<vmem>> -> memref<128xi32, #tpu.memory_space<vmem>>
        %dma_wait3A_333 = arith.constant 0 : i32
        %dma_wait3A_334 = arith.constant 0 : i32
        %dma_wait3A_335 = tpu.memref_slice %arg12[%dma_wait3A_333, %dma_wait3A_334] : memref<10240x64xf32, #tpu.memory_space<vmem_shared>> -> memref<10240x64xf32, #tpu.memory_space<vmem_shared>>
        tpu.wait_indirect_dma semaphore(%run_scoped3A_317 : memref<!tpu.dma_semaphore, #tpu.memory_space<semaphore_mem>>) src(%dma_wait3A_329 : memref<128x64xf32, #tpu.memory_space<vmem>>) dst(%dma_wait3A_335 : memref<10240x64xf32, #tpu.memory_space<vmem_shared>>)
        tpu.yield
      }) : () -> ()
      %run_scoped3A_316 = arith.constant 7 : i32
      "tpu.region"() ({
        %run_scoped3A_317 = tpu.sem_alloc : memref<!tpu.dma_semaphore, #tpu.memory_space<semaphore_mem>>
        %dma_start3A_318 = arith.constant 384 : i32
        %dma_start3A_319 = arith.constant 0 : i32
        %dma_start3A_320 = tpu.memref_slice %arg9[%dma_start3A_318, %dma_start3A_319] : memref<512x64xf32, #tpu.memory_space<vmem>> -> memref<128x64xf32, #tpu.memory_space<vmem>>
        %dma_start3A_321 = arith.constant 0 : i32
        %dma_start3A_322 = tpu.memref_slice %arg8[%run_scoped3A_316, %dma_start3A_321] : memref<8x128xi32, #tpu.memory_space<vmem>> -> memref<1x128xi32, #tpu.memory_space<vmem>>
        %dma_start3A_323 = tpu.memref_squeeze %dma_start3A_322 : memref<1x128xi32, #tpu.memory_space<vmem>> -> memref<128xi32, #tpu.memory_space<vmem>>
        %dma_start3A_324 = arith.constant 0 : i32
        %dma_start3A_325 = arith.constant 0 : i32
        %dma_start3A_326 = tpu.memref_slice %arg12[%dma_start3A_324, %dma_start3A_325] : memref<10240x64xf32, #tpu.memory_space<vmem_shared>> -> memref<10240x64xf32, #tpu.memory_space<vmem_shared>>
        tpu.enqueue_indirect_dma source(%dma_start3A_320 : memref<128x64xf32, #tpu.memory_space<vmem>>) target(%dma_start3A_326 : memref<10240x64xf32, #tpu.memory_space<vmem_shared>>) offsets(%dma_start3A_323 : memref<128xi32, #tpu.memory_space<vmem>>) semaphore(%run_scoped3A_317 : memref<!tpu.dma_semaphore, #tpu.memory_space<semaphore_mem>>) {add = true}
        %dma_wait3A_327 = arith.constant 384 : i32
        %dma_wait3A_328 = arith.constant 0 : i32
        %dma_wait3A_329 = tpu.memref_slice %arg9[%dma_wait3A_327, %dma_wait3A_328] : memref<512x64xf32, #tpu.memory_space<vmem>> -> memref<128x64xf32, #tpu.memory_space<vmem>>
        %dma_wait3A_330 = arith.constant 0 : i32
        %dma_wait3A_331 = tpu.memref_slice %arg8[%run_scoped3A_316, %dma_wait3A_330] : memref<8x128xi32, #tpu.memory_space<vmem>> -> memref<1x128xi32, #tpu.memory_space<vmem>>
        %dma_wait3A_332 = tpu.memref_squeeze %dma_wait3A_331 : memref<1x128xi32, #tpu.memory_space<vmem>> -> memref<128xi32, #tpu.memory_space<vmem>>
        %dma_wait3A_333 = arith.constant 0 : i32
        %dma_wait3A_334 = arith.constant 0 : i32
        %dma_wait3A_335 = tpu.memref_slice %arg12[%dma_wait3A_333, %dma_wait3A_334] : memref<10240x64xf32, #tpu.memory_space<vmem_shared>> -> memref<10240x64xf32, #tpu.memory_space<vmem_shared>>
        tpu.wait_indirect_dma semaphore(%run_scoped3A_317 : memref<!tpu.dma_semaphore, #tpu.memory_space<semaphore_mem>>) src(%dma_wait3A_329 : memref<128x64xf32, #tpu.memory_space<vmem>>) dst(%dma_wait3A_335 : memref<10240x64xf32, #tpu.memory_space<vmem_shared>>)
        tpu.yield
      }) : () -> ()
    }
    %scan3A_32 = arith.constant 20 : i32
    %barrier3A_33 = arith.constant 0 : index
    tpu.barrier barrier_id(%barrier3A_33)
    %mul3A_34 = arith.constant 640 : i32
    %mul3A_35 = arith.muli %arg1, %mul3A_34 : i32
    %add3A_36 = arith.constant 0 : i32
    %add3A_37 = arith.addi %mul3A_35, %add3A_36 : i32
    %multiple_of3A_38 = tpu.assume_multiple %add3A_37, 8 : i32
    "tpu.region"() ({
      %run_scoped3A = tpu.sem_alloc : memref<!tpu.dma_semaphore, #tpu.memory_space<semaphore_mem>>
      %dma_start3A = arith.constant 0 : i32
      %dma_start3A_59 = tpu.memref_slice %arg12[%multiple_of3A_38, %dma_start3A] : memref<10240x64xf32, #tpu.memory_space<vmem_shared>> -> memref<128x64xf32, #tpu.memory_space<vmem_shared>>
      %dma_start3A_60 = arith.constant 0 : i32
      %dma_start3A_61 = tpu.memref_slice %arg12[%multiple_of3A_38, %dma_start3A_60] : memref<10240x64xf32, #tpu.memory_space<vmem_shared>> -> memref<128x64xf32, #tpu.memory_space<vmem_shared>>
      tpu.enqueue_dma source(%dma_start3A_61 : memref<128x64xf32, #tpu.memory_space<vmem_shared>>) target(%arg11 : memref<128x64xf32, #tpu.memory_space<vmem>>) target_semaphore(%run_scoped3A : memref<!tpu.dma_semaphore, #tpu.memory_space<semaphore_mem>>)
      %dma_wait3A = arith.constant 0 : i32
      %dma_wait3A_62 = tpu.memref_slice %arg12[%multiple_of3A_38, %dma_wait3A] : memref<10240x64xf32, #tpu.memory_space<vmem_shared>> -> memref<128x64xf32, #tpu.memory_space<vmem_shared>>
      %dma_wait3A_63 = arith.constant 0 : i32
      %dma_wait3A_64 = tpu.memref_slice %arg12[%multiple_of3A_38, %dma_wait3A_63] : memref<10240x64xf32, #tpu.memory_space<vmem_shared>> -> memref<128x64xf32, #tpu.memory_space<vmem_shared>>
      tpu.wait_dma2 semaphore(%run_scoped3A : memref<!tpu.dma_semaphore, #tpu.memory_space<semaphore_mem>>) src(%dma_wait3A_64 : memref<128x64xf32, #tpu.memory_space<vmem_shared>>) dst(%arg11 : memref<128x64xf32, #tpu.memory_space<vmem>>)
      tpu.yield
    }) : () -> ()
    "tpu.region"() ({
      %run_scoped3A = tpu.sem_alloc : memref<!tpu.dma_semaphore, #tpu.memory_space<semaphore_mem>>
      %dma_start3A = arith.constant 0 : i32
      %dma_start3A_59 = tpu.memref_slice %arg6[%arg0, %multiple_of3A_38, %dma_start3A] : memref<2x10240x64xf32, #tpu.memory_space<hbm>> -> memref<1x128x64xf32, #tpu.memory_space<hbm>>
      %dma_start3A_60 = tpu.memref_squeeze %dma_start3A_59 : memref<1x128x64xf32, #tpu.memory_space<hbm>> -> memref<128x64xf32, #tpu.memory_space<hbm>>
      %dma_start3A_61 = arith.constant 0 : i32
      %dma_start3A_62 = tpu.memref_slice %arg6[%arg0, %multiple_of3A_38, %dma_start3A_61] : memref<2x10240x64xf32, #tpu.memory_space<hbm>> -> memref<1x128x64xf32, #tpu.memory_space<hbm>>
      %dma_start3A_63 = tpu.memref_squeeze %dma_start3A_62 : memref<1x128x64xf32, #tpu.memory_space<hbm>> -> memref<128x64xf32, #tpu.memory_space<hbm>>
      tpu.enqueue_dma source(%arg11 : memref<128x64xf32, #tpu.memory_space<vmem>>) target(%dma_start3A_63 : memref<128x64xf32, #tpu.memory_space<hbm>>) target_semaphore(%run_scoped3A : memref<!tpu.dma_semaphore, #tpu.memory_space<semaphore_mem>>)
      %dma_wait3A = arith.constant 0 : i32
      %dma_wait3A_64 = tpu.memref_slice %arg6[%arg0, %multiple_of3A_38, %dma_wait3A] : memref<2x10240x64xf32, #tpu.memory_space<hbm>> -> memref<1x128x64xf32, #tpu.memory_space<hbm>>
      %dma_wait3A_65 = tpu.memref_squeeze %dma_wait3A_64 : memref<1x128x64xf32, #tpu.memory_space<hbm>> -> memref<128x64xf32, #tpu.memory_space<hbm>>
      %dma_wait3A_66 = arith.constant 0 : i32
      %dma_wait3A_67 = tpu.memref_slice %arg6[%arg0, %multiple_of3A_38, %dma_wait3A_66] : memref<2x10240x64xf32, #tpu.memory_space<hbm>> -> memref<1x128x64xf32, #tpu.memory_space<hbm>>
      %dma_wait3A_68 = tpu.memref_squeeze %dma_wait3A_67 : memref<1x128x64xf32, #tpu.memory_space<hbm>> -> memref<128x64xf32, #tpu.memory_space<hbm>>
      tpu.wait_dma2 semaphore(%run_scoped3A : memref<!tpu.dma_semaphore, #tpu.memory_space<semaphore_mem>>) src(%arg11 : memref<128x64xf32, #tpu.memory_space<vmem>>) dst(%dma_wait3A_68 : memref<128x64xf32, #tpu.memory_space<hbm>>)
      tpu.yield
    }) : () -> ()
    %mul3A_39 = arith.constant 640 : i32
    %mul3A_40 = arith.muli %arg1, %mul3A_39 : i32
    %add3A_41 = arith.constant 128 : i32
    %add3A_42 = arith.addi %mul3A_40, %add3A_41 : i32
    %multiple_of3A_43 = tpu.assume_multiple %add3A_42, 8 : i32
    "tpu.region"() ({
      %run_scoped3A = tpu.sem_alloc : memref<!tpu.dma_semaphore, #tpu.memory_space<semaphore_mem>>
      %dma_start3A = arith.constant 0 : i32
      %dma_start3A_59 = tpu.memref_slice %arg12[%multiple_of3A_43, %dma_start3A] : memref<10240x64xf32, #tpu.memory_space<vmem_shared>> -> memref<128x64xf32, #tpu.memory_space<vmem_shared>>
      %dma_start3A_60 = arith.constant 0 : i32
      %dma_start3A_61 = tpu.memref_slice %arg12[%multiple_of3A_43, %dma_start3A_60] : memref<10240x64xf32, #tpu.memory_space<vmem_shared>> -> memref<128x64xf32, #tpu.memory_space<vmem_shared>>
      tpu.enqueue_dma source(%dma_start3A_61 : memref<128x64xf32, #tpu.memory_space<vmem_shared>>) target(%arg11 : memref<128x64xf32, #tpu.memory_space<vmem>>) target_semaphore(%run_scoped3A : memref<!tpu.dma_semaphore, #tpu.memory_space<semaphore_mem>>)
      %dma_wait3A = arith.constant 0 : i32
      %dma_wait3A_62 = tpu.memref_slice %arg12[%multiple_of3A_43, %dma_wait3A] : memref<10240x64xf32, #tpu.memory_space<vmem_shared>> -> memref<128x64xf32, #tpu.memory_space<vmem_shared>>
      %dma_wait3A_63 = arith.constant 0 : i32
      %dma_wait3A_64 = tpu.memref_slice %arg12[%multiple_of3A_43, %dma_wait3A_63] : memref<10240x64xf32, #tpu.memory_space<vmem_shared>> -> memref<128x64xf32, #tpu.memory_space<vmem_shared>>
      tpu.wait_dma2 semaphore(%run_scoped3A : memref<!tpu.dma_semaphore, #tpu.memory_space<semaphore_mem>>) src(%dma_wait3A_64 : memref<128x64xf32, #tpu.memory_space<vmem_shared>>) dst(%arg11 : memref<128x64xf32, #tpu.memory_space<vmem>>)
      tpu.yield
    }) : () -> ()
    "tpu.region"() ({
      %run_scoped3A = tpu.sem_alloc : memref<!tpu.dma_semaphore, #tpu.memory_space<semaphore_mem>>
      %dma_start3A = arith.constant 0 : i32
      %dma_start3A_59 = tpu.memref_slice %arg6[%arg0, %multiple_of3A_43, %dma_start3A] : memref<2x10240x64xf32, #tpu.memory_space<hbm>> -> memref<1x128x64xf32, #tpu.memory_space<hbm>>
      %dma_start3A_60 = tpu.memref_squeeze %dma_start3A_59 : memref<1x128x64xf32, #tpu.memory_space<hbm>> -> memref<128x64xf32, #tpu.memory_space<hbm>>
      %dma_start3A_61 = arith.constant 0 : i32
      %dma_start3A_62 = tpu.memref_slice %arg6[%arg0, %multiple_of3A_43, %dma_start3A_61] : memref<2x10240x64xf32, #tpu.memory_space<hbm>> -> memref<1x128x64xf32, #tpu.memory_space<hbm>>
      %dma_start3A_63 = tpu.memref_squeeze %dma_start3A_62 : memref<1x128x64xf32, #tpu.memory_space<hbm>> -> memref<128x64xf32, #tpu.memory_space<hbm>>
      tpu.enqueue_dma source(%arg11 : memref<128x64xf32, #tpu.memory_space<vmem>>) target(%dma_start3A_63 : memref<128x64xf32, #tpu.memory_space<hbm>>) target_semaphore(%run_scoped3A : memref<!tpu.dma_semaphore, #tpu.memory_space<semaphore_mem>>)
      %dma_wait3A = arith.constant 0 : i32
      %dma_wait3A_64 = tpu.memref_slice %arg6[%arg0, %multiple_of3A_43, %dma_wait3A] : memref<2x10240x64xf32, #tpu.memory_space<hbm>> -> memref<1x128x64xf32, #tpu.memory_space<hbm>>
      %dma_wait3A_65 = tpu.memref_squeeze %dma_wait3A_64 : memref<1x128x64xf32, #tpu.memory_space<hbm>> -> memref<128x64xf32, #tpu.memory_space<hbm>>
      %dma_wait3A_66 = arith.constant 0 : i32
      %dma_wait3A_67 = tpu.memref_slice %arg6[%arg0, %multiple_of3A_43, %dma_wait3A_66] : memref<2x10240x64xf32, #tpu.memory_space<hbm>> -> memref<1x128x64xf32, #tpu.memory_space<hbm>>
      %dma_wait3A_68 = tpu.memref_squeeze %dma_wait3A_67 : memref<1x128x64xf32, #tpu.memory_space<hbm>> -> memref<128x64xf32, #tpu.memory_space<hbm>>
      tpu.wait_dma2 semaphore(%run_scoped3A : memref<!tpu.dma_semaphore, #tpu.memory_space<semaphore_mem>>) src(%arg11 : memref<128x64xf32, #tpu.memory_space<vmem>>) dst(%dma_wait3A_68 : memref<128x64xf32, #tpu.memory_space<hbm>>)
      tpu.yield
    }) : () -> ()
    %mul3A_44 = arith.constant 640 : i32
    %mul3A_45 = arith.muli %arg1, %mul3A_44 : i32
    %add3A_46 = arith.constant 256 : i32
    %add3A_47 = arith.addi %mul3A_45, %add3A_46 : i32
    %multiple_of3A_48 = tpu.assume_multiple %add3A_47, 8 : i32
    "tpu.region"() ({
      %run_scoped3A = tpu.sem_alloc : memref<!tpu.dma_semaphore, #tpu.memory_space<semaphore_mem>>
      %dma_start3A = arith.constant 0 : i32
      %dma_start3A_59 = tpu.memref_slice %arg12[%multiple_of3A_48, %dma_start3A] : memref<10240x64xf32, #tpu.memory_space<vmem_shared>> -> memref<128x64xf32, #tpu.memory_space<vmem_shared>>
      %dma_start3A_60 = arith.constant 0 : i32
      %dma_start3A_61 = tpu.memref_slice %arg12[%multiple_of3A_48, %dma_start3A_60] : memref<10240x64xf32, #tpu.memory_space<vmem_shared>> -> memref<128x64xf32, #tpu.memory_space<vmem_shared>>
      tpu.enqueue_dma source(%dma_start3A_61 : memref<128x64xf32, #tpu.memory_space<vmem_shared>>) target(%arg11 : memref<128x64xf32, #tpu.memory_space<vmem>>) target_semaphore(%run_scoped3A : memref<!tpu.dma_semaphore, #tpu.memory_space<semaphore_mem>>)
      %dma_wait3A = arith.constant 0 : i32
      %dma_wait3A_62 = tpu.memref_slice %arg12[%multiple_of3A_48, %dma_wait3A] : memref<10240x64xf32, #tpu.memory_space<vmem_shared>> -> memref<128x64xf32, #tpu.memory_space<vmem_shared>>
      %dma_wait3A_63 = arith.constant 0 : i32
      %dma_wait3A_64 = tpu.memref_slice %arg12[%multiple_of3A_48, %dma_wait3A_63] : memref<10240x64xf32, #tpu.memory_space<vmem_shared>> -> memref<128x64xf32, #tpu.memory_space<vmem_shared>>
      tpu.wait_dma2 semaphore(%run_scoped3A : memref<!tpu.dma_semaphore, #tpu.memory_space<semaphore_mem>>) src(%dma_wait3A_64 : memref<128x64xf32, #tpu.memory_space<vmem_shared>>) dst(%arg11 : memref<128x64xf32, #tpu.memory_space<vmem>>)
      tpu.yield
    }) : () -> ()
    "tpu.region"() ({
      %run_scoped3A = tpu.sem_alloc : memref<!tpu.dma_semaphore, #tpu.memory_space<semaphore_mem>>
      %dma_start3A = arith.constant 0 : i32
      %dma_start3A_59 = tpu.memref_slice %arg6[%arg0, %multiple_of3A_48, %dma_start3A] : memref<2x10240x64xf32, #tpu.memory_space<hbm>> -> memref<1x128x64xf32, #tpu.memory_space<hbm>>
      %dma_start3A_60 = tpu.memref_squeeze %dma_start3A_59 : memref<1x128x64xf32, #tpu.memory_space<hbm>> -> memref<128x64xf32, #tpu.memory_space<hbm>>
      %dma_start3A_61 = arith.constant 0 : i32
      %dma_start3A_62 = tpu.memref_slice %arg6[%arg0, %multiple_of3A_48, %dma_start3A_61] : memref<2x10240x64xf32, #tpu.memory_space<hbm>> -> memref<1x128x64xf32, #tpu.memory_space<hbm>>
      %dma_start3A_63 = tpu.memref_squeeze %dma_start3A_62 : memref<1x128x64xf32, #tpu.memory_space<hbm>> -> memref<128x64xf32, #tpu.memory_space<hbm>>
      tpu.enqueue_dma source(%arg11 : memref<128x64xf32, #tpu.memory_space<vmem>>) target(%dma_start3A_63 : memref<128x64xf32, #tpu.memory_space<hbm>>) target_semaphore(%run_scoped3A : memref<!tpu.dma_semaphore, #tpu.memory_space<semaphore_mem>>)
      %dma_wait3A = arith.constant 0 : i32
      %dma_wait3A_64 = tpu.memref_slice %arg6[%arg0, %multiple_of3A_48, %dma_wait3A] : memref<2x10240x64xf32, #tpu.memory_space<hbm>> -> memref<1x128x64xf32, #tpu.memory_space<hbm>>
      %dma_wait3A_65 = tpu.memref_squeeze %dma_wait3A_64 : memref<1x128x64xf32, #tpu.memory_space<hbm>> -> memref<128x64xf32, #tpu.memory_space<hbm>>
      %dma_wait3A_66 = arith.constant 0 : i32
      %dma_wait3A_67 = tpu.memref_slice %arg6[%arg0, %multiple_of3A_48, %dma_wait3A_66] : memref<2x10240x64xf32, #tpu.memory_space<hbm>> -> memref<1x128x64xf32, #tpu.memory_space<hbm>>
      %dma_wait3A_68 = tpu.memref_squeeze %dma_wait3A_67 : memref<1x128x64xf32, #tpu.memory_space<hbm>> -> memref<128x64xf32, #tpu.memory_space<hbm>>
      tpu.wait_dma2 semaphore(%run_scoped3A : memref<!tpu.dma_semaphore, #tpu.memory_space<semaphore_mem>>) src(%arg11 : memref<128x64xf32, #tpu.memory_space<vmem>>) dst(%dma_wait3A_68 : memref<128x64xf32, #tpu.memory_space<hbm>>)
      tpu.yield
    }) : () -> ()
    %mul3A_49 = arith.constant 640 : i32
    %mul3A_50 = arith.muli %arg1, %mul3A_49 : i32
    %add3A_51 = arith.constant 384 : i32
    %add3A_52 = arith.addi %mul3A_50, %add3A_51 : i32
    %multiple_of3A_53 = tpu.assume_multiple %add3A_52, 8 : i32
    "tpu.region"() ({
      %run_scoped3A = tpu.sem_alloc : memref<!tpu.dma_semaphore, #tpu.memory_space<semaphore_mem>>
      %dma_start3A = arith.constant 0 : i32
      %dma_start3A_59 = tpu.memref_slice %arg12[%multiple_of3A_53, %dma_start3A] : memref<10240x64xf32, #tpu.memory_space<vmem_shared>> -> memref<128x64xf32, #tpu.memory_space<vmem_shared>>
      %dma_start3A_60 = arith.constant 0 : i32
      %dma_start3A_61 = tpu.memref_slice %arg12[%multiple_of3A_53, %dma_start3A_60] : memref<10240x64xf32, #tpu.memory_space<vmem_shared>> -> memref<128x64xf32, #tpu.memory_space<vmem_shared>>
      tpu.enqueue_dma source(%dma_start3A_61 : memref<128x64xf32, #tpu.memory_space<vmem_shared>>) target(%arg11 : memref<128x64xf32, #tpu.memory_space<vmem>>) target_semaphore(%run_scoped3A : memref<!tpu.dma_semaphore, #tpu.memory_space<semaphore_mem>>)
      %dma_wait3A = arith.constant 0 : i32
      %dma_wait3A_62 = tpu.memref_slice %arg12[%multiple_of3A_53, %dma_wait3A] : memref<10240x64xf32, #tpu.memory_space<vmem_shared>> -> memref<128x64xf32, #tpu.memory_space<vmem_shared>>
      %dma_wait3A_63 = arith.constant 0 : i32
      %dma_wait3A_64 = tpu.memref_slice %arg12[%multiple_of3A_53, %dma_wait3A_63] : memref<10240x64xf32, #tpu.memory_space<vmem_shared>> -> memref<128x64xf32, #tpu.memory_space<vmem_shared>>
      tpu.wait_dma2 semaphore(%run_scoped3A : memref<!tpu.dma_semaphore, #tpu.memory_space<semaphore_mem>>) src(%dma_wait3A_64 : memref<128x64xf32, #tpu.memory_space<vmem_shared>>) dst(%arg11 : memref<128x64xf32, #tpu.memory_space<vmem>>)
      tpu.yield
    }) : () -> ()
    "tpu.region"() ({
      %run_scoped3A = tpu.sem_alloc : memref<!tpu.dma_semaphore, #tpu.memory_space<semaphore_mem>>
      %dma_start3A = arith.constant 0 : i32
      %dma_start3A_59 = tpu.memref_slice %arg6[%arg0, %multiple_of3A_53, %dma_start3A] : memref<2x10240x64xf32, #tpu.memory_space<hbm>> -> memref<1x128x64xf32, #tpu.memory_space<hbm>>
      %dma_start3A_60 = tpu.memref_squeeze %dma_start3A_59 : memref<1x128x64xf32, #tpu.memory_space<hbm>> -> memref<128x64xf32, #tpu.memory_space<hbm>>
      %dma_start3A_61 = arith.constant 0 : i32
      %dma_start3A_62 = tpu.memref_slice %arg6[%arg0, %multiple_of3A_53, %dma_start3A_61] : memref<2x10240x64xf32, #tpu.memory_space<hbm>> -> memref<1x128x64xf32, #tpu.memory_space<hbm>>
      %dma_start3A_63 = tpu.memref_squeeze %dma_start3A_62 : memref<1x128x64xf32, #tpu.memory_space<hbm>> -> memref<128x64xf32, #tpu.memory_space<hbm>>
      tpu.enqueue_dma source(%arg11 : memref<128x64xf32, #tpu.memory_space<vmem>>) target(%dma_start3A_63 : memref<128x64xf32, #tpu.memory_space<hbm>>) target_semaphore(%run_scoped3A : memref<!tpu.dma_semaphore, #tpu.memory_space<semaphore_mem>>)
      %dma_wait3A = arith.constant 0 : i32
      %dma_wait3A_64 = tpu.memref_slice %arg6[%arg0, %multiple_of3A_53, %dma_wait3A] : memref<2x10240x64xf32, #tpu.memory_space<hbm>> -> memref<1x128x64xf32, #tpu.memory_space<hbm>>
      %dma_wait3A_65 = tpu.memref_squeeze %dma_wait3A_64 : memref<1x128x64xf32, #tpu.memory_space<hbm>> -> memref<128x64xf32, #tpu.memory_space<hbm>>
      %dma_wait3A_66 = arith.constant 0 : i32
      %dma_wait3A_67 = tpu.memref_slice %arg6[%arg0, %multiple_of3A_53, %dma_wait3A_66] : memref<2x10240x64xf32, #tpu.memory_space<hbm>> -> memref<1x128x64xf32, #tpu.memory_space<hbm>>
      %dma_wait3A_68 = tpu.memref_squeeze %dma_wait3A_67 : memref<1x128x64xf32, #tpu.memory_space<hbm>> -> memref<128x64xf32, #tpu.memory_space<hbm>>
      tpu.wait_dma2 semaphore(%run_scoped3A : memref<!tpu.dma_semaphore, #tpu.memory_space<semaphore_mem>>) src(%arg11 : memref<128x64xf32, #tpu.memory_space<vmem>>) dst(%dma_wait3A_68 : memref<128x64xf32, #tpu.memory_space<hbm>>)
      tpu.yield
    }) : () -> ()
    %mul3A_54 = arith.constant 640 : i32
    %mul3A_55 = arith.muli %arg1, %mul3A_54 : i32
    %add3A_56 = arith.constant 512 : i32
    %add3A_57 = arith.addi %mul3A_55, %add3A_56 : i32
    %multiple_of3A_58 = tpu.assume_multiple %add3A_57, 8 : i32
    "tpu.region"() ({
      %run_scoped3A = tpu.sem_alloc : memref<!tpu.dma_semaphore, #tpu.memory_space<semaphore_mem>>
      %dma_start3A = arith.constant 0 : i32
      %dma_start3A_59 = tpu.memref_slice %arg12[%multiple_of3A_58, %dma_start3A] : memref<10240x64xf32, #tpu.memory_space<vmem_shared>> -> memref<128x64xf32, #tpu.memory_space<vmem_shared>>
      %dma_start3A_60 = arith.constant 0 : i32
      %dma_start3A_61 = tpu.memref_slice %arg12[%multiple_of3A_58, %dma_start3A_60] : memref<10240x64xf32, #tpu.memory_space<vmem_shared>> -> memref<128x64xf32, #tpu.memory_space<vmem_shared>>
      tpu.enqueue_dma source(%dma_start3A_61 : memref<128x64xf32, #tpu.memory_space<vmem_shared>>) target(%arg11 : memref<128x64xf32, #tpu.memory_space<vmem>>) target_semaphore(%run_scoped3A : memref<!tpu.dma_semaphore, #tpu.memory_space<semaphore_mem>>)
      %dma_wait3A = arith.constant 0 : i32
      %dma_wait3A_62 = tpu.memref_slice %arg12[%multiple_of3A_58, %dma_wait3A] : memref<10240x64xf32, #tpu.memory_space<vmem_shared>> -> memref<128x64xf32, #tpu.memory_space<vmem_shared>>
      %dma_wait3A_63 = arith.constant 0 : i32
      %dma_wait3A_64 = tpu.memref_slice %arg12[%multiple_of3A_58, %dma_wait3A_63] : memref<10240x64xf32, #tpu.memory_space<vmem_shared>> -> memref<128x64xf32, #tpu.memory_space<vmem_shared>>
      tpu.wait_dma2 semaphore(%run_scoped3A : memref<!tpu.dma_semaphore, #tpu.memory_space<semaphore_mem>>) src(%dma_wait3A_64 : memref<128x64xf32, #tpu.memory_space<vmem_shared>>) dst(%arg11 : memref<128x64xf32, #tpu.memory_space<vmem>>)
      tpu.yield
    }) : () -> ()
    "tpu.region"() ({
      %run_scoped3A = tpu.sem_alloc : memref<!tpu.dma_semaphore, #tpu.memory_space<semaphore_mem>>
      %dma_start3A = arith.constant 0 : i32
      %dma_start3A_59 = tpu.memref_slice %arg6[%arg0, %multiple_of3A_58, %dma_start3A] : memref<2x10240x64xf32, #tpu.memory_space<hbm>> -> memref<1x128x64xf32, #tpu.memory_space<hbm>>
      %dma_start3A_60 = tpu.memref_squeeze %dma_start3A_59 : memref<1x128x64xf32, #tpu.memory_space<hbm>> -> memref<128x64xf32, #tpu.memory_space<hbm>>
      %dma_start3A_61 = arith.constant 0 : i32
      %dma_start3A_62 = tpu.memref_slice %arg6[%arg0, %multiple_of3A_58, %dma_start3A_61] : memref<2x10240x64xf32, #tpu.memory_space<hbm>> -> memref<1x128x64xf32, #tpu.memory_space<hbm>>
      %dma_start3A_63 = tpu.memref_squeeze %dma_start3A_62 : memref<1x128x64xf32, #tpu.memory_space<hbm>> -> memref<128x64xf32, #tpu.memory_space<hbm>>
      tpu.enqueue_dma source(%arg11 : memref<128x64xf32, #tpu.memory_space<vmem>>) target(%dma_start3A_63 : memref<128x64xf32, #tpu.memory_space<hbm>>) target_semaphore(%run_scoped3A : memref<!tpu.dma_semaphore, #tpu.memory_space<semaphore_mem>>)
      %dma_wait3A = arith.constant 0 : i32
      %dma_wait3A_64 = tpu.memref_slice %arg6[%arg0, %multiple_of3A_58, %dma_wait3A] : memref<2x10240x64xf32, #tpu.memory_space<hbm>> -> memref<1x128x64xf32, #tpu.memory_space<hbm>>
      %dma_wait3A_65 = tpu.memref_squeeze %dma_wait3A_64 : memref<1x128x64xf32, #tpu.memory_space<hbm>> -> memref<128x64xf32, #tpu.memory_space<hbm>>
      %dma_wait3A_66 = arith.constant 0 : i32
      %dma_wait3A_67 = tpu.memref_slice %arg6[%arg0, %multiple_of3A_58, %dma_wait3A_66] : memref<2x10240x64xf32, #tpu.memory_space<hbm>> -> memref<1x128x64xf32, #tpu.memory_space<hbm>>
      %dma_wait3A_68 = tpu.memref_squeeze %dma_wait3A_67 : memref<1x128x64xf32, #tpu.memory_space<hbm>> -> memref<128x64xf32, #tpu.memory_space<hbm>>
      tpu.wait_dma2 semaphore(%run_scoped3A : memref<!tpu.dma_semaphore, #tpu.memory_space<semaphore_mem>>) src(%arg11 : memref<128x64xf32, #tpu.memory_space<vmem>>) dst(%dma_wait3A_68 : memref<128x64xf32, #tpu.memory_space<hbm>>)
      tpu.yield
    }) : () -> ()
    return
  }
}

#map = affine_map<(d0, d1) -> (0, 0, 0)>
#map1 = affine_map<(d0, d1) -> (0, 0)>
module attributes {stable_mosaic.version = 14 : i64} {
  func.func @edge_sc(%arg0: i32, %arg1: i32, %arg2: memref<2x10000x64xf32, #tpu.memory_space<hbm>>, %arg3: memref<2560x128xi32, #tpu.memory_space<hbm>>, %arg4: memref<2560x128xi32, #tpu.memory_space<hbm>>, %arg5: memref<2x327680x64xf32, #tpu.memory_space<hbm>>, %arg6: memref<2x10240x64xf32, #tpu.memory_space<hbm>>, %arg7: memref<8x128xi32, #tpu.memory_space<vmem>>, %arg8: memref<8x128xi32, #tpu.memory_space<vmem>>, %arg9: memref<512x64xf32, #tpu.memory_space<vmem>>, %arg10: memref<512x64xf32, #tpu.memory_space<vmem>>, %arg11: memref<128x64xf32, #tpu.memory_space<vmem>>, %arg12: memref<10240x64xf32, #tpu.memory_space<vmem_shared>>, %arg13: memref<!tpu.dma_semaphore, #tpu.memory_space<semaphore_mem>>) attributes {dimension_semantics = [#tpu.dimension_semantics<core_parallel>, #tpu.dimension_semantics<subcore_parallel>], iteration_bounds = array<i64: 2, 16>, scalar_prefetch = 0 : i64, scratch_operands = 7 : i64, tpu.core_type = #tpu.core_type<sc_vector_subcore>, window_params = [{transform_indices = #map}, {transform_indices = #map1}, {transform_indices = #map1}, {transform_indices = #map}, {transform_indices = #map}]} {
    %scan3A = arith.constant 0 : i32
    %scan3A_0 = arith.constant 0 : i32
    %scan3A_1 = arith.constant 128 : i32
    %scan3A_2 = arith.addi %scan3A_0, %scan3A_1 : i32
    %scan3A_3 = arith.constant 1 : i32
    scf.for %scan3A_59 = %scan3A_0 to %scan3A_2 step %scan3A_3  : i32 {
      %broadcast_in_dim3A = arith.constant 0.000000e+00 : f32
      %broadcast_in_dim3A_60 = vector.broadcast %broadcast_in_dim3A : f32 to vector<16xf32>
      %swap3A = arith.index_cast %scan3A_59 : i32 to index
      %swap3A_61 = arith.constant 0 : index
      %swap3A_62 = tpu.vector_load %arg11[%swap3A, %swap3A_61] {strides = array<i32>} : memref<128x64xf32, #tpu.memory_space<vmem>>, vector<1x16xf32>,
      %swap3A_63 = vector.shape_cast %swap3A_62 : vector<1x16xf32> to vector<16xf32>
      %swap3A_64 = vector.shape_cast %broadcast_in_dim3A_60 : vector<16xf32> to vector<1x16xf32>
      tpu.vector_store %arg11[%swap3A, %swap3A_61], %swap3A_64 {strides = array<i32>} : memref<128x64xf32, #tpu.memory_space<vmem>>, vector<1x16xf32>,
      %broadcast_in_dim3A_65 = arith.constant 0.000000e+00 : f32
      %broadcast_in_dim3A_66 = vector.broadcast %broadcast_in_dim3A_65 : f32 to vector<16xf32>
      %swap3A_67 = arith.index_cast %scan3A_59 : i32 to index
      %swap3A_68 = arith.constant 16 : index
      %swap3A_69 = tpu.vector_load %arg11[%swap3A_67, %swap3A_68] {strides = array<i32>} : memref<128x64xf32, #tpu.memory_space<vmem>>, vector<1x16xf32>,
      %swap3A_70 = vector.shape_cast %swap3A_69 : vector<1x16xf32> to vector<16xf32>
      %swap3A_71 = vector.shape_cast %broadcast_in_dim3A_66 : vector<16xf32> to vector<1x16xf32>
      tpu.vector_store %arg11[%swap3A_67, %swap3A_68], %swap3A_71 {strides = array<i32>} : memref<128x64xf32, #tpu.memory_space<vmem>>, vector<1x16xf32>,
      %broadcast_in_dim3A_72 = arith.constant 0.000000e+00 : f32
      %broadcast_in_dim3A_73 = vector.broadcast %broadcast_in_dim3A_72 : f32 to vector<16xf32>
      %swap3A_74 = arith.index_cast %scan3A_59 : i32 to index
      %swap3A_75 = arith.constant 32 : index
      %swap3A_76 = tpu.vector_load %arg11[%swap3A_74, %swap3A_75] {strides = array<i32>} : memref<128x64xf32, #tpu.memory_space<vmem>>, vector<1x16xf32>,
      %swap3A_77 = vector.shape_cast %swap3A_76 : vector<1x16xf32> to vector<16xf32>
      %swap3A_78 = vector.shape_cast %broadcast_in_dim3A_73 : vector<16xf32> to vector<1x16xf32>
      tpu.vector_store %arg11[%swap3A_74, %swap3A_75], %swap3A_78 {strides = array<i32>} : memref<128x64xf32, #tpu.memory_space<vmem>>, vector<1x16xf32>,
      %broadcast_in_dim3A_79 = arith.constant 0.000000e+00 : f32
      %broadcast_in_dim3A_80 = vector.broadcast %broadcast_in_dim3A_79 : f32 to vector<16xf32>
      %swap3A_81 = arith.index_cast %scan3A_59 : i32 to index
      %swap3A_82 = arith.constant 48 : index
      %swap3A_83 = tpu.vector_load %arg11[%swap3A_81, %swap3A_82] {strides = array<i32>} : memref<128x64xf32, #tpu.memory_space<vmem>>, vector<1x16xf32>,
      %swap3A_84 = vector.shape_cast %swap3A_83 : vector<1x16xf32> to vector<16xf32>
      %swap3A_85 = vector.shape_cast %broadcast_in_dim3A_80 : vector<16xf32> to vector<1x16xf32>
      tpu.vector_store %arg11[%swap3A_81, %swap3A_82], %swap3A_85 {strides = array<i32>} : memref<128x64xf32, #tpu.memory_space<vmem>>, vector<1x16xf32>,
    }
    %scan3A_4 = arith.constant 128 : i32
    %mul3A = arith.constant 640 : i32
    %mul3A_5 = arith.muli %arg1, %mul3A : i32
    %add3A = arith.constant 0 : i32
    %add3A_6 = arith.addi %mul3A_5, %add3A : i32
    %multiple_of3A = tpu.assume_multiple %add3A_6, 8 : i32
    "tpu.region"() ({
      %run_scoped3A = tpu.sem_alloc : memref<!tpu.dma_semaphore, #tpu.memory_space<semaphore_mem>>
      %dma_start3A = arith.constant 0 : i32
      %dma_start3A_59 = tpu.memref_slice %arg12[%multiple_of3A, %dma_start3A] : memref<10240x64xf32, #tpu.memory_space<vmem_shared>> -> memref<128x64xf32, #tpu.memory_space<vmem_shared>>
      %dma_start3A_60 = arith.constant 0 : i32
      %dma_start3A_61 = tpu.memref_slice %arg12[%multiple_of3A, %dma_start3A_60] : memref<10240x64xf32, #tpu.memory_space<vmem_shared>> -> memref<128x64xf32, #tpu.memory_space<vmem_shared>>
      tpu.enqueue_dma source(%arg11 : memref<128x64xf32, #tpu.memory_space<vmem>>) target(%dma_start3A_61 : memref<128x64xf32, #tpu.memory_space<vmem_shared>>) target_semaphore(%run_scoped3A : memref<!tpu.dma_semaphore, #tpu.memory_space<semaphore_mem>>)
      %dma_wait3A = arith.constant 0 : i32
      %dma_wait3A_62 = tpu.memref_slice %arg12[%multiple_of3A, %dma_wait3A] : memref<10240x64xf32, #tpu.memory_space<vmem_shared>> -> memref<128x64xf32, #tpu.memory_space<vmem_shared>>
      %dma_wait3A_63 = arith.constant 0 : i32
      %dma_wait3A_64 = tpu.memref_slice %arg12[%multiple_of3A, %dma_wait3A_63] : memref<10240x64xf32, #tpu.memory_space<vmem_shared>> -> memref<128x64xf32, #tpu.memory_space<vmem_shared>>
      tpu.wait_dma2 semaphore(%run_scoped3A : memref<!tpu.dma_semaphore, #tpu.memory_space<semaphore_mem>>) src(%arg11 : memref<128x64xf32, #tpu.memory_space<vmem>>) dst(%dma_wait3A_64 : memref<128x64xf32, #tpu.memory_space<vmem_shared>>)
      tpu.yield
    }) : () -> ()
    %mul3A_7 = arith.constant 640 : i32
    %mul3A_8 = arith.muli %arg1, %mul3A_7 : i32
    %add3A_9 = arith.constant 128 : i32
    %add3A_10 = arith.addi %mul3A_8, %add3A_9 : i32
    %multiple_of3A_11 = tpu.assume_multiple %add3A_10, 8 : i32
    "tpu.region"() ({
      %run_scoped3A = tpu.sem_alloc : memref<!tpu.dma_semaphore, #tpu.memory_space<semaphore_mem>>
      %dma_start3A = arith.constant 0 : i32
      %dma_start3A_59 = tpu.memref_slice %arg12[%multiple_of3A_11, %dma_start3A] : memref<10240x64xf32, #tpu.memory_space<vmem_shared>> -> memref<128x64xf32, #tpu.memory_space<vmem_shared>>
      %dma_start3A_60 = arith.constant 0 : i32
      %dma_start3A_61 = tpu.memref_slice %arg12[%multiple_of3A_11, %dma_start3A_60] : memref<10240x64xf32, #tpu.memory_space<vmem_shared>> -> memref<128x64xf32, #tpu.memory_space<vmem_shared>>
      tpu.enqueue_dma source(%arg11 : memref<128x64xf32, #tpu.memory_space<vmem>>) target(%dma_start3A_61 : memref<128x64xf32, #tpu.memory_space<vmem_shared>>) target_semaphore(%run_scoped3A : memref<!tpu.dma_semaphore, #tpu.memory_space<semaphore_mem>>)
      %dma_wait3A = arith.constant 0 : i32
      %dma_wait3A_62 = tpu.memref_slice %arg12[%multiple_of3A_11, %dma_wait3A] : memref<10240x64xf32, #tpu.memory_space<vmem_shared>> -> memref<128x64xf32, #tpu.memory_space<vmem_shared>>
      %dma_wait3A_63 = arith.constant 0 : i32
      %dma_wait3A_64 = tpu.memref_slice %arg12[%multiple_of3A_11, %dma_wait3A_63] : memref<10240x64xf32, #tpu.memory_space<vmem_shared>> -> memref<128x64xf32, #tpu.memory_space<vmem_shared>>
      tpu.wait_dma2 semaphore(%run_scoped3A : memref<!tpu.dma_semaphore, #tpu.memory_space<semaphore_mem>>) src(%arg11 : memref<128x64xf32, #tpu.memory_space<vmem>>) dst(%dma_wait3A_64 : memref<128x64xf32, #tpu.memory_space<vmem_shared>>)
      tpu.yield
    }) : () -> ()
    %mul3A_12 = arith.constant 640 : i32
    %mul3A_13 = arith.muli %arg1, %mul3A_12 : i32
    %add3A_14 = arith.constant 256 : i32
    %add3A_15 = arith.addi %mul3A_13, %add3A_14 : i32
    %multiple_of3A_16 = tpu.assume_multiple %add3A_15, 8 : i32
    "tpu.region"() ({
      %run_scoped3A = tpu.sem_alloc : memref<!tpu.dma_semaphore, #tpu.memory_space<semaphore_mem>>
      %dma_start3A = arith.constant 0 : i32
      %dma_start3A_59 = tpu.memref_slice %arg12[%multiple_of3A_16, %dma_start3A] : memref<10240x64xf32, #tpu.memory_space<vmem_shared>> -> memref<128x64xf32, #tpu.memory_space<vmem_shared>>
      %dma_start3A_60 = arith.constant 0 : i32
      %dma_start3A_61 = tpu.memref_slice %arg12[%multiple_of3A_16, %dma_start3A_60] : memref<10240x64xf32, #tpu.memory_space<vmem_shared>> -> memref<128x64xf32, #tpu.memory_space<vmem_shared>>
      tpu.enqueue_dma source(%arg11 : memref<128x64xf32, #tpu.memory_space<vmem>>) target(%dma_start3A_61 : memref<128x64xf32, #tpu.memory_space<vmem_shared>>) target_semaphore(%run_scoped3A : memref<!tpu.dma_semaphore, #tpu.memory_space<semaphore_mem>>)
      %dma_wait3A = arith.constant 0 : i32
      %dma_wait3A_62 = tpu.memref_slice %arg12[%multiple_of3A_16, %dma_wait3A] : memref<10240x64xf32, #tpu.memory_space<vmem_shared>> -> memref<128x64xf32, #tpu.memory_space<vmem_shared>>
      %dma_wait3A_63 = arith.constant 0 : i32
      %dma_wait3A_64 = tpu.memref_slice %arg12[%multiple_of3A_16, %dma_wait3A_63] : memref<10240x64xf32, #tpu.memory_space<vmem_shared>> -> memref<128x64xf32, #tpu.memory_space<vmem_shared>>
      tpu.wait_dma2 semaphore(%run_scoped3A : memref<!tpu.dma_semaphore, #tpu.memory_space<semaphore_mem>>) src(%arg11 : memref<128x64xf32, #tpu.memory_space<vmem>>) dst(%dma_wait3A_64 : memref<128x64xf32, #tpu.memory_space<vmem_shared>>)
      tpu.yield
    }) : () -> ()
    %mul3A_17 = arith.constant 640 : i32
    %mul3A_18 = arith.muli %arg1, %mul3A_17 : i32
    %add3A_19 = arith.constant 384 : i32
    %add3A_20 = arith.addi %mul3A_18, %add3A_19 : i32
    %multiple_of3A_21 = tpu.assume_multiple %add3A_20, 8 : i32
    "tpu.region"() ({
      %run_scoped3A = tpu.sem_alloc : memref<!tpu.dma_semaphore, #tpu.memory_space<semaphore_mem>>
      %dma_start3A = arith.constant 0 : i32
      %dma_start3A_59 = tpu.memref_slice %arg12[%multiple_of3A_21, %dma_start3A] : memref<10240x64xf32, #tpu.memory_space<vmem_shared>> -> memref<128x64xf32, #tpu.memory_space<vmem_shared>>
      %dma_start3A_60 = arith.constant 0 : i32
      %dma_start3A_61 = tpu.memref_slice %arg12[%multiple_of3A_21, %dma_start3A_60] : memref<10240x64xf32, #tpu.memory_space<vmem_shared>> -> memref<128x64xf32, #tpu.memory_space<vmem_shared>>
      tpu.enqueue_dma source(%arg11 : memref<128x64xf32, #tpu.memory_space<vmem>>) target(%dma_start3A_61 : memref<128x64xf32, #tpu.memory_space<vmem_shared>>) target_semaphore(%run_scoped3A : memref<!tpu.dma_semaphore, #tpu.memory_space<semaphore_mem>>)
      %dma_wait3A = arith.constant 0 : i32
      %dma_wait3A_62 = tpu.memref_slice %arg12[%multiple_of3A_21, %dma_wait3A] : memref<10240x64xf32, #tpu.memory_space<vmem_shared>> -> memref<128x64xf32, #tpu.memory_space<vmem_shared>>
      %dma_wait3A_63 = arith.constant 0 : i32
      %dma_wait3A_64 = tpu.memref_slice %arg12[%multiple_of3A_21, %dma_wait3A_63] : memref<10240x64xf32, #tpu.memory_space<vmem_shared>> -> memref<128x64xf32, #tpu.memory_space<vmem_shared>>
      tpu.wait_dma2 semaphore(%run_scoped3A : memref<!tpu.dma_semaphore, #tpu.memory_space<semaphore_mem>>) src(%arg11 : memref<128x64xf32, #tpu.memory_space<vmem>>) dst(%dma_wait3A_64 : memref<128x64xf32, #tpu.memory_space<vmem_shared>>)
      tpu.yield
    }) : () -> ()
    %mul3A_22 = arith.constant 640 : i32
    %mul3A_23 = arith.muli %arg1, %mul3A_22 : i32
    %add3A_24 = arith.constant 512 : i32
    %add3A_25 = arith.addi %mul3A_23, %add3A_24 : i32
    %multiple_of3A_26 = tpu.assume_multiple %add3A_25, 8 : i32
    "tpu.region"() ({
      %run_scoped3A = tpu.sem_alloc : memref<!tpu.dma_semaphore, #tpu.memory_space<semaphore_mem>>
      %dma_start3A = arith.constant 0 : i32
      %dma_start3A_59 = tpu.memref_slice %arg12[%multiple_of3A_26, %dma_start3A] : memref<10240x64xf32, #tpu.memory_space<vmem_shared>> -> memref<128x64xf32, #tpu.memory_space<vmem_shared>>
      %dma_start3A_60 = arith.constant 0 : i32
      %dma_start3A_61 = tpu.memref_slice %arg12[%multiple_of3A_26, %dma_start3A_60] : memref<10240x64xf32, #tpu.memory_space<vmem_shared>> -> memref<128x64xf32, #tpu.memory_space<vmem_shared>>
      tpu.enqueue_dma source(%arg11 : memref<128x64xf32, #tpu.memory_space<vmem>>) target(%dma_start3A_61 : memref<128x64xf32, #tpu.memory_space<vmem_shared>>) target_semaphore(%run_scoped3A : memref<!tpu.dma_semaphore, #tpu.memory_space<semaphore_mem>>)
      %dma_wait3A = arith.constant 0 : i32
      %dma_wait3A_62 = tpu.memref_slice %arg12[%multiple_of3A_26, %dma_wait3A] : memref<10240x64xf32, #tpu.memory_space<vmem_shared>> -> memref<128x64xf32, #tpu.memory_space<vmem_shared>>
      %dma_wait3A_63 = arith.constant 0 : i32
      %dma_wait3A_64 = tpu.memref_slice %arg12[%multiple_of3A_26, %dma_wait3A_63] : memref<10240x64xf32, #tpu.memory_space<vmem_shared>> -> memref<128x64xf32, #tpu.memory_space<vmem_shared>>
      tpu.wait_dma2 semaphore(%run_scoped3A : memref<!tpu.dma_semaphore, #tpu.memory_space<semaphore_mem>>) src(%arg11 : memref<128x64xf32, #tpu.memory_space<vmem>>) dst(%dma_wait3A_64 : memref<128x64xf32, #tpu.memory_space<vmem_shared>>)
      tpu.yield
    }) : () -> ()
    %barrier3A = arith.constant 0 : index
    tpu.barrier barrier_id(%barrier3A)
    %scan3A_27 = arith.constant 0 : i32
    %scan3A_28 = arith.constant 0 : i32
    %scan3A_29 = arith.constant 20 : i32
    %scan3A_30 = arith.addi %scan3A_28, %scan3A_29 : i32
    %scan3A_31 = arith.constant 1 : i32
    scf.for %scan3A_59 = %scan3A_28 to %scan3A_30 step %scan3A_31  : i32 {
      %mul3A_60 = arith.constant 160 : i32
      %mul3A_61 = arith.muli %arg1, %mul3A_60 : i32
      %mul3A_62 = arith.constant 8 : i32
      %mul3A_63 = arith.muli %scan3A_59, %mul3A_62 : i32
      %add3A_64 = arith.addi %mul3A_61, %mul3A_63 : i32
      %multiple_of3A_65 = tpu.assume_multiple %add3A_64, 8 : i32
      "tpu.region"() ({
        %run_scoped3A_317 = tpu.sem_alloc : memref<!tpu.dma_semaphore, #tpu.memory_space<semaphore_mem>>
        %dma_start3A_318 = arith.constant 0 : i32
        %dma_start3A_319 = tpu.memref_slice %arg3[%multiple_of3A_65, %dma_start3A_318] : memref<2560x128xi32, #tpu.memory_space<hbm>> -> memref<8x128xi32, #tpu.memory_space<hbm>>
        %dma_start3A_320 = arith.constant 0 : i32
        %dma_start3A_321 = tpu.memref_slice %arg3[%multiple_of3A_65, %dma_start3A_320] : memref<2560x128xi32, #tpu.memory_space<hbm>> -> memref<8x128xi32, #tpu.memory_space<hbm>>
        tpu.enqueue_dma source(%dma_start3A_321 : memref<8x128xi32, #tpu.memory_space<hbm>>) target(%arg7 : memref<8x128xi32, #tpu.memory_space<vmem>>) target_semaphore(%run_scoped3A_317 : memref<!tpu.dma_semaphore, #tpu.memory_space<semaphore_mem>>)
        %dma_wait3A_322 = arith.constant 0 : i32
        %dma_wait3A_323 = tpu.memref_slice %arg3[%multiple_of3A_65, %dma_wait3A_322] : memref<2560x128xi32, #tpu.memory_space<hbm>> -> memref<8x128xi32, #tpu.memory_space<hbm>>
        %dma_wait3A_324 = arith.constant 0 : i32
        %dma_wait3A_325 = tpu.memref_slice %arg3[%multiple_of3A_65, %dma_wait3A_324] : memref<2560x128xi32, #tpu.memory_space<hbm>> -> memref<8x128xi32, #tpu.memory_space<hbm>>
        tpu.wait_dma2 semaphore(%run_scoped3A_317 : memref<!tpu.dma_semaphore, #tpu.memory_space<semaphore_mem>>) src(%dma_wait3A_325 : memref<8x128xi32, #tpu.memory_space<hbm>>) dst(%arg7 : memref<8x128xi32, #tpu.memory_space<vmem>>)
        tpu.yield
      }) : () -> ()
      "tpu.region"() ({
        %run_scoped3A_317 = tpu.sem_alloc : memref<!tpu.dma_semaphore, #tpu.memory_space<semaphore_mem>>
        %dma_start3A_318 = arith.constant 0 : i32
        %dma_start3A_319 = tpu.memref_slice %arg4[%multiple_of3A_65, %dma_start3A_318] : memref<2560x128xi32, #tpu.memory_space<hbm>> -> memref<8x128xi32, #tpu.memory_space<hbm>>
        %dma_start3A_320 = arith.constant 0 : i32
        %dma_start3A_321 = tpu.memref_slice %arg4[%multiple_of3A_65, %dma_start3A_320] : memref<2560x128xi32, #tpu.memory_space<hbm>> -> memref<8x128xi32, #tpu.memory_space<hbm>>
        tpu.enqueue_dma source(%dma_start3A_321 : memref<8x128xi32, #tpu.memory_space<hbm>>) target(%arg8 : memref<8x128xi32, #tpu.memory_space<vmem>>) target_semaphore(%run_scoped3A_317 : memref<!tpu.dma_semaphore, #tpu.memory_space<semaphore_mem>>)
        %dma_wait3A_322 = arith.constant 0 : i32
        %dma_wait3A_323 = tpu.memref_slice %arg4[%multiple_of3A_65, %dma_wait3A_322] : memref<2560x128xi32, #tpu.memory_space<hbm>> -> memref<8x128xi32, #tpu.memory_space<hbm>>
        %dma_wait3A_324 = arith.constant 0 : i32
        %dma_wait3A_325 = tpu.memref_slice %arg4[%multiple_of3A_65, %dma_wait3A_324] : memref<2560x128xi32, #tpu.memory_space<hbm>> -> memref<8x128xi32, #tpu.memory_space<hbm>>
        tpu.wait_dma2 semaphore(%run_scoped3A_317 : memref<!tpu.dma_semaphore, #tpu.memory_space<semaphore_mem>>) src(%dma_wait3A_325 : memref<8x128xi32, #tpu.memory_space<hbm>>) dst(%arg8 : memref<8x128xi32, #tpu.memory_space<vmem>>)
        tpu.yield
      }) : () -> ()
      %mul3A_66 = arith.constant 128 : i32
      %mul3A_67 = arith.muli %multiple_of3A_65, %mul3A_66 : i32
      %add3A_68 = arith.constant 0 : i32
      %add3A_69 = arith.addi %mul3A_67, %add3A_68 : i32
      %multiple_of3A_70 = tpu.assume_multiple %add3A_69, 8 : i32
      "tpu.region"() ({
        %run_scoped3A_317 = tpu.sem_alloc : memref<!tpu.dma_semaphore, #tpu.memory_space<semaphore_mem>>
        %dma_start3A_318 = arith.constant 0 : i32
        %dma_start3A_319 = tpu.memref_slice %arg5[%arg0, %multiple_of3A_70, %dma_start3A_318] : memref<2x327680x64xf32, #tpu.memory_space<hbm>> -> memref<1x512x64xf32, #tpu.memory_space<hbm>>
        %dma_start3A_320 = tpu.memref_squeeze %dma_start3A_319 : memref<1x512x64xf32, #tpu.memory_space<hbm>> -> memref<512x64xf32, #tpu.memory_space<hbm>>
        %dma_start3A_321 = arith.constant 0 : i32
        %dma_start3A_322 = tpu.memref_slice %arg5[%arg0, %multiple_of3A_70, %dma_start3A_321] : memref<2x327680x64xf32, #tpu.memory_space<hbm>> -> memref<1x512x64xf32, #tpu.memory_space<hbm>>
        %dma_start3A_323 = tpu.memref_squeeze %dma_start3A_322 : memref<1x512x64xf32, #tpu.memory_space<hbm>> -> memref<512x64xf32, #tpu.memory_space<hbm>>
        tpu.enqueue_dma source(%dma_start3A_323 : memref<512x64xf32, #tpu.memory_space<hbm>>) target(%arg10 : memref<512x64xf32, #tpu.memory_space<vmem>>) target_semaphore(%run_scoped3A_317 : memref<!tpu.dma_semaphore, #tpu.memory_space<semaphore_mem>>)
        %dma_wait3A_324 = arith.constant 0 : i32
        %dma_wait3A_325 = tpu.memref_slice %arg5[%arg0, %multiple_of3A_70, %dma_wait3A_324] : memref<2x327680x64xf32, #tpu.memory_space<hbm>> -> memref<1x512x64xf32, #tpu.memory_space<hbm>>
        %dma_wait3A_326 = tpu.memref_squeeze %dma_wait3A_325 : memref<1x512x64xf32, #tpu.memory_space<hbm>> -> memref<512x64xf32, #tpu.memory_space<hbm>>
        %dma_wait3A_327 = arith.constant 0 : i32
        %dma_wait3A_328 = tpu.memref_slice %arg5[%arg0, %multiple_of3A_70, %dma_wait3A_327] : memref<2x327680x64xf32, #tpu.memory_space<hbm>> -> memref<1x512x64xf32, #tpu.memory_space<hbm>>
        %dma_wait3A_329 = tpu.memref_squeeze %dma_wait3A_328 : memref<1x512x64xf32, #tpu.memory_space<hbm>> -> memref<512x64xf32, #tpu.memory_space<hbm>>
        tpu.wait_dma2 semaphore(%run_scoped3A_317 : memref<!tpu.dma_semaphore, #tpu.memory_space<semaphore_mem>>) src(%dma_wait3A_329 : memref<512x64xf32, #tpu.memory_space<hbm>>) dst(%arg10 : memref<512x64xf32, #tpu.memory_space<vmem>>)
        tpu.yield
      }) : () -> ()
      %dma_start3A = arith.constant 0 : i32
      %dma_start3A_71 = arith.constant 0 : i32
      %dma_start3A_72 = arith.constant 0 : i32
      %dma_start3A_73 = tpu.memref_slice %arg9[%dma_start3A_71, %dma_start3A_72] : memref<512x64xf32, #tpu.memory_space<vmem>> -> memref<128x64xf32, #tpu.memory_space<vmem>>
      %dma_start3A_74 = arith.constant 0 : i32
      %dma_start3A_75 = tpu.memref_slice %arg7[%dma_start3A, %dma_start3A_74] : memref<8x128xi32, #tpu.memory_space<vmem>> -> memref<1x128xi32, #tpu.memory_space<vmem>>
      %dma_start3A_76 = tpu.memref_squeeze %dma_start3A_75 : memref<1x128xi32, #tpu.memory_space<vmem>> -> memref<128xi32, #tpu.memory_space<vmem>>
      %dma_start3A_77 = arith.constant 0 : i32
      %dma_start3A_78 = arith.constant 0 : i32
      %dma_start3A_79 = tpu.memref_slice %arg2[%arg0, %dma_start3A_77, %dma_start3A_78] : memref<2x10000x64xf32, #tpu.memory_space<hbm>> -> memref<1x10000x64xf32, #tpu.memory_space<hbm>>
      %dma_start3A_80 = tpu.memref_squeeze %dma_start3A_79 : memref<1x10000x64xf32, #tpu.memory_space<hbm>> -> memref<10000x64xf32, #tpu.memory_space<hbm>>
      %dma_start3A_81 = arith.constant 0 : i32
      %dma_start3A_82 = arith.constant 0 : i32
      %dma_start3A_83 = tpu.memref_slice %dma_start3A_80[%dma_start3A_81, %dma_start3A_82] : memref<10000x64xf32, #tpu.memory_space<hbm>> -> memref<10000x64xf32, #tpu.memory_space<hbm>>
      tpu.enqueue_indirect_dma source(%dma_start3A_83 : memref<10000x64xf32, #tpu.memory_space<hbm>>) target(%dma_start3A_73 : memref<128x64xf32, #tpu.memory_space<vmem>>) offsets(%dma_start3A_76 : memref<128xi32, #tpu.memory_space<vmem>>) semaphore(%arg13 : memref<!tpu.dma_semaphore, #tpu.memory_space<semaphore_mem>>)
      %dma_start3A_84 = arith.constant 1 : i32
      %dma_start3A_85 = arith.constant 128 : i32
      %dma_start3A_86 = arith.constant 0 : i32
      %dma_start3A_87 = tpu.memref_slice %arg9[%dma_start3A_85, %dma_start3A_86] : memref<512x64xf32, #tpu.memory_space<vmem>> -> memref<128x64xf32, #tpu.memory_space<vmem>>
      %dma_start3A_88 = arith.constant 0 : i32
      %dma_start3A_89 = tpu.memref_slice %arg7[%dma_start3A_84, %dma_start3A_88] : memref<8x128xi32, #tpu.memory_space<vmem>> -> memref<1x128xi32, #tpu.memory_space<vmem>>
      %dma_start3A_90 = tpu.memref_squeeze %dma_start3A_89 : memref<1x128xi32, #tpu.memory_space<vmem>> -> memref<128xi32, #tpu.memory_space<vmem>>
      %dma_start3A_91 = arith.constant 0 : i32
      %dma_start3A_92 = arith.constant 0 : i32
      %dma_start3A_93 = tpu.memref_slice %arg2[%arg0, %dma_start3A_91, %dma_start3A_92] : memref<2x10000x64xf32, #tpu.memory_space<hbm>> -> memref<1x10000x64xf32, #tpu.memory_space<hbm>>
      %dma_start3A_94 = tpu.memref_squeeze %dma_start3A_93 : memref<1x10000x64xf32, #tpu.memory_space<hbm>> -> memref<10000x64xf32, #tpu.memory_space<hbm>>
      %dma_start3A_95 = arith.constant 0 : i32
      %dma_start3A_96 = arith.constant 0 : i32
      %dma_start3A_97 = tpu.memref_slice %dma_start3A_94[%dma_start3A_95, %dma_start3A_96] : memref<10000x64xf32, #tpu.memory_space<hbm>> -> memref<10000x64xf32, #tpu.memory_space<hbm>>
      tpu.enqueue_indirect_dma source(%dma_start3A_97 : memref<10000x64xf32, #tpu.memory_space<hbm>>) target(%dma_start3A_87 : memref<128x64xf32, #tpu.memory_space<vmem>>) offsets(%dma_start3A_90 : memref<128xi32, #tpu.memory_space<vmem>>) semaphore(%arg13 : memref<!tpu.dma_semaphore, #tpu.memory_space<semaphore_mem>>)
      %dma_start3A_98 = arith.constant 2 : i32
      %dma_start3A_99 = arith.constant 256 : i32
      %dma_start3A_100 = arith.constant 0 : i32
      %dma_start3A_101 = tpu.memref_slice %arg9[%dma_start3A_99, %dma_start3A_100] : memref<512x64xf32, #tpu.memory_space<vmem>> -> memref<128x64xf32, #tpu.memory_space<vmem>>
      %dma_start3A_102 = arith.constant 0 : i32
      %dma_start3A_103 = tpu.memref_slice %arg7[%dma_start3A_98, %dma_start3A_102] : memref<8x128xi32, #tpu.memory_space<vmem>> -> memref<1x128xi32, #tpu.memory_space<vmem>>
      %dma_start3A_104 = tpu.memref_squeeze %dma_start3A_103 : memref<1x128xi32, #tpu.memory_space<vmem>> -> memref<128xi32, #tpu.memory_space<vmem>>
      %dma_start3A_105 = arith.constant 0 : i32
      %dma_start3A_106 = arith.constant 0 : i32
      %dma_start3A_107 = tpu.memref_slice %arg2[%arg0, %dma_start3A_105, %dma_start3A_106] : memref<2x10000x64xf32, #tpu.memory_space<hbm>> -> memref<1x10000x64xf32, #tpu.memory_space<hbm>>
      %dma_start3A_108 = tpu.memref_squeeze %dma_start3A_107 : memref<1x10000x64xf32, #tpu.memory_space<hbm>> -> memref<10000x64xf32, #tpu.memory_space<hbm>>
      %dma_start3A_109 = arith.constant 0 : i32
      %dma_start3A_110 = arith.constant 0 : i32
      %dma_start3A_111 = tpu.memref_slice %dma_start3A_108[%dma_start3A_109, %dma_start3A_110] : memref<10000x64xf32, #tpu.memory_space<hbm>> -> memref<10000x64xf32, #tpu.memory_space<hbm>>
      tpu.enqueue_indirect_dma source(%dma_start3A_111 : memref<10000x64xf32, #tpu.memory_space<hbm>>) target(%dma_start3A_101 : memref<128x64xf32, #tpu.memory_space<vmem>>) offsets(%dma_start3A_104 : memref<128xi32, #tpu.memory_space<vmem>>) semaphore(%arg13 : memref<!tpu.dma_semaphore, #tpu.memory_space<semaphore_mem>>)
      %dma_start3A_112 = arith.constant 3 : i32
      %dma_start3A_113 = arith.constant 384 : i32
      %dma_start3A_114 = arith.constant 0 : i32
      %dma_start3A_115 = tpu.memref_slice %arg9[%dma_start3A_113, %dma_start3A_114] : memref<512x64xf32, #tpu.memory_space<vmem>> -> memref<128x64xf32, #tpu.memory_space<vmem>>
      %dma_start3A_116 = arith.constant 0 : i32
      %dma_start3A_117 = tpu.memref_slice %arg7[%dma_start3A_112, %dma_start3A_116] : memref<8x128xi32, #tpu.memory_space<vmem>> -> memref<1x128xi32, #tpu.memory_space<vmem>>
      %dma_start3A_118 = tpu.memref_squeeze %dma_start3A_117 : memref<1x128xi32, #tpu.memory_space<vmem>> -> memref<128xi32, #tpu.memory_space<vmem>>
      %dma_start3A_119 = arith.constant 0 : i32
      %dma_start3A_120 = arith.constant 0 : i32
      %dma_start3A_121 = tpu.memref_slice %arg2[%arg0, %dma_start3A_119, %dma_start3A_120] : memref<2x10000x64xf32, #tpu.memory_space<hbm>> -> memref<1x10000x64xf32, #tpu.memory_space<hbm>>
      %dma_start3A_122 = tpu.memref_squeeze %dma_start3A_121 : memref<1x10000x64xf32, #tpu.memory_space<hbm>> -> memref<10000x64xf32, #tpu.memory_space<hbm>>
      %dma_start3A_123 = arith.constant 0 : i32
      %dma_start3A_124 = arith.constant 0 : i32
      %dma_start3A_125 = tpu.memref_slice %dma_start3A_122[%dma_start3A_123, %dma_start3A_124] : memref<10000x64xf32, #tpu.memory_space<hbm>> -> memref<10000x64xf32, #tpu.memory_space<hbm>>
      tpu.enqueue_indirect_dma source(%dma_start3A_125 : memref<10000x64xf32, #tpu.memory_space<hbm>>) target(%dma_start3A_115 : memref<128x64xf32, #tpu.memory_space<vmem>>) offsets(%dma_start3A_118 : memref<128xi32, #tpu.memory_space<vmem>>) semaphore(%arg13 : memref<!tpu.dma_semaphore, #tpu.memory_space<semaphore_mem>>)
      %dma_wait3A = arith.constant 0 : i32
      %dma_wait3A_126 = arith.constant 0 : i32
      %dma_wait3A_127 = arith.constant 0 : i32
      %dma_wait3A_128 = tpu.memref_slice %arg9[%dma_wait3A_126, %dma_wait3A_127] : memref<512x64xf32, #tpu.memory_space<vmem>> -> memref<128x64xf32, #tpu.memory_space<vmem>>
      %dma_wait3A_129 = arith.constant 0 : i32
      %dma_wait3A_130 = tpu.memref_slice %arg7[%dma_wait3A, %dma_wait3A_129] : memref<8x128xi32, #tpu.memory_space<vmem>> -> memref<1x128xi32, #tpu.memory_space<vmem>>
      %dma_wait3A_131 = tpu.memref_squeeze %dma_wait3A_130 : memref<1x128xi32, #tpu.memory_space<vmem>> -> memref<128xi32, #tpu.memory_space<vmem>>
      %dma_wait3A_132 = arith.constant 0 : i32
      %dma_wait3A_133 = arith.constant 0 : i32
      %dma_wait3A_134 = tpu.memref_slice %arg2[%arg0, %dma_wait3A_132, %dma_wait3A_133] : memref<2x10000x64xf32, #tpu.memory_space<hbm>> -> memref<1x10000x64xf32, #tpu.memory_space<hbm>>
      %dma_wait3A_135 = tpu.memref_squeeze %dma_wait3A_134 : memref<1x10000x64xf32, #tpu.memory_space<hbm>> -> memref<10000x64xf32, #tpu.memory_space<hbm>>
      %dma_wait3A_136 = arith.constant 0 : i32
      %dma_wait3A_137 = arith.constant 0 : i32
      %dma_wait3A_138 = tpu.memref_slice %dma_wait3A_135[%dma_wait3A_136, %dma_wait3A_137] : memref<10000x64xf32, #tpu.memory_space<hbm>> -> memref<10000x64xf32, #tpu.memory_space<hbm>>
      tpu.wait_indirect_dma semaphore(%arg13 : memref<!tpu.dma_semaphore, #tpu.memory_space<semaphore_mem>>) src(%dma_wait3A_138 : memref<10000x64xf32, #tpu.memory_space<hbm>>) dst(%dma_wait3A_128 : memref<128x64xf32, #tpu.memory_space<vmem>>)
      %dma_wait3A_139 = arith.constant 1 : i32
      %dma_wait3A_140 = arith.constant 128 : i32
      %dma_wait3A_141 = arith.constant 0 : i32
      %dma_wait3A_142 = tpu.memref_slice %arg9[%dma_wait3A_140, %dma_wait3A_141] : memref<512x64xf32, #tpu.memory_space<vmem>> -> memref<128x64xf32, #tpu.memory_space<vmem>>
      %dma_wait3A_143 = arith.constant 0 : i32
      %dma_wait3A_144 = tpu.memref_slice %arg7[%dma_wait3A_139, %dma_wait3A_143] : memref<8x128xi32, #tpu.memory_space<vmem>> -> memref<1x128xi32, #tpu.memory_space<vmem>>
      %dma_wait3A_145 = tpu.memref_squeeze %dma_wait3A_144 : memref<1x128xi32, #tpu.memory_space<vmem>> -> memref<128xi32, #tpu.memory_space<vmem>>
      %dma_wait3A_146 = arith.constant 0 : i32
      %dma_wait3A_147 = arith.constant 0 : i32
      %dma_wait3A_148 = tpu.memref_slice %arg2[%arg0, %dma_wait3A_146, %dma_wait3A_147] : memref<2x10000x64xf32, #tpu.memory_space<hbm>> -> memref<1x10000x64xf32, #tpu.memory_space<hbm>>
      %dma_wait3A_149 = tpu.memref_squeeze %dma_wait3A_148 : memref<1x10000x64xf32, #tpu.memory_space<hbm>> -> memref<10000x64xf32, #tpu.memory_space<hbm>>
      %dma_wait3A_150 = arith.constant 0 : i32
      %dma_wait3A_151 = arith.constant 0 : i32
      %dma_wait3A_152 = tpu.memref_slice %dma_wait3A_149[%dma_wait3A_150, %dma_wait3A_151] : memref<10000x64xf32, #tpu.memory_space<hbm>> -> memref<10000x64xf32, #tpu.memory_space<hbm>>
      tpu.wait_indirect_dma semaphore(%arg13 : memref<!tpu.dma_semaphore, #tpu.memory_space<semaphore_mem>>) src(%dma_wait3A_152 : memref<10000x64xf32, #tpu.memory_space<hbm>>) dst(%dma_wait3A_142 : memref<128x64xf32, #tpu.memory_space<vmem>>)
      %dma_wait3A_153 = arith.constant 2 : i32
      %dma_wait3A_154 = arith.constant 256 : i32
      %dma_wait3A_155 = arith.constant 0 : i32
      %dma_wait3A_156 = tpu.memref_slice %arg9[%dma_wait3A_154, %dma_wait3A_155] : memref<512x64xf32, #tpu.memory_space<vmem>> -> memref<128x64xf32, #tpu.memory_space<vmem>>
      %dma_wait3A_157 = arith.constant 0 : i32
      %dma_wait3A_158 = tpu.memref_slice %arg7[%dma_wait3A_153, %dma_wait3A_157] : memref<8x128xi32, #tpu.memory_space<vmem>> -> memref<1x128xi32, #tpu.memory_space<vmem>>
      %dma_wait3A_159 = tpu.memref_squeeze %dma_wait3A_158 : memref<1x128xi32, #tpu.memory_space<vmem>> -> memref<128xi32, #tpu.memory_space<vmem>>
      %dma_wait3A_160 = arith.constant 0 : i32
      %dma_wait3A_161 = arith.constant 0 : i32
      %dma_wait3A_162 = tpu.memref_slice %arg2[%arg0, %dma_wait3A_160, %dma_wait3A_161] : memref<2x10000x64xf32, #tpu.memory_space<hbm>> -> memref<1x10000x64xf32, #tpu.memory_space<hbm>>
      %dma_wait3A_163 = tpu.memref_squeeze %dma_wait3A_162 : memref<1x10000x64xf32, #tpu.memory_space<hbm>> -> memref<10000x64xf32, #tpu.memory_space<hbm>>
      %dma_wait3A_164 = arith.constant 0 : i32
      %dma_wait3A_165 = arith.constant 0 : i32
      %dma_wait3A_166 = tpu.memref_slice %dma_wait3A_163[%dma_wait3A_164, %dma_wait3A_165] : memref<10000x64xf32, #tpu.memory_space<hbm>> -> memref<10000x64xf32, #tpu.memory_space<hbm>>
      tpu.wait_indirect_dma semaphore(%arg13 : memref<!tpu.dma_semaphore, #tpu.memory_space<semaphore_mem>>) src(%dma_wait3A_166 : memref<10000x64xf32, #tpu.memory_space<hbm>>) dst(%dma_wait3A_156 : memref<128x64xf32, #tpu.memory_space<vmem>>)
      %dma_wait3A_167 = arith.constant 3 : i32
      %dma_wait3A_168 = arith.constant 384 : i32
      %dma_wait3A_169 = arith.constant 0 : i32
      %dma_wait3A_170 = tpu.memref_slice %arg9[%dma_wait3A_168, %dma_wait3A_169] : memref<512x64xf32, #tpu.memory_space<vmem>> -> memref<128x64xf32, #tpu.memory_space<vmem>>
      %dma_wait3A_171 = arith.constant 0 : i32
      %dma_wait3A_172 = tpu.memref_slice %arg7[%dma_wait3A_167, %dma_wait3A_171] : memref<8x128xi32, #tpu.memory_space<vmem>> -> memref<1x128xi32, #tpu.memory_space<vmem>>
      %dma_wait3A_173 = tpu.memref_squeeze %dma_wait3A_172 : memref<1x128xi32, #tpu.memory_space<vmem>> -> memref<128xi32, #tpu.memory_space<vmem>>
      %dma_wait3A_174 = arith.constant 0 : i32
      %dma_wait3A_175 = arith.constant 0 : i32
      %dma_wait3A_176 = tpu.memref_slice %arg2[%arg0, %dma_wait3A_174, %dma_wait3A_175] : memref<2x10000x64xf32, #tpu.memory_space<hbm>> -> memref<1x10000x64xf32, #tpu.memory_space<hbm>>
      %dma_wait3A_177 = tpu.memref_squeeze %dma_wait3A_176 : memref<1x10000x64xf32, #tpu.memory_space<hbm>> -> memref<10000x64xf32, #tpu.memory_space<hbm>>
      %dma_wait3A_178 = arith.constant 0 : i32
      %dma_wait3A_179 = arith.constant 0 : i32
      %dma_wait3A_180 = tpu.memref_slice %dma_wait3A_177[%dma_wait3A_178, %dma_wait3A_179] : memref<10000x64xf32, #tpu.memory_space<hbm>> -> memref<10000x64xf32, #tpu.memory_space<hbm>>
      tpu.wait_indirect_dma semaphore(%arg13 : memref<!tpu.dma_semaphore, #tpu.memory_space<semaphore_mem>>) src(%dma_wait3A_180 : memref<10000x64xf32, #tpu.memory_space<hbm>>) dst(%dma_wait3A_170 : memref<128x64xf32, #tpu.memory_space<vmem>>)
      %scan3A_181 = arith.constant 0 : i32
      %scan3A_182 = arith.constant 0 : i32
      %scan3A_183 = arith.constant 512 : i32
      %scan3A_184 = arith.addi %scan3A_182, %scan3A_183 : i32
      %scan3A_185 = arith.constant 1 : i32
      scf.for %scan3A_317 = %scan3A_182 to %scan3A_184 step %scan3A_185  : i32 {
        %get3A = arith.index_cast %scan3A_317 : i32 to index
        %get3A_318 = arith.constant 0 : index
        %get3A_319 = tpu.vector_load %arg9[%get3A, %get3A_318] {strides = array<i32>} : memref<512x64xf32, #tpu.memory_space<vmem>>, vector<1x16xf32>,
        %get3A_320 = vector.shape_cast %get3A_319 : vector<1x16xf32> to vector<16xf32>
        %get3A_321 = arith.index_cast %scan3A_317 : i32 to index
        %get3A_322 = arith.constant 0 : index
        %get3A_323 = tpu.vector_load %arg10[%get3A_321, %get3A_322] {strides = array<i32>} : memref<512x64xf32, #tpu.memory_space<vmem>>, vector<1x16xf32>,
        %get3A_324 = vector.shape_cast %get3A_323 : vector<1x16xf32> to vector<16xf32>
        %add3A_325 = arith.addf %get3A_320, %get3A_324 : vector<16xf32>
        %max3A = arith.constant 0.000000e+00 : f32
        %max3A_326 = vector.broadcast %max3A : f32 to vector<16xf32>
        %max3A_327 = arith.maximumf %add3A_325, %max3A_326 : vector<16xf32>
        %swap3A = arith.index_cast %scan3A_317 : i32 to index
        %swap3A_328 = arith.constant 0 : index
        %swap3A_329 = tpu.vector_load %arg9[%swap3A, %swap3A_328] {strides = array<i32>} : memref<512x64xf32, #tpu.memory_space<vmem>>, vector<1x16xf32>,
        %swap3A_330 = vector.shape_cast %swap3A_329 : vector<1x16xf32> to vector<16xf32>
        %swap3A_331 = vector.shape_cast %max3A_327 : vector<16xf32> to vector<1x16xf32>
        tpu.vector_store %arg9[%swap3A, %swap3A_328], %swap3A_331 {strides = array<i32>} : memref<512x64xf32, #tpu.memory_space<vmem>>, vector<1x16xf32>,
        %get3A_332 = arith.index_cast %scan3A_317 : i32 to index
        %get3A_333 = arith.constant 16 : index
        %get3A_334 = tpu.vector_load %arg9[%get3A_332, %get3A_333] {strides = array<i32>} : memref<512x64xf32, #tpu.memory_space<vmem>>, vector<1x16xf32>,
        %get3A_335 = vector.shape_cast %get3A_334 : vector<1x16xf32> to vector<16xf32>
        %get3A_336 = arith.index_cast %scan3A_317 : i32 to index
        %get3A_337 = arith.constant 16 : index
        %get3A_338 = tpu.vector_load %arg10[%get3A_336, %get3A_337] {strides = array<i32>} : memref<512x64xf32, #tpu.memory_space<vmem>>, vector<1x16xf32>,
        %get3A_339 = vector.shape_cast %get3A_338 : vector<1x16xf32> to vector<16xf32>
        %add3A_340 = arith.addf %get3A_335, %get3A_339 : vector<16xf32>
        %max3A_341 = arith.constant 0.000000e+00 : f32
        %max3A_342 = vector.broadcast %max3A_341 : f32 to vector<16xf32>
        %max3A_343 = arith.maximumf %add3A_340, %max3A_342 : vector<16xf32>
        %swap3A_344 = arith.index_cast %scan3A_317 : i32 to index
        %swap3A_345 = arith.constant 16 : index
        %swap3A_346 = tpu.vector_load %arg9[%swap3A_344, %swap3A_345] {strides = array<i32>} : memref<512x64xf32, #tpu.memory_space<vmem>>, vector<1x16xf32>,
        %swap3A_347 = vector.shape_cast %swap3A_346 : vector<1x16xf32> to vector<16xf32>
        %swap3A_348 = vector.shape_cast %max3A_343 : vector<16xf32> to vector<1x16xf32>
        tpu.vector_store %arg9[%swap3A_344, %swap3A_345], %swap3A_348 {strides = array<i32>} : memref<512x64xf32, #tpu.memory_space<vmem>>, vector<1x16xf32>,
        %get3A_349 = arith.index_cast %scan3A_317 : i32 to index
        %get3A_350 = arith.constant 32 : index
        %get3A_351 = tpu.vector_load %arg9[%get3A_349, %get3A_350] {strides = array<i32>} : memref<512x64xf32, #tpu.memory_space<vmem>>, vector<1x16xf32>,
        %get3A_352 = vector.shape_cast %get3A_351 : vector<1x16xf32> to vector<16xf32>
        %get3A_353 = arith.index_cast %scan3A_317 : i32 to index
        %get3A_354 = arith.constant 32 : index
        %get3A_355 = tpu.vector_load %arg10[%get3A_353, %get3A_354] {strides = array<i32>} : memref<512x64xf32, #tpu.memory_space<vmem>>, vector<1x16xf32>,
        %get3A_356 = vector.shape_cast %get3A_355 : vector<1x16xf32> to vector<16xf32>
        %add3A_357 = arith.addf %get3A_352, %get3A_356 : vector<16xf32>
        %max3A_358 = arith.constant 0.000000e+00 : f32
        %max3A_359 = vector.broadcast %max3A_358 : f32 to vector<16xf32>
        %max3A_360 = arith.maximumf %add3A_357, %max3A_359 : vector<16xf32>
        %swap3A_361 = arith.index_cast %scan3A_317 : i32 to index
        %swap3A_362 = arith.constant 32 : index
        %swap3A_363 = tpu.vector_load %arg9[%swap3A_361, %swap3A_362] {strides = array<i32>} : memref<512x64xf32, #tpu.memory_space<vmem>>, vector<1x16xf32>,
        %swap3A_364 = vector.shape_cast %swap3A_363 : vector<1x16xf32> to vector<16xf32>
        %swap3A_365 = vector.shape_cast %max3A_360 : vector<16xf32> to vector<1x16xf32>
        tpu.vector_store %arg9[%swap3A_361, %swap3A_362], %swap3A_365 {strides = array<i32>} : memref<512x64xf32, #tpu.memory_space<vmem>>, vector<1x16xf32>,
        %get3A_366 = arith.index_cast %scan3A_317 : i32 to index
        %get3A_367 = arith.constant 48 : index
        %get3A_368 = tpu.vector_load %arg9[%get3A_366, %get3A_367] {strides = array<i32>} : memref<512x64xf32, #tpu.memory_space<vmem>>, vector<1x16xf32>,
        %get3A_369 = vector.shape_cast %get3A_368 : vector<1x16xf32> to vector<16xf32>
        %get3A_370 = arith.index_cast %scan3A_317 : i32 to index
        %get3A_371 = arith.constant 48 : index
        %get3A_372 = tpu.vector_load %arg10[%get3A_370, %get3A_371] {strides = array<i32>} : memref<512x64xf32, #tpu.memory_space<vmem>>, vector<1x16xf32>,
        %get3A_373 = vector.shape_cast %get3A_372 : vector<1x16xf32> to vector<16xf32>
        %add3A_374 = arith.addf %get3A_369, %get3A_373 : vector<16xf32>
        %max3A_375 = arith.constant 0.000000e+00 : f32
        %max3A_376 = vector.broadcast %max3A_375 : f32 to vector<16xf32>
        %max3A_377 = arith.maximumf %add3A_374, %max3A_376 : vector<16xf32>
        %swap3A_378 = arith.index_cast %scan3A_317 : i32 to index
        %swap3A_379 = arith.constant 48 : index
        %swap3A_380 = tpu.vector_load %arg9[%swap3A_378, %swap3A_379] {strides = array<i32>} : memref<512x64xf32, #tpu.memory_space<vmem>>, vector<1x16xf32>,
        %swap3A_381 = vector.shape_cast %swap3A_380 : vector<1x16xf32> to vector<16xf32>
        %swap3A_382 = vector.shape_cast %max3A_377 : vector<16xf32> to vector<1x16xf32>
        tpu.vector_store %arg9[%swap3A_378, %swap3A_379], %swap3A_382 {strides = array<i32>} : memref<512x64xf32, #tpu.memory_space<vmem>>, vector<1x16xf32>,
      }
      %scan3A_186 = arith.constant 512 : i32
      %run_scoped3A = arith.constant 0 : i32
      "tpu.region"() ({
        %run_scoped3A_317 = tpu.sem_alloc : memref<!tpu.dma_semaphore, #tpu.memory_space<semaphore_mem>>
        %dma_start3A_318 = arith.constant 0 : i32
        %dma_start3A_319 = arith.constant 0 : i32
        %dma_start3A_320 = tpu.memref_slice %arg9[%dma_start3A_318, %dma_start3A_319] : memref<512x64xf32, #tpu.memory_space<vmem>> -> memref<128x64xf32, #tpu.memory_space<vmem>>
        %dma_start3A_321 = arith.constant 0 : i32
        %dma_start3A_322 = tpu.memref_slice %arg8[%run_scoped3A, %dma_start3A_321] : memref<8x128xi32, #tpu.memory_space<vmem>> -> memref<1x128xi32, #tpu.memory_space<vmem>>
        %dma_start3A_323 = tpu.memref_squeeze %dma_start3A_322 : memref<1x128xi32, #tpu.memory_space<vmem>> -> memref<128xi32, #tpu.memory_space<vmem>>
        %dma_start3A_324 = arith.constant 0 : i32
        %dma_start3A_325 = arith.constant 0 : i32
        %dma_start3A_326 = tpu.memref_slice %arg12[%dma_start3A_324, %dma_start3A_325] : memref<10240x64xf32, #tpu.memory_space<vmem_shared>> -> memref<10240x64xf32, #tpu.memory_space<vmem_shared>>
        tpu.enqueue_indirect_dma source(%dma_start3A_320 : memref<128x64xf32, #tpu.memory_space<vmem>>) target(%dma_start3A_326 : memref<10240x64xf32, #tpu.memory_space<vmem_shared>>) offsets(%dma_start3A_323 : memref<128xi32, #tpu.memory_space<vmem>>) semaphore(%run_scoped3A_317 : memref<!tpu.dma_semaphore, #tpu.memory_space<semaphore_mem>>) {add = true}
        %dma_wait3A_327 = arith.constant 0 : i32
        %dma_wait3A_328 = arith.constant 0 : i32
        %dma_wait3A_329 = tpu.memref_slice %arg9[%dma_wait3A_327, %dma_wait3A_328] : memref<512x64xf32, #tpu.memory_space<vmem>> -> memref<128x64xf32, #tpu.memory_space<vmem>>
        %dma_wait3A_330 = arith.constant 0 : i32
        %dma_wait3A_331 = tpu.memref_slice %arg8[%run_scoped3A, %dma_wait3A_330] : memref<8x128xi32, #tpu.memory_space<vmem>> -> memref<1x128xi32, #tpu.memory_space<vmem>>
        %dma_wait3A_332 = tpu.memref_squeeze %dma_wait3A_331 : memref<1x128xi32, #tpu.memory_space<vmem>> -> memref<128xi32, #tpu.memory_space<vmem>>
        %dma_wait3A_333 = arith.constant 0 : i32
        %dma_wait3A_334 = arith.constant 0 : i32
        %dma_wait3A_335 = tpu.memref_slice %arg12[%dma_wait3A_333, %dma_wait3A_334] : memref<10240x64xf32, #tpu.memory_space<vmem_shared>> -> memref<10240x64xf32, #tpu.memory_space<vmem_shared>>
        tpu.wait_indirect_dma semaphore(%run_scoped3A_317 : memref<!tpu.dma_semaphore, #tpu.memory_space<semaphore_mem>>) src(%dma_wait3A_329 : memref<128x64xf32, #tpu.memory_space<vmem>>) dst(%dma_wait3A_335 : memref<10240x64xf32, #tpu.memory_space<vmem_shared>>)
        tpu.yield
      }) : () -> ()
      %run_scoped3A_187 = arith.constant 1 : i32
      "tpu.region"() ({
        %run_scoped3A_317 = tpu.sem_alloc : memref<!tpu.dma_semaphore, #tpu.memory_space<semaphore_mem>>
        %dma_start3A_318 = arith.constant 128 : i32
        %dma_start3A_319 = arith.constant 0 : i32
        %dma_start3A_320 = tpu.memref_slice %arg9[%dma_start3A_318, %dma_start3A_319] : memref<512x64xf32, #tpu.memory_space<vmem>> -> memref<128x64xf32, #tpu.memory_space<vmem>>
        %dma_start3A_321 = arith.constant 0 : i32
        %dma_start3A_322 = tpu.memref_slice %arg8[%run_scoped3A_187, %dma_start3A_321] : memref<8x128xi32, #tpu.memory_space<vmem>> -> memref<1x128xi32, #tpu.memory_space<vmem>>
        %dma_start3A_323 = tpu.memref_squeeze %dma_start3A_322 : memref<1x128xi32, #tpu.memory_space<vmem>> -> memref<128xi32, #tpu.memory_space<vmem>>
        %dma_start3A_324 = arith.constant 0 : i32
        %dma_start3A_325 = arith.constant 0 : i32
        %dma_start3A_326 = tpu.memref_slice %arg12[%dma_start3A_324, %dma_start3A_325] : memref<10240x64xf32, #tpu.memory_space<vmem_shared>> -> memref<10240x64xf32, #tpu.memory_space<vmem_shared>>
        tpu.enqueue_indirect_dma source(%dma_start3A_320 : memref<128x64xf32, #tpu.memory_space<vmem>>) target(%dma_start3A_326 : memref<10240x64xf32, #tpu.memory_space<vmem_shared>>) offsets(%dma_start3A_323 : memref<128xi32, #tpu.memory_space<vmem>>) semaphore(%run_scoped3A_317 : memref<!tpu.dma_semaphore, #tpu.memory_space<semaphore_mem>>) {add = true}
        %dma_wait3A_327 = arith.constant 128 : i32
        %dma_wait3A_328 = arith.constant 0 : i32
        %dma_wait3A_329 = tpu.memref_slice %arg9[%dma_wait3A_327, %dma_wait3A_328] : memref<512x64xf32, #tpu.memory_space<vmem>> -> memref<128x64xf32, #tpu.memory_space<vmem>>
        %dma_wait3A_330 = arith.constant 0 : i32
        %dma_wait3A_331 = tpu.memref_slice %arg8[%run_scoped3A_187, %dma_wait3A_330] : memref<8x128xi32, #tpu.memory_space<vmem>> -> memref<1x128xi32, #tpu.memory_space<vmem>>
        %dma_wait3A_332 = tpu.memref_squeeze %dma_wait3A_331 : memref<1x128xi32, #tpu.memory_space<vmem>> -> memref<128xi32, #tpu.memory_space<vmem>>
        %dma_wait3A_333 = arith.constant 0 : i32
        %dma_wait3A_334 = arith.constant 0 : i32
        %dma_wait3A_335 = tpu.memref_slice %arg12[%dma_wait3A_333, %dma_wait3A_334] : memref<10240x64xf32, #tpu.memory_space<vmem_shared>> -> memref<10240x64xf32, #tpu.memory_space<vmem_shared>>
        tpu.wait_indirect_dma semaphore(%run_scoped3A_317 : memref<!tpu.dma_semaphore, #tpu.memory_space<semaphore_mem>>) src(%dma_wait3A_329 : memref<128x64xf32, #tpu.memory_space<vmem>>) dst(%dma_wait3A_335 : memref<10240x64xf32, #tpu.memory_space<vmem_shared>>)
        tpu.yield
      }) : () -> ()
      %run_scoped3A_188 = arith.constant 2 : i32
      "tpu.region"() ({
        %run_scoped3A_317 = tpu.sem_alloc : memref<!tpu.dma_semaphore, #tpu.memory_space<semaphore_mem>>
        %dma_start3A_318 = arith.constant 256 : i32
        %dma_start3A_319 = arith.constant 0 : i32
        %dma_start3A_320 = tpu.memref_slice %arg9[%dma_start3A_318, %dma_start3A_319] : memref<512x64xf32, #tpu.memory_space<vmem>> -> memref<128x64xf32, #tpu.memory_space<vmem>>
        %dma_start3A_321 = arith.constant 0 : i32
        %dma_start3A_322 = tpu.memref_slice %arg8[%run_scoped3A_188, %dma_start3A_321] : memref<8x128xi32, #tpu.memory_space<vmem>> -> memref<1x128xi32, #tpu.memory_space<vmem>>
        %dma_start3A_323 = tpu.memref_squeeze %dma_start3A_322 : memref<1x128xi32, #tpu.memory_space<vmem>> -> memref<128xi32, #tpu.memory_space<vmem>>
        %dma_start3A_324 = arith.constant 0 : i32
        %dma_start3A_325 = arith.constant 0 : i32
        %dma_start3A_326 = tpu.memref_slice %arg12[%dma_start3A_324, %dma_start3A_325] : memref<10240x64xf32, #tpu.memory_space<vmem_shared>> -> memref<10240x64xf32, #tpu.memory_space<vmem_shared>>
        tpu.enqueue_indirect_dma source(%dma_start3A_320 : memref<128x64xf32, #tpu.memory_space<vmem>>) target(%dma_start3A_326 : memref<10240x64xf32, #tpu.memory_space<vmem_shared>>) offsets(%dma_start3A_323 : memref<128xi32, #tpu.memory_space<vmem>>) semaphore(%run_scoped3A_317 : memref<!tpu.dma_semaphore, #tpu.memory_space<semaphore_mem>>) {add = true}
        %dma_wait3A_327 = arith.constant 256 : i32
        %dma_wait3A_328 = arith.constant 0 : i32
        %dma_wait3A_329 = tpu.memref_slice %arg9[%dma_wait3A_327, %dma_wait3A_328] : memref<512x64xf32, #tpu.memory_space<vmem>> -> memref<128x64xf32, #tpu.memory_space<vmem>>
        %dma_wait3A_330 = arith.constant 0 : i32
        %dma_wait3A_331 = tpu.memref_slice %arg8[%run_scoped3A_188, %dma_wait3A_330] : memref<8x128xi32, #tpu.memory_space<vmem>> -> memref<1x128xi32, #tpu.memory_space<vmem>>
        %dma_wait3A_332 = tpu.memref_squeeze %dma_wait3A_331 : memref<1x128xi32, #tpu.memory_space<vmem>> -> memref<128xi32, #tpu.memory_space<vmem>>
        %dma_wait3A_333 = arith.constant 0 : i32
        %dma_wait3A_334 = arith.constant 0 : i32
        %dma_wait3A_335 = tpu.memref_slice %arg12[%dma_wait3A_333, %dma_wait3A_334] : memref<10240x64xf32, #tpu.memory_space<vmem_shared>> -> memref<10240x64xf32, #tpu.memory_space<vmem_shared>>
        tpu.wait_indirect_dma semaphore(%run_scoped3A_317 : memref<!tpu.dma_semaphore, #tpu.memory_space<semaphore_mem>>) src(%dma_wait3A_329 : memref<128x64xf32, #tpu.memory_space<vmem>>) dst(%dma_wait3A_335 : memref<10240x64xf32, #tpu.memory_space<vmem_shared>>)
        tpu.yield
      }) : () -> ()
      %run_scoped3A_189 = arith.constant 3 : i32
      "tpu.region"() ({
        %run_scoped3A_317 = tpu.sem_alloc : memref<!tpu.dma_semaphore, #tpu.memory_space<semaphore_mem>>
        %dma_start3A_318 = arith.constant 384 : i32
        %dma_start3A_319 = arith.constant 0 : i32
        %dma_start3A_320 = tpu.memref_slice %arg9[%dma_start3A_318, %dma_start3A_319] : memref<512x64xf32, #tpu.memory_space<vmem>> -> memref<128x64xf32, #tpu.memory_space<vmem>>
        %dma_start3A_321 = arith.constant 0 : i32
        %dma_start3A_322 = tpu.memref_slice %arg8[%run_scoped3A_189, %dma_start3A_321] : memref<8x128xi32, #tpu.memory_space<vmem>> -> memref<1x128xi32, #tpu.memory_space<vmem>>
        %dma_start3A_323 = tpu.memref_squeeze %dma_start3A_322 : memref<1x128xi32, #tpu.memory_space<vmem>> -> memref<128xi32, #tpu.memory_space<vmem>>
        %dma_start3A_324 = arith.constant 0 : i32
        %dma_start3A_325 = arith.constant 0 : i32
        %dma_start3A_326 = tpu.memref_slice %arg12[%dma_start3A_324, %dma_start3A_325] : memref<10240x64xf32, #tpu.memory_space<vmem_shared>> -> memref<10240x64xf32, #tpu.memory_space<vmem_shared>>
        tpu.enqueue_indirect_dma source(%dma_start3A_320 : memref<128x64xf32, #tpu.memory_space<vmem>>) target(%dma_start3A_326 : memref<10240x64xf32, #tpu.memory_space<vmem_shared>>) offsets(%dma_start3A_323 : memref<128xi32, #tpu.memory_space<vmem>>) semaphore(%run_scoped3A_317 : memref<!tpu.dma_semaphore, #tpu.memory_space<semaphore_mem>>) {add = true}
        %dma_wait3A_327 = arith.constant 384 : i32
        %dma_wait3A_328 = arith.constant 0 : i32
        %dma_wait3A_329 = tpu.memref_slice %arg9[%dma_wait3A_327, %dma_wait3A_328] : memref<512x64xf32, #tpu.memory_space<vmem>> -> memref<128x64xf32, #tpu.memory_space<vmem>>
        %dma_wait3A_330 = arith.constant 0 : i32
        %dma_wait3A_331 = tpu.memref_slice %arg8[%run_scoped3A_189, %dma_wait3A_330] : memref<8x128xi32, #tpu.memory_space<vmem>> -> memref<1x128xi32, #tpu.memory_space<vmem>>
        %dma_wait3A_332 = tpu.memref_squeeze %dma_wait3A_331 : memref<1x128xi32, #tpu.memory_space<vmem>> -> memref<128xi32, #tpu.memory_space<vmem>>
        %dma_wait3A_333 = arith.constant 0 : i32
        %dma_wait3A_334 = arith.constant 0 : i32
        %dma_wait3A_335 = tpu.memref_slice %arg12[%dma_wait3A_333, %dma_wait3A_334] : memref<10240x64xf32, #tpu.memory_space<vmem_shared>> -> memref<10240x64xf32, #tpu.memory_space<vmem_shared>>
        tpu.wait_indirect_dma semaphore(%run_scoped3A_317 : memref<!tpu.dma_semaphore, #tpu.memory_space<semaphore_mem>>) src(%dma_wait3A_329 : memref<128x64xf32, #tpu.memory_space<vmem>>) dst(%dma_wait3A_335 : memref<10240x64xf32, #tpu.memory_space<vmem_shared>>)
        tpu.yield
      }) : () -> ()
      %mul3A_190 = arith.constant 128 : i32
      %mul3A_191 = arith.muli %multiple_of3A_65, %mul3A_190 : i32
      %add3A_192 = arith.constant 512 : i32
      %add3A_193 = arith.addi %mul3A_191, %add3A_192 : i32
      %multiple_of3A_194 = tpu.assume_multiple %add3A_193, 8 : i32
      "tpu.region"() ({
        %run_scoped3A_317 = tpu.sem_alloc : memref<!tpu.dma_semaphore, #tpu.memory_space<semaphore_mem>>
        %dma_start3A_318 = arith.constant 0 : i32
        %dma_start3A_319 = tpu.memref_slice %arg5[%arg0, %multiple_of3A_194, %dma_start3A_318] : memref<2x327680x64xf32, #tpu.memory_space<hbm>> -> memref<1x512x64xf32, #tpu.memory_space<hbm>>
        %dma_start3A_320 = tpu.memref_squeeze %dma_start3A_319 : memref<1x512x64xf32, #tpu.memory_space<hbm>> -> memref<512x64xf32, #tpu.memory_space<hbm>>
        %dma_start3A_321 = arith.constant 0 : i32
        %dma_start3A_322 = tpu.memref_slice %arg5[%arg0, %multiple_of3A_194, %dma_start3A_321] : memref<2x327680x64xf32, #tpu.memory_space<hbm>> -> memref<1x512x64xf32, #tpu.memory_space<hbm>>
        %dma_start3A_323 = tpu.memref_squeeze %dma_start3A_322 : memref<1x512x64xf32, #tpu.memory_space<hbm>> -> memref<512x64xf32, #tpu.memory_space<hbm>>
        tpu.enqueue_dma source(%dma_start3A_323 : memref<512x64xf32, #tpu.memory_space<hbm>>) target(%arg10 : memref<512x64xf32, #tpu.memory_space<vmem>>) target_semaphore(%run_scoped3A_317 : memref<!tpu.dma_semaphore, #tpu.memory_space<semaphore_mem>>)
        %dma_wait3A_324 = arith.constant 0 : i32
        %dma_wait3A_325 = tpu.memref_slice %arg5[%arg0, %multiple_of3A_194, %dma_wait3A_324] : memref<2x327680x64xf32, #tpu.memory_space<hbm>> -> memref<1x512x64xf32, #tpu.memory_space<hbm>>
        %dma_wait3A_326 = tpu.memref_squeeze %dma_wait3A_325 : memref<1x512x64xf32, #tpu.memory_space<hbm>> -> memref<512x64xf32, #tpu.memory_space<hbm>>
        %dma_wait3A_327 = arith.constant 0 : i32
        %dma_wait3A_328 = tpu.memref_slice %arg5[%arg0, %multiple_of3A_194, %dma_wait3A_327] : memref<2x327680x64xf32, #tpu.memory_space<hbm>> -> memref<1x512x64xf32, #tpu.memory_space<hbm>>
        %dma_wait3A_329 = tpu.memref_squeeze %dma_wait3A_328 : memref<1x512x64xf32, #tpu.memory_space<hbm>> -> memref<512x64xf32, #tpu.memory_space<hbm>>
        tpu.wait_dma2 semaphore(%run_scoped3A_317 : memref<!tpu.dma_semaphore, #tpu.memory_space<semaphore_mem>>) src(%dma_wait3A_329 : memref<512x64xf32, #tpu.memory_space<hbm>>) dst(%arg10 : memref<512x64xf32, #tpu.memory_space<vmem>>)
        tpu.yield
      }) : () -> ()
      %dma_start3A_195 = arith.constant 4 : i32
      %dma_start3A_196 = arith.constant 0 : i32
      %dma_start3A_197 = arith.constant 0 : i32
      %dma_start3A_198 = tpu.memref_slice %arg9[%dma_start3A_196, %dma_start3A_197] : memref<512x64xf32, #tpu.memory_space<vmem>> -> memref<128x64xf32, #tpu.memory_space<vmem>>
      %dma_start3A_199 = arith.constant 0 : i32
      %dma_start3A_200 = tpu.memref_slice %arg7[%dma_start3A_195, %dma_start3A_199] : memref<8x128xi32, #tpu.memory_space<vmem>> -> memref<1x128xi32, #tpu.memory_space<vmem>>
      %dma_start3A_201 = tpu.memref_squeeze %dma_start3A_200 : memref<1x128xi32, #tpu.memory_space<vmem>> -> memref<128xi32, #tpu.memory_space<vmem>>
      %dma_start3A_202 = arith.constant 0 : i32
      %dma_start3A_203 = arith.constant 0 : i32
      %dma_start3A_204 = tpu.memref_slice %arg2[%arg0, %dma_start3A_202, %dma_start3A_203] : memref<2x10000x64xf32, #tpu.memory_space<hbm>> -> memref<1x10000x64xf32, #tpu.memory_space<hbm>>
      %dma_start3A_205 = tpu.memref_squeeze %dma_start3A_204 : memref<1x10000x64xf32, #tpu.memory_space<hbm>> -> memref<10000x64xf32, #tpu.memory_space<hbm>>
      %dma_start3A_206 = arith.constant 0 : i32
      %dma_start3A_207 = arith.constant 0 : i32
      %dma_start3A_208 = tpu.memref_slice %dma_start3A_205[%dma_start3A_206, %dma_start3A_207] : memref<10000x64xf32, #tpu.memory_space<hbm>> -> memref<10000x64xf32, #tpu.memory_space<hbm>>
      tpu.enqueue_indirect_dma source(%dma_start3A_208 : memref<10000x64xf32, #tpu.memory_space<hbm>>) target(%dma_start3A_198 : memref<128x64xf32, #tpu.memory_space<vmem>>) offsets(%dma_start3A_201 : memref<128xi32, #tpu.memory_space<vmem>>) semaphore(%arg13 : memref<!tpu.dma_semaphore, #tpu.memory_space<semaphore_mem>>)
      %dma_start3A_209 = arith.constant 5 : i32
      %dma_start3A_210 = arith.constant 128 : i32
      %dma_start3A_211 = arith.constant 0 : i32
      %dma_start3A_212 = tpu.memref_slice %arg9[%dma_start3A_210, %dma_start3A_211] : memref<512x64xf32, #tpu.memory_space<vmem>> -> memref<128x64xf32, #tpu.memory_space<vmem>>
      %dma_start3A_213 = arith.constant 0 : i32
      %dma_start3A_214 = tpu.memref_slice %arg7[%dma_start3A_209, %dma_start3A_213] : memref<8x128xi32, #tpu.memory_space<vmem>> -> memref<1x128xi32, #tpu.memory_space<vmem>>
      %dma_start3A_215 = tpu.memref_squeeze %dma_start3A_214 : memref<1x128xi32, #tpu.memory_space<vmem>> -> memref<128xi32, #tpu.memory_space<vmem>>
      %dma_start3A_216 = arith.constant 0 : i32
      %dma_start3A_217 = arith.constant 0 : i32
      %dma_start3A_218 = tpu.memref_slice %arg2[%arg0, %dma_start3A_216, %dma_start3A_217] : memref<2x10000x64xf32, #tpu.memory_space<hbm>> -> memref<1x10000x64xf32, #tpu.memory_space<hbm>>
      %dma_start3A_219 = tpu.memref_squeeze %dma_start3A_218 : memref<1x10000x64xf32, #tpu.memory_space<hbm>> -> memref<10000x64xf32, #tpu.memory_space<hbm>>
      %dma_start3A_220 = arith.constant 0 : i32
      %dma_start3A_221 = arith.constant 0 : i32
      %dma_start3A_222 = tpu.memref_slice %dma_start3A_219[%dma_start3A_220, %dma_start3A_221] : memref<10000x64xf32, #tpu.memory_space<hbm>> -> memref<10000x64xf32, #tpu.memory_space<hbm>>
      tpu.enqueue_indirect_dma source(%dma_start3A_222 : memref<10000x64xf32, #tpu.memory_space<hbm>>) target(%dma_start3A_212 : memref<128x64xf32, #tpu.memory_space<vmem>>) offsets(%dma_start3A_215 : memref<128xi32, #tpu.memory_space<vmem>>) semaphore(%arg13 : memref<!tpu.dma_semaphore, #tpu.memory_space<semaphore_mem>>)
      %dma_start3A_223 = arith.constant 6 : i32
      %dma_start3A_224 = arith.constant 256 : i32
      %dma_start3A_225 = arith.constant 0 : i32
      %dma_start3A_226 = tpu.memref_slice %arg9[%dma_start3A_224, %dma_start3A_225] : memref<512x64xf32, #tpu.memory_space<vmem>> -> memref<128x64xf32, #tpu.memory_space<vmem>>
      %dma_start3A_227 = arith.constant 0 : i32
      %dma_start3A_228 = tpu.memref_slice %arg7[%dma_start3A_223, %dma_start3A_227] : memref<8x128xi32, #tpu.memory_space<vmem>> -> memref<1x128xi32, #tpu.memory_space<vmem>>
      %dma_start3A_229 = tpu.memref_squeeze %dma_start3A_228 : memref<1x128xi32, #tpu.memory_space<vmem>> -> memref<128xi32, #tpu.memory_space<vmem>>
      %dma_start3A_230 = arith.constant 0 : i32
      %dma_start3A_231 = arith.constant 0 : i32
      %dma_start3A_232 = tpu.memref_slice %arg2[%arg0, %dma_start3A_230, %dma_start3A_231] : memref<2x10000x64xf32, #tpu.memory_space<hbm>> -> memref<1x10000x64xf32, #tpu.memory_space<hbm>>
      %dma_start3A_233 = tpu.memref_squeeze %dma_start3A_232 : memref<1x10000x64xf32, #tpu.memory_space<hbm>> -> memref<10000x64xf32, #tpu.memory_space<hbm>>
      %dma_start3A_234 = arith.constant 0 : i32
      %dma_start3A_235 = arith.constant 0 : i32
      %dma_start3A_236 = tpu.memref_slice %dma_start3A_233[%dma_start3A_234, %dma_start3A_235] : memref<10000x64xf32, #tpu.memory_space<hbm>> -> memref<10000x64xf32, #tpu.memory_space<hbm>>
      tpu.enqueue_indirect_dma source(%dma_start3A_236 : memref<10000x64xf32, #tpu.memory_space<hbm>>) target(%dma_start3A_226 : memref<128x64xf32, #tpu.memory_space<vmem>>) offsets(%dma_start3A_229 : memref<128xi32, #tpu.memory_space<vmem>>) semaphore(%arg13 : memref<!tpu.dma_semaphore, #tpu.memory_space<semaphore_mem>>)
      %dma_start3A_237 = arith.constant 7 : i32
      %dma_start3A_238 = arith.constant 384 : i32
      %dma_start3A_239 = arith.constant 0 : i32
      %dma_start3A_240 = tpu.memref_slice %arg9[%dma_start3A_238, %dma_start3A_239] : memref<512x64xf32, #tpu.memory_space<vmem>> -> memref<128x64xf32, #tpu.memory_space<vmem>>
      %dma_start3A_241 = arith.constant 0 : i32
      %dma_start3A_242 = tpu.memref_slice %arg7[%dma_start3A_237, %dma_start3A_241] : memref<8x128xi32, #tpu.memory_space<vmem>> -> memref<1x128xi32, #tpu.memory_space<vmem>>
      %dma_start3A_243 = tpu.memref_squeeze %dma_start3A_242 : memref<1x128xi32, #tpu.memory_space<vmem>> -> memref<128xi32, #tpu.memory_space<vmem>>
      %dma_start3A_244 = arith.constant 0 : i32
      %dma_start3A_245 = arith.constant 0 : i32
      %dma_start3A_246 = tpu.memref_slice %arg2[%arg0, %dma_start3A_244, %dma_start3A_245] : memref<2x10000x64xf32, #tpu.memory_space<hbm>> -> memref<1x10000x64xf32, #tpu.memory_space<hbm>>
      %dma_start3A_247 = tpu.memref_squeeze %dma_start3A_246 : memref<1x10000x64xf32, #tpu.memory_space<hbm>> -> memref<10000x64xf32, #tpu.memory_space<hbm>>
      %dma_start3A_248 = arith.constant 0 : i32
      %dma_start3A_249 = arith.constant 0 : i32
      %dma_start3A_250 = tpu.memref_slice %dma_start3A_247[%dma_start3A_248, %dma_start3A_249] : memref<10000x64xf32, #tpu.memory_space<hbm>> -> memref<10000x64xf32, #tpu.memory_space<hbm>>
      tpu.enqueue_indirect_dma source(%dma_start3A_250 : memref<10000x64xf32, #tpu.memory_space<hbm>>) target(%dma_start3A_240 : memref<128x64xf32, #tpu.memory_space<vmem>>) offsets(%dma_start3A_243 : memref<128xi32, #tpu.memory_space<vmem>>) semaphore(%arg13 : memref<!tpu.dma_semaphore, #tpu.memory_space<semaphore_mem>>)
      %dma_wait3A_251 = arith.constant 4 : i32
      %dma_wait3A_252 = arith.constant 0 : i32
      %dma_wait3A_253 = arith.constant 0 : i32
      %dma_wait3A_254 = tpu.memref_slice %arg9[%dma_wait3A_252, %dma_wait3A_253] : memref<512x64xf32, #tpu.memory_space<vmem>> -> memref<128x64xf32, #tpu.memory_space<vmem>>
      %dma_wait3A_255 = arith.constant 0 : i32
      %dma_wait3A_256 = tpu.memref_slice %arg7[%dma_wait3A_251, %dma_wait3A_255] : memref<8x128xi32, #tpu.memory_space<vmem>> -> memref<1x128xi32, #tpu.memory_space<vmem>>
      %dma_wait3A_257 = tpu.memref_squeeze %dma_wait3A_256 : memref<1x128xi32, #tpu.memory_space<vmem>> -> memref<128xi32, #tpu.memory_space<vmem>>
      %dma_wait3A_258 = arith.constant 0 : i32
      %dma_wait3A_259 = arith.constant 0 : i32
      %dma_wait3A_260 = tpu.memref_slice %arg2[%arg0, %dma_wait3A_258, %dma_wait3A_259] : memref<2x10000x64xf32, #tpu.memory_space<hbm>> -> memref<1x10000x64xf32, #tpu.memory_space<hbm>>
      %dma_wait3A_261 = tpu.memref_squeeze %dma_wait3A_260 : memref<1x10000x64xf32, #tpu.memory_space<hbm>> -> memref<10000x64xf32, #tpu.memory_space<hbm>>
      %dma_wait3A_262 = arith.constant 0 : i32
      %dma_wait3A_263 = arith.constant 0 : i32
      %dma_wait3A_264 = tpu.memref_slice %dma_wait3A_261[%dma_wait3A_262, %dma_wait3A_263] : memref<10000x64xf32, #tpu.memory_space<hbm>> -> memref<10000x64xf32, #tpu.memory_space<hbm>>
      tpu.wait_indirect_dma semaphore(%arg13 : memref<!tpu.dma_semaphore, #tpu.memory_space<semaphore_mem>>) src(%dma_wait3A_264 : memref<10000x64xf32, #tpu.memory_space<hbm>>) dst(%dma_wait3A_254 : memref<128x64xf32, #tpu.memory_space<vmem>>)
      %dma_wait3A_265 = arith.constant 5 : i32
      %dma_wait3A_266 = arith.constant 128 : i32
      %dma_wait3A_267 = arith.constant 0 : i32
      %dma_wait3A_268 = tpu.memref_slice %arg9[%dma_wait3A_266, %dma_wait3A_267] : memref<512x64xf32, #tpu.memory_space<vmem>> -> memref<128x64xf32, #tpu.memory_space<vmem>>
      %dma_wait3A_269 = arith.constant 0 : i32
      %dma_wait3A_270 = tpu.memref_slice %arg7[%dma_wait3A_265, %dma_wait3A_269] : memref<8x128xi32, #tpu.memory_space<vmem>> -> memref<1x128xi32, #tpu.memory_space<vmem>>
      %dma_wait3A_271 = tpu.memref_squeeze %dma_wait3A_270 : memref<1x128xi32, #tpu.memory_space<vmem>> -> memref<128xi32, #tpu.memory_space<vmem>>
      %dma_wait3A_272 = arith.constant 0 : i32
      %dma_wait3A_273 = arith.constant 0 : i32
      %dma_wait3A_274 = tpu.memref_slice %arg2[%arg0, %dma_wait3A_272, %dma_wait3A_273] : memref<2x10000x64xf32, #tpu.memory_space<hbm>> -> memref<1x10000x64xf32, #tpu.memory_space<hbm>>
      %dma_wait3A_275 = tpu.memref_squeeze %dma_wait3A_274 : memref<1x10000x64xf32, #tpu.memory_space<hbm>> -> memref<10000x64xf32, #tpu.memory_space<hbm>>
      %dma_wait3A_276 = arith.constant 0 : i32
      %dma_wait3A_277 = arith.constant 0 : i32
      %dma_wait3A_278 = tpu.memref_slice %dma_wait3A_275[%dma_wait3A_276, %dma_wait3A_277] : memref<10000x64xf32, #tpu.memory_space<hbm>> -> memref<10000x64xf32, #tpu.memory_space<hbm>>
      tpu.wait_indirect_dma semaphore(%arg13 : memref<!tpu.dma_semaphore, #tpu.memory_space<semaphore_mem>>) src(%dma_wait3A_278 : memref<10000x64xf32, #tpu.memory_space<hbm>>) dst(%dma_wait3A_268 : memref<128x64xf32, #tpu.memory_space<vmem>>)
      %dma_wait3A_279 = arith.constant 6 : i32
      %dma_wait3A_280 = arith.constant 256 : i32
      %dma_wait3A_281 = arith.constant 0 : i32
      %dma_wait3A_282 = tpu.memref_slice %arg9[%dma_wait3A_280, %dma_wait3A_281] : memref<512x64xf32, #tpu.memory_space<vmem>> -> memref<128x64xf32, #tpu.memory_space<vmem>>
      %dma_wait3A_283 = arith.constant 0 : i32
      %dma_wait3A_284 = tpu.memref_slice %arg7[%dma_wait3A_279, %dma_wait3A_283] : memref<8x128xi32, #tpu.memory_space<vmem>> -> memref<1x128xi32, #tpu.memory_space<vmem>>
      %dma_wait3A_285 = tpu.memref_squeeze %dma_wait3A_284 : memref<1x128xi32, #tpu.memory_space<vmem>> -> memref<128xi32, #tpu.memory_space<vmem>>
      %dma_wait3A_286 = arith.constant 0 : i32
      %dma_wait3A_287 = arith.constant 0 : i32
      %dma_wait3A_288 = tpu.memref_slice %arg2[%arg0, %dma_wait3A_286, %dma_wait3A_287] : memref<2x10000x64xf32, #tpu.memory_space<hbm>> -> memref<1x10000x64xf32, #tpu.memory_space<hbm>>
      %dma_wait3A_289 = tpu.memref_squeeze %dma_wait3A_288 : memref<1x10000x64xf32, #tpu.memory_space<hbm>> -> memref<10000x64xf32, #tpu.memory_space<hbm>>
      %dma_wait3A_290 = arith.constant 0 : i32
      %dma_wait3A_291 = arith.constant 0 : i32
      %dma_wait3A_292 = tpu.memref_slice %dma_wait3A_289[%dma_wait3A_290, %dma_wait3A_291] : memref<10000x64xf32, #tpu.memory_space<hbm>> -> memref<10000x64xf32, #tpu.memory_space<hbm>>
      tpu.wait_indirect_dma semaphore(%arg13 : memref<!tpu.dma_semaphore, #tpu.memory_space<semaphore_mem>>) src(%dma_wait3A_292 : memref<10000x64xf32, #tpu.memory_space<hbm>>) dst(%dma_wait3A_282 : memref<128x64xf32, #tpu.memory_space<vmem>>)
      %dma_wait3A_293 = arith.constant 7 : i32
      %dma_wait3A_294 = arith.constant 384 : i32
      %dma_wait3A_295 = arith.constant 0 : i32
      %dma_wait3A_296 = tpu.memref_slice %arg9[%dma_wait3A_294, %dma_wait3A_295] : memref<512x64xf32, #tpu.memory_space<vmem>> -> memref<128x64xf32, #tpu.memory_space<vmem>>
      %dma_wait3A_297 = arith.constant 0 : i32
      %dma_wait3A_298 = tpu.memref_slice %arg7[%dma_wait3A_293, %dma_wait3A_297] : memref<8x128xi32, #tpu.memory_space<vmem>> -> memref<1x128xi32, #tpu.memory_space<vmem>>
      %dma_wait3A_299 = tpu.memref_squeeze %dma_wait3A_298 : memref<1x128xi32, #tpu.memory_space<vmem>> -> memref<128xi32, #tpu.memory_space<vmem>>
      %dma_wait3A_300 = arith.constant 0 : i32
      %dma_wait3A_301 = arith.constant 0 : i32
      %dma_wait3A_302 = tpu.memref_slice %arg2[%arg0, %dma_wait3A_300, %dma_wait3A_301] : memref<2x10000x64xf32, #tpu.memory_space<hbm>> -> memref<1x10000x64xf32, #tpu.memory_space<hbm>>
      %dma_wait3A_303 = tpu.memref_squeeze %dma_wait3A_302 : memref<1x10000x64xf32, #tpu.memory_space<hbm>> -> memref<10000x64xf32, #tpu.memory_space<hbm>>
      %dma_wait3A_304 = arith.constant 0 : i32
      %dma_wait3A_305 = arith.constant 0 : i32
      %dma_wait3A_306 = tpu.memref_slice %dma_wait3A_303[%dma_wait3A_304, %dma_wait3A_305] : memref<10000x64xf32, #tpu.memory_space<hbm>> -> memref<10000x64xf32, #tpu.memory_space<hbm>>
      tpu.wait_indirect_dma semaphore(%arg13 : memref<!tpu.dma_semaphore, #tpu.memory_space<semaphore_mem>>) src(%dma_wait3A_306 : memref<10000x64xf32, #tpu.memory_space<hbm>>) dst(%dma_wait3A_296 : memref<128x64xf32, #tpu.memory_space<vmem>>)
      %scan3A_307 = arith.constant 0 : i32
      %scan3A_308 = arith.constant 0 : i32
      %scan3A_309 = arith.constant 512 : i32
      %scan3A_310 = arith.addi %scan3A_308, %scan3A_309 : i32
      %scan3A_311 = arith.constant 1 : i32
      scf.for %scan3A_317 = %scan3A_308 to %scan3A_310 step %scan3A_311  : i32 {
        %get3A = arith.index_cast %scan3A_317 : i32 to index
        %get3A_318 = arith.constant 0 : index
        %get3A_319 = tpu.vector_load %arg9[%get3A, %get3A_318] {strides = array<i32>} : memref<512x64xf32, #tpu.memory_space<vmem>>, vector<1x16xf32>,
        %get3A_320 = vector.shape_cast %get3A_319 : vector<1x16xf32> to vector<16xf32>
        %get3A_321 = arith.index_cast %scan3A_317 : i32 to index
        %get3A_322 = arith.constant 0 : index
        %get3A_323 = tpu.vector_load %arg10[%get3A_321, %get3A_322] {strides = array<i32>} : memref<512x64xf32, #tpu.memory_space<vmem>>, vector<1x16xf32>,
        %get3A_324 = vector.shape_cast %get3A_323 : vector<1x16xf32> to vector<16xf32>
        %add3A_325 = arith.addf %get3A_320, %get3A_324 : vector<16xf32>
        %max3A = arith.constant 0.000000e+00 : f32
        %max3A_326 = vector.broadcast %max3A : f32 to vector<16xf32>
        %max3A_327 = arith.maximumf %add3A_325, %max3A_326 : vector<16xf32>
        %swap3A = arith.index_cast %scan3A_317 : i32 to index
        %swap3A_328 = arith.constant 0 : index
        %swap3A_329 = tpu.vector_load %arg9[%swap3A, %swap3A_328] {strides = array<i32>} : memref<512x64xf32, #tpu.memory_space<vmem>>, vector<1x16xf32>,
        %swap3A_330 = vector.shape_cast %swap3A_329 : vector<1x16xf32> to vector<16xf32>
        %swap3A_331 = vector.shape_cast %max3A_327 : vector<16xf32> to vector<1x16xf32>
        tpu.vector_store %arg9[%swap3A, %swap3A_328], %swap3A_331 {strides = array<i32>} : memref<512x64xf32, #tpu.memory_space<vmem>>, vector<1x16xf32>,
        %get3A_332 = arith.index_cast %scan3A_317 : i32 to index
        %get3A_333 = arith.constant 16 : index
        %get3A_334 = tpu.vector_load %arg9[%get3A_332, %get3A_333] {strides = array<i32>} : memref<512x64xf32, #tpu.memory_space<vmem>>, vector<1x16xf32>,
        %get3A_335 = vector.shape_cast %get3A_334 : vector<1x16xf32> to vector<16xf32>
        %get3A_336 = arith.index_cast %scan3A_317 : i32 to index
        %get3A_337 = arith.constant 16 : index
        %get3A_338 = tpu.vector_load %arg10[%get3A_336, %get3A_337] {strides = array<i32>} : memref<512x64xf32, #tpu.memory_space<vmem>>, vector<1x16xf32>,
        %get3A_339 = vector.shape_cast %get3A_338 : vector<1x16xf32> to vector<16xf32>
        %add3A_340 = arith.addf %get3A_335, %get3A_339 : vector<16xf32>
        %max3A_341 = arith.constant 0.000000e+00 : f32
        %max3A_342 = vector.broadcast %max3A_341 : f32 to vector<16xf32>
        %max3A_343 = arith.maximumf %add3A_340, %max3A_342 : vector<16xf32>
        %swap3A_344 = arith.index_cast %scan3A_317 : i32 to index
        %swap3A_345 = arith.constant 16 : index
        %swap3A_346 = tpu.vector_load %arg9[%swap3A_344, %swap3A_345] {strides = array<i32>} : memref<512x64xf32, #tpu.memory_space<vmem>>, vector<1x16xf32>,
        %swap3A_347 = vector.shape_cast %swap3A_346 : vector<1x16xf32> to vector<16xf32>
        %swap3A_348 = vector.shape_cast %max3A_343 : vector<16xf32> to vector<1x16xf32>
        tpu.vector_store %arg9[%swap3A_344, %swap3A_345], %swap3A_348 {strides = array<i32>} : memref<512x64xf32, #tpu.memory_space<vmem>>, vector<1x16xf32>,
        %get3A_349 = arith.index_cast %scan3A_317 : i32 to index
        %get3A_350 = arith.constant 32 : index
        %get3A_351 = tpu.vector_load %arg9[%get3A_349, %get3A_350] {strides = array<i32>} : memref<512x64xf32, #tpu.memory_space<vmem>>, vector<1x16xf32>,
        %get3A_352 = vector.shape_cast %get3A_351 : vector<1x16xf32> to vector<16xf32>
        %get3A_353 = arith.index_cast %scan3A_317 : i32 to index
        %get3A_354 = arith.constant 32 : index
        %get3A_355 = tpu.vector_load %arg10[%get3A_353, %get3A_354] {strides = array<i32>} : memref<512x64xf32, #tpu.memory_space<vmem>>, vector<1x16xf32>,
        %get3A_356 = vector.shape_cast %get3A_355 : vector<1x16xf32> to vector<16xf32>
        %add3A_357 = arith.addf %get3A_352, %get3A_356 : vector<16xf32>
        %max3A_358 = arith.constant 0.000000e+00 : f32
        %max3A_359 = vector.broadcast %max3A_358 : f32 to vector<16xf32>
        %max3A_360 = arith.maximumf %add3A_357, %max3A_359 : vector<16xf32>
        %swap3A_361 = arith.index_cast %scan3A_317 : i32 to index
        %swap3A_362 = arith.constant 32 : index
        %swap3A_363 = tpu.vector_load %arg9[%swap3A_361, %swap3A_362] {strides = array<i32>} : memref<512x64xf32, #tpu.memory_space<vmem>>, vector<1x16xf32>,
        %swap3A_364 = vector.shape_cast %swap3A_363 : vector<1x16xf32> to vector<16xf32>
        %swap3A_365 = vector.shape_cast %max3A_360 : vector<16xf32> to vector<1x16xf32>
        tpu.vector_store %arg9[%swap3A_361, %swap3A_362], %swap3A_365 {strides = array<i32>} : memref<512x64xf32, #tpu.memory_space<vmem>>, vector<1x16xf32>,
        %get3A_366 = arith.index_cast %scan3A_317 : i32 to index
        %get3A_367 = arith.constant 48 : index
        %get3A_368 = tpu.vector_load %arg9[%get3A_366, %get3A_367] {strides = array<i32>} : memref<512x64xf32, #tpu.memory_space<vmem>>, vector<1x16xf32>,
        %get3A_369 = vector.shape_cast %get3A_368 : vector<1x16xf32> to vector<16xf32>
        %get3A_370 = arith.index_cast %scan3A_317 : i32 to index
        %get3A_371 = arith.constant 48 : index
        %get3A_372 = tpu.vector_load %arg10[%get3A_370, %get3A_371] {strides = array<i32>} : memref<512x64xf32, #tpu.memory_space<vmem>>, vector<1x16xf32>,
        %get3A_373 = vector.shape_cast %get3A_372 : vector<1x16xf32> to vector<16xf32>
        %add3A_374 = arith.addf %get3A_369, %get3A_373 : vector<16xf32>
        %max3A_375 = arith.constant 0.000000e+00 : f32
        %max3A_376 = vector.broadcast %max3A_375 : f32 to vector<16xf32>
        %max3A_377 = arith.maximumf %add3A_374, %max3A_376 : vector<16xf32>
        %swap3A_378 = arith.index_cast %scan3A_317 : i32 to index
        %swap3A_379 = arith.constant 48 : index
        %swap3A_380 = tpu.vector_load %arg9[%swap3A_378, %swap3A_379] {strides = array<i32>} : memref<512x64xf32, #tpu.memory_space<vmem>>, vector<1x16xf32>,
        %swap3A_381 = vector.shape_cast %swap3A_380 : vector<1x16xf32> to vector<16xf32>
        %swap3A_382 = vector.shape_cast %max3A_377 : vector<16xf32> to vector<1x16xf32>
        tpu.vector_store %arg9[%swap3A_378, %swap3A_379], %swap3A_382 {strides = array<i32>} : memref<512x64xf32, #tpu.memory_space<vmem>>, vector<1x16xf32>,
      }
      %scan3A_312 = arith.constant 512 : i32
      %run_scoped3A_313 = arith.constant 4 : i32
      "tpu.region"() ({
        %run_scoped3A_317 = tpu.sem_alloc : memref<!tpu.dma_semaphore, #tpu.memory_space<semaphore_mem>>
        %dma_start3A_318 = arith.constant 0 : i32
        %dma_start3A_319 = arith.constant 0 : i32
        %dma_start3A_320 = tpu.memref_slice %arg9[%dma_start3A_318, %dma_start3A_319] : memref<512x64xf32, #tpu.memory_space<vmem>> -> memref<128x64xf32, #tpu.memory_space<vmem>>
        %dma_start3A_321 = arith.constant 0 : i32
        %dma_start3A_322 = tpu.memref_slice %arg8[%run_scoped3A_313, %dma_start3A_321] : memref<8x128xi32, #tpu.memory_space<vmem>> -> memref<1x128xi32, #tpu.memory_space<vmem>>
        %dma_start3A_323 = tpu.memref_squeeze %dma_start3A_322 : memref<1x128xi32, #tpu.memory_space<vmem>> -> memref<128xi32, #tpu.memory_space<vmem>>
        %dma_start3A_324 = arith.constant 0 : i32
        %dma_start3A_325 = arith.constant 0 : i32
        %dma_start3A_326 = tpu.memref_slice %arg12[%dma_start3A_324, %dma_start3A_325] : memref<10240x64xf32, #tpu.memory_space<vmem_shared>> -> memref<10240x64xf32, #tpu.memory_space<vmem_shared>>
        tpu.enqueue_indirect_dma source(%dma_start3A_320 : memref<128x64xf32, #tpu.memory_space<vmem>>) target(%dma_start3A_326 : memref<10240x64xf32, #tpu.memory_space<vmem_shared>>) offsets(%dma_start3A_323 : memref<128xi32, #tpu.memory_space<vmem>>) semaphore(%run_scoped3A_317 : memref<!tpu.dma_semaphore, #tpu.memory_space<semaphore_mem>>) {add = true}
        %dma_wait3A_327 = arith.constant 0 : i32
        %dma_wait3A_328 = arith.constant 0 : i32
        %dma_wait3A_329 = tpu.memref_slice %arg9[%dma_wait3A_327, %dma_wait3A_328] : memref<512x64xf32, #tpu.memory_space<vmem>> -> memref<128x64xf32, #tpu.memory_space<vmem>>
        %dma_wait3A_330 = arith.constant 0 : i32
        %dma_wait3A_331 = tpu.memref_slice %arg8[%run_scoped3A_313, %dma_wait3A_330] : memref<8x128xi32, #tpu.memory_space<vmem>> -> memref<1x128xi32, #tpu.memory_space<vmem>>
        %dma_wait3A_332 = tpu.memref_squeeze %dma_wait3A_331 : memref<1x128xi32, #tpu.memory_space<vmem>> -> memref<128xi32, #tpu.memory_space<vmem>>
        %dma_wait3A_333 = arith.constant 0 : i32
        %dma_wait3A_334 = arith.constant 0 : i32
        %dma_wait3A_335 = tpu.memref_slice %arg12[%dma_wait3A_333, %dma_wait3A_334] : memref<10240x64xf32, #tpu.memory_space<vmem_shared>> -> memref<10240x64xf32, #tpu.memory_space<vmem_shared>>
        tpu.wait_indirect_dma semaphore(%run_scoped3A_317 : memref<!tpu.dma_semaphore, #tpu.memory_space<semaphore_mem>>) src(%dma_wait3A_329 : memref<128x64xf32, #tpu.memory_space<vmem>>) dst(%dma_wait3A_335 : memref<10240x64xf32, #tpu.memory_space<vmem_shared>>)
        tpu.yield
      }) : () -> ()
      %run_scoped3A_314 = arith.constant 5 : i32
      "tpu.region"() ({
        %run_scoped3A_317 = tpu.sem_alloc : memref<!tpu.dma_semaphore, #tpu.memory_space<semaphore_mem>>
        %dma_start3A_318 = arith.constant 128 : i32
        %dma_start3A_319 = arith.constant 0 : i32
        %dma_start3A_320 = tpu.memref_slice %arg9[%dma_start3A_318, %dma_start3A_319] : memref<512x64xf32, #tpu.memory_space<vmem>> -> memref<128x64xf32, #tpu.memory_space<vmem>>
        %dma_start3A_321 = arith.constant 0 : i32
        %dma_start3A_322 = tpu.memref_slice %arg8[%run_scoped3A_314, %dma_start3A_321] : memref<8x128xi32, #tpu.memory_space<vmem>> -> memref<1x128xi32, #tpu.memory_space<vmem>>
        %dma_start3A_323 = tpu.memref_squeeze %dma_start3A_322 : memref<1x128xi32, #tpu.memory_space<vmem>> -> memref<128xi32, #tpu.memory_space<vmem>>
        %dma_start3A_324 = arith.constant 0 : i32
        %dma_start3A_325 = arith.constant 0 : i32
        %dma_start3A_326 = tpu.memref_slice %arg12[%dma_start3A_324, %dma_start3A_325] : memref<10240x64xf32, #tpu.memory_space<vmem_shared>> -> memref<10240x64xf32, #tpu.memory_space<vmem_shared>>
        tpu.enqueue_indirect_dma source(%dma_start3A_320 : memref<128x64xf32, #tpu.memory_space<vmem>>) target(%dma_start3A_326 : memref<10240x64xf32, #tpu.memory_space<vmem_shared>>) offsets(%dma_start3A_323 : memref<128xi32, #tpu.memory_space<vmem>>) semaphore(%run_scoped3A_317 : memref<!tpu.dma_semaphore, #tpu.memory_space<semaphore_mem>>) {add = true}
        %dma_wait3A_327 = arith.constant 128 : i32
        %dma_wait3A_328 = arith.constant 0 : i32
        %dma_wait3A_329 = tpu.memref_slice %arg9[%dma_wait3A_327, %dma_wait3A_328] : memref<512x64xf32, #tpu.memory_space<vmem>> -> memref<128x64xf32, #tpu.memory_space<vmem>>
        %dma_wait3A_330 = arith.constant 0 : i32
        %dma_wait3A_331 = tpu.memref_slice %arg8[%run_scoped3A_314, %dma_wait3A_330] : memref<8x128xi32, #tpu.memory_space<vmem>> -> memref<1x128xi32, #tpu.memory_space<vmem>>
        %dma_wait3A_332 = tpu.memref_squeeze %dma_wait3A_331 : memref<1x128xi32, #tpu.memory_space<vmem>> -> memref<128xi32, #tpu.memory_space<vmem>>
        %dma_wait3A_333 = arith.constant 0 : i32
        %dma_wait3A_334 = arith.constant 0 : i32
        %dma_wait3A_335 = tpu.memref_slice %arg12[%dma_wait3A_333, %dma_wait3A_334] : memref<10240x64xf32, #tpu.memory_space<vmem_shared>> -> memref<10240x64xf32, #tpu.memory_space<vmem_shared>>
        tpu.wait_indirect_dma semaphore(%run_scoped3A_317 : memref<!tpu.dma_semaphore, #tpu.memory_space<semaphore_mem>>) src(%dma_wait3A_329 : memref<128x64xf32, #tpu.memory_space<vmem>>) dst(%dma_wait3A_335 : memref<10240x64xf32, #tpu.memory_space<vmem_shared>>)
        tpu.yield
      }) : () -> ()
      %run_scoped3A_315 = arith.constant 6 : i32
      "tpu.region"() ({
        %run_scoped3A_317 = tpu.sem_alloc : memref<!tpu.dma_semaphore, #tpu.memory_space<semaphore_mem>>
        %dma_start3A_318 = arith.constant 256 : i32
        %dma_start3A_319 = arith.constant 0 : i32
        %dma_start3A_320 = tpu.memref_slice %arg9[%dma_start3A_318, %dma_start3A_319] : memref<512x64xf32, #tpu.memory_space<vmem>> -> memref<128x64xf32, #tpu.memory_space<vmem>>
        %dma_start3A_321 = arith.constant 0 : i32
        %dma_start3A_322 = tpu.memref_slice %arg8[%run_scoped3A_315, %dma_start3A_321] : memref<8x128xi32, #tpu.memory_space<vmem>> -> memref<1x128xi32, #tpu.memory_space<vmem>>
        %dma_start3A_323 = tpu.memref_squeeze %dma_start3A_322 : memref<1x128xi32, #tpu.memory_space<vmem>> -> memref<128xi32, #tpu.memory_space<vmem>>
        %dma_start3A_324 = arith.constant 0 : i32
        %dma_start3A_325 = arith.constant 0 : i32
        %dma_start3A_326 = tpu.memref_slice %arg12[%dma_start3A_324, %dma_start3A_325] : memref<10240x64xf32, #tpu.memory_space<vmem_shared>> -> memref<10240x64xf32, #tpu.memory_space<vmem_shared>>
        tpu.enqueue_indirect_dma source(%dma_start3A_320 : memref<128x64xf32, #tpu.memory_space<vmem>>) target(%dma_start3A_326 : memref<10240x64xf32, #tpu.memory_space<vmem_shared>>) offsets(%dma_start3A_323 : memref<128xi32, #tpu.memory_space<vmem>>) semaphore(%run_scoped3A_317 : memref<!tpu.dma_semaphore, #tpu.memory_space<semaphore_mem>>) {add = true}
        %dma_wait3A_327 = arith.constant 256 : i32
        %dma_wait3A_328 = arith.constant 0 : i32
        %dma_wait3A_329 = tpu.memref_slice %arg9[%dma_wait3A_327, %dma_wait3A_328] : memref<512x64xf32, #tpu.memory_space<vmem>> -> memref<128x64xf32, #tpu.memory_space<vmem>>
        %dma_wait3A_330 = arith.constant 0 : i32
        %dma_wait3A_331 = tpu.memref_slice %arg8[%run_scoped3A_315, %dma_wait3A_330] : memref<8x128xi32, #tpu.memory_space<vmem>> -> memref<1x128xi32, #tpu.memory_space<vmem>>
        %dma_wait3A_332 = tpu.memref_squeeze %dma_wait3A_331 : memref<1x128xi32, #tpu.memory_space<vmem>> -> memref<128xi32, #tpu.memory_space<vmem>>
        %dma_wait3A_333 = arith.constant 0 : i32
        %dma_wait3A_334 = arith.constant 0 : i32
        %dma_wait3A_335 = tpu.memref_slice %arg12[%dma_wait3A_333, %dma_wait3A_334] : memref<10240x64xf32, #tpu.memory_space<vmem_shared>> -> memref<10240x64xf32, #tpu.memory_space<vmem_shared>>
        tpu.wait_indirect_dma semaphore(%run_scoped3A_317 : memref<!tpu.dma_semaphore, #tpu.memory_space<semaphore_mem>>) src(%dma_wait3A_329 : memref<128x64xf32, #tpu.memory_space<vmem>>) dst(%dma_wait3A_335 : memref<10240x64xf32, #tpu.memory_space<vmem_shared>>)
        tpu.yield
      }) : () -> ()
      %run_scoped3A_316 = arith.constant 7 : i32
      "tpu.region"() ({
        %run_scoped3A_317 = tpu.sem_alloc : memref<!tpu.dma_semaphore, #tpu.memory_space<semaphore_mem>>
        %dma_start3A_318 = arith.constant 384 : i32
        %dma_start3A_319 = arith.constant 0 : i32
        %dma_start3A_320 = tpu.memref_slice %arg9[%dma_start3A_318, %dma_start3A_319] : memref<512x64xf32, #tpu.memory_space<vmem>> -> memref<128x64xf32, #tpu.memory_space<vmem>>
        %dma_start3A_321 = arith.constant 0 : i32
        %dma_start3A_322 = tpu.memref_slice %arg8[%run_scoped3A_316, %dma_start3A_321] : memref<8x128xi32, #tpu.memory_space<vmem>> -> memref<1x128xi32, #tpu.memory_space<vmem>>
        %dma_start3A_323 = tpu.memref_squeeze %dma_start3A_322 : memref<1x128xi32, #tpu.memory_space<vmem>> -> memref<128xi32, #tpu.memory_space<vmem>>
        %dma_start3A_324 = arith.constant 0 : i32
        %dma_start3A_325 = arith.constant 0 : i32
        %dma_start3A_326 = tpu.memref_slice %arg12[%dma_start3A_324, %dma_start3A_325] : memref<10240x64xf32, #tpu.memory_space<vmem_shared>> -> memref<10240x64xf32, #tpu.memory_space<vmem_shared>>
        tpu.enqueue_indirect_dma source(%dma_start3A_320 : memref<128x64xf32, #tpu.memory_space<vmem>>) target(%dma_start3A_326 : memref<10240x64xf32, #tpu.memory_space<vmem_shared>>) offsets(%dma_start3A_323 : memref<128xi32, #tpu.memory_space<vmem>>) semaphore(%run_scoped3A_317 : memref<!tpu.dma_semaphore, #tpu.memory_space<semaphore_mem>>) {add = true}
        %dma_wait3A_327 = arith.constant 384 : i32
        %dma_wait3A_328 = arith.constant 0 : i32
        %dma_wait3A_329 = tpu.memref_slice %arg9[%dma_wait3A_327, %dma_wait3A_328] : memref<512x64xf32, #tpu.memory_space<vmem>> -> memref<128x64xf32, #tpu.memory_space<vmem>>
        %dma_wait3A_330 = arith.constant 0 : i32
        %dma_wait3A_331 = tpu.memref_slice %arg8[%run_scoped3A_316, %dma_wait3A_330] : memref<8x128xi32, #tpu.memory_space<vmem>> -> memref<1x128xi32, #tpu.memory_space<vmem>>
        %dma_wait3A_332 = tpu.memref_squeeze %dma_wait3A_331 : memref<1x128xi32, #tpu.memory_space<vmem>> -> memref<128xi32, #tpu.memory_space<vmem>>
        %dma_wait3A_333 = arith.constant 0 : i32
        %dma_wait3A_334 = arith.constant 0 : i32
        %dma_wait3A_335 = tpu.memref_slice %arg12[%dma_wait3A_333, %dma_wait3A_334] : memref<10240x64xf32, #tpu.memory_space<vmem_shared>> -> memref<10240x64xf32, #tpu.memory_space<vmem_shared>>
        tpu.wait_indirect_dma semaphore(%run_scoped3A_317 : memref<!tpu.dma_semaphore, #tpu.memory_space<semaphore_mem>>) src(%dma_wait3A_329 : memref<128x64xf32, #tpu.memory_space<vmem>>) dst(%dma_wait3A_335 : memref<10240x64xf32, #tpu.memory_space<vmem_shared>>)
        tpu.yield
      }) : () -> ()
    }
    %scan3A_32 = arith.constant 20 : i32
    %barrier3A_33 = arith.constant 0 : index
    tpu.barrier barrier_id(%barrier3A_33)
    %mul3A_34 = arith.constant 640 : i32
    %mul3A_35 = arith.muli %arg1, %mul3A_34 : i32
    %add3A_36 = arith.constant 0 : i32
    %add3A_37 = arith.addi %mul3A_35, %add3A_36 : i32
    %multiple_of3A_38 = tpu.assume_multiple %add3A_37, 8 : i32
    "tpu.region"() ({
      %run_scoped3A = tpu.sem_alloc : memref<!tpu.dma_semaphore, #tpu.memory_space<semaphore_mem>>
      %dma_start3A = arith.constant 0 : i32
      %dma_start3A_59 = tpu.memref_slice %arg12[%multiple_of3A_38, %dma_start3A] : memref<10240x64xf32, #tpu.memory_space<vmem_shared>> -> memref<128x64xf32, #tpu.memory_space<vmem_shared>>
      %dma_start3A_60 = arith.constant 0 : i32
      %dma_start3A_61 = tpu.memref_slice %arg12[%multiple_of3A_38, %dma_start3A_60] : memref<10240x64xf32, #tpu.memory_space<vmem_shared>> -> memref<128x64xf32, #tpu.memory_space<vmem_shared>>
      tpu.enqueue_dma source(%dma_start3A_61 : memref<128x64xf32, #tpu.memory_space<vmem_shared>>) target(%arg11 : memref<128x64xf32, #tpu.memory_space<vmem>>) target_semaphore(%run_scoped3A : memref<!tpu.dma_semaphore, #tpu.memory_space<semaphore_mem>>)
      %dma_wait3A = arith.constant 0 : i32
      %dma_wait3A_62 = tpu.memref_slice %arg12[%multiple_of3A_38, %dma_wait3A] : memref<10240x64xf32, #tpu.memory_space<vmem_shared>> -> memref<128x64xf32, #tpu.memory_space<vmem_shared>>
      %dma_wait3A_63 = arith.constant 0 : i32
      %dma_wait3A_64 = tpu.memref_slice %arg12[%multiple_of3A_38, %dma_wait3A_63] : memref<10240x64xf32, #tpu.memory_space<vmem_shared>> -> memref<128x64xf32, #tpu.memory_space<vmem_shared>>
      tpu.wait_dma2 semaphore(%run_scoped3A : memref<!tpu.dma_semaphore, #tpu.memory_space<semaphore_mem>>) src(%dma_wait3A_64 : memref<128x64xf32, #tpu.memory_space<vmem_shared>>) dst(%arg11 : memref<128x64xf32, #tpu.memory_space<vmem>>)
      tpu.yield
    }) : () -> ()
    "tpu.region"() ({
      %run_scoped3A = tpu.sem_alloc : memref<!tpu.dma_semaphore, #tpu.memory_space<semaphore_mem>>
      %dma_start3A = arith.constant 0 : i32
      %dma_start3A_59 = tpu.memref_slice %arg6[%arg0, %multiple_of3A_38, %dma_start3A] : memref<2x10240x64xf32, #tpu.memory_space<hbm>> -> memref<1x128x64xf32, #tpu.memory_space<hbm>>
      %dma_start3A_60 = tpu.memref_squeeze %dma_start3A_59 : memref<1x128x64xf32, #tpu.memory_space<hbm>> -> memref<128x64xf32, #tpu.memory_space<hbm>>
      %dma_start3A_61 = arith.constant 0 : i32
      %dma_start3A_62 = tpu.memref_slice %arg6[%arg0, %multiple_of3A_38, %dma_start3A_61] : memref<2x10240x64xf32, #tpu.memory_space<hbm>> -> memref<1x128x64xf32, #tpu.memory_space<hbm>>
      %dma_start3A_63 = tpu.memref_squeeze %dma_start3A_62 : memref<1x128x64xf32, #tpu.memory_space<hbm>> -> memref<128x64xf32, #tpu.memory_space<hbm>>
      tpu.enqueue_dma source(%arg11 : memref<128x64xf32, #tpu.memory_space<vmem>>) target(%dma_start3A_63 : memref<128x64xf32, #tpu.memory_space<hbm>>) target_semaphore(%run_scoped3A : memref<!tpu.dma_semaphore, #tpu.memory_space<semaphore_mem>>)
      %dma_wait3A = arith.constant 0 : i32
      %dma_wait3A_64 = tpu.memref_slice %arg6[%arg0, %multiple_of3A_38, %dma_wait3A] : memref<2x10240x64xf32, #tpu.memory_space<hbm>> -> memref<1x128x64xf32, #tpu.memory_space<hbm>>
      %dma_wait3A_65 = tpu.memref_squeeze %dma_wait3A_64 : memref<1x128x64xf32, #tpu.memory_space<hbm>> -> memref<128x64xf32, #tpu.memory_space<hbm>>
      %dma_wait3A_66 = arith.constant 0 : i32
      %dma_wait3A_67 = tpu.memref_slice %arg6[%arg0, %multiple_of3A_38, %dma_wait3A_66] : memref<2x10240x64xf32, #tpu.memory_space<hbm>> -> memref<1x128x64xf32, #tpu.memory_space<hbm>>
      %dma_wait3A_68 = tpu.memref_squeeze %dma_wait3A_67 : memref<1x128x64xf32, #tpu.memory_space<hbm>> -> memref<128x64xf32, #tpu.memory_space<hbm>>
      tpu.wait_dma2 semaphore(%run_scoped3A : memref<!tpu.dma_semaphore, #tpu.memory_space<semaphore_mem>>) src(%arg11 : memref<128x64xf32, #tpu.memory_space<vmem>>) dst(%dma_wait3A_68 : memref<128x64xf32, #tpu.memory_space<hbm>>)
      tpu.yield
    }) : () -> ()
    %mul3A_39 = arith.constant 640 : i32
    %mul3A_40 = arith.muli %arg1, %mul3A_39 : i32
    %add3A_41 = arith.constant 128 : i32
    %add3A_42 = arith.addi %mul3A_40, %add3A_41 : i32
    %multiple_of3A_43 = tpu.assume_multiple %add3A_42, 8 : i32
    "tpu.region"() ({
      %run_scoped3A = tpu.sem_alloc : memref<!tpu.dma_semaphore, #tpu.memory_space<semaphore_mem>>
      %dma_start3A = arith.constant 0 : i32
      %dma_start3A_59 = tpu.memref_slice %arg12[%multiple_of3A_43, %dma_start3A] : memref<10240x64xf32, #tpu.memory_space<vmem_shared>> -> memref<128x64xf32, #tpu.memory_space<vmem_shared>>
      %dma_start3A_60 = arith.constant 0 : i32
      %dma_start3A_61 = tpu.memref_slice %arg12[%multiple_of3A_43, %dma_start3A_60] : memref<10240x64xf32, #tpu.memory_space<vmem_shared>> -> memref<128x64xf32, #tpu.memory_space<vmem_shared>>
      tpu.enqueue_dma source(%dma_start3A_61 : memref<128x64xf32, #tpu.memory_space<vmem_shared>>) target(%arg11 : memref<128x64xf32, #tpu.memory_space<vmem>>) target_semaphore(%run_scoped3A : memref<!tpu.dma_semaphore, #tpu.memory_space<semaphore_mem>>)
      %dma_wait3A = arith.constant 0 : i32
      %dma_wait3A_62 = tpu.memref_slice %arg12[%multiple_of3A_43, %dma_wait3A] : memref<10240x64xf32, #tpu.memory_space<vmem_shared>> -> memref<128x64xf32, #tpu.memory_space<vmem_shared>>
      %dma_wait3A_63 = arith.constant 0 : i32
      %dma_wait3A_64 = tpu.memref_slice %arg12[%multiple_of3A_43, %dma_wait3A_63] : memref<10240x64xf32, #tpu.memory_space<vmem_shared>> -> memref<128x64xf32, #tpu.memory_space<vmem_shared>>
      tpu.wait_dma2 semaphore(%run_scoped3A : memref<!tpu.dma_semaphore, #tpu.memory_space<semaphore_mem>>) src(%dma_wait3A_64 : memref<128x64xf32, #tpu.memory_space<vmem_shared>>) dst(%arg11 : memref<128x64xf32, #tpu.memory_space<vmem>>)
      tpu.yield
    }) : () -> ()
    "tpu.region"() ({
      %run_scoped3A = tpu.sem_alloc : memref<!tpu.dma_semaphore, #tpu.memory_space<semaphore_mem>>
      %dma_start3A = arith.constant 0 : i32
      %dma_start3A_59 = tpu.memref_slice %arg6[%arg0, %multiple_of3A_43, %dma_start3A] : memref<2x10240x64xf32, #tpu.memory_space<hbm>> -> memref<1x128x64xf32, #tpu.memory_space<hbm>>
      %dma_start3A_60 = tpu.memref_squeeze %dma_start3A_59 : memref<1x128x64xf32, #tpu.memory_space<hbm>> -> memref<128x64xf32, #tpu.memory_space<hbm>>
      %dma_start3A_61 = arith.constant 0 : i32
      %dma_start3A_62 = tpu.memref_slice %arg6[%arg0, %multiple_of3A_43, %dma_start3A_61] : memref<2x10240x64xf32, #tpu.memory_space<hbm>> -> memref<1x128x64xf32, #tpu.memory_space<hbm>>
      %dma_start3A_63 = tpu.memref_squeeze %dma_start3A_62 : memref<1x128x64xf32, #tpu.memory_space<hbm>> -> memref<128x64xf32, #tpu.memory_space<hbm>>
      tpu.enqueue_dma source(%arg11 : memref<128x64xf32, #tpu.memory_space<vmem>>) target(%dma_start3A_63 : memref<128x64xf32, #tpu.memory_space<hbm>>) target_semaphore(%run_scoped3A : memref<!tpu.dma_semaphore, #tpu.memory_space<semaphore_mem>>)
      %dma_wait3A = arith.constant 0 : i32
      %dma_wait3A_64 = tpu.memref_slice %arg6[%arg0, %multiple_of3A_43, %dma_wait3A] : memref<2x10240x64xf32, #tpu.memory_space<hbm>> -> memref<1x128x64xf32, #tpu.memory_space<hbm>>
      %dma_wait3A_65 = tpu.memref_squeeze %dma_wait3A_64 : memref<1x128x64xf32, #tpu.memory_space<hbm>> -> memref<128x64xf32, #tpu.memory_space<hbm>>
      %dma_wait3A_66 = arith.constant 0 : i32
      %dma_wait3A_67 = tpu.memref_slice %arg6[%arg0, %multiple_of3A_43, %dma_wait3A_66] : memref<2x10240x64xf32, #tpu.memory_space<hbm>> -> memref<1x128x64xf32, #tpu.memory_space<hbm>>
      %dma_wait3A_68 = tpu.memref_squeeze %dma_wait3A_67 : memref<1x128x64xf32, #tpu.memory_space<hbm>> -> memref<128x64xf32, #tpu.memory_space<hbm>>
      tpu.wait_dma2 semaphore(%run_scoped3A : memref<!tpu.dma_semaphore, #tpu.memory_space<semaphore_mem>>) src(%arg11 : memref<128x64xf32, #tpu.memory_space<vmem>>) dst(%dma_wait3A_68 : memref<128x64xf32, #tpu.memory_space<hbm>>)
      tpu.yield
    }) : () -> ()
    %mul3A_44 = arith.constant 640 : i32
    %mul3A_45 = arith.muli %arg1, %mul3A_44 : i32
    %add3A_46 = arith.constant 256 : i32
    %add3A_47 = arith.addi %mul3A_45, %add3A_46 : i32
    %multiple_of3A_48 = tpu.assume_multiple %add3A_47, 8 : i32
    "tpu.region"() ({
      %run_scoped3A = tpu.sem_alloc : memref<!tpu.dma_semaphore, #tpu.memory_space<semaphore_mem>>
      %dma_start3A = arith.constant 0 : i32
      %dma_start3A_59 = tpu.memref_slice %arg12[%multiple_of3A_48, %dma_start3A] : memref<10240x64xf32, #tpu.memory_space<vmem_shared>> -> memref<128x64xf32, #tpu.memory_space<vmem_shared>>
      %dma_start3A_60 = arith.constant 0 : i32
      %dma_start3A_61 = tpu.memref_slice %arg12[%multiple_of3A_48, %dma_start3A_60] : memref<10240x64xf32, #tpu.memory_space<vmem_shared>> -> memref<128x64xf32, #tpu.memory_space<vmem_shared>>
      tpu.enqueue_dma source(%dma_start3A_61 : memref<128x64xf32, #tpu.memory_space<vmem_shared>>) target(%arg11 : memref<128x64xf32, #tpu.memory_space<vmem>>) target_semaphore(%run_scoped3A : memref<!tpu.dma_semaphore, #tpu.memory_space<semaphore_mem>>)
      %dma_wait3A = arith.constant 0 : i32
      %dma_wait3A_62 = tpu.memref_slice %arg12[%multiple_of3A_48, %dma_wait3A] : memref<10240x64xf32, #tpu.memory_space<vmem_shared>> -> memref<128x64xf32, #tpu.memory_space<vmem_shared>>
      %dma_wait3A_63 = arith.constant 0 : i32
      %dma_wait3A_64 = tpu.memref_slice %arg12[%multiple_of3A_48, %dma_wait3A_63] : memref<10240x64xf32, #tpu.memory_space<vmem_shared>> -> memref<128x64xf32, #tpu.memory_space<vmem_shared>>
      tpu.wait_dma2 semaphore(%run_scoped3A : memref<!tpu.dma_semaphore, #tpu.memory_space<semaphore_mem>>) src(%dma_wait3A_64 : memref<128x64xf32, #tpu.memory_space<vmem_shared>>) dst(%arg11 : memref<128x64xf32, #tpu.memory_space<vmem>>)
      tpu.yield
    }) : () -> ()
    "tpu.region"() ({
      %run_scoped3A = tpu.sem_alloc : memref<!tpu.dma_semaphore, #tpu.memory_space<semaphore_mem>>
      %dma_start3A = arith.constant 0 : i32
      %dma_start3A_59 = tpu.memref_slice %arg6[%arg0, %multiple_of3A_48, %dma_start3A] : memref<2x10240x64xf32, #tpu.memory_space<hbm>> -> memref<1x128x64xf32, #tpu.memory_space<hbm>>
      %dma_start3A_60 = tpu.memref_squeeze %dma_start3A_59 : memref<1x128x64xf32, #tpu.memory_space<hbm>> -> memref<128x64xf32, #tpu.memory_space<hbm>>
      %dma_start3A_61 = arith.constant 0 : i32
      %dma_start3A_62 = tpu.memref_slice %arg6[%arg0, %multiple_of3A_48, %dma_start3A_61] : memref<2x10240x64xf32, #tpu.memory_space<hbm>> -> memref<1x128x64xf32, #tpu.memory_space<hbm>>
      %dma_start3A_63 = tpu.memref_squeeze %dma_start3A_62 : memref<1x128x64xf32, #tpu.memory_space<hbm>> -> memref<128x64xf32, #tpu.memory_space<hbm>>
      tpu.enqueue_dma source(%arg11 : memref<128x64xf32, #tpu.memory_space<vmem>>) target(%dma_start3A_63 : memref<128x64xf32, #tpu.memory_space<hbm>>) target_semaphore(%run_scoped3A : memref<!tpu.dma_semaphore, #tpu.memory_space<semaphore_mem>>)
      %dma_wait3A = arith.constant 0 : i32
      %dma_wait3A_64 = tpu.memref_slice %arg6[%arg0, %multiple_of3A_48, %dma_wait3A] : memref<2x10240x64xf32, #tpu.memory_space<hbm>> -> memref<1x128x64xf32, #tpu.memory_space<hbm>>
      %dma_wait3A_65 = tpu.memref_squeeze %dma_wait3A_64 : memref<1x128x64xf32, #tpu.memory_space<hbm>> -> memref<128x64xf32, #tpu.memory_space<hbm>>
      %dma_wait3A_66 = arith.constant 0 : i32
      %dma_wait3A_67 = tpu.memref_slice %arg6[%arg0, %multiple_of3A_48, %dma_wait3A_66] : memref<2x10240x64xf32, #tpu.memory_space<hbm>> -> memref<1x128x64xf32, #tpu.memory_space<hbm>>
      %dma_wait3A_68 = tpu.memref_squeeze %dma_wait3A_67 : memref<1x128x64xf32, #tpu.memory_space<hbm>> -> memref<128x64xf32, #tpu.memory_space<hbm>>
      tpu.wait_dma2 semaphore(%run_scoped3A : memref<!tpu.dma_semaphore, #tpu.memory_space<semaphore_mem>>) src(%arg11 : memref<128x64xf32, #tpu.memory_space<vmem>>) dst(%dma_wait3A_68 : memref<128x64xf32, #tpu.memory_space<hbm>>)
      tpu.yield
    }) : () -> ()
    %mul3A_49 = arith.constant 640 : i32
    %mul3A_50 = arith.muli %arg1, %mul3A_49 : i32
    %add3A_51 = arith.constant 384 : i32
    %add3A_52 = arith.addi %mul3A_50, %add3A_51 : i32
    %multiple_of3A_53 = tpu.assume_multiple %add3A_52, 8 : i32
    "tpu.region"() ({
      %run_scoped3A = tpu.sem_alloc : memref<!tpu.dma_semaphore, #tpu.memory_space<semaphore_mem>>
      %dma_start3A = arith.constant 0 : i32
      %dma_start3A_59 = tpu.memref_slice %arg12[%multiple_of3A_53, %dma_start3A] : memref<10240x64xf32, #tpu.memory_space<vmem_shared>> -> memref<128x64xf32, #tpu.memory_space<vmem_shared>>
      %dma_start3A_60 = arith.constant 0 : i32
      %dma_start3A_61 = tpu.memref_slice %arg12[%multiple_of3A_53, %dma_start3A_60] : memref<10240x64xf32, #tpu.memory_space<vmem_shared>> -> memref<128x64xf32, #tpu.memory_space<vmem_shared>>
      tpu.enqueue_dma source(%dma_start3A_61 : memref<128x64xf32, #tpu.memory_space<vmem_shared>>) target(%arg11 : memref<128x64xf32, #tpu.memory_space<vmem>>) target_semaphore(%run_scoped3A : memref<!tpu.dma_semaphore, #tpu.memory_space<semaphore_mem>>)
      %dma_wait3A = arith.constant 0 : i32
      %dma_wait3A_62 = tpu.memref_slice %arg12[%multiple_of3A_53, %dma_wait3A] : memref<10240x64xf32, #tpu.memory_space<vmem_shared>> -> memref<128x64xf32, #tpu.memory_space<vmem_shared>>
      %dma_wait3A_63 = arith.constant 0 : i32
      %dma_wait3A_64 = tpu.memref_slice %arg12[%multiple_of3A_53, %dma_wait3A_63] : memref<10240x64xf32, #tpu.memory_space<vmem_shared>> -> memref<128x64xf32, #tpu.memory_space<vmem_shared>>
      tpu.wait_dma2 semaphore(%run_scoped3A : memref<!tpu.dma_semaphore, #tpu.memory_space<semaphore_mem>>) src(%dma_wait3A_64 : memref<128x64xf32, #tpu.memory_space<vmem_shared>>) dst(%arg11 : memref<128x64xf32, #tpu.memory_space<vmem>>)
      tpu.yield
    }) : () -> ()
    "tpu.region"() ({
      %run_scoped3A = tpu.sem_alloc : memref<!tpu.dma_semaphore, #tpu.memory_space<semaphore_mem>>
      %dma_start3A = arith.constant 0 : i32
      %dma_start3A_59 = tpu.memref_slice %arg6[%arg0, %multiple_of3A_53, %dma_start3A] : memref<2x10240x64xf32, #tpu.memory_space<hbm>> -> memref<1x128x64xf32, #tpu.memory_space<hbm>>
      %dma_start3A_60 = tpu.memref_squeeze %dma_start3A_59 : memref<1x128x64xf32, #tpu.memory_space<hbm>> -> memref<128x64xf32, #tpu.memory_space<hbm>>
      %dma_start3A_61 = arith.constant 0 : i32
      %dma_start3A_62 = tpu.memref_slice %arg6[%arg0, %multiple_of3A_53, %dma_start3A_61] : memref<2x10240x64xf32, #tpu.memory_space<hbm>> -> memref<1x128x64xf32, #tpu.memory_space<hbm>>
      %dma_start3A_63 = tpu.memref_squeeze %dma_start3A_62 : memref<1x128x64xf32, #tpu.memory_space<hbm>> -> memref<128x64xf32, #tpu.memory_space<hbm>>
      tpu.enqueue_dma source(%arg11 : memref<128x64xf32, #tpu.memory_space<vmem>>) target(%dma_start3A_63 : memref<128x64xf32, #tpu.memory_space<hbm>>) target_semaphore(%run_scoped3A : memref<!tpu.dma_semaphore, #tpu.memory_space<semaphore_mem>>)
      %dma_wait3A = arith.constant 0 : i32
      %dma_wait3A_64 = tpu.memref_slice %arg6[%arg0, %multiple_of3A_53, %dma_wait3A] : memref<2x10240x64xf32, #tpu.memory_space<hbm>> -> memref<1x128x64xf32, #tpu.memory_space<hbm>>
      %dma_wait3A_65 = tpu.memref_squeeze %dma_wait3A_64 : memref<1x128x64xf32, #tpu.memory_space<hbm>> -> memref<128x64xf32, #tpu.memory_space<hbm>>
      %dma_wait3A_66 = arith.constant 0 : i32
      %dma_wait3A_67 = tpu.memref_slice %arg6[%arg0, %multiple_of3A_53, %dma_wait3A_66] : memref<2x10240x64xf32, #tpu.memory_space<hbm>> -> memref<1x128x64xf32, #tpu.memory_space<hbm>>
      %dma_wait3A_68 = tpu.memref_squeeze %dma_wait3A_67 : memref<1x128x64xf32, #tpu.memory_space<hbm>> -> memref<128x64xf32, #tpu.memory_space<hbm>>
      tpu.wait_dma2 semaphore(%run_scoped3A : memref<!tpu.dma_semaphore, #tpu.memory_space<semaphore_mem>>) src(%arg11 : memref<128x64xf32, #tpu.memory_space<vmem>>) dst(%dma_wait3A_68 : memref<128x64xf32, #tpu.memory_space<hbm>>)
      tpu.yield
    }) : () -> ()
    %mul3A_54 = arith.constant 640 : i32
    %mul3A_55 = arith.muli %arg1, %mul3A_54 : i32
    %add3A_56 = arith.constant 512 : i32
    %add3A_57 = arith.addi %mul3A_55, %add3A_56 : i32
    %multiple_of3A_58 = tpu.assume_multiple %add3A_57, 8 : i32
    "tpu.region"() ({
      %run_scoped3A = tpu.sem_alloc : memref<!tpu.dma_semaphore, #tpu.memory_space<semaphore_mem>>
      %dma_start3A = arith.constant 0 : i32
      %dma_start3A_59 = tpu.memref_slice %arg12[%multiple_of3A_58, %dma_start3A] : memref<10240x64xf32, #tpu.memory_space<vmem_shared>> -> memref<128x64xf32, #tpu.memory_space<vmem_shared>>
      %dma_start3A_60 = arith.constant 0 : i32
      %dma_start3A_61 = tpu.memref_slice %arg12[%multiple_of3A_58, %dma_start3A_60] : memref<10240x64xf32, #tpu.memory_space<vmem_shared>> -> memref<128x64xf32, #tpu.memory_space<vmem_shared>>
      tpu.enqueue_dma source(%dma_start3A_61 : memref<128x64xf32, #tpu.memory_space<vmem_shared>>) target(%arg11 : memref<128x64xf32, #tpu.memory_space<vmem>>) target_semaphore(%run_scoped3A : memref<!tpu.dma_semaphore, #tpu.memory_space<semaphore_mem>>)
      %dma_wait3A = arith.constant 0 : i32
      %dma_wait3A_62 = tpu.memref_slice %arg12[%multiple_of3A_58, %dma_wait3A] : memref<10240x64xf32, #tpu.memory_space<vmem_shared>> -> memref<128x64xf32, #tpu.memory_space<vmem_shared>>
      %dma_wait3A_63 = arith.constant 0 : i32
      %dma_wait3A_64 = tpu.memref_slice %arg12[%multiple_of3A_58, %dma_wait3A_63] : memref<10240x64xf32, #tpu.memory_space<vmem_shared>> -> memref<128x64xf32, #tpu.memory_space<vmem_shared>>
      tpu.wait_dma2 semaphore(%run_scoped3A : memref<!tpu.dma_semaphore, #tpu.memory_space<semaphore_mem>>) src(%dma_wait3A_64 : memref<128x64xf32, #tpu.memory_space<vmem_shared>>) dst(%arg11 : memref<128x64xf32, #tpu.memory_space<vmem>>)
      tpu.yield
    }) : () -> ()
    "tpu.region"() ({
      %run_scoped3A = tpu.sem_alloc : memref<!tpu.dma_semaphore, #tpu.memory_space<semaphore_mem>>
      %dma_start3A = arith.constant 0 : i32
      %dma_start3A_59 = tpu.memref_slice %arg6[%arg0, %multiple_of3A_58, %dma_start3A] : memref<2x10240x64xf32, #tpu.memory_space<hbm>> -> memref<1x128x64xf32, #tpu.memory_space<hbm>>
      %dma_start3A_60 = tpu.memref_squeeze %dma_start3A_59 : memref<1x128x64xf32, #tpu.memory_space<hbm>> -> memref<128x64xf32, #tpu.memory_space<hbm>>
      %dma_start3A_61 = arith.constant 0 : i32
      %dma_start3A_62 = tpu.memref_slice %arg6[%arg0, %multiple_of3A_58, %dma_start3A_61] : memref<2x10240x64xf32, #tpu.memory_space<hbm>> -> memref<1x128x64xf32, #tpu.memory_space<hbm>>
      %dma_start3A_63 = tpu.memref_squeeze %dma_start3A_62 : memref<1x128x64xf32, #tpu.memory_space<hbm>> -> memref<128x64xf32, #tpu.memory_space<hbm>>
      tpu.enqueue_dma source(%arg11 : memref<128x64xf32, #tpu.memory_space<vmem>>) target(%dma_start3A_63 : memref<128x64xf32, #tpu.memory_space<hbm>>) target_semaphore(%run_scoped3A : memref<!tpu.dma_semaphore, #tpu.memory_space<semaphore_mem>>)
      %dma_wait3A = arith.constant 0 : i32
      %dma_wait3A_64 = tpu.memref_slice %arg6[%arg0, %multiple_of3A_58, %dma_wait3A] : memref<2x10240x64xf32, #tpu.memory_space<hbm>> -> memref<1x128x64xf32, #tpu.memory_space<hbm>>
      %dma_wait3A_65 = tpu.memref_squeeze %dma_wait3A_64 : memref<1x128x64xf32, #tpu.memory_space<hbm>> -> memref<128x64xf32, #tpu.memory_space<hbm>>
      %dma_wait3A_66 = arith.constant 0 : i32
      %dma_wait3A_67 = tpu.memref_slice %arg6[%arg0, %multiple_of3A_58, %dma_wait3A_66] : memref<2x10240x64xf32, #tpu.memory_space<hbm>> -> memref<1x128x64xf32, #tpu.memory_space<hbm>>
      %dma_wait3A_68 = tpu.memref_squeeze %dma_wait3A_67 : memref<1x128x64xf32, #tpu.memory_space<hbm>> -> memref<128x64xf32, #tpu.memory_space<hbm>>
      tpu.wait_dma2 semaphore(%run_scoped3A : memref<!tpu.dma_semaphore, #tpu.memory_space<semaphore_mem>>) src(%arg11 : memref<128x64xf32, #tpu.memory_space<vmem>>) dst(%dma_wait3A_68 : memref<128x64xf32, #tpu.memory_space<hbm>>)
      tpu.yield
    }) : () -> ()
    return
  }
}

#map = affine_map<(d0, d1) -> (0, 0, 0)>
#map1 = affine_map<(d0, d1) -> (0, 0)>
module attributes {stable_mosaic.version = 14 : i64} {
  func.func @edge_sc(%arg0: i32, %arg1: i32, %arg2: memref<2x10000x64xf32, #tpu.memory_space<hbm>>, %arg3: memref<2560x128xi32, #tpu.memory_space<hbm>>, %arg4: memref<2560x128xi32, #tpu.memory_space<hbm>>, %arg5: memref<2x327680x64xf32, #tpu.memory_space<hbm>>, %arg6: memref<2x10240x64xf32, #tpu.memory_space<hbm>>, %arg7: memref<8x128xi32, #tpu.memory_space<vmem>>, %arg8: memref<8x128xi32, #tpu.memory_space<vmem>>, %arg9: memref<512x64xf32, #tpu.memory_space<vmem>>, %arg10: memref<512x64xf32, #tpu.memory_space<vmem>>, %arg11: memref<128x64xf32, #tpu.memory_space<vmem>>, %arg12: memref<10240x64xf32, #tpu.memory_space<vmem_shared>>, %arg13: memref<!tpu.dma_semaphore, #tpu.memory_space<semaphore_mem>>) attributes {dimension_semantics = [#tpu.dimension_semantics<core_parallel>, #tpu.dimension_semantics<subcore_parallel>], iteration_bounds = array<i64: 2, 16>, scalar_prefetch = 0 : i64, scratch_operands = 7 : i64, tpu.core_type = #tpu.core_type<sc_vector_subcore>, window_params = [{transform_indices = #map}, {transform_indices = #map1}, {transform_indices = #map1}, {transform_indices = #map}, {transform_indices = #map}]} {
    %scan3A = arith.constant 0 : i32
    %scan3A_0 = arith.constant 0 : i32
    %scan3A_1 = arith.constant 128 : i32
    %scan3A_2 = arith.addi %scan3A_0, %scan3A_1 : i32
    %scan3A_3 = arith.constant 1 : i32
    scf.for %scan3A_59 = %scan3A_0 to %scan3A_2 step %scan3A_3  : i32 {
      %broadcast_in_dim3A = arith.constant 0.000000e+00 : f32
      %broadcast_in_dim3A_60 = vector.broadcast %broadcast_in_dim3A : f32 to vector<16xf32>
      %swap3A = arith.index_cast %scan3A_59 : i32 to index
      %swap3A_61 = arith.constant 0 : index
      %swap3A_62 = tpu.vector_load %arg11[%swap3A, %swap3A_61] {strides = array<i32>} : memref<128x64xf32, #tpu.memory_space<vmem>>, vector<1x16xf32>,
      %swap3A_63 = vector.shape_cast %swap3A_62 : vector<1x16xf32> to vector<16xf32>
      %swap3A_64 = vector.shape_cast %broadcast_in_dim3A_60 : vector<16xf32> to vector<1x16xf32>
      tpu.vector_store %arg11[%swap3A, %swap3A_61], %swap3A_64 {strides = array<i32>} : memref<128x64xf32, #tpu.memory_space<vmem>>, vector<1x16xf32>,
      %broadcast_in_dim3A_65 = arith.constant 0.000000e+00 : f32
      %broadcast_in_dim3A_66 = vector.broadcast %broadcast_in_dim3A_65 : f32 to vector<16xf32>
      %swap3A_67 = arith.index_cast %scan3A_59 : i32 to index
      %swap3A_68 = arith.constant 16 : index
      %swap3A_69 = tpu.vector_load %arg11[%swap3A_67, %swap3A_68] {strides = array<i32>} : memref<128x64xf32, #tpu.memory_space<vmem>>, vector<1x16xf32>,
      %swap3A_70 = vector.shape_cast %swap3A_69 : vector<1x16xf32> to vector<16xf32>
      %swap3A_71 = vector.shape_cast %broadcast_in_dim3A_66 : vector<16xf32> to vector<1x16xf32>
      tpu.vector_store %arg11[%swap3A_67, %swap3A_68], %swap3A_71 {strides = array<i32>} : memref<128x64xf32, #tpu.memory_space<vmem>>, vector<1x16xf32>,
      %broadcast_in_dim3A_72 = arith.constant 0.000000e+00 : f32
      %broadcast_in_dim3A_73 = vector.broadcast %broadcast_in_dim3A_72 : f32 to vector<16xf32>
      %swap3A_74 = arith.index_cast %scan3A_59 : i32 to index
      %swap3A_75 = arith.constant 32 : index
      %swap3A_76 = tpu.vector_load %arg11[%swap3A_74, %swap3A_75] {strides = array<i32>} : memref<128x64xf32, #tpu.memory_space<vmem>>, vector<1x16xf32>,
      %swap3A_77 = vector.shape_cast %swap3A_76 : vector<1x16xf32> to vector<16xf32>
      %swap3A_78 = vector.shape_cast %broadcast_in_dim3A_73 : vector<16xf32> to vector<1x16xf32>
      tpu.vector_store %arg11[%swap3A_74, %swap3A_75], %swap3A_78 {strides = array<i32>} : memref<128x64xf32, #tpu.memory_space<vmem>>, vector<1x16xf32>,
      %broadcast_in_dim3A_79 = arith.constant 0.000000e+00 : f32
      %broadcast_in_dim3A_80 = vector.broadcast %broadcast_in_dim3A_79 : f32 to vector<16xf32>
      %swap3A_81 = arith.index_cast %scan3A_59 : i32 to index
      %swap3A_82 = arith.constant 48 : index
      %swap3A_83 = tpu.vector_load %arg11[%swap3A_81, %swap3A_82] {strides = array<i32>} : memref<128x64xf32, #tpu.memory_space<vmem>>, vector<1x16xf32>,
      %swap3A_84 = vector.shape_cast %swap3A_83 : vector<1x16xf32> to vector<16xf32>
      %swap3A_85 = vector.shape_cast %broadcast_in_dim3A_80 : vector<16xf32> to vector<1x16xf32>
      tpu.vector_store %arg11[%swap3A_81, %swap3A_82], %swap3A_85 {strides = array<i32>} : memref<128x64xf32, #tpu.memory_space<vmem>>, vector<1x16xf32>,
    }
    %scan3A_4 = arith.constant 128 : i32
    %mul3A = arith.constant 640 : i32
    %mul3A_5 = arith.muli %arg1, %mul3A : i32
    %add3A = arith.constant 0 : i32
    %add3A_6 = arith.addi %mul3A_5, %add3A : i32
    %multiple_of3A = tpu.assume_multiple %add3A_6, 8 : i32
    "tpu.region"() ({
      %run_scoped3A = tpu.sem_alloc : memref<!tpu.dma_semaphore, #tpu.memory_space<semaphore_mem>>
      %dma_start3A = arith.constant 0 : i32
      %dma_start3A_59 = tpu.memref_slice %arg12[%multiple_of3A, %dma_start3A] : memref<10240x64xf32, #tpu.memory_space<vmem_shared>> -> memref<128x64xf32, #tpu.memory_space<vmem_shared>>
      %dma_start3A_60 = arith.constant 0 : i32
      %dma_start3A_61 = tpu.memref_slice %arg12[%multiple_of3A, %dma_start3A_60] : memref<10240x64xf32, #tpu.memory_space<vmem_shared>> -> memref<128x64xf32, #tpu.memory_space<vmem_shared>>
      tpu.enqueue_dma source(%arg11 : memref<128x64xf32, #tpu.memory_space<vmem>>) target(%dma_start3A_61 : memref<128x64xf32, #tpu.memory_space<vmem_shared>>) target_semaphore(%run_scoped3A : memref<!tpu.dma_semaphore, #tpu.memory_space<semaphore_mem>>)
      %dma_wait3A = arith.constant 0 : i32
      %dma_wait3A_62 = tpu.memref_slice %arg12[%multiple_of3A, %dma_wait3A] : memref<10240x64xf32, #tpu.memory_space<vmem_shared>> -> memref<128x64xf32, #tpu.memory_space<vmem_shared>>
      %dma_wait3A_63 = arith.constant 0 : i32
      %dma_wait3A_64 = tpu.memref_slice %arg12[%multiple_of3A, %dma_wait3A_63] : memref<10240x64xf32, #tpu.memory_space<vmem_shared>> -> memref<128x64xf32, #tpu.memory_space<vmem_shared>>
      tpu.wait_dma2 semaphore(%run_scoped3A : memref<!tpu.dma_semaphore, #tpu.memory_space<semaphore_mem>>) src(%arg11 : memref<128x64xf32, #tpu.memory_space<vmem>>) dst(%dma_wait3A_64 : memref<128x64xf32, #tpu.memory_space<vmem_shared>>)
      tpu.yield
    }) : () -> ()
    %mul3A_7 = arith.constant 640 : i32
    %mul3A_8 = arith.muli %arg1, %mul3A_7 : i32
    %add3A_9 = arith.constant 128 : i32
    %add3A_10 = arith.addi %mul3A_8, %add3A_9 : i32
    %multiple_of3A_11 = tpu.assume_multiple %add3A_10, 8 : i32
    "tpu.region"() ({
      %run_scoped3A = tpu.sem_alloc : memref<!tpu.dma_semaphore, #tpu.memory_space<semaphore_mem>>
      %dma_start3A = arith.constant 0 : i32
      %dma_start3A_59 = tpu.memref_slice %arg12[%multiple_of3A_11, %dma_start3A] : memref<10240x64xf32, #tpu.memory_space<vmem_shared>> -> memref<128x64xf32, #tpu.memory_space<vmem_shared>>
      %dma_start3A_60 = arith.constant 0 : i32
      %dma_start3A_61 = tpu.memref_slice %arg12[%multiple_of3A_11, %dma_start3A_60] : memref<10240x64xf32, #tpu.memory_space<vmem_shared>> -> memref<128x64xf32, #tpu.memory_space<vmem_shared>>
      tpu.enqueue_dma source(%arg11 : memref<128x64xf32, #tpu.memory_space<vmem>>) target(%dma_start3A_61 : memref<128x64xf32, #tpu.memory_space<vmem_shared>>) target_semaphore(%run_scoped3A : memref<!tpu.dma_semaphore, #tpu.memory_space<semaphore_mem>>)
      %dma_wait3A = arith.constant 0 : i32
      %dma_wait3A_62 = tpu.memref_slice %arg12[%multiple_of3A_11, %dma_wait3A] : memref<10240x64xf32, #tpu.memory_space<vmem_shared>> -> memref<128x64xf32, #tpu.memory_space<vmem_shared>>
      %dma_wait3A_63 = arith.constant 0 : i32
      %dma_wait3A_64 = tpu.memref_slice %arg12[%multiple_of3A_11, %dma_wait3A_63] : memref<10240x64xf32, #tpu.memory_space<vmem_shared>> -> memref<128x64xf32, #tpu.memory_space<vmem_shared>>
      tpu.wait_dma2 semaphore(%run_scoped3A : memref<!tpu.dma_semaphore, #tpu.memory_space<semaphore_mem>>) src(%arg11 : memref<128x64xf32, #tpu.memory_space<vmem>>) dst(%dma_wait3A_64 : memref<128x64xf32, #tpu.memory_space<vmem_shared>>)
      tpu.yield
    }) : () -> ()
    %mul3A_12 = arith.constant 640 : i32
    %mul3A_13 = arith.muli %arg1, %mul3A_12 : i32
    %add3A_14 = arith.constant 256 : i32
    %add3A_15 = arith.addi %mul3A_13, %add3A_14 : i32
    %multiple_of3A_16 = tpu.assume_multiple %add3A_15, 8 : i32
    "tpu.region"() ({
      %run_scoped3A = tpu.sem_alloc : memref<!tpu.dma_semaphore, #tpu.memory_space<semaphore_mem>>
      %dma_start3A = arith.constant 0 : i32
      %dma_start3A_59 = tpu.memref_slice %arg12[%multiple_of3A_16, %dma_start3A] : memref<10240x64xf32, #tpu.memory_space<vmem_shared>> -> memref<128x64xf32, #tpu.memory_space<vmem_shared>>
      %dma_start3A_60 = arith.constant 0 : i32
      %dma_start3A_61 = tpu.memref_slice %arg12[%multiple_of3A_16, %dma_start3A_60] : memref<10240x64xf32, #tpu.memory_space<vmem_shared>> -> memref<128x64xf32, #tpu.memory_space<vmem_shared>>
      tpu.enqueue_dma source(%arg11 : memref<128x64xf32, #tpu.memory_space<vmem>>) target(%dma_start3A_61 : memref<128x64xf32, #tpu.memory_space<vmem_shared>>) target_semaphore(%run_scoped3A : memref<!tpu.dma_semaphore, #tpu.memory_space<semaphore_mem>>)
      %dma_wait3A = arith.constant 0 : i32
      %dma_wait3A_62 = tpu.memref_slice %arg12[%multiple_of3A_16, %dma_wait3A] : memref<10240x64xf32, #tpu.memory_space<vmem_shared>> -> memref<128x64xf32, #tpu.memory_space<vmem_shared>>
      %dma_wait3A_63 = arith.constant 0 : i32
      %dma_wait3A_64 = tpu.memref_slice %arg12[%multiple_of3A_16, %dma_wait3A_63] : memref<10240x64xf32, #tpu.memory_space<vmem_shared>> -> memref<128x64xf32, #tpu.memory_space<vmem_shared>>
      tpu.wait_dma2 semaphore(%run_scoped3A : memref<!tpu.dma_semaphore, #tpu.memory_space<semaphore_mem>>) src(%arg11 : memref<128x64xf32, #tpu.memory_space<vmem>>) dst(%dma_wait3A_64 : memref<128x64xf32, #tpu.memory_space<vmem_shared>>)
      tpu.yield
    }) : () -> ()
    %mul3A_17 = arith.constant 640 : i32
    %mul3A_18 = arith.muli %arg1, %mul3A_17 : i32
    %add3A_19 = arith.constant 384 : i32
    %add3A_20 = arith.addi %mul3A_18, %add3A_19 : i32
    %multiple_of3A_21 = tpu.assume_multiple %add3A_20, 8 : i32
    "tpu.region"() ({
      %run_scoped3A = tpu.sem_alloc : memref<!tpu.dma_semaphore, #tpu.memory_space<semaphore_mem>>
      %dma_start3A = arith.constant 0 : i32
      %dma_start3A_59 = tpu.memref_slice %arg12[%multiple_of3A_21, %dma_start3A] : memref<10240x64xf32, #tpu.memory_space<vmem_shared>> -> memref<128x64xf32, #tpu.memory_space<vmem_shared>>
      %dma_start3A_60 = arith.constant 0 : i32
      %dma_start3A_61 = tpu.memref_slice %arg12[%multiple_of3A_21, %dma_start3A_60] : memref<10240x64xf32, #tpu.memory_space<vmem_shared>> -> memref<128x64xf32, #tpu.memory_space<vmem_shared>>
      tpu.enqueue_dma source(%arg11 : memref<128x64xf32, #tpu.memory_space<vmem>>) target(%dma_start3A_61 : memref<128x64xf32, #tpu.memory_space<vmem_shared>>) target_semaphore(%run_scoped3A : memref<!tpu.dma_semaphore, #tpu.memory_space<semaphore_mem>>)
      %dma_wait3A = arith.constant 0 : i32
      %dma_wait3A_62 = tpu.memref_slice %arg12[%multiple_of3A_21, %dma_wait3A] : memref<10240x64xf32, #tpu.memory_space<vmem_shared>> -> memref<128x64xf32, #tpu.memory_space<vmem_shared>>
      %dma_wait3A_63 = arith.constant 0 : i32
      %dma_wait3A_64 = tpu.memref_slice %arg12[%multiple_of3A_21, %dma_wait3A_63] : memref<10240x64xf32, #tpu.memory_space<vmem_shared>> -> memref<128x64xf32, #tpu.memory_space<vmem_shared>>
      tpu.wait_dma2 semaphore(%run_scoped3A : memref<!tpu.dma_semaphore, #tpu.memory_space<semaphore_mem>>) src(%arg11 : memref<128x64xf32, #tpu.memory_space<vmem>>) dst(%dma_wait3A_64 : memref<128x64xf32, #tpu.memory_space<vmem_shared>>)
      tpu.yield
    }) : () -> ()
    %mul3A_22 = arith.constant 640 : i32
    %mul3A_23 = arith.muli %arg1, %mul3A_22 : i32
    %add3A_24 = arith.constant 512 : i32
    %add3A_25 = arith.addi %mul3A_23, %add3A_24 : i32
    %multiple_of3A_26 = tpu.assume_multiple %add3A_25, 8 : i32
    "tpu.region"() ({
      %run_scoped3A = tpu.sem_alloc : memref<!tpu.dma_semaphore, #tpu.memory_space<semaphore_mem>>
      %dma_start3A = arith.constant 0 : i32
      %dma_start3A_59 = tpu.memref_slice %arg12[%multiple_of3A_26, %dma_start3A] : memref<10240x64xf32, #tpu.memory_space<vmem_shared>> -> memref<128x64xf32, #tpu.memory_space<vmem_shared>>
      %dma_start3A_60 = arith.constant 0 : i32
      %dma_start3A_61 = tpu.memref_slice %arg12[%multiple_of3A_26, %dma_start3A_60] : memref<10240x64xf32, #tpu.memory_space<vmem_shared>> -> memref<128x64xf32, #tpu.memory_space<vmem_shared>>
      tpu.enqueue_dma source(%arg11 : memref<128x64xf32, #tpu.memory_space<vmem>>) target(%dma_start3A_61 : memref<128x64xf32, #tpu.memory_space<vmem_shared>>) target_semaphore(%run_scoped3A : memref<!tpu.dma_semaphore, #tpu.memory_space<semaphore_mem>>)
      %dma_wait3A = arith.constant 0 : i32
      %dma_wait3A_62 = tpu.memref_slice %arg12[%multiple_of3A_26, %dma_wait3A] : memref<10240x64xf32, #tpu.memory_space<vmem_shared>> -> memref<128x64xf32, #tpu.memory_space<vmem_shared>>
      %dma_wait3A_63 = arith.constant 0 : i32
      %dma_wait3A_64 = tpu.memref_slice %arg12[%multiple_of3A_26, %dma_wait3A_63] : memref<10240x64xf32, #tpu.memory_space<vmem_shared>> -> memref<128x64xf32, #tpu.memory_space<vmem_shared>>
      tpu.wait_dma2 semaphore(%run_scoped3A : memref<!tpu.dma_semaphore, #tpu.memory_space<semaphore_mem>>) src(%arg11 : memref<128x64xf32, #tpu.memory_space<vmem>>) dst(%dma_wait3A_64 : memref<128x64xf32, #tpu.memory_space<vmem_shared>>)
      tpu.yield
    }) : () -> ()
    %barrier3A = arith.constant 0 : index
    tpu.barrier barrier_id(%barrier3A)
    %scan3A_27 = arith.constant 0 : i32
    %scan3A_28 = arith.constant 0 : i32
    %scan3A_29 = arith.constant 20 : i32
    %scan3A_30 = arith.addi %scan3A_28, %scan3A_29 : i32
    %scan3A_31 = arith.constant 1 : i32
    scf.for %scan3A_59 = %scan3A_28 to %scan3A_30 step %scan3A_31  : i32 {
      %mul3A_60 = arith.constant 160 : i32
      %mul3A_61 = arith.muli %arg1, %mul3A_60 : i32
      %mul3A_62 = arith.constant 8 : i32
      %mul3A_63 = arith.muli %scan3A_59, %mul3A_62 : i32
      %add3A_64 = arith.addi %mul3A_61, %mul3A_63 : i32
      %multiple_of3A_65 = tpu.assume_multiple %add3A_64, 8 : i32
      "tpu.region"() ({
        %run_scoped3A_317 = tpu.sem_alloc : memref<!tpu.dma_semaphore, #tpu.memory_space<semaphore_mem>>
        %dma_start3A_318 = arith.constant 0 : i32
        %dma_start3A_319 = tpu.memref_slice %arg3[%multiple_of3A_65, %dma_start3A_318] : memref<2560x128xi32, #tpu.memory_space<hbm>> -> memref<8x128xi32, #tpu.memory_space<hbm>>
        %dma_start3A_320 = arith.constant 0 : i32
        %dma_start3A_321 = tpu.memref_slice %arg3[%multiple_of3A_65, %dma_start3A_320] : memref<2560x128xi32, #tpu.memory_space<hbm>> -> memref<8x128xi32, #tpu.memory_space<hbm>>
        tpu.enqueue_dma source(%dma_start3A_321 : memref<8x128xi32, #tpu.memory_space<hbm>>) target(%arg7 : memref<8x128xi32, #tpu.memory_space<vmem>>) target_semaphore(%run_scoped3A_317 : memref<!tpu.dma_semaphore, #tpu.memory_space<semaphore_mem>>)
        %dma_wait3A_322 = arith.constant 0 : i32
        %dma_wait3A_323 = tpu.memref_slice %arg3[%multiple_of3A_65, %dma_wait3A_322] : memref<2560x128xi32, #tpu.memory_space<hbm>> -> memref<8x128xi32, #tpu.memory_space<hbm>>
        %dma_wait3A_324 = arith.constant 0 : i32
        %dma_wait3A_325 = tpu.memref_slice %arg3[%multiple_of3A_65, %dma_wait3A_324] : memref<2560x128xi32, #tpu.memory_space<hbm>> -> memref<8x128xi32, #tpu.memory_space<hbm>>
        tpu.wait_dma2 semaphore(%run_scoped3A_317 : memref<!tpu.dma_semaphore, #tpu.memory_space<semaphore_mem>>) src(%dma_wait3A_325 : memref<8x128xi32, #tpu.memory_space<hbm>>) dst(%arg7 : memref<8x128xi32, #tpu.memory_space<vmem>>)
        tpu.yield
      }) : () -> ()
      "tpu.region"() ({
        %run_scoped3A_317 = tpu.sem_alloc : memref<!tpu.dma_semaphore, #tpu.memory_space<semaphore_mem>>
        %dma_start3A_318 = arith.constant 0 : i32
        %dma_start3A_319 = tpu.memref_slice %arg4[%multiple_of3A_65, %dma_start3A_318] : memref<2560x128xi32, #tpu.memory_space<hbm>> -> memref<8x128xi32, #tpu.memory_space<hbm>>
        %dma_start3A_320 = arith.constant 0 : i32
        %dma_start3A_321 = tpu.memref_slice %arg4[%multiple_of3A_65, %dma_start3A_320] : memref<2560x128xi32, #tpu.memory_space<hbm>> -> memref<8x128xi32, #tpu.memory_space<hbm>>
        tpu.enqueue_dma source(%dma_start3A_321 : memref<8x128xi32, #tpu.memory_space<hbm>>) target(%arg8 : memref<8x128xi32, #tpu.memory_space<vmem>>) target_semaphore(%run_scoped3A_317 : memref<!tpu.dma_semaphore, #tpu.memory_space<semaphore_mem>>)
        %dma_wait3A_322 = arith.constant 0 : i32
        %dma_wait3A_323 = tpu.memref_slice %arg4[%multiple_of3A_65, %dma_wait3A_322] : memref<2560x128xi32, #tpu.memory_space<hbm>> -> memref<8x128xi32, #tpu.memory_space<hbm>>
        %dma_wait3A_324 = arith.constant 0 : i32
        %dma_wait3A_325 = tpu.memref_slice %arg4[%multiple_of3A_65, %dma_wait3A_324] : memref<2560x128xi32, #tpu.memory_space<hbm>> -> memref<8x128xi32, #tpu.memory_space<hbm>>
        tpu.wait_dma2 semaphore(%run_scoped3A_317 : memref<!tpu.dma_semaphore, #tpu.memory_space<semaphore_mem>>) src(%dma_wait3A_325 : memref<8x128xi32, #tpu.memory_space<hbm>>) dst(%arg8 : memref<8x128xi32, #tpu.memory_space<vmem>>)
        tpu.yield
      }) : () -> ()
      %mul3A_66 = arith.constant 128 : i32
      %mul3A_67 = arith.muli %multiple_of3A_65, %mul3A_66 : i32
      %add3A_68 = arith.constant 0 : i32
      %add3A_69 = arith.addi %mul3A_67, %add3A_68 : i32
      %multiple_of3A_70 = tpu.assume_multiple %add3A_69, 8 : i32
      "tpu.region"() ({
        %run_scoped3A_317 = tpu.sem_alloc : memref<!tpu.dma_semaphore, #tpu.memory_space<semaphore_mem>>
        %dma_start3A_318 = arith.constant 0 : i32
        %dma_start3A_319 = tpu.memref_slice %arg5[%arg0, %multiple_of3A_70, %dma_start3A_318] : memref<2x327680x64xf32, #tpu.memory_space<hbm>> -> memref<1x512x64xf32, #tpu.memory_space<hbm>>
        %dma_start3A_320 = tpu.memref_squeeze %dma_start3A_319 : memref<1x512x64xf32, #tpu.memory_space<hbm>> -> memref<512x64xf32, #tpu.memory_space<hbm>>
        %dma_start3A_321 = arith.constant 0 : i32
        %dma_start3A_322 = tpu.memref_slice %arg5[%arg0, %multiple_of3A_70, %dma_start3A_321] : memref<2x327680x64xf32, #tpu.memory_space<hbm>> -> memref<1x512x64xf32, #tpu.memory_space<hbm>>
        %dma_start3A_323 = tpu.memref_squeeze %dma_start3A_322 : memref<1x512x64xf32, #tpu.memory_space<hbm>> -> memref<512x64xf32, #tpu.memory_space<hbm>>
        tpu.enqueue_dma source(%dma_start3A_323 : memref<512x64xf32, #tpu.memory_space<hbm>>) target(%arg10 : memref<512x64xf32, #tpu.memory_space<vmem>>) target_semaphore(%run_scoped3A_317 : memref<!tpu.dma_semaphore, #tpu.memory_space<semaphore_mem>>)
        %dma_wait3A_324 = arith.constant 0 : i32
        %dma_wait3A_325 = tpu.memref_slice %arg5[%arg0, %multiple_of3A_70, %dma_wait3A_324] : memref<2x327680x64xf32, #tpu.memory_space<hbm>> -> memref<1x512x64xf32, #tpu.memory_space<hbm>>
        %dma_wait3A_326 = tpu.memref_squeeze %dma_wait3A_325 : memref<1x512x64xf32, #tpu.memory_space<hbm>> -> memref<512x64xf32, #tpu.memory_space<hbm>>
        %dma_wait3A_327 = arith.constant 0 : i32
        %dma_wait3A_328 = tpu.memref_slice %arg5[%arg0, %multiple_of3A_70, %dma_wait3A_327] : memref<2x327680x64xf32, #tpu.memory_space<hbm>> -> memref<1x512x64xf32, #tpu.memory_space<hbm>>
        %dma_wait3A_329 = tpu.memref_squeeze %dma_wait3A_328 : memref<1x512x64xf32, #tpu.memory_space<hbm>> -> memref<512x64xf32, #tpu.memory_space<hbm>>
        tpu.wait_dma2 semaphore(%run_scoped3A_317 : memref<!tpu.dma_semaphore, #tpu.memory_space<semaphore_mem>>) src(%dma_wait3A_329 : memref<512x64xf32, #tpu.memory_space<hbm>>) dst(%arg10 : memref<512x64xf32, #tpu.memory_space<vmem>>)
        tpu.yield
      }) : () -> ()
      %dma_start3A = arith.constant 0 : i32
      %dma_start3A_71 = arith.constant 0 : i32
      %dma_start3A_72 = arith.constant 0 : i32
      %dma_start3A_73 = tpu.memref_slice %arg9[%dma_start3A_71, %dma_start3A_72] : memref<512x64xf32, #tpu.memory_space<vmem>> -> memref<128x64xf32, #tpu.memory_space<vmem>>
      %dma_start3A_74 = arith.constant 0 : i32
      %dma_start3A_75 = tpu.memref_slice %arg7[%dma_start3A, %dma_start3A_74] : memref<8x128xi32, #tpu.memory_space<vmem>> -> memref<1x128xi32, #tpu.memory_space<vmem>>
      %dma_start3A_76 = tpu.memref_squeeze %dma_start3A_75 : memref<1x128xi32, #tpu.memory_space<vmem>> -> memref<128xi32, #tpu.memory_space<vmem>>
      %dma_start3A_77 = arith.constant 0 : i32
      %dma_start3A_78 = arith.constant 0 : i32
      %dma_start3A_79 = tpu.memref_slice %arg2[%arg0, %dma_start3A_77, %dma_start3A_78] : memref<2x10000x64xf32, #tpu.memory_space<hbm>> -> memref<1x10000x64xf32, #tpu.memory_space<hbm>>
      %dma_start3A_80 = tpu.memref_squeeze %dma_start3A_79 : memref<1x10000x64xf32, #tpu.memory_space<hbm>> -> memref<10000x64xf32, #tpu.memory_space<hbm>>
      %dma_start3A_81 = arith.constant 0 : i32
      %dma_start3A_82 = arith.constant 0 : i32
      %dma_start3A_83 = tpu.memref_slice %dma_start3A_80[%dma_start3A_81, %dma_start3A_82] : memref<10000x64xf32, #tpu.memory_space<hbm>> -> memref<10000x64xf32, #tpu.memory_space<hbm>>
      tpu.enqueue_indirect_dma source(%dma_start3A_83 : memref<10000x64xf32, #tpu.memory_space<hbm>>) target(%dma_start3A_73 : memref<128x64xf32, #tpu.memory_space<vmem>>) offsets(%dma_start3A_76 : memref<128xi32, #tpu.memory_space<vmem>>) semaphore(%arg13 : memref<!tpu.dma_semaphore, #tpu.memory_space<semaphore_mem>>)
      %dma_start3A_84 = arith.constant 1 : i32
      %dma_start3A_85 = arith.constant 128 : i32
      %dma_start3A_86 = arith.constant 0 : i32
      %dma_start3A_87 = tpu.memref_slice %arg9[%dma_start3A_85, %dma_start3A_86] : memref<512x64xf32, #tpu.memory_space<vmem>> -> memref<128x64xf32, #tpu.memory_space<vmem>>
      %dma_start3A_88 = arith.constant 0 : i32
      %dma_start3A_89 = tpu.memref_slice %arg7[%dma_start3A_84, %dma_start3A_88] : memref<8x128xi32, #tpu.memory_space<vmem>> -> memref<1x128xi32, #tpu.memory_space<vmem>>
      %dma_start3A_90 = tpu.memref_squeeze %dma_start3A_89 : memref<1x128xi32, #tpu.memory_space<vmem>> -> memref<128xi32, #tpu.memory_space<vmem>>
      %dma_start3A_91 = arith.constant 0 : i32
      %dma_start3A_92 = arith.constant 0 : i32
      %dma_start3A_93 = tpu.memref_slice %arg2[%arg0, %dma_start3A_91, %dma_start3A_92] : memref<2x10000x64xf32, #tpu.memory_space<hbm>> -> memref<1x10000x64xf32, #tpu.memory_space<hbm>>
      %dma_start3A_94 = tpu.memref_squeeze %dma_start3A_93 : memref<1x10000x64xf32, #tpu.memory_space<hbm>> -> memref<10000x64xf32, #tpu.memory_space<hbm>>
      %dma_start3A_95 = arith.constant 0 : i32
      %dma_start3A_96 = arith.constant 0 : i32
      %dma_start3A_97 = tpu.memref_slice %dma_start3A_94[%dma_start3A_95, %dma_start3A_96] : memref<10000x64xf32, #tpu.memory_space<hbm>> -> memref<10000x64xf32, #tpu.memory_space<hbm>>
      tpu.enqueue_indirect_dma source(%dma_start3A_97 : memref<10000x64xf32, #tpu.memory_space<hbm>>) target(%dma_start3A_87 : memref<128x64xf32, #tpu.memory_space<vmem>>) offsets(%dma_start3A_90 : memref<128xi32, #tpu.memory_space<vmem>>) semaphore(%arg13 : memref<!tpu.dma_semaphore, #tpu.memory_space<semaphore_mem>>)
      %dma_start3A_98 = arith.constant 2 : i32
      %dma_start3A_99 = arith.constant 256 : i32
      %dma_start3A_100 = arith.constant 0 : i32
      %dma_start3A_101 = tpu.memref_slice %arg9[%dma_start3A_99, %dma_start3A_100] : memref<512x64xf32, #tpu.memory_space<vmem>> -> memref<128x64xf32, #tpu.memory_space<vmem>>
      %dma_start3A_102 = arith.constant 0 : i32
      %dma_start3A_103 = tpu.memref_slice %arg7[%dma_start3A_98, %dma_start3A_102] : memref<8x128xi32, #tpu.memory_space<vmem>> -> memref<1x128xi32, #tpu.memory_space<vmem>>
      %dma_start3A_104 = tpu.memref_squeeze %dma_start3A_103 : memref<1x128xi32, #tpu.memory_space<vmem>> -> memref<128xi32, #tpu.memory_space<vmem>>
      %dma_start3A_105 = arith.constant 0 : i32
      %dma_start3A_106 = arith.constant 0 : i32
      %dma_start3A_107 = tpu.memref_slice %arg2[%arg0, %dma_start3A_105, %dma_start3A_106] : memref<2x10000x64xf32, #tpu.memory_space<hbm>> -> memref<1x10000x64xf32, #tpu.memory_space<hbm>>
      %dma_start3A_108 = tpu.memref_squeeze %dma_start3A_107 : memref<1x10000x64xf32, #tpu.memory_space<hbm>> -> memref<10000x64xf32, #tpu.memory_space<hbm>>
      %dma_start3A_109 = arith.constant 0 : i32
      %dma_start3A_110 = arith.constant 0 : i32
      %dma_start3A_111 = tpu.memref_slice %dma_start3A_108[%dma_start3A_109, %dma_start3A_110] : memref<10000x64xf32, #tpu.memory_space<hbm>> -> memref<10000x64xf32, #tpu.memory_space<hbm>>
      tpu.enqueue_indirect_dma source(%dma_start3A_111 : memref<10000x64xf32, #tpu.memory_space<hbm>>) target(%dma_start3A_101 : memref<128x64xf32, #tpu.memory_space<vmem>>) offsets(%dma_start3A_104 : memref<128xi32, #tpu.memory_space<vmem>>) semaphore(%arg13 : memref<!tpu.dma_semaphore, #tpu.memory_space<semaphore_mem>>)
      %dma_start3A_112 = arith.constant 3 : i32
      %dma_start3A_113 = arith.constant 384 : i32
      %dma_start3A_114 = arith.constant 0 : i32
      %dma_start3A_115 = tpu.memref_slice %arg9[%dma_start3A_113, %dma_start3A_114] : memref<512x64xf32, #tpu.memory_space<vmem>> -> memref<128x64xf32, #tpu.memory_space<vmem>>
      %dma_start3A_116 = arith.constant 0 : i32
      %dma_start3A_117 = tpu.memref_slice %arg7[%dma_start3A_112, %dma_start3A_116] : memref<8x128xi32, #tpu.memory_space<vmem>> -> memref<1x128xi32, #tpu.memory_space<vmem>>
      %dma_start3A_118 = tpu.memref_squeeze %dma_start3A_117 : memref<1x128xi32, #tpu.memory_space<vmem>> -> memref<128xi32, #tpu.memory_space<vmem>>
      %dma_start3A_119 = arith.constant 0 : i32
      %dma_start3A_120 = arith.constant 0 : i32
      %dma_start3A_121 = tpu.memref_slice %arg2[%arg0, %dma_start3A_119, %dma_start3A_120] : memref<2x10000x64xf32, #tpu.memory_space<hbm>> -> memref<1x10000x64xf32, #tpu.memory_space<hbm>>
      %dma_start3A_122 = tpu.memref_squeeze %dma_start3A_121 : memref<1x10000x64xf32, #tpu.memory_space<hbm>> -> memref<10000x64xf32, #tpu.memory_space<hbm>>
      %dma_start3A_123 = arith.constant 0 : i32
      %dma_start3A_124 = arith.constant 0 : i32
      %dma_start3A_125 = tpu.memref_slice %dma_start3A_122[%dma_start3A_123, %dma_start3A_124] : memref<10000x64xf32, #tpu.memory_space<hbm>> -> memref<10000x64xf32, #tpu.memory_space<hbm>>
      tpu.enqueue_indirect_dma source(%dma_start3A_125 : memref<10000x64xf32, #tpu.memory_space<hbm>>) target(%dma_start3A_115 : memref<128x64xf32, #tpu.memory_space<vmem>>) offsets(%dma_start3A_118 : memref<128xi32, #tpu.memory_space<vmem>>) semaphore(%arg13 : memref<!tpu.dma_semaphore, #tpu.memory_space<semaphore_mem>>)
      %dma_wait3A = arith.constant 0 : i32
      %dma_wait3A_126 = arith.constant 0 : i32
      %dma_wait3A_127 = arith.constant 0 : i32
      %dma_wait3A_128 = tpu.memref_slice %arg9[%dma_wait3A_126, %dma_wait3A_127] : memref<512x64xf32, #tpu.memory_space<vmem>> -> memref<128x64xf32, #tpu.memory_space<vmem>>
      %dma_wait3A_129 = arith.constant 0 : i32
      %dma_wait3A_130 = tpu.memref_slice %arg7[%dma_wait3A, %dma_wait3A_129] : memref<8x128xi32, #tpu.memory_space<vmem>> -> memref<1x128xi32, #tpu.memory_space<vmem>>
      %dma_wait3A_131 = tpu.memref_squeeze %dma_wait3A_130 : memref<1x128xi32, #tpu.memory_space<vmem>> -> memref<128xi32, #tpu.memory_space<vmem>>
      %dma_wait3A_132 = arith.constant 0 : i32
      %dma_wait3A_133 = arith.constant 0 : i32
      %dma_wait3A_134 = tpu.memref_slice %arg2[%arg0, %dma_wait3A_132, %dma_wait3A_133] : memref<2x10000x64xf32, #tpu.memory_space<hbm>> -> memref<1x10000x64xf32, #tpu.memory_space<hbm>>
      %dma_wait3A_135 = tpu.memref_squeeze %dma_wait3A_134 : memref<1x10000x64xf32, #tpu.memory_space<hbm>> -> memref<10000x64xf32, #tpu.memory_space<hbm>>
      %dma_wait3A_136 = arith.constant 0 : i32
      %dma_wait3A_137 = arith.constant 0 : i32
      %dma_wait3A_138 = tpu.memref_slice %dma_wait3A_135[%dma_wait3A_136, %dma_wait3A_137] : memref<10000x64xf32, #tpu.memory_space<hbm>> -> memref<10000x64xf32, #tpu.memory_space<hbm>>
      tpu.wait_indirect_dma semaphore(%arg13 : memref<!tpu.dma_semaphore, #tpu.memory_space<semaphore_mem>>) src(%dma_wait3A_138 : memref<10000x64xf32, #tpu.memory_space<hbm>>) dst(%dma_wait3A_128 : memref<128x64xf32, #tpu.memory_space<vmem>>)
      %dma_wait3A_139 = arith.constant 1 : i32
      %dma_wait3A_140 = arith.constant 128 : i32
      %dma_wait3A_141 = arith.constant 0 : i32
      %dma_wait3A_142 = tpu.memref_slice %arg9[%dma_wait3A_140, %dma_wait3A_141] : memref<512x64xf32, #tpu.memory_space<vmem>> -> memref<128x64xf32, #tpu.memory_space<vmem>>
      %dma_wait3A_143 = arith.constant 0 : i32
      %dma_wait3A_144 = tpu.memref_slice %arg7[%dma_wait3A_139, %dma_wait3A_143] : memref<8x128xi32, #tpu.memory_space<vmem>> -> memref<1x128xi32, #tpu.memory_space<vmem>>
      %dma_wait3A_145 = tpu.memref_squeeze %dma_wait3A_144 : memref<1x128xi32, #tpu.memory_space<vmem>> -> memref<128xi32, #tpu.memory_space<vmem>>
      %dma_wait3A_146 = arith.constant 0 : i32
      %dma_wait3A_147 = arith.constant 0 : i32
      %dma_wait3A_148 = tpu.memref_slice %arg2[%arg0, %dma_wait3A_146, %dma_wait3A_147] : memref<2x10000x64xf32, #tpu.memory_space<hbm>> -> memref<1x10000x64xf32, #tpu.memory_space<hbm>>
      %dma_wait3A_149 = tpu.memref_squeeze %dma_wait3A_148 : memref<1x10000x64xf32, #tpu.memory_space<hbm>> -> memref<10000x64xf32, #tpu.memory_space<hbm>>
      %dma_wait3A_150 = arith.constant 0 : i32
      %dma_wait3A_151 = arith.constant 0 : i32
      %dma_wait3A_152 = tpu.memref_slice %dma_wait3A_149[%dma_wait3A_150, %dma_wait3A_151] : memref<10000x64xf32, #tpu.memory_space<hbm>> -> memref<10000x64xf32, #tpu.memory_space<hbm>>
      tpu.wait_indirect_dma semaphore(%arg13 : memref<!tpu.dma_semaphore, #tpu.memory_space<semaphore_mem>>) src(%dma_wait3A_152 : memref<10000x64xf32, #tpu.memory_space<hbm>>) dst(%dma_wait3A_142 : memref<128x64xf32, #tpu.memory_space<vmem>>)
      %dma_wait3A_153 = arith.constant 2 : i32
      %dma_wait3A_154 = arith.constant 256 : i32
      %dma_wait3A_155 = arith.constant 0 : i32
      %dma_wait3A_156 = tpu.memref_slice %arg9[%dma_wait3A_154, %dma_wait3A_155] : memref<512x64xf32, #tpu.memory_space<vmem>> -> memref<128x64xf32, #tpu.memory_space<vmem>>
      %dma_wait3A_157 = arith.constant 0 : i32
      %dma_wait3A_158 = tpu.memref_slice %arg7[%dma_wait3A_153, %dma_wait3A_157] : memref<8x128xi32, #tpu.memory_space<vmem>> -> memref<1x128xi32, #tpu.memory_space<vmem>>
      %dma_wait3A_159 = tpu.memref_squeeze %dma_wait3A_158 : memref<1x128xi32, #tpu.memory_space<vmem>> -> memref<128xi32, #tpu.memory_space<vmem>>
      %dma_wait3A_160 = arith.constant 0 : i32
      %dma_wait3A_161 = arith.constant 0 : i32
      %dma_wait3A_162 = tpu.memref_slice %arg2[%arg0, %dma_wait3A_160, %dma_wait3A_161] : memref<2x10000x64xf32, #tpu.memory_space<hbm>> -> memref<1x10000x64xf32, #tpu.memory_space<hbm>>
      %dma_wait3A_163 = tpu.memref_squeeze %dma_wait3A_162 : memref<1x10000x64xf32, #tpu.memory_space<hbm>> -> memref<10000x64xf32, #tpu.memory_space<hbm>>
      %dma_wait3A_164 = arith.constant 0 : i32
      %dma_wait3A_165 = arith.constant 0 : i32
      %dma_wait3A_166 = tpu.memref_slice %dma_wait3A_163[%dma_wait3A_164, %dma_wait3A_165] : memref<10000x64xf32, #tpu.memory_space<hbm>> -> memref<10000x64xf32, #tpu.memory_space<hbm>>
      tpu.wait_indirect_dma semaphore(%arg13 : memref<!tpu.dma_semaphore, #tpu.memory_space<semaphore_mem>>) src(%dma_wait3A_166 : memref<10000x64xf32, #tpu.memory_space<hbm>>) dst(%dma_wait3A_156 : memref<128x64xf32, #tpu.memory_space<vmem>>)
      %dma_wait3A_167 = arith.constant 3 : i32
      %dma_wait3A_168 = arith.constant 384 : i32
      %dma_wait3A_169 = arith.constant 0 : i32
      %dma_wait3A_170 = tpu.memref_slice %arg9[%dma_wait3A_168, %dma_wait3A_169] : memref<512x64xf32, #tpu.memory_space<vmem>> -> memref<128x64xf32, #tpu.memory_space<vmem>>
      %dma_wait3A_171 = arith.constant 0 : i32
      %dma_wait3A_172 = tpu.memref_slice %arg7[%dma_wait3A_167, %dma_wait3A_171] : memref<8x128xi32, #tpu.memory_space<vmem>> -> memref<1x128xi32, #tpu.memory_space<vmem>>
      %dma_wait3A_173 = tpu.memref_squeeze %dma_wait3A_172 : memref<1x128xi32, #tpu.memory_space<vmem>> -> memref<128xi32, #tpu.memory_space<vmem>>
      %dma_wait3A_174 = arith.constant 0 : i32
      %dma_wait3A_175 = arith.constant 0 : i32
      %dma_wait3A_176 = tpu.memref_slice %arg2[%arg0, %dma_wait3A_174, %dma_wait3A_175] : memref<2x10000x64xf32, #tpu.memory_space<hbm>> -> memref<1x10000x64xf32, #tpu.memory_space<hbm>>
      %dma_wait3A_177 = tpu.memref_squeeze %dma_wait3A_176 : memref<1x10000x64xf32, #tpu.memory_space<hbm>> -> memref<10000x64xf32, #tpu.memory_space<hbm>>
      %dma_wait3A_178 = arith.constant 0 : i32
      %dma_wait3A_179 = arith.constant 0 : i32
      %dma_wait3A_180 = tpu.memref_slice %dma_wait3A_177[%dma_wait3A_178, %dma_wait3A_179] : memref<10000x64xf32, #tpu.memory_space<hbm>> -> memref<10000x64xf32, #tpu.memory_space<hbm>>
      tpu.wait_indirect_dma semaphore(%arg13 : memref<!tpu.dma_semaphore, #tpu.memory_space<semaphore_mem>>) src(%dma_wait3A_180 : memref<10000x64xf32, #tpu.memory_space<hbm>>) dst(%dma_wait3A_170 : memref<128x64xf32, #tpu.memory_space<vmem>>)
      %scan3A_181 = arith.constant 0 : i32
      %scan3A_182 = arith.constant 0 : i32
      %scan3A_183 = arith.constant 512 : i32
      %scan3A_184 = arith.addi %scan3A_182, %scan3A_183 : i32
      %scan3A_185 = arith.constant 1 : i32
      scf.for %scan3A_317 = %scan3A_182 to %scan3A_184 step %scan3A_185  : i32 {
        %get3A = arith.index_cast %scan3A_317 : i32 to index
        %get3A_318 = arith.constant 0 : index
        %get3A_319 = tpu.vector_load %arg9[%get3A, %get3A_318] {strides = array<i32>} : memref<512x64xf32, #tpu.memory_space<vmem>>, vector<1x16xf32>,
        %get3A_320 = vector.shape_cast %get3A_319 : vector<1x16xf32> to vector<16xf32>
        %get3A_321 = arith.index_cast %scan3A_317 : i32 to index
        %get3A_322 = arith.constant 0 : index
        %get3A_323 = tpu.vector_load %arg10[%get3A_321, %get3A_322] {strides = array<i32>} : memref<512x64xf32, #tpu.memory_space<vmem>>, vector<1x16xf32>,
        %get3A_324 = vector.shape_cast %get3A_323 : vector<1x16xf32> to vector<16xf32>
        %add3A_325 = arith.addf %get3A_320, %get3A_324 : vector<16xf32>
        %max3A = arith.constant 0.000000e+00 : f32
        %max3A_326 = vector.broadcast %max3A : f32 to vector<16xf32>
        %max3A_327 = arith.maximumf %add3A_325, %max3A_326 : vector<16xf32>
        %swap3A = arith.index_cast %scan3A_317 : i32 to index
        %swap3A_328 = arith.constant 0 : index
        %swap3A_329 = tpu.vector_load %arg9[%swap3A, %swap3A_328] {strides = array<i32>} : memref<512x64xf32, #tpu.memory_space<vmem>>, vector<1x16xf32>,
        %swap3A_330 = vector.shape_cast %swap3A_329 : vector<1x16xf32> to vector<16xf32>
        %swap3A_331 = vector.shape_cast %max3A_327 : vector<16xf32> to vector<1x16xf32>
        tpu.vector_store %arg9[%swap3A, %swap3A_328], %swap3A_331 {strides = array<i32>} : memref<512x64xf32, #tpu.memory_space<vmem>>, vector<1x16xf32>,
        %get3A_332 = arith.index_cast %scan3A_317 : i32 to index
        %get3A_333 = arith.constant 16 : index
        %get3A_334 = tpu.vector_load %arg9[%get3A_332, %get3A_333] {strides = array<i32>} : memref<512x64xf32, #tpu.memory_space<vmem>>, vector<1x16xf32>,
        %get3A_335 = vector.shape_cast %get3A_334 : vector<1x16xf32> to vector<16xf32>
        %get3A_336 = arith.index_cast %scan3A_317 : i32 to index
        %get3A_337 = arith.constant 16 : index
        %get3A_338 = tpu.vector_load %arg10[%get3A_336, %get3A_337] {strides = array<i32>} : memref<512x64xf32, #tpu.memory_space<vmem>>, vector<1x16xf32>,
        %get3A_339 = vector.shape_cast %get3A_338 : vector<1x16xf32> to vector<16xf32>
        %add3A_340 = arith.addf %get3A_335, %get3A_339 : vector<16xf32>
        %max3A_341 = arith.constant 0.000000e+00 : f32
        %max3A_342 = vector.broadcast %max3A_341 : f32 to vector<16xf32>
        %max3A_343 = arith.maximumf %add3A_340, %max3A_342 : vector<16xf32>
        %swap3A_344 = arith.index_cast %scan3A_317 : i32 to index
        %swap3A_345 = arith.constant 16 : index
        %swap3A_346 = tpu.vector_load %arg9[%swap3A_344, %swap3A_345] {strides = array<i32>} : memref<512x64xf32, #tpu.memory_space<vmem>>, vector<1x16xf32>,
        %swap3A_347 = vector.shape_cast %swap3A_346 : vector<1x16xf32> to vector<16xf32>
        %swap3A_348 = vector.shape_cast %max3A_343 : vector<16xf32> to vector<1x16xf32>
        tpu.vector_store %arg9[%swap3A_344, %swap3A_345], %swap3A_348 {strides = array<i32>} : memref<512x64xf32, #tpu.memory_space<vmem>>, vector<1x16xf32>,
        %get3A_349 = arith.index_cast %scan3A_317 : i32 to index
        %get3A_350 = arith.constant 32 : index
        %get3A_351 = tpu.vector_load %arg9[%get3A_349, %get3A_350] {strides = array<i32>} : memref<512x64xf32, #tpu.memory_space<vmem>>, vector<1x16xf32>,
        %get3A_352 = vector.shape_cast %get3A_351 : vector<1x16xf32> to vector<16xf32>
        %get3A_353 = arith.index_cast %scan3A_317 : i32 to index
        %get3A_354 = arith.constant 32 : index
        %get3A_355 = tpu.vector_load %arg10[%get3A_353, %get3A_354] {strides = array<i32>} : memref<512x64xf32, #tpu.memory_space<vmem>>, vector<1x16xf32>,
        %get3A_356 = vector.shape_cast %get3A_355 : vector<1x16xf32> to vector<16xf32>
        %add3A_357 = arith.addf %get3A_352, %get3A_356 : vector<16xf32>
        %max3A_358 = arith.constant 0.000000e+00 : f32
        %max3A_359 = vector.broadcast %max3A_358 : f32 to vector<16xf32>
        %max3A_360 = arith.maximumf %add3A_357, %max3A_359 : vector<16xf32>
        %swap3A_361 = arith.index_cast %scan3A_317 : i32 to index
        %swap3A_362 = arith.constant 32 : index
        %swap3A_363 = tpu.vector_load %arg9[%swap3A_361, %swap3A_362] {strides = array<i32>} : memref<512x64xf32, #tpu.memory_space<vmem>>, vector<1x16xf32>,
        %swap3A_364 = vector.shape_cast %swap3A_363 : vector<1x16xf32> to vector<16xf32>
        %swap3A_365 = vector.shape_cast %max3A_360 : vector<16xf32> to vector<1x16xf32>
        tpu.vector_store %arg9[%swap3A_361, %swap3A_362], %swap3A_365 {strides = array<i32>} : memref<512x64xf32, #tpu.memory_space<vmem>>, vector<1x16xf32>,
        %get3A_366 = arith.index_cast %scan3A_317 : i32 to index
        %get3A_367 = arith.constant 48 : index
        %get3A_368 = tpu.vector_load %arg9[%get3A_366, %get3A_367] {strides = array<i32>} : memref<512x64xf32, #tpu.memory_space<vmem>>, vector<1x16xf32>,
        %get3A_369 = vector.shape_cast %get3A_368 : vector<1x16xf32> to vector<16xf32>
        %get3A_370 = arith.index_cast %scan3A_317 : i32 to index
        %get3A_371 = arith.constant 48 : index
        %get3A_372 = tpu.vector_load %arg10[%get3A_370, %get3A_371] {strides = array<i32>} : memref<512x64xf32, #tpu.memory_space<vmem>>, vector<1x16xf32>,
        %get3A_373 = vector.shape_cast %get3A_372 : vector<1x16xf32> to vector<16xf32>
        %add3A_374 = arith.addf %get3A_369, %get3A_373 : vector<16xf32>
        %max3A_375 = arith.constant 0.000000e+00 : f32
        %max3A_376 = vector.broadcast %max3A_375 : f32 to vector<16xf32>
        %max3A_377 = arith.maximumf %add3A_374, %max3A_376 : vector<16xf32>
        %swap3A_378 = arith.index_cast %scan3A_317 : i32 to index
        %swap3A_379 = arith.constant 48 : index
        %swap3A_380 = tpu.vector_load %arg9[%swap3A_378, %swap3A_379] {strides = array<i32>} : memref<512x64xf32, #tpu.memory_space<vmem>>, vector<1x16xf32>,
        %swap3A_381 = vector.shape_cast %swap3A_380 : vector<1x16xf32> to vector<16xf32>
        %swap3A_382 = vector.shape_cast %max3A_377 : vector<16xf32> to vector<1x16xf32>
        tpu.vector_store %arg9[%swap3A_378, %swap3A_379], %swap3A_382 {strides = array<i32>} : memref<512x64xf32, #tpu.memory_space<vmem>>, vector<1x16xf32>,
      }
      %scan3A_186 = arith.constant 512 : i32
      %run_scoped3A = arith.constant 0 : i32
      "tpu.region"() ({
        %run_scoped3A_317 = tpu.sem_alloc : memref<!tpu.dma_semaphore, #tpu.memory_space<semaphore_mem>>
        %dma_start3A_318 = arith.constant 0 : i32
        %dma_start3A_319 = arith.constant 0 : i32
        %dma_start3A_320 = tpu.memref_slice %arg9[%dma_start3A_318, %dma_start3A_319] : memref<512x64xf32, #tpu.memory_space<vmem>> -> memref<128x64xf32, #tpu.memory_space<vmem>>
        %dma_start3A_321 = arith.constant 0 : i32
        %dma_start3A_322 = tpu.memref_slice %arg8[%run_scoped3A, %dma_start3A_321] : memref<8x128xi32, #tpu.memory_space<vmem>> -> memref<1x128xi32, #tpu.memory_space<vmem>>
        %dma_start3A_323 = tpu.memref_squeeze %dma_start3A_322 : memref<1x128xi32, #tpu.memory_space<vmem>> -> memref<128xi32, #tpu.memory_space<vmem>>
        %dma_start3A_324 = arith.constant 0 : i32
        %dma_start3A_325 = arith.constant 0 : i32
        %dma_start3A_326 = tpu.memref_slice %arg12[%dma_start3A_324, %dma_start3A_325] : memref<10240x64xf32, #tpu.memory_space<vmem_shared>> -> memref<10240x64xf32, #tpu.memory_space<vmem_shared>>
        tpu.enqueue_indirect_dma source(%dma_start3A_320 : memref<128x64xf32, #tpu.memory_space<vmem>>) target(%dma_start3A_326 : memref<10240x64xf32, #tpu.memory_space<vmem_shared>>) offsets(%dma_start3A_323 : memref<128xi32, #tpu.memory_space<vmem>>) semaphore(%run_scoped3A_317 : memref<!tpu.dma_semaphore, #tpu.memory_space<semaphore_mem>>) {add = true}
        %dma_wait3A_327 = arith.constant 0 : i32
        %dma_wait3A_328 = arith.constant 0 : i32
        %dma_wait3A_329 = tpu.memref_slice %arg9[%dma_wait3A_327, %dma_wait3A_328] : memref<512x64xf32, #tpu.memory_space<vmem>> -> memref<128x64xf32, #tpu.memory_space<vmem>>
        %dma_wait3A_330 = arith.constant 0 : i32
        %dma_wait3A_331 = tpu.memref_slice %arg8[%run_scoped3A, %dma_wait3A_330] : memref<8x128xi32, #tpu.memory_space<vmem>> -> memref<1x128xi32, #tpu.memory_space<vmem>>
        %dma_wait3A_332 = tpu.memref_squeeze %dma_wait3A_331 : memref<1x128xi32, #tpu.memory_space<vmem>> -> memref<128xi32, #tpu.memory_space<vmem>>
        %dma_wait3A_333 = arith.constant 0 : i32
        %dma_wait3A_334 = arith.constant 0 : i32
        %dma_wait3A_335 = tpu.memref_slice %arg12[%dma_wait3A_333, %dma_wait3A_334] : memref<10240x64xf32, #tpu.memory_space<vmem_shared>> -> memref<10240x64xf32, #tpu.memory_space<vmem_shared>>
        tpu.wait_indirect_dma semaphore(%run_scoped3A_317 : memref<!tpu.dma_semaphore, #tpu.memory_space<semaphore_mem>>) src(%dma_wait3A_329 : memref<128x64xf32, #tpu.memory_space<vmem>>) dst(%dma_wait3A_335 : memref<10240x64xf32, #tpu.memory_space<vmem_shared>>)
        tpu.yield
      }) : () -> ()
      %run_scoped3A_187 = arith.constant 1 : i32
      "tpu.region"() ({
        %run_scoped3A_317 = tpu.sem_alloc : memref<!tpu.dma_semaphore, #tpu.memory_space<semaphore_mem>>
        %dma_start3A_318 = arith.constant 128 : i32
        %dma_start3A_319 = arith.constant 0 : i32
        %dma_start3A_320 = tpu.memref_slice %arg9[%dma_start3A_318, %dma_start3A_319] : memref<512x64xf32, #tpu.memory_space<vmem>> -> memref<128x64xf32, #tpu.memory_space<vmem>>
        %dma_start3A_321 = arith.constant 0 : i32
        %dma_start3A_322 = tpu.memref_slice %arg8[%run_scoped3A_187, %dma_start3A_321] : memref<8x128xi32, #tpu.memory_space<vmem>> -> memref<1x128xi32, #tpu.memory_space<vmem>>
        %dma_start3A_323 = tpu.memref_squeeze %dma_start3A_322 : memref<1x128xi32, #tpu.memory_space<vmem>> -> memref<128xi32, #tpu.memory_space<vmem>>
        %dma_start3A_324 = arith.constant 0 : i32
        %dma_start3A_325 = arith.constant 0 : i32
        %dma_start3A_326 = tpu.memref_slice %arg12[%dma_start3A_324, %dma_start3A_325] : memref<10240x64xf32, #tpu.memory_space<vmem_shared>> -> memref<10240x64xf32, #tpu.memory_space<vmem_shared>>
        tpu.enqueue_indirect_dma source(%dma_start3A_320 : memref<128x64xf32, #tpu.memory_space<vmem>>) target(%dma_start3A_326 : memref<10240x64xf32, #tpu.memory_space<vmem_shared>>) offsets(%dma_start3A_323 : memref<128xi32, #tpu.memory_space<vmem>>) semaphore(%run_scoped3A_317 : memref<!tpu.dma_semaphore, #tpu.memory_space<semaphore_mem>>) {add = true}
        %dma_wait3A_327 = arith.constant 128 : i32
        %dma_wait3A_328 = arith.constant 0 : i32
        %dma_wait3A_329 = tpu.memref_slice %arg9[%dma_wait3A_327, %dma_wait3A_328] : memref<512x64xf32, #tpu.memory_space<vmem>> -> memref<128x64xf32, #tpu.memory_space<vmem>>
        %dma_wait3A_330 = arith.constant 0 : i32
        %dma_wait3A_331 = tpu.memref_slice %arg8[%run_scoped3A_187, %dma_wait3A_330] : memref<8x128xi32, #tpu.memory_space<vmem>> -> memref<1x128xi32, #tpu.memory_space<vmem>>
        %dma_wait3A_332 = tpu.memref_squeeze %dma_wait3A_331 : memref<1x128xi32, #tpu.memory_space<vmem>> -> memref<128xi32, #tpu.memory_space<vmem>>
        %dma_wait3A_333 = arith.constant 0 : i32
        %dma_wait3A_334 = arith.constant 0 : i32
        %dma_wait3A_335 = tpu.memref_slice %arg12[%dma_wait3A_333, %dma_wait3A_334] : memref<10240x64xf32, #tpu.memory_space<vmem_shared>> -> memref<10240x64xf32, #tpu.memory_space<vmem_shared>>
        tpu.wait_indirect_dma semaphore(%run_scoped3A_317 : memref<!tpu.dma_semaphore, #tpu.memory_space<semaphore_mem>>) src(%dma_wait3A_329 : memref<128x64xf32, #tpu.memory_space<vmem>>) dst(%dma_wait3A_335 : memref<10240x64xf32, #tpu.memory_space<vmem_shared>>)
        tpu.yield
      }) : () -> ()
      %run_scoped3A_188 = arith.constant 2 : i32
      "tpu.region"() ({
        %run_scoped3A_317 = tpu.sem_alloc : memref<!tpu.dma_semaphore, #tpu.memory_space<semaphore_mem>>
        %dma_start3A_318 = arith.constant 256 : i32
        %dma_start3A_319 = arith.constant 0 : i32
        %dma_start3A_320 = tpu.memref_slice %arg9[%dma_start3A_318, %dma_start3A_319] : memref<512x64xf32, #tpu.memory_space<vmem>> -> memref<128x64xf32, #tpu.memory_space<vmem>>
        %dma_start3A_321 = arith.constant 0 : i32
        %dma_start3A_322 = tpu.memref_slice %arg8[%run_scoped3A_188, %dma_start3A_321] : memref<8x128xi32, #tpu.memory_space<vmem>> -> memref<1x128xi32, #tpu.memory_space<vmem>>
        %dma_start3A_323 = tpu.memref_squeeze %dma_start3A_322 : memref<1x128xi32, #tpu.memory_space<vmem>> -> memref<128xi32, #tpu.memory_space<vmem>>
        %dma_start3A_324 = arith.constant 0 : i32
        %dma_start3A_325 = arith.constant 0 : i32
        %dma_start3A_326 = tpu.memref_slice %arg12[%dma_start3A_324, %dma_start3A_325] : memref<10240x64xf32, #tpu.memory_space<vmem_shared>> -> memref<10240x64xf32, #tpu.memory_space<vmem_shared>>
        tpu.enqueue_indirect_dma source(%dma_start3A_320 : memref<128x64xf32, #tpu.memory_space<vmem>>) target(%dma_start3A_326 : memref<10240x64xf32, #tpu.memory_space<vmem_shared>>) offsets(%dma_start3A_323 : memref<128xi32, #tpu.memory_space<vmem>>) semaphore(%run_scoped3A_317 : memref<!tpu.dma_semaphore, #tpu.memory_space<semaphore_mem>>) {add = true}
        %dma_wait3A_327 = arith.constant 256 : i32
        %dma_wait3A_328 = arith.constant 0 : i32
        %dma_wait3A_329 = tpu.memref_slice %arg9[%dma_wait3A_327, %dma_wait3A_328] : memref<512x64xf32, #tpu.memory_space<vmem>> -> memref<128x64xf32, #tpu.memory_space<vmem>>
        %dma_wait3A_330 = arith.constant 0 : i32
        %dma_wait3A_331 = tpu.memref_slice %arg8[%run_scoped3A_188, %dma_wait3A_330] : memref<8x128xi32, #tpu.memory_space<vmem>> -> memref<1x128xi32, #tpu.memory_space<vmem>>
        %dma_wait3A_332 = tpu.memref_squeeze %dma_wait3A_331 : memref<1x128xi32, #tpu.memory_space<vmem>> -> memref<128xi32, #tpu.memory_space<vmem>>
        %dma_wait3A_333 = arith.constant 0 : i32
        %dma_wait3A_334 = arith.constant 0 : i32
        %dma_wait3A_335 = tpu.memref_slice %arg12[%dma_wait3A_333, %dma_wait3A_334] : memref<10240x64xf32, #tpu.memory_space<vmem_shared>> -> memref<10240x64xf32, #tpu.memory_space<vmem_shared>>
        tpu.wait_indirect_dma semaphore(%run_scoped3A_317 : memref<!tpu.dma_semaphore, #tpu.memory_space<semaphore_mem>>) src(%dma_wait3A_329 : memref<128x64xf32, #tpu.memory_space<vmem>>) dst(%dma_wait3A_335 : memref<10240x64xf32, #tpu.memory_space<vmem_shared>>)
        tpu.yield
      }) : () -> ()
      %run_scoped3A_189 = arith.constant 3 : i32
      "tpu.region"() ({
        %run_scoped3A_317 = tpu.sem_alloc : memref<!tpu.dma_semaphore, #tpu.memory_space<semaphore_mem>>
        %dma_start3A_318 = arith.constant 384 : i32
        %dma_start3A_319 = arith.constant 0 : i32
        %dma_start3A_320 = tpu.memref_slice %arg9[%dma_start3A_318, %dma_start3A_319] : memref<512x64xf32, #tpu.memory_space<vmem>> -> memref<128x64xf32, #tpu.memory_space<vmem>>
        %dma_start3A_321 = arith.constant 0 : i32
        %dma_start3A_322 = tpu.memref_slice %arg8[%run_scoped3A_189, %dma_start3A_321] : memref<8x128xi32, #tpu.memory_space<vmem>> -> memref<1x128xi32, #tpu.memory_space<vmem>>
        %dma_start3A_323 = tpu.memref_squeeze %dma_start3A_322 : memref<1x128xi32, #tpu.memory_space<vmem>> -> memref<128xi32, #tpu.memory_space<vmem>>
        %dma_start3A_324 = arith.constant 0 : i32
        %dma_start3A_325 = arith.constant 0 : i32
        %dma_start3A_326 = tpu.memref_slice %arg12[%dma_start3A_324, %dma_start3A_325] : memref<10240x64xf32, #tpu.memory_space<vmem_shared>> -> memref<10240x64xf32, #tpu.memory_space<vmem_shared>>
        tpu.enqueue_indirect_dma source(%dma_start3A_320 : memref<128x64xf32, #tpu.memory_space<vmem>>) target(%dma_start3A_326 : memref<10240x64xf32, #tpu.memory_space<vmem_shared>>) offsets(%dma_start3A_323 : memref<128xi32, #tpu.memory_space<vmem>>) semaphore(%run_scoped3A_317 : memref<!tpu.dma_semaphore, #tpu.memory_space<semaphore_mem>>) {add = true}
        %dma_wait3A_327 = arith.constant 384 : i32
        %dma_wait3A_328 = arith.constant 0 : i32
        %dma_wait3A_329 = tpu.memref_slice %arg9[%dma_wait3A_327, %dma_wait3A_328] : memref<512x64xf32, #tpu.memory_space<vmem>> -> memref<128x64xf32, #tpu.memory_space<vmem>>
        %dma_wait3A_330 = arith.constant 0 : i32
        %dma_wait3A_331 = tpu.memref_slice %arg8[%run_scoped3A_189, %dma_wait3A_330] : memref<8x128xi32, #tpu.memory_space<vmem>> -> memref<1x128xi32, #tpu.memory_space<vmem>>
        %dma_wait3A_332 = tpu.memref_squeeze %dma_wait3A_331 : memref<1x128xi32, #tpu.memory_space<vmem>> -> memref<128xi32, #tpu.memory_space<vmem>>
        %dma_wait3A_333 = arith.constant 0 : i32
        %dma_wait3A_334 = arith.constant 0 : i32
        %dma_wait3A_335 = tpu.memref_slice %arg12[%dma_wait3A_333, %dma_wait3A_334] : memref<10240x64xf32, #tpu.memory_space<vmem_shared>> -> memref<10240x64xf32, #tpu.memory_space<vmem_shared>>
        tpu.wait_indirect_dma semaphore(%run_scoped3A_317 : memref<!tpu.dma_semaphore, #tpu.memory_space<semaphore_mem>>) src(%dma_wait3A_329 : memref<128x64xf32, #tpu.memory_space<vmem>>) dst(%dma_wait3A_335 : memref<10240x64xf32, #tpu.memory_space<vmem_shared>>)
        tpu.yield
      }) : () -> ()
      %mul3A_190 = arith.constant 128 : i32
      %mul3A_191 = arith.muli %multiple_of3A_65, %mul3A_190 : i32
      %add3A_192 = arith.constant 512 : i32
      %add3A_193 = arith.addi %mul3A_191, %add3A_192 : i32
      %multiple_of3A_194 = tpu.assume_multiple %add3A_193, 8 : i32
      "tpu.region"() ({
        %run_scoped3A_317 = tpu.sem_alloc : memref<!tpu.dma_semaphore, #tpu.memory_space<semaphore_mem>>
        %dma_start3A_318 = arith.constant 0 : i32
        %dma_start3A_319 = tpu.memref_slice %arg5[%arg0, %multiple_of3A_194, %dma_start3A_318] : memref<2x327680x64xf32, #tpu.memory_space<hbm>> -> memref<1x512x64xf32, #tpu.memory_space<hbm>>
        %dma_start3A_320 = tpu.memref_squeeze %dma_start3A_319 : memref<1x512x64xf32, #tpu.memory_space<hbm>> -> memref<512x64xf32, #tpu.memory_space<hbm>>
        %dma_start3A_321 = arith.constant 0 : i32
        %dma_start3A_322 = tpu.memref_slice %arg5[%arg0, %multiple_of3A_194, %dma_start3A_321] : memref<2x327680x64xf32, #tpu.memory_space<hbm>> -> memref<1x512x64xf32, #tpu.memory_space<hbm>>
        %dma_start3A_323 = tpu.memref_squeeze %dma_start3A_322 : memref<1x512x64xf32, #tpu.memory_space<hbm>> -> memref<512x64xf32, #tpu.memory_space<hbm>>
        tpu.enqueue_dma source(%dma_start3A_323 : memref<512x64xf32, #tpu.memory_space<hbm>>) target(%arg10 : memref<512x64xf32, #tpu.memory_space<vmem>>) target_semaphore(%run_scoped3A_317 : memref<!tpu.dma_semaphore, #tpu.memory_space<semaphore_mem>>)
        %dma_wait3A_324 = arith.constant 0 : i32
        %dma_wait3A_325 = tpu.memref_slice %arg5[%arg0, %multiple_of3A_194, %dma_wait3A_324] : memref<2x327680x64xf32, #tpu.memory_space<hbm>> -> memref<1x512x64xf32, #tpu.memory_space<hbm>>
        %dma_wait3A_326 = tpu.memref_squeeze %dma_wait3A_325 : memref<1x512x64xf32, #tpu.memory_space<hbm>> -> memref<512x64xf32, #tpu.memory_space<hbm>>
        %dma_wait3A_327 = arith.constant 0 : i32
        %dma_wait3A_328 = tpu.memref_slice %arg5[%arg0, %multiple_of3A_194, %dma_wait3A_327] : memref<2x327680x64xf32, #tpu.memory_space<hbm>> -> memref<1x512x64xf32, #tpu.memory_space<hbm>>
        %dma_wait3A_329 = tpu.memref_squeeze %dma_wait3A_328 : memref<1x512x64xf32, #tpu.memory_space<hbm>> -> memref<512x64xf32, #tpu.memory_space<hbm>>
        tpu.wait_dma2 semaphore(%run_scoped3A_317 : memref<!tpu.dma_semaphore, #tpu.memory_space<semaphore_mem>>) src(%dma_wait3A_329 : memref<512x64xf32, #tpu.memory_space<hbm>>) dst(%arg10 : memref<512x64xf32, #tpu.memory_space<vmem>>)
        tpu.yield
      }) : () -> ()
      %dma_start3A_195 = arith.constant 4 : i32
      %dma_start3A_196 = arith.constant 0 : i32
      %dma_start3A_197 = arith.constant 0 : i32
      %dma_start3A_198 = tpu.memref_slice %arg9[%dma_start3A_196, %dma_start3A_197] : memref<512x64xf32, #tpu.memory_space<vmem>> -> memref<128x64xf32, #tpu.memory_space<vmem>>
      %dma_start3A_199 = arith.constant 0 : i32
      %dma_start3A_200 = tpu.memref_slice %arg7[%dma_start3A_195, %dma_start3A_199] : memref<8x128xi32, #tpu.memory_space<vmem>> -> memref<1x128xi32, #tpu.memory_space<vmem>>
      %dma_start3A_201 = tpu.memref_squeeze %dma_start3A_200 : memref<1x128xi32, #tpu.memory_space<vmem>> -> memref<128xi32, #tpu.memory_space<vmem>>
      %dma_start3A_202 = arith.constant 0 : i32
      %dma_start3A_203 = arith.constant 0 : i32
      %dma_start3A_204 = tpu.memref_slice %arg2[%arg0, %dma_start3A_202, %dma_start3A_203] : memref<2x10000x64xf32, #tpu.memory_space<hbm>> -> memref<1x10000x64xf32, #tpu.memory_space<hbm>>
      %dma_start3A_205 = tpu.memref_squeeze %dma_start3A_204 : memref<1x10000x64xf32, #tpu.memory_space<hbm>> -> memref<10000x64xf32, #tpu.memory_space<hbm>>
      %dma_start3A_206 = arith.constant 0 : i32
      %dma_start3A_207 = arith.constant 0 : i32
      %dma_start3A_208 = tpu.memref_slice %dma_start3A_205[%dma_start3A_206, %dma_start3A_207] : memref<10000x64xf32, #tpu.memory_space<hbm>> -> memref<10000x64xf32, #tpu.memory_space<hbm>>
      tpu.enqueue_indirect_dma source(%dma_start3A_208 : memref<10000x64xf32, #tpu.memory_space<hbm>>) target(%dma_start3A_198 : memref<128x64xf32, #tpu.memory_space<vmem>>) offsets(%dma_start3A_201 : memref<128xi32, #tpu.memory_space<vmem>>) semaphore(%arg13 : memref<!tpu.dma_semaphore, #tpu.memory_space<semaphore_mem>>)
      %dma_start3A_209 = arith.constant 5 : i32
      %dma_start3A_210 = arith.constant 128 : i32
      %dma_start3A_211 = arith.constant 0 : i32
      %dma_start3A_212 = tpu.memref_slice %arg9[%dma_start3A_210, %dma_start3A_211] : memref<512x64xf32, #tpu.memory_space<vmem>> -> memref<128x64xf32, #tpu.memory_space<vmem>>
      %dma_start3A_213 = arith.constant 0 : i32
      %dma_start3A_214 = tpu.memref_slice %arg7[%dma_start3A_209, %dma_start3A_213] : memref<8x128xi32, #tpu.memory_space<vmem>> -> memref<1x128xi32, #tpu.memory_space<vmem>>
      %dma_start3A_215 = tpu.memref_squeeze %dma_start3A_214 : memref<1x128xi32, #tpu.memory_space<vmem>> -> memref<128xi32, #tpu.memory_space<vmem>>
      %dma_start3A_216 = arith.constant 0 : i32
      %dma_start3A_217 = arith.constant 0 : i32
      %dma_start3A_218 = tpu.memref_slice %arg2[%arg0, %dma_start3A_216, %dma_start3A_217] : memref<2x10000x64xf32, #tpu.memory_space<hbm>> -> memref<1x10000x64xf32, #tpu.memory_space<hbm>>
      %dma_start3A_219 = tpu.memref_squeeze %dma_start3A_218 : memref<1x10000x64xf32, #tpu.memory_space<hbm>> -> memref<10000x64xf32, #tpu.memory_space<hbm>>
      %dma_start3A_220 = arith.constant 0 : i32
      %dma_start3A_221 = arith.constant 0 : i32
      %dma_start3A_222 = tpu.memref_slice %dma_start3A_219[%dma_start3A_220, %dma_start3A_221] : memref<10000x64xf32, #tpu.memory_space<hbm>> -> memref<10000x64xf32, #tpu.memory_space<hbm>>
      tpu.enqueue_indirect_dma source(%dma_start3A_222 : memref<10000x64xf32, #tpu.memory_space<hbm>>) target(%dma_start3A_212 : memref<128x64xf32, #tpu.memory_space<vmem>>) offsets(%dma_start3A_215 : memref<128xi32, #tpu.memory_space<vmem>>) semaphore(%arg13 : memref<!tpu.dma_semaphore, #tpu.memory_space<semaphore_mem>>)
      %dma_start3A_223 = arith.constant 6 : i32
      %dma_start3A_224 = arith.constant 256 : i32
      %dma_start3A_225 = arith.constant 0 : i32
      %dma_start3A_226 = tpu.memref_slice %arg9[%dma_start3A_224, %dma_start3A_225] : memref<512x64xf32, #tpu.memory_space<vmem>> -> memref<128x64xf32, #tpu.memory_space<vmem>>
      %dma_start3A_227 = arith.constant 0 : i32
      %dma_start3A_228 = tpu.memref_slice %arg7[%dma_start3A_223, %dma_start3A_227] : memref<8x128xi32, #tpu.memory_space<vmem>> -> memref<1x128xi32, #tpu.memory_space<vmem>>
      %dma_start3A_229 = tpu.memref_squeeze %dma_start3A_228 : memref<1x128xi32, #tpu.memory_space<vmem>> -> memref<128xi32, #tpu.memory_space<vmem>>
      %dma_start3A_230 = arith.constant 0 : i32
      %dma_start3A_231 = arith.constant 0 : i32
      %dma_start3A_232 = tpu.memref_slice %arg2[%arg0, %dma_start3A_230, %dma_start3A_231] : memref<2x10000x64xf32, #tpu.memory_space<hbm>> -> memref<1x10000x64xf32, #tpu.memory_space<hbm>>
      %dma_start3A_233 = tpu.memref_squeeze %dma_start3A_232 : memref<1x10000x64xf32, #tpu.memory_space<hbm>> -> memref<10000x64xf32, #tpu.memory_space<hbm>>
      %dma_start3A_234 = arith.constant 0 : i32
      %dma_start3A_235 = arith.constant 0 : i32
      %dma_start3A_236 = tpu.memref_slice %dma_start3A_233[%dma_start3A_234, %dma_start3A_235] : memref<10000x64xf32, #tpu.memory_space<hbm>> -> memref<10000x64xf32, #tpu.memory_space<hbm>>
      tpu.enqueue_indirect_dma source(%dma_start3A_236 : memref<10000x64xf32, #tpu.memory_space<hbm>>) target(%dma_start3A_226 : memref<128x64xf32, #tpu.memory_space<vmem>>) offsets(%dma_start3A_229 : memref<128xi32, #tpu.memory_space<vmem>>) semaphore(%arg13 : memref<!tpu.dma_semaphore, #tpu.memory_space<semaphore_mem>>)
      %dma_start3A_237 = arith.constant 7 : i32
      %dma_start3A_238 = arith.constant 384 : i32
      %dma_start3A_239 = arith.constant 0 : i32
      %dma_start3A_240 = tpu.memref_slice %arg9[%dma_start3A_238, %dma_start3A_239] : memref<512x64xf32, #tpu.memory_space<vmem>> -> memref<128x64xf32, #tpu.memory_space<vmem>>
      %dma_start3A_241 = arith.constant 0 : i32
      %dma_start3A_242 = tpu.memref_slice %arg7[%dma_start3A_237, %dma_start3A_241] : memref<8x128xi32, #tpu.memory_space<vmem>> -> memref<1x128xi32, #tpu.memory_space<vmem>>
      %dma_start3A_243 = tpu.memref_squeeze %dma_start3A_242 : memref<1x128xi32, #tpu.memory_space<vmem>> -> memref<128xi32, #tpu.memory_space<vmem>>
      %dma_start3A_244 = arith.constant 0 : i32
      %dma_start3A_245 = arith.constant 0 : i32
      %dma_start3A_246 = tpu.memref_slice %arg2[%arg0, %dma_start3A_244, %dma_start3A_245] : memref<2x10000x64xf32, #tpu.memory_space<hbm>> -> memref<1x10000x64xf32, #tpu.memory_space<hbm>>
      %dma_start3A_247 = tpu.memref_squeeze %dma_start3A_246 : memref<1x10000x64xf32, #tpu.memory_space<hbm>> -> memref<10000x64xf32, #tpu.memory_space<hbm>>
      %dma_start3A_248 = arith.constant 0 : i32
      %dma_start3A_249 = arith.constant 0 : i32
      %dma_start3A_250 = tpu.memref_slice %dma_start3A_247[%dma_start3A_248, %dma_start3A_249] : memref<10000x64xf32, #tpu.memory_space<hbm>> -> memref<10000x64xf32, #tpu.memory_space<hbm>>
      tpu.enqueue_indirect_dma source(%dma_start3A_250 : memref<10000x64xf32, #tpu.memory_space<hbm>>) target(%dma_start3A_240 : memref<128x64xf32, #tpu.memory_space<vmem>>) offsets(%dma_start3A_243 : memref<128xi32, #tpu.memory_space<vmem>>) semaphore(%arg13 : memref<!tpu.dma_semaphore, #tpu.memory_space<semaphore_mem>>)
      %dma_wait3A_251 = arith.constant 4 : i32
      %dma_wait3A_252 = arith.constant 0 : i32
      %dma_wait3A_253 = arith.constant 0 : i32
      %dma_wait3A_254 = tpu.memref_slice %arg9[%dma_wait3A_252, %dma_wait3A_253] : memref<512x64xf32, #tpu.memory_space<vmem>> -> memref<128x64xf32, #tpu.memory_space<vmem>>
      %dma_wait3A_255 = arith.constant 0 : i32
      %dma_wait3A_256 = tpu.memref_slice %arg7[%dma_wait3A_251, %dma_wait3A_255] : memref<8x128xi32, #tpu.memory_space<vmem>> -> memref<1x128xi32, #tpu.memory_space<vmem>>
      %dma_wait3A_257 = tpu.memref_squeeze %dma_wait3A_256 : memref<1x128xi32, #tpu.memory_space<vmem>> -> memref<128xi32, #tpu.memory_space<vmem>>
      %dma_wait3A_258 = arith.constant 0 : i32
      %dma_wait3A_259 = arith.constant 0 : i32
      %dma_wait3A_260 = tpu.memref_slice %arg2[%arg0, %dma_wait3A_258, %dma_wait3A_259] : memref<2x10000x64xf32, #tpu.memory_space<hbm>> -> memref<1x10000x64xf32, #tpu.memory_space<hbm>>
      %dma_wait3A_261 = tpu.memref_squeeze %dma_wait3A_260 : memref<1x10000x64xf32, #tpu.memory_space<hbm>> -> memref<10000x64xf32, #tpu.memory_space<hbm>>
      %dma_wait3A_262 = arith.constant 0 : i32
      %dma_wait3A_263 = arith.constant 0 : i32
      %dma_wait3A_264 = tpu.memref_slice %dma_wait3A_261[%dma_wait3A_262, %dma_wait3A_263] : memref<10000x64xf32, #tpu.memory_space<hbm>> -> memref<10000x64xf32, #tpu.memory_space<hbm>>
      tpu.wait_indirect_dma semaphore(%arg13 : memref<!tpu.dma_semaphore, #tpu.memory_space<semaphore_mem>>) src(%dma_wait3A_264 : memref<10000x64xf32, #tpu.memory_space<hbm>>) dst(%dma_wait3A_254 : memref<128x64xf32, #tpu.memory_space<vmem>>)
      %dma_wait3A_265 = arith.constant 5 : i32
      %dma_wait3A_266 = arith.constant 128 : i32
      %dma_wait3A_267 = arith.constant 0 : i32
      %dma_wait3A_268 = tpu.memref_slice %arg9[%dma_wait3A_266, %dma_wait3A_267] : memref<512x64xf32, #tpu.memory_space<vmem>> -> memref<128x64xf32, #tpu.memory_space<vmem>>
      %dma_wait3A_269 = arith.constant 0 : i32
      %dma_wait3A_270 = tpu.memref_slice %arg7[%dma_wait3A_265, %dma_wait3A_269] : memref<8x128xi32, #tpu.memory_space<vmem>> -> memref<1x128xi32, #tpu.memory_space<vmem>>
      %dma_wait3A_271 = tpu.memref_squeeze %dma_wait3A_270 : memref<1x128xi32, #tpu.memory_space<vmem>> -> memref<128xi32, #tpu.memory_space<vmem>>
      %dma_wait3A_272 = arith.constant 0 : i32
      %dma_wait3A_273 = arith.constant 0 : i32
      %dma_wait3A_274 = tpu.memref_slice %arg2[%arg0, %dma_wait3A_272, %dma_wait3A_273] : memref<2x10000x64xf32, #tpu.memory_space<hbm>> -> memref<1x10000x64xf32, #tpu.memory_space<hbm>>
      %dma_wait3A_275 = tpu.memref_squeeze %dma_wait3A_274 : memref<1x10000x64xf32, #tpu.memory_space<hbm>> -> memref<10000x64xf32, #tpu.memory_space<hbm>>
      %dma_wait3A_276 = arith.constant 0 : i32
      %dma_wait3A_277 = arith.constant 0 : i32
      %dma_wait3A_278 = tpu.memref_slice %dma_wait3A_275[%dma_wait3A_276, %dma_wait3A_277] : memref<10000x64xf32, #tpu.memory_space<hbm>> -> memref<10000x64xf32, #tpu.memory_space<hbm>>
      tpu.wait_indirect_dma semaphore(%arg13 : memref<!tpu.dma_semaphore, #tpu.memory_space<semaphore_mem>>) src(%dma_wait3A_278 : memref<10000x64xf32, #tpu.memory_space<hbm>>) dst(%dma_wait3A_268 : memref<128x64xf32, #tpu.memory_space<vmem>>)
      %dma_wait3A_279 = arith.constant 6 : i32
      %dma_wait3A_280 = arith.constant 256 : i32
      %dma_wait3A_281 = arith.constant 0 : i32
      %dma_wait3A_282 = tpu.memref_slice %arg9[%dma_wait3A_280, %dma_wait3A_281] : memref<512x64xf32, #tpu.memory_space<vmem>> -> memref<128x64xf32, #tpu.memory_space<vmem>>
      %dma_wait3A_283 = arith.constant 0 : i32
      %dma_wait3A_284 = tpu.memref_slice %arg7[%dma_wait3A_279, %dma_wait3A_283] : memref<8x128xi32, #tpu.memory_space<vmem>> -> memref<1x128xi32, #tpu.memory_space<vmem>>
      %dma_wait3A_285 = tpu.memref_squeeze %dma_wait3A_284 : memref<1x128xi32, #tpu.memory_space<vmem>> -> memref<128xi32, #tpu.memory_space<vmem>>
      %dma_wait3A_286 = arith.constant 0 : i32
      %dma_wait3A_287 = arith.constant 0 : i32
      %dma_wait3A_288 = tpu.memref_slice %arg2[%arg0, %dma_wait3A_286, %dma_wait3A_287] : memref<2x10000x64xf32, #tpu.memory_space<hbm>> -> memref<1x10000x64xf32, #tpu.memory_space<hbm>>
      %dma_wait3A_289 = tpu.memref_squeeze %dma_wait3A_288 : memref<1x10000x64xf32, #tpu.memory_space<hbm>> -> memref<10000x64xf32, #tpu.memory_space<hbm>>
      %dma_wait3A_290 = arith.constant 0 : i32
      %dma_wait3A_291 = arith.constant 0 : i32
      %dma_wait3A_292 = tpu.memref_slice %dma_wait3A_289[%dma_wait3A_290, %dma_wait3A_291] : memref<10000x64xf32, #tpu.memory_space<hbm>> -> memref<10000x64xf32, #tpu.memory_space<hbm>>
      tpu.wait_indirect_dma semaphore(%arg13 : memref<!tpu.dma_semaphore, #tpu.memory_space<semaphore_mem>>) src(%dma_wait3A_292 : memref<10000x64xf32, #tpu.memory_space<hbm>>) dst(%dma_wait3A_282 : memref<128x64xf32, #tpu.memory_space<vmem>>)
      %dma_wait3A_293 = arith.constant 7 : i32
      %dma_wait3A_294 = arith.constant 384 : i32
      %dma_wait3A_295 = arith.constant 0 : i32
      %dma_wait3A_296 = tpu.memref_slice %arg9[%dma_wait3A_294, %dma_wait3A_295] : memref<512x64xf32, #tpu.memory_space<vmem>> -> memref<128x64xf32, #tpu.memory_space<vmem>>
      %dma_wait3A_297 = arith.constant 0 : i32
      %dma_wait3A_298 = tpu.memref_slice %arg7[%dma_wait3A_293, %dma_wait3A_297] : memref<8x128xi32, #tpu.memory_space<vmem>> -> memref<1x128xi32, #tpu.memory_space<vmem>>
      %dma_wait3A_299 = tpu.memref_squeeze %dma_wait3A_298 : memref<1x128xi32, #tpu.memory_space<vmem>> -> memref<128xi32, #tpu.memory_space<vmem>>
      %dma_wait3A_300 = arith.constant 0 : i32
      %dma_wait3A_301 = arith.constant 0 : i32
      %dma_wait3A_302 = tpu.memref_slice %arg2[%arg0, %dma_wait3A_300, %dma_wait3A_301] : memref<2x10000x64xf32, #tpu.memory_space<hbm>> -> memref<1x10000x64xf32, #tpu.memory_space<hbm>>
      %dma_wait3A_303 = tpu.memref_squeeze %dma_wait3A_302 : memref<1x10000x64xf32, #tpu.memory_space<hbm>> -> memref<10000x64xf32, #tpu.memory_space<hbm>>
      %dma_wait3A_304 = arith.constant 0 : i32
      %dma_wait3A_305 = arith.constant 0 : i32
      %dma_wait3A_306 = tpu.memref_slice %dma_wait3A_303[%dma_wait3A_304, %dma_wait3A_305] : memref<10000x64xf32, #tpu.memory_space<hbm>> -> memref<10000x64xf32, #tpu.memory_space<hbm>>
      tpu.wait_indirect_dma semaphore(%arg13 : memref<!tpu.dma_semaphore, #tpu.memory_space<semaphore_mem>>) src(%dma_wait3A_306 : memref<10000x64xf32, #tpu.memory_space<hbm>>) dst(%dma_wait3A_296 : memref<128x64xf32, #tpu.memory_space<vmem>>)
      %scan3A_307 = arith.constant 0 : i32
      %scan3A_308 = arith.constant 0 : i32
      %scan3A_309 = arith.constant 512 : i32
      %scan3A_310 = arith.addi %scan3A_308, %scan3A_309 : i32
      %scan3A_311 = arith.constant 1 : i32
      scf.for %scan3A_317 = %scan3A_308 to %scan3A_310 step %scan3A_311  : i32 {
        %get3A = arith.index_cast %scan3A_317 : i32 to index
        %get3A_318 = arith.constant 0 : index
        %get3A_319 = tpu.vector_load %arg9[%get3A, %get3A_318] {strides = array<i32>} : memref<512x64xf32, #tpu.memory_space<vmem>>, vector<1x16xf32>,
        %get3A_320 = vector.shape_cast %get3A_319 : vector<1x16xf32> to vector<16xf32>
        %get3A_321 = arith.index_cast %scan3A_317 : i32 to index
        %get3A_322 = arith.constant 0 : index
        %get3A_323 = tpu.vector_load %arg10[%get3A_321, %get3A_322] {strides = array<i32>} : memref<512x64xf32, #tpu.memory_space<vmem>>, vector<1x16xf32>,
        %get3A_324 = vector.shape_cast %get3A_323 : vector<1x16xf32> to vector<16xf32>
        %add3A_325 = arith.addf %get3A_320, %get3A_324 : vector<16xf32>
        %max3A = arith.constant 0.000000e+00 : f32
        %max3A_326 = vector.broadcast %max3A : f32 to vector<16xf32>
        %max3A_327 = arith.maximumf %add3A_325, %max3A_326 : vector<16xf32>
        %swap3A = arith.index_cast %scan3A_317 : i32 to index
        %swap3A_328 = arith.constant 0 : index
        %swap3A_329 = tpu.vector_load %arg9[%swap3A, %swap3A_328] {strides = array<i32>} : memref<512x64xf32, #tpu.memory_space<vmem>>, vector<1x16xf32>,
        %swap3A_330 = vector.shape_cast %swap3A_329 : vector<1x16xf32> to vector<16xf32>
        %swap3A_331 = vector.shape_cast %max3A_327 : vector<16xf32> to vector<1x16xf32>
        tpu.vector_store %arg9[%swap3A, %swap3A_328], %swap3A_331 {strides = array<i32>} : memref<512x64xf32, #tpu.memory_space<vmem>>, vector<1x16xf32>,
        %get3A_332 = arith.index_cast %scan3A_317 : i32 to index
        %get3A_333 = arith.constant 16 : index
        %get3A_334 = tpu.vector_load %arg9[%get3A_332, %get3A_333] {strides = array<i32>} : memref<512x64xf32, #tpu.memory_space<vmem>>, vector<1x16xf32>,
        %get3A_335 = vector.shape_cast %get3A_334 : vector<1x16xf32> to vector<16xf32>
        %get3A_336 = arith.index_cast %scan3A_317 : i32 to index
        %get3A_337 = arith.constant 16 : index
        %get3A_338 = tpu.vector_load %arg10[%get3A_336, %get3A_337] {strides = array<i32>} : memref<512x64xf32, #tpu.memory_space<vmem>>, vector<1x16xf32>,
        %get3A_339 = vector.shape_cast %get3A_338 : vector<1x16xf32> to vector<16xf32>
        %add3A_340 = arith.addf %get3A_335, %get3A_339 : vector<16xf32>
        %max3A_341 = arith.constant 0.000000e+00 : f32
        %max3A_342 = vector.broadcast %max3A_341 : f32 to vector<16xf32>
        %max3A_343 = arith.maximumf %add3A_340, %max3A_342 : vector<16xf32>
        %swap3A_344 = arith.index_cast %scan3A_317 : i32 to index
        %swap3A_345 = arith.constant 16 : index
        %swap3A_346 = tpu.vector_load %arg9[%swap3A_344, %swap3A_345] {strides = array<i32>} : memref<512x64xf32, #tpu.memory_space<vmem>>, vector<1x16xf32>,
        %swap3A_347 = vector.shape_cast %swap3A_346 : vector<1x16xf32> to vector<16xf32>
        %swap3A_348 = vector.shape_cast %max3A_343 : vector<16xf32> to vector<1x16xf32>
        tpu.vector_store %arg9[%swap3A_344, %swap3A_345], %swap3A_348 {strides = array<i32>} : memref<512x64xf32, #tpu.memory_space<vmem>>, vector<1x16xf32>,
        %get3A_349 = arith.index_cast %scan3A_317 : i32 to index
        %get3A_350 = arith.constant 32 : index
        %get3A_351 = tpu.vector_load %arg9[%get3A_349, %get3A_350] {strides = array<i32>} : memref<512x64xf32, #tpu.memory_space<vmem>>, vector<1x16xf32>,
        %get3A_352 = vector.shape_cast %get3A_351 : vector<1x16xf32> to vector<16xf32>
        %get3A_353 = arith.index_cast %scan3A_317 : i32 to index
        %get3A_354 = arith.constant 32 : index
        %get3A_355 = tpu.vector_load %arg10[%get3A_353, %get3A_354] {strides = array<i32>} : memref<512x64xf32, #tpu.memory_space<vmem>>, vector<1x16xf32>,
        %get3A_356 = vector.shape_cast %get3A_355 : vector<1x16xf32> to vector<16xf32>
        %add3A_357 = arith.addf %get3A_352, %get3A_356 : vector<16xf32>
        %max3A_358 = arith.constant 0.000000e+00 : f32
        %max3A_359 = vector.broadcast %max3A_358 : f32 to vector<16xf32>
        %max3A_360 = arith.maximumf %add3A_357, %max3A_359 : vector<16xf32>
        %swap3A_361 = arith.index_cast %scan3A_317 : i32 to index
        %swap3A_362 = arith.constant 32 : index
        %swap3A_363 = tpu.vector_load %arg9[%swap3A_361, %swap3A_362] {strides = array<i32>} : memref<512x64xf32, #tpu.memory_space<vmem>>, vector<1x16xf32>,
        %swap3A_364 = vector.shape_cast %swap3A_363 : vector<1x16xf32> to vector<16xf32>
        %swap3A_365 = vector.shape_cast %max3A_360 : vector<16xf32> to vector<1x16xf32>
        tpu.vector_store %arg9[%swap3A_361, %swap3A_362], %swap3A_365 {strides = array<i32>} : memref<512x64xf32, #tpu.memory_space<vmem>>, vector<1x16xf32>,
        %get3A_366 = arith.index_cast %scan3A_317 : i32 to index
        %get3A_367 = arith.constant 48 : index
        %get3A_368 = tpu.vector_load %arg9[%get3A_366, %get3A_367] {strides = array<i32>} : memref<512x64xf32, #tpu.memory_space<vmem>>, vector<1x16xf32>,
        %get3A_369 = vector.shape_cast %get3A_368 : vector<1x16xf32> to vector<16xf32>
        %get3A_370 = arith.index_cast %scan3A_317 : i32 to index
        %get3A_371 = arith.constant 48 : index
        %get3A_372 = tpu.vector_load %arg10[%get3A_370, %get3A_371] {strides = array<i32>} : memref<512x64xf32, #tpu.memory_space<vmem>>, vector<1x16xf32>,
        %get3A_373 = vector.shape_cast %get3A_372 : vector<1x16xf32> to vector<16xf32>
        %add3A_374 = arith.addf %get3A_369, %get3A_373 : vector<16xf32>
        %max3A_375 = arith.constant 0.000000e+00 : f32
        %max3A_376 = vector.broadcast %max3A_375 : f32 to vector<16xf32>
        %max3A_377 = arith.maximumf %add3A_374, %max3A_376 : vector<16xf32>
        %swap3A_378 = arith.index_cast %scan3A_317 : i32 to index
        %swap3A_379 = arith.constant 48 : index
        %swap3A_380 = tpu.vector_load %arg9[%swap3A_378, %swap3A_379] {strides = array<i32>} : memref<512x64xf32, #tpu.memory_space<vmem>>, vector<1x16xf32>,
        %swap3A_381 = vector.shape_cast %swap3A_380 : vector<1x16xf32> to vector<16xf32>
        %swap3A_382 = vector.shape_cast %max3A_377 : vector<16xf32> to vector<1x16xf32>
        tpu.vector_store %arg9[%swap3A_378, %swap3A_379], %swap3A_382 {strides = array<i32>} : memref<512x64xf32, #tpu.memory_space<vmem>>, vector<1x16xf32>,
      }
      %scan3A_312 = arith.constant 512 : i32
      %run_scoped3A_313 = arith.constant 4 : i32
      "tpu.region"() ({
        %run_scoped3A_317 = tpu.sem_alloc : memref<!tpu.dma_semaphore, #tpu.memory_space<semaphore_mem>>
        %dma_start3A_318 = arith.constant 0 : i32
        %dma_start3A_319 = arith.constant 0 : i32
        %dma_start3A_320 = tpu.memref_slice %arg9[%dma_start3A_318, %dma_start3A_319] : memref<512x64xf32, #tpu.memory_space<vmem>> -> memref<128x64xf32, #tpu.memory_space<vmem>>
        %dma_start3A_321 = arith.constant 0 : i32
        %dma_start3A_322 = tpu.memref_slice %arg8[%run_scoped3A_313, %dma_start3A_321] : memref<8x128xi32, #tpu.memory_space<vmem>> -> memref<1x128xi32, #tpu.memory_space<vmem>>
        %dma_start3A_323 = tpu.memref_squeeze %dma_start3A_322 : memref<1x128xi32, #tpu.memory_space<vmem>> -> memref<128xi32, #tpu.memory_space<vmem>>
        %dma_start3A_324 = arith.constant 0 : i32
        %dma_start3A_325 = arith.constant 0 : i32
        %dma_start3A_326 = tpu.memref_slice %arg12[%dma_start3A_324, %dma_start3A_325] : memref<10240x64xf32, #tpu.memory_space<vmem_shared>> -> memref<10240x64xf32, #tpu.memory_space<vmem_shared>>
        tpu.enqueue_indirect_dma source(%dma_start3A_320 : memref<128x64xf32, #tpu.memory_space<vmem>>) target(%dma_start3A_326 : memref<10240x64xf32, #tpu.memory_space<vmem_shared>>) offsets(%dma_start3A_323 : memref<128xi32, #tpu.memory_space<vmem>>) semaphore(%run_scoped3A_317 : memref<!tpu.dma_semaphore, #tpu.memory_space<semaphore_mem>>) {add = true}
        %dma_wait3A_327 = arith.constant 0 : i32
        %dma_wait3A_328 = arith.constant 0 : i32
        %dma_wait3A_329 = tpu.memref_slice %arg9[%dma_wait3A_327, %dma_wait3A_328] : memref<512x64xf32, #tpu.memory_space<vmem>> -> memref<128x64xf32, #tpu.memory_space<vmem>>
        %dma_wait3A_330 = arith.constant 0 : i32
        %dma_wait3A_331 = tpu.memref_slice %arg8[%run_scoped3A_313, %dma_wait3A_330] : memref<8x128xi32, #tpu.memory_space<vmem>> -> memref<1x128xi32, #tpu.memory_space<vmem>>
        %dma_wait3A_332 = tpu.memref_squeeze %dma_wait3A_331 : memref<1x128xi32, #tpu.memory_space<vmem>> -> memref<128xi32, #tpu.memory_space<vmem>>
        %dma_wait3A_333 = arith.constant 0 : i32
        %dma_wait3A_334 = arith.constant 0 : i32
        %dma_wait3A_335 = tpu.memref_slice %arg12[%dma_wait3A_333, %dma_wait3A_334] : memref<10240x64xf32, #tpu.memory_space<vmem_shared>> -> memref<10240x64xf32, #tpu.memory_space<vmem_shared>>
        tpu.wait_indirect_dma semaphore(%run_scoped3A_317 : memref<!tpu.dma_semaphore, #tpu.memory_space<semaphore_mem>>) src(%dma_wait3A_329 : memref<128x64xf32, #tpu.memory_space<vmem>>) dst(%dma_wait3A_335 : memref<10240x64xf32, #tpu.memory_space<vmem_shared>>)
        tpu.yield
      }) : () -> ()
      %run_scoped3A_314 = arith.constant 5 : i32
      "tpu.region"() ({
        %run_scoped3A_317 = tpu.sem_alloc : memref<!tpu.dma_semaphore, #tpu.memory_space<semaphore_mem>>
        %dma_start3A_318 = arith.constant 128 : i32
        %dma_start3A_319 = arith.constant 0 : i32
        %dma_start3A_320 = tpu.memref_slice %arg9[%dma_start3A_318, %dma_start3A_319] : memref<512x64xf32, #tpu.memory_space<vmem>> -> memref<128x64xf32, #tpu.memory_space<vmem>>
        %dma_start3A_321 = arith.constant 0 : i32
        %dma_start3A_322 = tpu.memref_slice %arg8[%run_scoped3A_314, %dma_start3A_321] : memref<8x128xi32, #tpu.memory_space<vmem>> -> memref<1x128xi32, #tpu.memory_space<vmem>>
        %dma_start3A_323 = tpu.memref_squeeze %dma_start3A_322 : memref<1x128xi32, #tpu.memory_space<vmem>> -> memref<128xi32, #tpu.memory_space<vmem>>
        %dma_start3A_324 = arith.constant 0 : i32
        %dma_start3A_325 = arith.constant 0 : i32
        %dma_start3A_326 = tpu.memref_slice %arg12[%dma_start3A_324, %dma_start3A_325] : memref<10240x64xf32, #tpu.memory_space<vmem_shared>> -> memref<10240x64xf32, #tpu.memory_space<vmem_shared>>
        tpu.enqueue_indirect_dma source(%dma_start3A_320 : memref<128x64xf32, #tpu.memory_space<vmem>>) target(%dma_start3A_326 : memref<10240x64xf32, #tpu.memory_space<vmem_shared>>) offsets(%dma_start3A_323 : memref<128xi32, #tpu.memory_space<vmem>>) semaphore(%run_scoped3A_317 : memref<!tpu.dma_semaphore, #tpu.memory_space<semaphore_mem>>) {add = true}
        %dma_wait3A_327 = arith.constant 128 : i32
        %dma_wait3A_328 = arith.constant 0 : i32
        %dma_wait3A_329 = tpu.memref_slice %arg9[%dma_wait3A_327, %dma_wait3A_328] : memref<512x64xf32, #tpu.memory_space<vmem>> -> memref<128x64xf32, #tpu.memory_space<vmem>>
        %dma_wait3A_330 = arith.constant 0 : i32
        %dma_wait3A_331 = tpu.memref_slice %arg8[%run_scoped3A_314, %dma_wait3A_330] : memref<8x128xi32, #tpu.memory_space<vmem>> -> memref<1x128xi32, #tpu.memory_space<vmem>>
        %dma_wait3A_332 = tpu.memref_squeeze %dma_wait3A_331 : memref<1x128xi32, #tpu.memory_space<vmem>> -> memref<128xi32, #tpu.memory_space<vmem>>
        %dma_wait3A_333 = arith.constant 0 : i32
        %dma_wait3A_334 = arith.constant 0 : i32
        %dma_wait3A_335 = tpu.memref_slice %arg12[%dma_wait3A_333, %dma_wait3A_334] : memref<10240x64xf32, #tpu.memory_space<vmem_shared>> -> memref<10240x64xf32, #tpu.memory_space<vmem_shared>>
        tpu.wait_indirect_dma semaphore(%run_scoped3A_317 : memref<!tpu.dma_semaphore, #tpu.memory_space<semaphore_mem>>) src(%dma_wait3A_329 : memref<128x64xf32, #tpu.memory_space<vmem>>) dst(%dma_wait3A_335 : memref<10240x64xf32, #tpu.memory_space<vmem_shared>>)
        tpu.yield
      }) : () -> ()
      %run_scoped3A_315 = arith.constant 6 : i32
      "tpu.region"() ({
        %run_scoped3A_317 = tpu.sem_alloc : memref<!tpu.dma_semaphore, #tpu.memory_space<semaphore_mem>>
        %dma_start3A_318 = arith.constant 256 : i32
        %dma_start3A_319 = arith.constant 0 : i32
        %dma_start3A_320 = tpu.memref_slice %arg9[%dma_start3A_318, %dma_start3A_319] : memref<512x64xf32, #tpu.memory_space<vmem>> -> memref<128x64xf32, #tpu.memory_space<vmem>>
        %dma_start3A_321 = arith.constant 0 : i32
        %dma_start3A_322 = tpu.memref_slice %arg8[%run_scoped3A_315, %dma_start3A_321] : memref<8x128xi32, #tpu.memory_space<vmem>> -> memref<1x128xi32, #tpu.memory_space<vmem>>
        %dma_start3A_323 = tpu.memref_squeeze %dma_start3A_322 : memref<1x128xi32, #tpu.memory_space<vmem>> -> memref<128xi32, #tpu.memory_space<vmem>>
        %dma_start3A_324 = arith.constant 0 : i32
        %dma_start3A_325 = arith.constant 0 : i32
        %dma_start3A_326 = tpu.memref_slice %arg12[%dma_start3A_324, %dma_start3A_325] : memref<10240x64xf32, #tpu.memory_space<vmem_shared>> -> memref<10240x64xf32, #tpu.memory_space<vmem_shared>>
        tpu.enqueue_indirect_dma source(%dma_start3A_320 : memref<128x64xf32, #tpu.memory_space<vmem>>) target(%dma_start3A_326 : memref<10240x64xf32, #tpu.memory_space<vmem_shared>>) offsets(%dma_start3A_323 : memref<128xi32, #tpu.memory_space<vmem>>) semaphore(%run_scoped3A_317 : memref<!tpu.dma_semaphore, #tpu.memory_space<semaphore_mem>>) {add = true}
        %dma_wait3A_327 = arith.constant 256 : i32
        %dma_wait3A_328 = arith.constant 0 : i32
        %dma_wait3A_329 = tpu.memref_slice %arg9[%dma_wait3A_327, %dma_wait3A_328] : memref<512x64xf32, #tpu.memory_space<vmem>> -> memref<128x64xf32, #tpu.memory_space<vmem>>
        %dma_wait3A_330 = arith.constant 0 : i32
        %dma_wait3A_331 = tpu.memref_slice %arg8[%run_scoped3A_315, %dma_wait3A_330] : memref<8x128xi32, #tpu.memory_space<vmem>> -> memref<1x128xi32, #tpu.memory_space<vmem>>
        %dma_wait3A_332 = tpu.memref_squeeze %dma_wait3A_331 : memref<1x128xi32, #tpu.memory_space<vmem>> -> memref<128xi32, #tpu.memory_space<vmem>>
        %dma_wait3A_333 = arith.constant 0 : i32
        %dma_wait3A_334 = arith.constant 0 : i32
        %dma_wait3A_335 = tpu.memref_slice %arg12[%dma_wait3A_333, %dma_wait3A_334] : memref<10240x64xf32, #tpu.memory_space<vmem_shared>> -> memref<10240x64xf32, #tpu.memory_space<vmem_shared>>
        tpu.wait_indirect_dma semaphore(%run_scoped3A_317 : memref<!tpu.dma_semaphore, #tpu.memory_space<semaphore_mem>>) src(%dma_wait3A_329 : memref<128x64xf32, #tpu.memory_space<vmem>>) dst(%dma_wait3A_335 : memref<10240x64xf32, #tpu.memory_space<vmem_shared>>)
        tpu.yield
      }) : () -> ()
      %run_scoped3A_316 = arith.constant 7 : i32
      "tpu.region"() ({
        %run_scoped3A_317 = tpu.sem_alloc : memref<!tpu.dma_semaphore, #tpu.memory_space<semaphore_mem>>
        %dma_start3A_318 = arith.constant 384 : i32
        %dma_start3A_319 = arith.constant 0 : i32
        %dma_start3A_320 = tpu.memref_slice %arg9[%dma_start3A_318, %dma_start3A_319] : memref<512x64xf32, #tpu.memory_space<vmem>> -> memref<128x64xf32, #tpu.memory_space<vmem>>
        %dma_start3A_321 = arith.constant 0 : i32
        %dma_start3A_322 = tpu.memref_slice %arg8[%run_scoped3A_316, %dma_start3A_321] : memref<8x128xi32, #tpu.memory_space<vmem>> -> memref<1x128xi32, #tpu.memory_space<vmem>>
        %dma_start3A_323 = tpu.memref_squeeze %dma_start3A_322 : memref<1x128xi32, #tpu.memory_space<vmem>> -> memref<128xi32, #tpu.memory_space<vmem>>
        %dma_start3A_324 = arith.constant 0 : i32
        %dma_start3A_325 = arith.constant 0 : i32
        %dma_start3A_326 = tpu.memref_slice %arg12[%dma_start3A_324, %dma_start3A_325] : memref<10240x64xf32, #tpu.memory_space<vmem_shared>> -> memref<10240x64xf32, #tpu.memory_space<vmem_shared>>
        tpu.enqueue_indirect_dma source(%dma_start3A_320 : memref<128x64xf32, #tpu.memory_space<vmem>>) target(%dma_start3A_326 : memref<10240x64xf32, #tpu.memory_space<vmem_shared>>) offsets(%dma_start3A_323 : memref<128xi32, #tpu.memory_space<vmem>>) semaphore(%run_scoped3A_317 : memref<!tpu.dma_semaphore, #tpu.memory_space<semaphore_mem>>) {add = true}
        %dma_wait3A_327 = arith.constant 384 : i32
        %dma_wait3A_328 = arith.constant 0 : i32
        %dma_wait3A_329 = tpu.memref_slice %arg9[%dma_wait3A_327, %dma_wait3A_328] : memref<512x64xf32, #tpu.memory_space<vmem>> -> memref<128x64xf32, #tpu.memory_space<vmem>>
        %dma_wait3A_330 = arith.constant 0 : i32
        %dma_wait3A_331 = tpu.memref_slice %arg8[%run_scoped3A_316, %dma_wait3A_330] : memref<8x128xi32, #tpu.memory_space<vmem>> -> memref<1x128xi32, #tpu.memory_space<vmem>>
        %dma_wait3A_332 = tpu.memref_squeeze %dma_wait3A_331 : memref<1x128xi32, #tpu.memory_space<vmem>> -> memref<128xi32, #tpu.memory_space<vmem>>
        %dma_wait3A_333 = arith.constant 0 : i32
        %dma_wait3A_334 = arith.constant 0 : i32
        %dma_wait3A_335 = tpu.memref_slice %arg12[%dma_wait3A_333, %dma_wait3A_334] : memref<10240x64xf32, #tpu.memory_space<vmem_shared>> -> memref<10240x64xf32, #tpu.memory_space<vmem_shared>>
        tpu.wait_indirect_dma semaphore(%run_scoped3A_317 : memref<!tpu.dma_semaphore, #tpu.memory_space<semaphore_mem>>) src(%dma_wait3A_329 : memref<128x64xf32, #tpu.memory_space<vmem>>) dst(%dma_wait3A_335 : memref<10240x64xf32, #tpu.memory_space<vmem_shared>>)
        tpu.yield
      }) : () -> ()
    }
    %scan3A_32 = arith.constant 20 : i32
    %barrier3A_33 = arith.constant 0 : index
    tpu.barrier barrier_id(%barrier3A_33)
    %mul3A_34 = arith.constant 640 : i32
    %mul3A_35 = arith.muli %arg1, %mul3A_34 : i32
    %add3A_36 = arith.constant 0 : i32
    %add3A_37 = arith.addi %mul3A_35, %add3A_36 : i32
    %multiple_of3A_38 = tpu.assume_multiple %add3A_37, 8 : i32
    "tpu.region"() ({
      %run_scoped3A = tpu.sem_alloc : memref<!tpu.dma_semaphore, #tpu.memory_space<semaphore_mem>>
      %dma_start3A = arith.constant 0 : i32
      %dma_start3A_59 = tpu.memref_slice %arg12[%multiple_of3A_38, %dma_start3A] : memref<10240x64xf32, #tpu.memory_space<vmem_shared>> -> memref<128x64xf32, #tpu.memory_space<vmem_shared>>
      %dma_start3A_60 = arith.constant 0 : i32
      %dma_start3A_61 = tpu.memref_slice %arg12[%multiple_of3A_38, %dma_start3A_60] : memref<10240x64xf32, #tpu.memory_space<vmem_shared>> -> memref<128x64xf32, #tpu.memory_space<vmem_shared>>
      tpu.enqueue_dma source(%dma_start3A_61 : memref<128x64xf32, #tpu.memory_space<vmem_shared>>) target(%arg11 : memref<128x64xf32, #tpu.memory_space<vmem>>) target_semaphore(%run_scoped3A : memref<!tpu.dma_semaphore, #tpu.memory_space<semaphore_mem>>)
      %dma_wait3A = arith.constant 0 : i32
      %dma_wait3A_62 = tpu.memref_slice %arg12[%multiple_of3A_38, %dma_wait3A] : memref<10240x64xf32, #tpu.memory_space<vmem_shared>> -> memref<128x64xf32, #tpu.memory_space<vmem_shared>>
      %dma_wait3A_63 = arith.constant 0 : i32
      %dma_wait3A_64 = tpu.memref_slice %arg12[%multiple_of3A_38, %dma_wait3A_63] : memref<10240x64xf32, #tpu.memory_space<vmem_shared>> -> memref<128x64xf32, #tpu.memory_space<vmem_shared>>
      tpu.wait_dma2 semaphore(%run_scoped3A : memref<!tpu.dma_semaphore, #tpu.memory_space<semaphore_mem>>) src(%dma_wait3A_64 : memref<128x64xf32, #tpu.memory_space<vmem_shared>>) dst(%arg11 : memref<128x64xf32, #tpu.memory_space<vmem>>)
      tpu.yield
    }) : () -> ()
    "tpu.region"() ({
      %run_scoped3A = tpu.sem_alloc : memref<!tpu.dma_semaphore, #tpu.memory_space<semaphore_mem>>
      %dma_start3A = arith.constant 0 : i32
      %dma_start3A_59 = tpu.memref_slice %arg6[%arg0, %multiple_of3A_38, %dma_start3A] : memref<2x10240x64xf32, #tpu.memory_space<hbm>> -> memref<1x128x64xf32, #tpu.memory_space<hbm>>
      %dma_start3A_60 = tpu.memref_squeeze %dma_start3A_59 : memref<1x128x64xf32, #tpu.memory_space<hbm>> -> memref<128x64xf32, #tpu.memory_space<hbm>>
      %dma_start3A_61 = arith.constant 0 : i32
      %dma_start3A_62 = tpu.memref_slice %arg6[%arg0, %multiple_of3A_38, %dma_start3A_61] : memref<2x10240x64xf32, #tpu.memory_space<hbm>> -> memref<1x128x64xf32, #tpu.memory_space<hbm>>
      %dma_start3A_63 = tpu.memref_squeeze %dma_start3A_62 : memref<1x128x64xf32, #tpu.memory_space<hbm>> -> memref<128x64xf32, #tpu.memory_space<hbm>>
      tpu.enqueue_dma source(%arg11 : memref<128x64xf32, #tpu.memory_space<vmem>>) target(%dma_start3A_63 : memref<128x64xf32, #tpu.memory_space<hbm>>) target_semaphore(%run_scoped3A : memref<!tpu.dma_semaphore, #tpu.memory_space<semaphore_mem>>)
      %dma_wait3A = arith.constant 0 : i32
      %dma_wait3A_64 = tpu.memref_slice %arg6[%arg0, %multiple_of3A_38, %dma_wait3A] : memref<2x10240x64xf32, #tpu.memory_space<hbm>> -> memref<1x128x64xf32, #tpu.memory_space<hbm>>
      %dma_wait3A_65 = tpu.memref_squeeze %dma_wait3A_64 : memref<1x128x64xf32, #tpu.memory_space<hbm>> -> memref<128x64xf32, #tpu.memory_space<hbm>>
      %dma_wait3A_66 = arith.constant 0 : i32
      %dma_wait3A_67 = tpu.memref_slice %arg6[%arg0, %multiple_of3A_38, %dma_wait3A_66] : memref<2x10240x64xf32, #tpu.memory_space<hbm>> -> memref<1x128x64xf32, #tpu.memory_space<hbm>>
      %dma_wait3A_68 = tpu.memref_squeeze %dma_wait3A_67 : memref<1x128x64xf32, #tpu.memory_space<hbm>> -> memref<128x64xf32, #tpu.memory_space<hbm>>
      tpu.wait_dma2 semaphore(%run_scoped3A : memref<!tpu.dma_semaphore, #tpu.memory_space<semaphore_mem>>) src(%arg11 : memref<128x64xf32, #tpu.memory_space<vmem>>) dst(%dma_wait3A_68 : memref<128x64xf32, #tpu.memory_space<hbm>>)
      tpu.yield
    }) : () -> ()
    %mul3A_39 = arith.constant 640 : i32
    %mul3A_40 = arith.muli %arg1, %mul3A_39 : i32
    %add3A_41 = arith.constant 128 : i32
    %add3A_42 = arith.addi %mul3A_40, %add3A_41 : i32
    %multiple_of3A_43 = tpu.assume_multiple %add3A_42, 8 : i32
    "tpu.region"() ({
      %run_scoped3A = tpu.sem_alloc : memref<!tpu.dma_semaphore, #tpu.memory_space<semaphore_mem>>
      %dma_start3A = arith.constant 0 : i32
      %dma_start3A_59 = tpu.memref_slice %arg12[%multiple_of3A_43, %dma_start3A] : memref<10240x64xf32, #tpu.memory_space<vmem_shared>> -> memref<128x64xf32, #tpu.memory_space<vmem_shared>>
      %dma_start3A_60 = arith.constant 0 : i32
      %dma_start3A_61 = tpu.memref_slice %arg12[%multiple_of3A_43, %dma_start3A_60] : memref<10240x64xf32, #tpu.memory_space<vmem_shared>> -> memref<128x64xf32, #tpu.memory_space<vmem_shared>>
      tpu.enqueue_dma source(%dma_start3A_61 : memref<128x64xf32, #tpu.memory_space<vmem_shared>>) target(%arg11 : memref<128x64xf32, #tpu.memory_space<vmem>>) target_semaphore(%run_scoped3A : memref<!tpu.dma_semaphore, #tpu.memory_space<semaphore_mem>>)
      %dma_wait3A = arith.constant 0 : i32
      %dma_wait3A_62 = tpu.memref_slice %arg12[%multiple_of3A_43, %dma_wait3A] : memref<10240x64xf32, #tpu.memory_space<vmem_shared>> -> memref<128x64xf32, #tpu.memory_space<vmem_shared>>
      %dma_wait3A_63 = arith.constant 0 : i32
      %dma_wait3A_64 = tpu.memref_slice %arg12[%multiple_of3A_43, %dma_wait3A_63] : memref<10240x64xf32, #tpu.memory_space<vmem_shared>> -> memref<128x64xf32, #tpu.memory_space<vmem_shared>>
      tpu.wait_dma2 semaphore(%run_scoped3A : memref<!tpu.dma_semaphore, #tpu.memory_space<semaphore_mem>>) src(%dma_wait3A_64 : memref<128x64xf32, #tpu.memory_space<vmem_shared>>) dst(%arg11 : memref<128x64xf32, #tpu.memory_space<vmem>>)
      tpu.yield
    }) : () -> ()
    "tpu.region"() ({
      %run_scoped3A = tpu.sem_alloc : memref<!tpu.dma_semaphore, #tpu.memory_space<semaphore_mem>>
      %dma_start3A = arith.constant 0 : i32
      %dma_start3A_59 = tpu.memref_slice %arg6[%arg0, %multiple_of3A_43, %dma_start3A] : memref<2x10240x64xf32, #tpu.memory_space<hbm>> -> memref<1x128x64xf32, #tpu.memory_space<hbm>>
      %dma_start3A_60 = tpu.memref_squeeze %dma_start3A_59 : memref<1x128x64xf32, #tpu.memory_space<hbm>> -> memref<128x64xf32, #tpu.memory_space<hbm>>
      %dma_start3A_61 = arith.constant 0 : i32
      %dma_start3A_62 = tpu.memref_slice %arg6[%arg0, %multiple_of3A_43, %dma_start3A_61] : memref<2x10240x64xf32, #tpu.memory_space<hbm>> -> memref<1x128x64xf32, #tpu.memory_space<hbm>>
      %dma_start3A_63 = tpu.memref_squeeze %dma_start3A_62 : memref<1x128x64xf32, #tpu.memory_space<hbm>> -> memref<128x64xf32, #tpu.memory_space<hbm>>
      tpu.enqueue_dma source(%arg11 : memref<128x64xf32, #tpu.memory_space<vmem>>) target(%dma_start3A_63 : memref<128x64xf32, #tpu.memory_space<hbm>>) target_semaphore(%run_scoped3A : memref<!tpu.dma_semaphore, #tpu.memory_space<semaphore_mem>>)
      %dma_wait3A = arith.constant 0 : i32
      %dma_wait3A_64 = tpu.memref_slice %arg6[%arg0, %multiple_of3A_43, %dma_wait3A] : memref<2x10240x64xf32, #tpu.memory_space<hbm>> -> memref<1x128x64xf32, #tpu.memory_space<hbm>>
      %dma_wait3A_65 = tpu.memref_squeeze %dma_wait3A_64 : memref<1x128x64xf32, #tpu.memory_space<hbm>> -> memref<128x64xf32, #tpu.memory_space<hbm>>
      %dma_wait3A_66 = arith.constant 0 : i32
      %dma_wait3A_67 = tpu.memref_slice %arg6[%arg0, %multiple_of3A_43, %dma_wait3A_66] : memref<2x10240x64xf32, #tpu.memory_space<hbm>> -> memref<1x128x64xf32, #tpu.memory_space<hbm>>
      %dma_wait3A_68 = tpu.memref_squeeze %dma_wait3A_67 : memref<1x128x64xf32, #tpu.memory_space<hbm>> -> memref<128x64xf32, #tpu.memory_space<hbm>>
      tpu.wait_dma2 semaphore(%run_scoped3A : memref<!tpu.dma_semaphore, #tpu.memory_space<semaphore_mem>>) src(%arg11 : memref<128x64xf32, #tpu.memory_space<vmem>>) dst(%dma_wait3A_68 : memref<128x64xf32, #tpu.memory_space<hbm>>)
      tpu.yield
    }) : () -> ()
    %mul3A_44 = arith.constant 640 : i32
    %mul3A_45 = arith.muli %arg1, %mul3A_44 : i32
    %add3A_46 = arith.constant 256 : i32
    %add3A_47 = arith.addi %mul3A_45, %add3A_46 : i32
    %multiple_of3A_48 = tpu.assume_multiple %add3A_47, 8 : i32
    "tpu.region"() ({
      %run_scoped3A = tpu.sem_alloc : memref<!tpu.dma_semaphore, #tpu.memory_space<semaphore_mem>>
      %dma_start3A = arith.constant 0 : i32
      %dma_start3A_59 = tpu.memref_slice %arg12[%multiple_of3A_48, %dma_start3A] : memref<10240x64xf32, #tpu.memory_space<vmem_shared>> -> memref<128x64xf32, #tpu.memory_space<vmem_shared>>
      %dma_start3A_60 = arith.constant 0 : i32
      %dma_start3A_61 = tpu.memref_slice %arg12[%multiple_of3A_48, %dma_start3A_60] : memref<10240x64xf32, #tpu.memory_space<vmem_shared>> -> memref<128x64xf32, #tpu.memory_space<vmem_shared>>
      tpu.enqueue_dma source(%dma_start3A_61 : memref<128x64xf32, #tpu.memory_space<vmem_shared>>) target(%arg11 : memref<128x64xf32, #tpu.memory_space<vmem>>) target_semaphore(%run_scoped3A : memref<!tpu.dma_semaphore, #tpu.memory_space<semaphore_mem>>)
      %dma_wait3A = arith.constant 0 : i32
      %dma_wait3A_62 = tpu.memref_slice %arg12[%multiple_of3A_48, %dma_wait3A] : memref<10240x64xf32, #tpu.memory_space<vmem_shared>> -> memref<128x64xf32, #tpu.memory_space<vmem_shared>>
      %dma_wait3A_63 = arith.constant 0 : i32
      %dma_wait3A_64 = tpu.memref_slice %arg12[%multiple_of3A_48, %dma_wait3A_63] : memref<10240x64xf32, #tpu.memory_space<vmem_shared>> -> memref<128x64xf32, #tpu.memory_space<vmem_shared>>
      tpu.wait_dma2 semaphore(%run_scoped3A : memref<!tpu.dma_semaphore, #tpu.memory_space<semaphore_mem>>) src(%dma_wait3A_64 : memref<128x64xf32, #tpu.memory_space<vmem_shared>>) dst(%arg11 : memref<128x64xf32, #tpu.memory_space<vmem>>)
      tpu.yield
    }) : () -> ()
    "tpu.region"() ({
      %run_scoped3A = tpu.sem_alloc : memref<!tpu.dma_semaphore, #tpu.memory_space<semaphore_mem>>
      %dma_start3A = arith.constant 0 : i32
      %dma_start3A_59 = tpu.memref_slice %arg6[%arg0, %multiple_of3A_48, %dma_start3A] : memref<2x10240x64xf32, #tpu.memory_space<hbm>> -> memref<1x128x64xf32, #tpu.memory_space<hbm>>
      %dma_start3A_60 = tpu.memref_squeeze %dma_start3A_59 : memref<1x128x64xf32, #tpu.memory_space<hbm>> -> memref<128x64xf32, #tpu.memory_space<hbm>>
      %dma_start3A_61 = arith.constant 0 : i32
      %dma_start3A_62 = tpu.memref_slice %arg6[%arg0, %multiple_of3A_48, %dma_start3A_61] : memref<2x10240x64xf32, #tpu.memory_space<hbm>> -> memref<1x128x64xf32, #tpu.memory_space<hbm>>
      %dma_start3A_63 = tpu.memref_squeeze %dma_start3A_62 : memref<1x128x64xf32, #tpu.memory_space<hbm>> -> memref<128x64xf32, #tpu.memory_space<hbm>>
      tpu.enqueue_dma source(%arg11 : memref<128x64xf32, #tpu.memory_space<vmem>>) target(%dma_start3A_63 : memref<128x64xf32, #tpu.memory_space<hbm>>) target_semaphore(%run_scoped3A : memref<!tpu.dma_semaphore, #tpu.memory_space<semaphore_mem>>)
      %dma_wait3A = arith.constant 0 : i32
      %dma_wait3A_64 = tpu.memref_slice %arg6[%arg0, %multiple_of3A_48, %dma_wait3A] : memref<2x10240x64xf32, #tpu.memory_space<hbm>> -> memref<1x128x64xf32, #tpu.memory_space<hbm>>
      %dma_wait3A_65 = tpu.memref_squeeze %dma_wait3A_64 : memref<1x128x64xf32, #tpu.memory_space<hbm>> -> memref<128x64xf32, #tpu.memory_space<hbm>>
      %dma_wait3A_66 = arith.constant 0 : i32
      %dma_wait3A_67 = tpu.memref_slice %arg6[%arg0, %multiple_of3A_48, %dma_wait3A_66] : memref<2x10240x64xf32, #tpu.memory_space<hbm>> -> memref<1x128x64xf32, #tpu.memory_space<hbm>>
      %dma_wait3A_68 = tpu.memref_squeeze %dma_wait3A_67 : memref<1x128x64xf32, #tpu.memory_space<hbm>> -> memref<128x64xf32, #tpu.memory_space<hbm>>
      tpu.wait_dma2 semaphore(%run_scoped3A : memref<!tpu.dma_semaphore, #tpu.memory_space<semaphore_mem>>) src(%arg11 : memref<128x64xf32, #tpu.memory_space<vmem>>) dst(%dma_wait3A_68 : memref<128x64xf32, #tpu.memory_space<hbm>>)
      tpu.yield
    }) : () -> ()
    %mul3A_49 = arith.constant 640 : i32
    %mul3A_50 = arith.muli %arg1, %mul3A_49 : i32
    %add3A_51 = arith.constant 384 : i32
    %add3A_52 = arith.addi %mul3A_50, %add3A_51 : i32
    %multiple_of3A_53 = tpu.assume_multiple %add3A_52, 8 : i32
    "tpu.region"() ({
      %run_scoped3A = tpu.sem_alloc : memref<!tpu.dma_semaphore, #tpu.memory_space<semaphore_mem>>
      %dma_start3A = arith.constant 0 : i32
      %dma_start3A_59 = tpu.memref_slice %arg12[%multiple_of3A_53, %dma_start3A] : memref<10240x64xf32, #tpu.memory_space<vmem_shared>> -> memref<128x64xf32, #tpu.memory_space<vmem_shared>>
      %dma_start3A_60 = arith.constant 0 : i32
      %dma_start3A_61 = tpu.memref_slice %arg12[%multiple_of3A_53, %dma_start3A_60] : memref<10240x64xf32, #tpu.memory_space<vmem_shared>> -> memref<128x64xf32, #tpu.memory_space<vmem_shared>>
      tpu.enqueue_dma source(%dma_start3A_61 : memref<128x64xf32, #tpu.memory_space<vmem_shared>>) target(%arg11 : memref<128x64xf32, #tpu.memory_space<vmem>>) target_semaphore(%run_scoped3A : memref<!tpu.dma_semaphore, #tpu.memory_space<semaphore_mem>>)
      %dma_wait3A = arith.constant 0 : i32
      %dma_wait3A_62 = tpu.memref_slice %arg12[%multiple_of3A_53, %dma_wait3A] : memref<10240x64xf32, #tpu.memory_space<vmem_shared>> -> memref<128x64xf32, #tpu.memory_space<vmem_shared>>
      %dma_wait3A_63 = arith.constant 0 : i32
      %dma_wait3A_64 = tpu.memref_slice %arg12[%multiple_of3A_53, %dma_wait3A_63] : memref<10240x64xf32, #tpu.memory_space<vmem_shared>> -> memref<128x64xf32, #tpu.memory_space<vmem_shared>>
      tpu.wait_dma2 semaphore(%run_scoped3A : memref<!tpu.dma_semaphore, #tpu.memory_space<semaphore_mem>>) src(%dma_wait3A_64 : memref<128x64xf32, #tpu.memory_space<vmem_shared>>) dst(%arg11 : memref<128x64xf32, #tpu.memory_space<vmem>>)
      tpu.yield
    }) : () -> ()
    "tpu.region"() ({
      %run_scoped3A = tpu.sem_alloc : memref<!tpu.dma_semaphore, #tpu.memory_space<semaphore_mem>>
      %dma_start3A = arith.constant 0 : i32
      %dma_start3A_59 = tpu.memref_slice %arg6[%arg0, %multiple_of3A_53, %dma_start3A] : memref<2x10240x64xf32, #tpu.memory_space<hbm>> -> memref<1x128x64xf32, #tpu.memory_space<hbm>>
      %dma_start3A_60 = tpu.memref_squeeze %dma_start3A_59 : memref<1x128x64xf32, #tpu.memory_space<hbm>> -> memref<128x64xf32, #tpu.memory_space<hbm>>
      %dma_start3A_61 = arith.constant 0 : i32
      %dma_start3A_62 = tpu.memref_slice %arg6[%arg0, %multiple_of3A_53, %dma_start3A_61] : memref<2x10240x64xf32, #tpu.memory_space<hbm>> -> memref<1x128x64xf32, #tpu.memory_space<hbm>>
      %dma_start3A_63 = tpu.memref_squeeze %dma_start3A_62 : memref<1x128x64xf32, #tpu.memory_space<hbm>> -> memref<128x64xf32, #tpu.memory_space<hbm>>
      tpu.enqueue_dma source(%arg11 : memref<128x64xf32, #tpu.memory_space<vmem>>) target(%dma_start3A_63 : memref<128x64xf32, #tpu.memory_space<hbm>>) target_semaphore(%run_scoped3A : memref<!tpu.dma_semaphore, #tpu.memory_space<semaphore_mem>>)
      %dma_wait3A = arith.constant 0 : i32
      %dma_wait3A_64 = tpu.memref_slice %arg6[%arg0, %multiple_of3A_53, %dma_wait3A] : memref<2x10240x64xf32, #tpu.memory_space<hbm>> -> memref<1x128x64xf32, #tpu.memory_space<hbm>>
      %dma_wait3A_65 = tpu.memref_squeeze %dma_wait3A_64 : memref<1x128x64xf32, #tpu.memory_space<hbm>> -> memref<128x64xf32, #tpu.memory_space<hbm>>
      %dma_wait3A_66 = arith.constant 0 : i32
      %dma_wait3A_67 = tpu.memref_slice %arg6[%arg0, %multiple_of3A_53, %dma_wait3A_66] : memref<2x10240x64xf32, #tpu.memory_space<hbm>> -> memref<1x128x64xf32, #tpu.memory_space<hbm>>
      %dma_wait3A_68 = tpu.memref_squeeze %dma_wait3A_67 : memref<1x128x64xf32, #tpu.memory_space<hbm>> -> memref<128x64xf32, #tpu.memory_space<hbm>>
      tpu.wait_dma2 semaphore(%run_scoped3A : memref<!tpu.dma_semaphore, #tpu.memory_space<semaphore_mem>>) src(%arg11 : memref<128x64xf32, #tpu.memory_space<vmem>>) dst(%dma_wait3A_68 : memref<128x64xf32, #tpu.memory_space<hbm>>)
      tpu.yield
    }) : () -> ()
    %mul3A_54 = arith.constant 640 : i32
    %mul3A_55 = arith.muli %arg1, %mul3A_54 : i32
    %add3A_56 = arith.constant 512 : i32
    %add3A_57 = arith.addi %mul3A_55, %add3A_56 : i32
    %multiple_of3A_58 = tpu.assume_multiple %add3A_57, 8 : i32
    "tpu.region"() ({
      %run_scoped3A = tpu.sem_alloc : memref<!tpu.dma_semaphore, #tpu.memory_space<semaphore_mem>>
      %dma_start3A = arith.constant 0 : i32
      %dma_start3A_59 = tpu.memref_slice %arg12[%multiple_of3A_58, %dma_start3A] : memref<10240x64xf32, #tpu.memory_space<vmem_shared>> -> memref<128x64xf32, #tpu.memory_space<vmem_shared>>
      %dma_start3A_60 = arith.constant 0 : i32
      %dma_start3A_61 = tpu.memref_slice %arg12[%multiple_of3A_58, %dma_start3A_60] : memref<10240x64xf32, #tpu.memory_space<vmem_shared>> -> memref<128x64xf32, #tpu.memory_space<vmem_shared>>
      tpu.enqueue_dma source(%dma_start3A_61 : memref<128x64xf32, #tpu.memory_space<vmem_shared>>) target(%arg11 : memref<128x64xf32, #tpu.memory_space<vmem>>) target_semaphore(%run_scoped3A : memref<!tpu.dma_semaphore, #tpu.memory_space<semaphore_mem>>)
      %dma_wait3A = arith.constant 0 : i32
      %dma_wait3A_62 = tpu.memref_slice %arg12[%multiple_of3A_58, %dma_wait3A] : memref<10240x64xf32, #tpu.memory_space<vmem_shared>> -> memref<128x64xf32, #tpu.memory_space<vmem_shared>>
      %dma_wait3A_63 = arith.constant 0 : i32
      %dma_wait3A_64 = tpu.memref_slice %arg12[%multiple_of3A_58, %dma_wait3A_63] : memref<10240x64xf32, #tpu.memory_space<vmem_shared>> -> memref<128x64xf32, #tpu.memory_space<vmem_shared>>
      tpu.wait_dma2 semaphore(%run_scoped3A : memref<!tpu.dma_semaphore, #tpu.memory_space<semaphore_mem>>) src(%dma_wait3A_64 : memref<128x64xf32, #tpu.memory_space<vmem_shared>>) dst(%arg11 : memref<128x64xf32, #tpu.memory_space<vmem>>)
      tpu.yield
    }) : () -> ()
    "tpu.region"() ({
      %run_scoped3A = tpu.sem_alloc : memref<!tpu.dma_semaphore, #tpu.memory_space<semaphore_mem>>
      %dma_start3A = arith.constant 0 : i32
      %dma_start3A_59 = tpu.memref_slice %arg6[%arg0, %multiple_of3A_58, %dma_start3A] : memref<2x10240x64xf32, #tpu.memory_space<hbm>> -> memref<1x128x64xf32, #tpu.memory_space<hbm>>
      %dma_start3A_60 = tpu.memref_squeeze %dma_start3A_59 : memref<1x128x64xf32, #tpu.memory_space<hbm>> -> memref<128x64xf32, #tpu.memory_space<hbm>>
      %dma_start3A_61 = arith.constant 0 : i32
      %dma_start3A_62 = tpu.memref_slice %arg6[%arg0, %multiple_of3A_58, %dma_start3A_61] : memref<2x10240x64xf32, #tpu.memory_space<hbm>> -> memref<1x128x64xf32, #tpu.memory_space<hbm>>
      %dma_start3A_63 = tpu.memref_squeeze %dma_start3A_62 : memref<1x128x64xf32, #tpu.memory_space<hbm>> -> memref<128x64xf32, #tpu.memory_space<hbm>>
      tpu.enqueue_dma source(%arg11 : memref<128x64xf32, #tpu.memory_space<vmem>>) target(%dma_start3A_63 : memref<128x64xf32, #tpu.memory_space<hbm>>) target_semaphore(%run_scoped3A : memref<!tpu.dma_semaphore, #tpu.memory_space<semaphore_mem>>)
      %dma_wait3A = arith.constant 0 : i32
      %dma_wait3A_64 = tpu.memref_slice %arg6[%arg0, %multiple_of3A_58, %dma_wait3A] : memref<2x10240x64xf32, #tpu.memory_space<hbm>> -> memref<1x128x64xf32, #tpu.memory_space<hbm>>
      %dma_wait3A_65 = tpu.memref_squeeze %dma_wait3A_64 : memref<1x128x64xf32, #tpu.memory_space<hbm>> -> memref<128x64xf32, #tpu.memory_space<hbm>>
      %dma_wait3A_66 = arith.constant 0 : i32
      %dma_wait3A_67 = tpu.memref_slice %arg6[%arg0, %multiple_of3A_58, %dma_wait3A_66] : memref<2x10240x64xf32, #tpu.memory_space<hbm>> -> memref<1x128x64xf32, #tpu.memory_space<hbm>>
      %dma_wait3A_68 = tpu.memref_squeeze %dma_wait3A_67 : memref<1x128x64xf32, #tpu.memory_space<hbm>> -> memref<128x64xf32, #tpu.memory_space<hbm>>
      tpu.wait_dma2 semaphore(%run_scoped3A : memref<!tpu.dma_semaphore, #tpu.memory_space<semaphore_mem>>) src(%arg11 : memref<128x64xf32, #tpu.memory_space<vmem>>) dst(%dma_wait3A_68 : memref<128x64xf32, #tpu.memory_space<hbm>>)
      tpu.yield
    }) : () -> ()
    return
  }
}

module attributes {stable_mosaic.version = 14 : i64} {
  func.func @_emb_body(%arg0: i32, %arg1: memref<2560x16xf32, #tpu.memory_space<vmem>>, %arg2: memref<16x384xf32, #tpu.memory_space<vmem>>, %arg3: memref<1x384xf32, #tpu.memory_space<vmem>>, %arg4: memref<2x2560x64xf32, #tpu.memory_space<vmem>>, %arg5: memref<2x2560x64xf32, #tpu.memory_space<vmem>>, %arg6: memref<2x2560x64xf32, #tpu.memory_space<vmem>>) attributes {dimension_semantics = [#tpu.dimension_semantics<arbitrary>], iteration_bounds = array<i64: 128>, scalar_prefetch = 0 : i64, scratch_operands = 0 : i64, tpu.core_type = #tpu.core_type<tc>, window_params = [{transform_indices = @transform_0, window_bounds = array<i64: 2560, 16>}, {pipeline_mode = #tpu.pipeline_mode<synchronous>, transform_indices = @transform_1, window_bounds = array<i64: 16, 384>}, {pipeline_mode = #tpu.pipeline_mode<synchronous>, transform_indices = @transform_2, window_bounds = array<i64: 1, 384>}, {transform_indices = @transform_3, window_bounds = array<i64: 2, 2560, 64>}, {transform_indices = @transform_4, window_bounds = array<i64: 2, 2560, 64>}, {transform_indices = @transform_5, window_bounds = array<i64: 2, 2560, 64>}]} {
    %get3A = arith.constant 0 : index
    %get3A_0 = arith.constant 0 : index
    %get3A_1 = vector.load %arg1[%get3A, %get3A_0] : memref<2560x16xf32, #tpu.memory_space<vmem>>, vector<2560x16xf32>
    %get3A_2 = arith.constant 0 : index
    %get3A_3 = arith.constant 0 : index
    %get3A_4 = vector.load %arg2[%get3A_2, %get3A_3] : memref<16x384xf32, #tpu.memory_space<vmem>>, vector<16x384xf32>
    %dot_general3A = arith.constant dense<0.000000e+00> : vector<2560x384xf32>
    %dot_general3A_5 = tpu.matmul %get3A_1, %get3A_4, %dot_general3A {dimension_numbers = #tpu.dot_dimension_numbers<[1], [0], [0], [1], [0, 0, 1, 1], [], []>, transpose_lhs_hint = false} : vector<2560x16xf32>, vector<16x384xf32>, vector<2560x384xf32> -> vector<2560x384xf32>
    %get3A_6 = arith.constant 0 : index
    %get3A_7 = arith.constant 0 : index
    %get3A_8 = vector.load %arg3[%get3A_6, %get3A_7] : memref<1x384xf32, #tpu.memory_space<vmem>>, vector<1x384xf32>
    %add3A = vector.broadcast %get3A_8 : vector<1x384xf32> to vector<2560x384xf32>
    %add3A_9 = arith.addf %dot_general3A_5, %add3A : vector<2560x384xf32>
    %slice3A = vector.extract_strided_slice %add3A_9 {offsets = [0, 0], sizes = [2560, 64], strides = [1, 1]} : vector<2560x384xf32> to vector<2560x64xf32>
    %swap3A = arith.constant 0 : index
    %swap3A_10 = arith.constant 0 : index
    %swap3A_11 = arith.constant 0 : index
    %swap3A_12 = vector.load %arg4[%swap3A, %swap3A_10, %swap3A_11] : memref<2x2560x64xf32, #tpu.memory_space<vmem>>, vector<1x2560x64xf32>
    %swap3A_13 = vector.shape_cast %swap3A_12 : vector<1x2560x64xf32> to vector<2560x64xf32>
    %swap3A_14 = vector.shape_cast %slice3A : vector<2560x64xf32> to vector<1x2560x64xf32>
    tpu.vector_store %arg4[%swap3A, %swap3A_10, %swap3A_11], %swap3A_14 {strides = array<i32>} : memref<2x2560x64xf32, #tpu.memory_space<vmem>>, vector<1x2560x64xf32>,
    %slice3A_15 = vector.extract_strided_slice %add3A_9 {offsets = [0, 64], sizes = [2560, 64], strides = [1, 1]} : vector<2560x384xf32> to vector<2560x64xf32>
    %swap3A_16 = arith.constant 1 : index
    %swap3A_17 = arith.constant 0 : index
    %swap3A_18 = arith.constant 0 : index
    %swap3A_19 = vector.load %arg4[%swap3A_16, %swap3A_17, %swap3A_18] : memref<2x2560x64xf32, #tpu.memory_space<vmem>>, vector<1x2560x64xf32>
    %swap3A_20 = vector.shape_cast %swap3A_19 : vector<1x2560x64xf32> to vector<2560x64xf32>
    %swap3A_21 = vector.shape_cast %slice3A_15 : vector<2560x64xf32> to vector<1x2560x64xf32>
    tpu.vector_store %arg4[%swap3A_16, %swap3A_17, %swap3A_18], %swap3A_21 {strides = array<i32>} : memref<2x2560x64xf32, #tpu.memory_space<vmem>>, vector<1x2560x64xf32>,
    %slice3A_22 = vector.extract_strided_slice %add3A_9 {offsets = [0, 128], sizes = [2560, 64], strides = [1, 1]} : vector<2560x384xf32> to vector<2560x64xf32>
    %swap3A_23 = arith.constant 0 : index
    %swap3A_24 = arith.constant 0 : index
    %swap3A_25 = arith.constant 0 : index
    %swap3A_26 = vector.load %arg5[%swap3A_23, %swap3A_24, %swap3A_25] : memref<2x2560x64xf32, #tpu.memory_space<vmem>>, vector<1x2560x64xf32>
    %swap3A_27 = vector.shape_cast %swap3A_26 : vector<1x2560x64xf32> to vector<2560x64xf32>
    %swap3A_28 = vector.shape_cast %slice3A_22 : vector<2560x64xf32> to vector<1x2560x64xf32>
    tpu.vector_store %arg5[%swap3A_23, %swap3A_24, %swap3A_25], %swap3A_28 {strides = array<i32>} : memref<2x2560x64xf32, #tpu.memory_space<vmem>>, vector<1x2560x64xf32>,
    %slice3A_29 = vector.extract_strided_slice %add3A_9 {offsets = [0, 192], sizes = [2560, 64], strides = [1, 1]} : vector<2560x384xf32> to vector<2560x64xf32>
    %swap3A_30 = arith.constant 1 : index
    %swap3A_31 = arith.constant 0 : index
    %swap3A_32 = arith.constant 0 : index
    %swap3A_33 = vector.load %arg5[%swap3A_30, %swap3A_31, %swap3A_32] : memref<2x2560x64xf32, #tpu.memory_space<vmem>>, vector<1x2560x64xf32>
    %swap3A_34 = vector.shape_cast %swap3A_33 : vector<1x2560x64xf32> to vector<2560x64xf32>
    %swap3A_35 = vector.shape_cast %slice3A_29 : vector<2560x64xf32> to vector<1x2560x64xf32>
    tpu.vector_store %arg5[%swap3A_30, %swap3A_31, %swap3A_32], %swap3A_35 {strides = array<i32>} : memref<2x2560x64xf32, #tpu.memory_space<vmem>>, vector<1x2560x64xf32>,
    %slice3A_36 = vector.extract_strided_slice %add3A_9 {offsets = [0, 256], sizes = [2560, 64], strides = [1, 1]} : vector<2560x384xf32> to vector<2560x64xf32>
    %swap3A_37 = arith.constant 0 : index
    %swap3A_38 = arith.constant 0 : index
    %swap3A_39 = arith.constant 0 : index
    %swap3A_40 = vector.load %arg6[%swap3A_37, %swap3A_38, %swap3A_39] : memref<2x2560x64xf32, #tpu.memory_space<vmem>>, vector<1x2560x64xf32>
    %swap3A_41 = vector.shape_cast %swap3A_40 : vector<1x2560x64xf32> to vector<2560x64xf32>
    %swap3A_42 = vector.shape_cast %slice3A_36 : vector<2560x64xf32> to vector<1x2560x64xf32>
    tpu.vector_store %arg6[%swap3A_37, %swap3A_38, %swap3A_39], %swap3A_42 {strides = array<i32>} : memref<2x2560x64xf32, #tpu.memory_space<vmem>>, vector<1x2560x64xf32>,
    %slice3A_43 = vector.extract_strided_slice %add3A_9 {offsets = [0, 320], sizes = [2560, 64], strides = [1, 1]} : vector<2560x384xf32> to vector<2560x64xf32>
    %swap3A_44 = arith.constant 1 : index
    %swap3A_45 = arith.constant 0 : index
    %swap3A_46 = arith.constant 0 : index
    %swap3A_47 = vector.load %arg6[%swap3A_44, %swap3A_45, %swap3A_46] : memref<2x2560x64xf32, #tpu.memory_space<vmem>>, vector<1x2560x64xf32>
    %swap3A_48 = vector.shape_cast %swap3A_47 : vector<1x2560x64xf32> to vector<2560x64xf32>
    %swap3A_49 = vector.shape_cast %slice3A_43 : vector<2560x64xf32> to vector<1x2560x64xf32>
    tpu.vector_store %arg6[%swap3A_44, %swap3A_45, %swap3A_46], %swap3A_49 {strides = array<i32>} : memref<2x2560x64xf32, #tpu.memory_space<vmem>>, vector<1x2560x64xf32>,
    return
  }
  func.func @transform_0(%arg0: i32) -> (i32, i32) {
    %c0_i32 = arith.constant 0 : i32
    %c0_i32_0 = arith.constant 0 : i32
    return %arg0, %c0_i32 : i32, i32
  }
  func.func @transform_1(%arg0: i32) -> (i32, i32) {
    %c0_i32 = arith.constant 0 : i32
    %c0_i32_0 = arith.constant 0 : i32
    %c0_i32_1 = arith.constant 0 : i32
    return %c0_i32, %c0_i32_0 : i32, i32
  }
  func.func @transform_2(%arg0: i32) -> (i32, i32) {
    %c0_i32 = arith.constant 0 : i32
    %c0_i32_0 = arith.constant 0 : i32
    %c0_i32_1 = arith.constant 0 : i32
    return %c0_i32, %c0_i32_0 : i32, i32
  }
  func.func @transform_3(%arg0: i32) -> (i32, i32, i32) {
    %c0_i32 = arith.constant 0 : i32
    %c0_i32_0 = arith.constant 0 : i32
    %c0_i32_1 = arith.constant 0 : i32
    return %c0_i32, %arg0, %c0_i32_0 : i32, i32, i32
  }
  func.func @transform_4(%arg0: i32) -> (i32, i32, i32) {
    %c0_i32 = arith.constant 0 : i32
    %c0_i32_0 = arith.constant 0 : i32
    %c0_i32_1 = arith.constant 0 : i32
    return %c0_i32, %arg0, %c0_i32_0 : i32, i32, i32
  }
  func.func @transform_5(%arg0: i32) -> (i32, i32, i32) {
    %c0_i32 = arith.constant 0 : i32
    %c0_i32_0 = arith.constant 0 : i32
    %c0_i32_1 = arith.constant 0 : i32
    return %c0_i32, %arg0, %c0_i32_0 : i32, i32, i32
  }
}

module attributes {stable_mosaic.version = 14 : i64} {
  func.func @_node_body(%arg0: memref<10000x128xf32, #tpu.memory_space<vmem>>, %arg1: memref<2x10240x64xf32, #tpu.memory_space<vmem>>, %arg2: memref<1x10000xi32, #tpu.memory_space<vmem>>, %arg3: memref<128x128xf32, #tpu.memory_space<vmem>>, %arg4: memref<1x128xf32, #tpu.memory_space<vmem>>, %arg5: memref<1x128xf32, #tpu.memory_space<vmem>>, %arg6: memref<1x128xf32, #tpu.memory_space<vmem>>, %arg7: memref<128x128xf32, #tpu.memory_space<vmem>>, %arg8: memref<1x128xf32, #tpu.memory_space<vmem>>, %arg9: memref<10000x128xf32, #tpu.memory_space<vmem>>, %arg10: memref<2x10000x64xf32, #tpu.memory_space<vmem>>, %arg11: memref<128x128xf32, #tpu.memory_space<vmem>>) attributes {dimension_semantics = [], scalar_prefetch = 0 : i64, scratch_operands = 0 : i64, tpu.core_type = #tpu.core_type<tc>} {
    %get3A = arith.constant 0 : index
    %get3A_0 = arith.constant 0 : index
    %get3A_1 = arith.constant 0 : index
    %get3A_2 = vector.load %arg1[%get3A, %get3A_0, %get3A_1] : memref<2x10240x64xf32, #tpu.memory_space<vmem>>, vector<1x10000x64xf32>
    %get3A_3 = vector.shape_cast %get3A_2 : vector<1x10000x64xf32> to vector<10000x64xf32>
    %get3A_4 = arith.constant 1 : index
    %get3A_5 = arith.constant 0 : index
    %get3A_6 = arith.constant 0 : index
    %get3A_7 = vector.load %arg1[%get3A_4, %get3A_5, %get3A_6] : memref<2x10240x64xf32, #tpu.memory_space<vmem>>, vector<1x10000x64xf32>
    %get3A_8 = vector.shape_cast %get3A_7 : vector<1x10000x64xf32> to vector<10000x64xf32>
    %concatenate3A = tpu.concatenate %get3A_3, %get3A_8 in 1 : vector<10000x64xf32>, vector<10000x64xf32> -> vector<10000x128xf32>
    %get3A_9 = arith.constant 0 : index
    %get3A_10 = arith.constant 0 : index
    %get3A_11 = vector.load %arg0[%get3A_9, %get3A_10] : memref<10000x128xf32, #tpu.memory_space<vmem>>, vector<10000x128xf32>
    %add3A = arith.addf %get3A_11, %concatenate3A : vector<10000x128xf32>
    %get3A_12 = arith.constant 0 : index
    %get3A_13 = arith.constant 0 : index
    %get3A_14 = vector.load %arg3[%get3A_12, %get3A_13] : memref<128x128xf32, #tpu.memory_space<vmem>>, vector<128x128xf32>
    %dot_general3A = arith.constant dense<0.000000e+00> : vector<10000x128xf32>
    %dot_general3A_15 = tpu.matmul %add3A, %get3A_14, %dot_general3A {dimension_numbers = #tpu.dot_dimension_numbers<[1], [0], [0], [1], [0, 0, 1, 1], [], []>, transpose_lhs_hint = false} : vector<10000x128xf32>, vector<128x128xf32>, vector<10000x128xf32> -> vector<10000x128xf32>
    %get3A_16 = arith.constant 0 : index
    %get3A_17 = arith.constant 0 : index
    %get3A_18 = vector.load %arg4[%get3A_16, %get3A_17] : memref<1x128xf32, #tpu.memory_space<vmem>>, vector<1x128xf32>
    %add3A_19 = vector.broadcast %get3A_18 : vector<1x128xf32> to vector<10000x128xf32>
    %add3A_20 = arith.addf %dot_general3A_15, %add3A_19 : vector<10000x128xf32>
    %reduce_sum3A = arith.constant dense<0.000000e+00> : vector<128xf32>
    %reduce_sum3A_21 = vector.multi_reduction <add>, %add3A_20, %reduce_sum3A [0] : vector<10000x128xf32> to vector<128xf32>
    %broadcast_in_dim3A = vector.shape_cast %reduce_sum3A_21 : vector<128xf32> to vector<1x128xf32>
    %div3A = arith.constant 1.000000e+04 : f32
    %div3A_22 = vector.broadcast %div3A : f32 to vector<1x128xf32>
    %div3A_23 = arith.divf %broadcast_in_dim3A, %div3A_22 : vector<1x128xf32>
    %sub3A = vector.broadcast %div3A_23 : vector<1x128xf32> to vector<10000x128xf32>
    %sub3A_24 = arith.subf %add3A_20, %sub3A : vector<10000x128xf32>
    %integer_pow3A = arith.mulf %sub3A_24, %sub3A_24 : vector<10000x128xf32>
    %reduce_sum3A_25 = arith.constant dense<0.000000e+00> : vector<128xf32>
    %reduce_sum3A_26 = vector.multi_reduction <add>, %integer_pow3A, %reduce_sum3A_25 [0] : vector<10000x128xf32> to vector<128xf32>
    %broadcast_in_dim3A_27 = vector.shape_cast %reduce_sum3A_26 : vector<128xf32> to vector<1x128xf32>
    %div3A_28 = arith.constant 1.000000e+04 : f32
    %div3A_29 = vector.broadcast %div3A_28 : f32 to vector<1x128xf32>
    %div3A_30 = arith.divf %broadcast_in_dim3A_27, %div3A_29 : vector<1x128xf32>
    %sub3A_31 = vector.broadcast %div3A_23 : vector<1x128xf32> to vector<10000x128xf32>
    %sub3A_32 = arith.subf %add3A_20, %sub3A_31 : vector<10000x128xf32>
    %add3A_33 = arith.constant 9.99999974E-6 : f32
    %add3A_34 = vector.broadcast %add3A_33 : f32 to vector<1x128xf32>
    %add3A_35 = arith.addf %div3A_30, %add3A_34 : vector<1x128xf32>
    %sqrt3A = math.sqrt %add3A_35 : vector<1x128xf32>
    %div3A_36 = vector.broadcast %sqrt3A : vector<1x128xf32> to vector<10000x128xf32>
    %div3A_37 = arith.divf %sub3A_32, %div3A_36 : vector<10000x128xf32>
    %get3A_38 = arith.constant 0 : index
    %get3A_39 = arith.constant 0 : index
    %get3A_40 = vector.load %arg5[%get3A_38, %get3A_39] : memref<1x128xf32, #tpu.memory_space<vmem>>, vector<1x128xf32>
    %mul3A = vector.broadcast %get3A_40 : vector<1x128xf32> to vector<10000x128xf32>
    %mul3A_41 = arith.mulf %div3A_37, %mul3A : vector<10000x128xf32>
    %get3A_42 = arith.constant 0 : index
    %get3A_43 = arith.constant 0 : index
    %get3A_44 = vector.load %arg6[%get3A_42, %get3A_43] : memref<1x128xf32, #tpu.memory_space<vmem>>, vector<1x128xf32>
    %add3A_45 = vector.broadcast %get3A_44 : vector<1x128xf32> to vector<10000x128xf32>
    %add3A_46 = arith.addf %mul3A_41, %add3A_45 : vector<10000x128xf32>
    %max3A = arith.constant 0.000000e+00 : f32
    %max3A_47 = vector.broadcast %max3A : f32 to vector<10000x128xf32>
    %max3A_48 = arith.maximumf %add3A_46, %max3A_47 : vector<10000x128xf32>
    %get3A_49 = arith.constant 0 : index
    %get3A_50 = arith.constant 0 : index
    %get3A_51 = vector.load %arg7[%get3A_49, %get3A_50] : memref<128x128xf32, #tpu.memory_space<vmem>>, vector<128x128xf32>
    %dot_general3A_52 = arith.constant dense<0.000000e+00> : vector<10000x128xf32>
    %dot_general3A_53 = tpu.matmul %max3A_48, %get3A_51, %dot_general3A_52 {dimension_numbers = #tpu.dot_dimension_numbers<[1], [0], [0], [1], [0, 0, 1, 1], [], []>, transpose_lhs_hint = false} : vector<10000x128xf32>, vector<128x128xf32>, vector<10000x128xf32> -> vector<10000x128xf32>
    %get3A_54 = arith.constant 0 : index
    %get3A_55 = arith.constant 0 : index
    %get3A_56 = vector.load %arg8[%get3A_54, %get3A_55] : memref<1x128xf32, #tpu.memory_space<vmem>>, vector<1x128xf32>
    %add3A_57 = vector.broadcast %get3A_56 : vector<1x128xf32> to vector<10000x128xf32>
    %add3A_58 = arith.addf %dot_general3A_53, %add3A_57 : vector<10000x128xf32>
    %max3A_59 = arith.constant 0.000000e+00 : f32
    %max3A_60 = vector.broadcast %max3A_59 : f32 to vector<10000x128xf32>
    %max3A_61 = arith.maximumf %add3A_58, %max3A_60 : vector<10000x128xf32>
    %swap3A = arith.constant 0 : index
    %swap3A_62 = arith.constant 0 : index
    %swap3A_63 = vector.load %arg9[%swap3A, %swap3A_62] : memref<10000x128xf32, #tpu.memory_space<vmem>>, vector<10000x128xf32>
    tpu.vector_store %arg9[%swap3A, %swap3A_62], %max3A_61 {strides = array<i32>} : memref<10000x128xf32, #tpu.memory_space<vmem>>, vector<10000x128xf32>,
    %slice3A = vector.extract_strided_slice %max3A_61 {offsets = [0, 0], sizes = [10000, 64], strides = [1, 1]} : vector<10000x128xf32> to vector<10000x64xf32>
    %swap3A_64 = arith.constant 0 : index
    %swap3A_65 = arith.constant 0 : index
    %swap3A_66 = arith.constant 0 : index
    %swap3A_67 = vector.load %arg10[%swap3A_64, %swap3A_65, %swap3A_66] : memref<2x10000x64xf32, #tpu.memory_space<vmem>>, vector<1x10000x64xf32>
    %swap3A_68 = vector.shape_cast %swap3A_67 : vector<1x10000x64xf32> to vector<10000x64xf32>
    %swap3A_69 = vector.shape_cast %slice3A : vector<10000x64xf32> to vector<1x10000x64xf32>
    tpu.vector_store %arg10[%swap3A_64, %swap3A_65, %swap3A_66], %swap3A_69 {strides = array<i32>} : memref<2x10000x64xf32, #tpu.memory_space<vmem>>, vector<1x10000x64xf32>,
    %slice3A_70 = vector.extract_strided_slice %max3A_61 {offsets = [0, 64], sizes = [10000, 64], strides = [1, 1]} : vector<10000x128xf32> to vector<10000x64xf32>
    %swap3A_71 = arith.constant 1 : index
    %swap3A_72 = arith.constant 0 : index
    %swap3A_73 = arith.constant 0 : index
    %swap3A_74 = vector.load %arg10[%swap3A_71, %swap3A_72, %swap3A_73] : memref<2x10000x64xf32, #tpu.memory_space<vmem>>, vector<1x10000x64xf32>
    %swap3A_75 = vector.shape_cast %swap3A_74 : vector<1x10000x64xf32> to vector<10000x64xf32>
    %swap3A_76 = vector.shape_cast %slice3A_70 : vector<10000x64xf32> to vector<1x10000x64xf32>
    tpu.vector_store %arg10[%swap3A_71, %swap3A_72, %swap3A_73], %swap3A_76 {strides = array<i32>} : memref<2x10000x64xf32, #tpu.memory_space<vmem>>, vector<1x10000x64xf32>,
    %iota3A = tpu.iota {dimensions = array<i32: 0>} : vector<128x10000xi32>
    %get3A_77 = arith.constant 0 : index
    %get3A_78 = arith.constant 0 : index
    %get3A_79 = vector.load %arg2[%get3A_77, %get3A_78] : memref<1x10000xi32, #tpu.memory_space<vmem>>, vector<1x10000xi32>
    %eq3A = vector.broadcast %get3A_79 : vector<1x10000xi32> to vector<128x10000xi32>
    %eq3A_80 = arith.cmpi eq, %iota3A, %eq3A : vector<128x10000xi32>
    %convert_element_type3A = arith.extui %eq3A_80 : vector<128x10000xi1> to vector<128x10000xi32>
    %convert_element_type3A_81 = arith.sitofp %convert_element_type3A : vector<128x10000xi32> to vector<128x10000xf32>
    %dot_general3A_82 = arith.constant dense<0.000000e+00> : vector<128x128xf32>
    %dot_general3A_83 = tpu.matmul %convert_element_type3A_81, %max3A_61, %dot_general3A_82 {dimension_numbers = #tpu.dot_dimension_numbers<[1], [0], [0], [1], [0, 0, 1, 1], [], []>, precision = #tpu.contract_precision<fp32>, transpose_lhs_hint = false} : vector<128x10000xf32>, vector<10000x128xf32>, vector<128x128xf32> -> vector<128x128xf32>
    %swap3A_84 = arith.constant 0 : index
    %swap3A_85 = arith.constant 0 : index
    %swap3A_86 = vector.load %arg11[%swap3A_84, %swap3A_85] : memref<128x128xf32, #tpu.memory_space<vmem>>, vector<128x128xf32>
    tpu.vector_store %arg11[%swap3A_84, %swap3A_85], %dot_general3A_83 {strides = array<i32>} : memref<128x128xf32, #tpu.memory_space<vmem>>, vector<128x128xf32>,
    return
  }
}

module attributes {stable_mosaic.version = 14 : i64} {
  func.func @_node_body(%arg0: memref<10000x128xf32, #tpu.memory_space<vmem>>, %arg1: memref<2x10240x64xf32, #tpu.memory_space<vmem>>, %arg2: memref<1x10000xi32, #tpu.memory_space<vmem>>, %arg3: memref<128x128xf32, #tpu.memory_space<vmem>>, %arg4: memref<1x128xf32, #tpu.memory_space<vmem>>, %arg5: memref<1x128xf32, #tpu.memory_space<vmem>>, %arg6: memref<1x128xf32, #tpu.memory_space<vmem>>, %arg7: memref<128x128xf32, #tpu.memory_space<vmem>>, %arg8: memref<1x128xf32, #tpu.memory_space<vmem>>, %arg9: memref<10000x128xf32, #tpu.memory_space<vmem>>, %arg10: memref<2x10000x64xf32, #tpu.memory_space<vmem>>, %arg11: memref<128x128xf32, #tpu.memory_space<vmem>>) attributes {dimension_semantics = [], scalar_prefetch = 0 : i64, scratch_operands = 0 : i64, tpu.core_type = #tpu.core_type<tc>} {
    %get3A = arith.constant 0 : index
    %get3A_0 = arith.constant 0 : index
    %get3A_1 = arith.constant 0 : index
    %get3A_2 = vector.load %arg1[%get3A, %get3A_0, %get3A_1] : memref<2x10240x64xf32, #tpu.memory_space<vmem>>, vector<1x10000x64xf32>
    %get3A_3 = vector.shape_cast %get3A_2 : vector<1x10000x64xf32> to vector<10000x64xf32>
    %get3A_4 = arith.constant 1 : index
    %get3A_5 = arith.constant 0 : index
    %get3A_6 = arith.constant 0 : index
    %get3A_7 = vector.load %arg1[%get3A_4, %get3A_5, %get3A_6] : memref<2x10240x64xf32, #tpu.memory_space<vmem>>, vector<1x10000x64xf32>
    %get3A_8 = vector.shape_cast %get3A_7 : vector<1x10000x64xf32> to vector<10000x64xf32>
    %concatenate3A = tpu.concatenate %get3A_3, %get3A_8 in 1 : vector<10000x64xf32>, vector<10000x64xf32> -> vector<10000x128xf32>
    %get3A_9 = arith.constant 0 : index
    %get3A_10 = arith.constant 0 : index
    %get3A_11 = vector.load %arg0[%get3A_9, %get3A_10] : memref<10000x128xf32, #tpu.memory_space<vmem>>, vector<10000x128xf32>
    %add3A = arith.addf %get3A_11, %concatenate3A : vector<10000x128xf32>
    %get3A_12 = arith.constant 0 : index
    %get3A_13 = arith.constant 0 : index
    %get3A_14 = vector.load %arg3[%get3A_12, %get3A_13] : memref<128x128xf32, #tpu.memory_space<vmem>>, vector<128x128xf32>
    %dot_general3A = arith.constant dense<0.000000e+00> : vector<10000x128xf32>
    %dot_general3A_15 = tpu.matmul %add3A, %get3A_14, %dot_general3A {dimension_numbers = #tpu.dot_dimension_numbers<[1], [0], [0], [1], [0, 0, 1, 1], [], []>, transpose_lhs_hint = false} : vector<10000x128xf32>, vector<128x128xf32>, vector<10000x128xf32> -> vector<10000x128xf32>
    %get3A_16 = arith.constant 0 : index
    %get3A_17 = arith.constant 0 : index
    %get3A_18 = vector.load %arg4[%get3A_16, %get3A_17] : memref<1x128xf32, #tpu.memory_space<vmem>>, vector<1x128xf32>
    %add3A_19 = vector.broadcast %get3A_18 : vector<1x128xf32> to vector<10000x128xf32>
    %add3A_20 = arith.addf %dot_general3A_15, %add3A_19 : vector<10000x128xf32>
    %reduce_sum3A = arith.constant dense<0.000000e+00> : vector<128xf32>
    %reduce_sum3A_21 = vector.multi_reduction <add>, %add3A_20, %reduce_sum3A [0] : vector<10000x128xf32> to vector<128xf32>
    %broadcast_in_dim3A = vector.shape_cast %reduce_sum3A_21 : vector<128xf32> to vector<1x128xf32>
    %div3A = arith.constant 1.000000e+04 : f32
    %div3A_22 = vector.broadcast %div3A : f32 to vector<1x128xf32>
    %div3A_23 = arith.divf %broadcast_in_dim3A, %div3A_22 : vector<1x128xf32>
    %sub3A = vector.broadcast %div3A_23 : vector<1x128xf32> to vector<10000x128xf32>
    %sub3A_24 = arith.subf %add3A_20, %sub3A : vector<10000x128xf32>
    %integer_pow3A = arith.mulf %sub3A_24, %sub3A_24 : vector<10000x128xf32>
    %reduce_sum3A_25 = arith.constant dense<0.000000e+00> : vector<128xf32>
    %reduce_sum3A_26 = vector.multi_reduction <add>, %integer_pow3A, %reduce_sum3A_25 [0] : vector<10000x128xf32> to vector<128xf32>
    %broadcast_in_dim3A_27 = vector.shape_cast %reduce_sum3A_26 : vector<128xf32> to vector<1x128xf32>
    %div3A_28 = arith.constant 1.000000e+04 : f32
    %div3A_29 = vector.broadcast %div3A_28 : f32 to vector<1x128xf32>
    %div3A_30 = arith.divf %broadcast_in_dim3A_27, %div3A_29 : vector<1x128xf32>
    %sub3A_31 = vector.broadcast %div3A_23 : vector<1x128xf32> to vector<10000x128xf32>
    %sub3A_32 = arith.subf %add3A_20, %sub3A_31 : vector<10000x128xf32>
    %add3A_33 = arith.constant 9.99999974E-6 : f32
    %add3A_34 = vector.broadcast %add3A_33 : f32 to vector<1x128xf32>
    %add3A_35 = arith.addf %div3A_30, %add3A_34 : vector<1x128xf32>
    %sqrt3A = math.sqrt %add3A_35 : vector<1x128xf32>
    %div3A_36 = vector.broadcast %sqrt3A : vector<1x128xf32> to vector<10000x128xf32>
    %div3A_37 = arith.divf %sub3A_32, %div3A_36 : vector<10000x128xf32>
    %get3A_38 = arith.constant 0 : index
    %get3A_39 = arith.constant 0 : index
    %get3A_40 = vector.load %arg5[%get3A_38, %get3A_39] : memref<1x128xf32, #tpu.memory_space<vmem>>, vector<1x128xf32>
    %mul3A = vector.broadcast %get3A_40 : vector<1x128xf32> to vector<10000x128xf32>
    %mul3A_41 = arith.mulf %div3A_37, %mul3A : vector<10000x128xf32>
    %get3A_42 = arith.constant 0 : index
    %get3A_43 = arith.constant 0 : index
    %get3A_44 = vector.load %arg6[%get3A_42, %get3A_43] : memref<1x128xf32, #tpu.memory_space<vmem>>, vector<1x128xf32>
    %add3A_45 = vector.broadcast %get3A_44 : vector<1x128xf32> to vector<10000x128xf32>
    %add3A_46 = arith.addf %mul3A_41, %add3A_45 : vector<10000x128xf32>
    %max3A = arith.constant 0.000000e+00 : f32
    %max3A_47 = vector.broadcast %max3A : f32 to vector<10000x128xf32>
    %max3A_48 = arith.maximumf %add3A_46, %max3A_47 : vector<10000x128xf32>
    %get3A_49 = arith.constant 0 : index
    %get3A_50 = arith.constant 0 : index
    %get3A_51 = vector.load %arg7[%get3A_49, %get3A_50] : memref<128x128xf32, #tpu.memory_space<vmem>>, vector<128x128xf32>
    %dot_general3A_52 = arith.constant dense<0.000000e+00> : vector<10000x128xf32>
    %dot_general3A_53 = tpu.matmul %max3A_48, %get3A_51, %dot_general3A_52 {dimension_numbers = #tpu.dot_dimension_numbers<[1], [0], [0], [1], [0, 0, 1, 1], [], []>, transpose_lhs_hint = false} : vector<10000x128xf32>, vector<128x128xf32>, vector<10000x128xf32> -> vector<10000x128xf32>
    %get3A_54 = arith.constant 0 : index
    %get3A_55 = arith.constant 0 : index
    %get3A_56 = vector.load %arg8[%get3A_54, %get3A_55] : memref<1x128xf32, #tpu.memory_space<vmem>>, vector<1x128xf32>
    %add3A_57 = vector.broadcast %get3A_56 : vector<1x128xf32> to vector<10000x128xf32>
    %add3A_58 = arith.addf %dot_general3A_53, %add3A_57 : vector<10000x128xf32>
    %max3A_59 = arith.constant 0.000000e+00 : f32
    %max3A_60 = vector.broadcast %max3A_59 : f32 to vector<10000x128xf32>
    %max3A_61 = arith.maximumf %add3A_58, %max3A_60 : vector<10000x128xf32>
    %swap3A = arith.constant 0 : index
    %swap3A_62 = arith.constant 0 : index
    %swap3A_63 = vector.load %arg9[%swap3A, %swap3A_62] : memref<10000x128xf32, #tpu.memory_space<vmem>>, vector<10000x128xf32>
    tpu.vector_store %arg9[%swap3A, %swap3A_62], %max3A_61 {strides = array<i32>} : memref<10000x128xf32, #tpu.memory_space<vmem>>, vector<10000x128xf32>,
    %slice3A = vector.extract_strided_slice %max3A_61 {offsets = [0, 0], sizes = [10000, 64], strides = [1, 1]} : vector<10000x128xf32> to vector<10000x64xf32>
    %swap3A_64 = arith.constant 0 : index
    %swap3A_65 = arith.constant 0 : index
    %swap3A_66 = arith.constant 0 : index
    %swap3A_67 = vector.load %arg10[%swap3A_64, %swap3A_65, %swap3A_66] : memref<2x10000x64xf32, #tpu.memory_space<vmem>>, vector<1x10000x64xf32>
    %swap3A_68 = vector.shape_cast %swap3A_67 : vector<1x10000x64xf32> to vector<10000x64xf32>
    %swap3A_69 = vector.shape_cast %slice3A : vector<10000x64xf32> to vector<1x10000x64xf32>
    tpu.vector_store %arg10[%swap3A_64, %swap3A_65, %swap3A_66], %swap3A_69 {strides = array<i32>} : memref<2x10000x64xf32, #tpu.memory_space<vmem>>, vector<1x10000x64xf32>,
    %slice3A_70 = vector.extract_strided_slice %max3A_61 {offsets = [0, 64], sizes = [10000, 64], strides = [1, 1]} : vector<10000x128xf32> to vector<10000x64xf32>
    %swap3A_71 = arith.constant 1 : index
    %swap3A_72 = arith.constant 0 : index
    %swap3A_73 = arith.constant 0 : index
    %swap3A_74 = vector.load %arg10[%swap3A_71, %swap3A_72, %swap3A_73] : memref<2x10000x64xf32, #tpu.memory_space<vmem>>, vector<1x10000x64xf32>
    %swap3A_75 = vector.shape_cast %swap3A_74 : vector<1x10000x64xf32> to vector<10000x64xf32>
    %swap3A_76 = vector.shape_cast %slice3A_70 : vector<10000x64xf32> to vector<1x10000x64xf32>
    tpu.vector_store %arg10[%swap3A_71, %swap3A_72, %swap3A_73], %swap3A_76 {strides = array<i32>} : memref<2x10000x64xf32, #tpu.memory_space<vmem>>, vector<1x10000x64xf32>,
    %iota3A = tpu.iota {dimensions = array<i32: 0>} : vector<128x10000xi32>
    %get3A_77 = arith.constant 0 : index
    %get3A_78 = arith.constant 0 : index
    %get3A_79 = vector.load %arg2[%get3A_77, %get3A_78] : memref<1x10000xi32, #tpu.memory_space<vmem>>, vector<1x10000xi32>
    %eq3A = vector.broadcast %get3A_79 : vector<1x10000xi32> to vector<128x10000xi32>
    %eq3A_80 = arith.cmpi eq, %iota3A, %eq3A : vector<128x10000xi32>
    %convert_element_type3A = arith.extui %eq3A_80 : vector<128x10000xi1> to vector<128x10000xi32>
    %convert_element_type3A_81 = arith.sitofp %convert_element_type3A : vector<128x10000xi32> to vector<128x10000xf32>
    %dot_general3A_82 = arith.constant dense<0.000000e+00> : vector<128x128xf32>
    %dot_general3A_83 = tpu.matmul %convert_element_type3A_81, %max3A_61, %dot_general3A_82 {dimension_numbers = #tpu.dot_dimension_numbers<[1], [0], [0], [1], [0, 0, 1, 1], [], []>, precision = #tpu.contract_precision<fp32>, transpose_lhs_hint = false} : vector<128x10000xf32>, vector<10000x128xf32>, vector<128x128xf32> -> vector<128x128xf32>
    %swap3A_84 = arith.constant 0 : index
    %swap3A_85 = arith.constant 0 : index
    %swap3A_86 = vector.load %arg11[%swap3A_84, %swap3A_85] : memref<128x128xf32, #tpu.memory_space<vmem>>, vector<128x128xf32>
    tpu.vector_store %arg11[%swap3A_84, %swap3A_85], %dot_general3A_83 {strides = array<i32>} : memref<128x128xf32, #tpu.memory_space<vmem>>, vector<128x128xf32>,
    return
  }
}

module attributes {stable_mosaic.version = 14 : i64} {
  func.func @_head_body(%arg0: memref<128x128xf32, #tpu.memory_space<vmem>>, %arg1: memref<128x128xf32, #tpu.memory_space<vmem>>, %arg2: memref<128x128xf32, #tpu.memory_space<vmem>>, %arg3: memref<384x384xf32, #tpu.memory_space<vmem>>, %arg4: memref<1x384xf32, #tpu.memory_space<vmem>>, %arg5: memref<384x1xf32, #tpu.memory_space<vmem>>, %arg6: memref<1x1xf32, #tpu.memory_space<vmem>>, %arg7: memref<128x1xf32, #tpu.memory_space<vmem>>) attributes {dimension_semantics = [], scalar_prefetch = 0 : i64, scratch_operands = 0 : i64, tpu.core_type = #tpu.core_type<tc>} {
    %get3A = arith.constant 0 : index
    %get3A_0 = arith.constant 0 : index
    %get3A_1 = vector.load %arg0[%get3A, %get3A_0] : memref<128x128xf32, #tpu.memory_space<vmem>>, vector<128x128xf32>
    %get3A_2 = arith.constant 0 : index
    %get3A_3 = arith.constant 0 : index
    %get3A_4 = vector.load %arg1[%get3A_2, %get3A_3] : memref<128x128xf32, #tpu.memory_space<vmem>>, vector<128x128xf32>
    %get3A_5 = arith.constant 0 : index
    %get3A_6 = arith.constant 0 : index
    %get3A_7 = vector.load %arg2[%get3A_5, %get3A_6] : memref<128x128xf32, #tpu.memory_space<vmem>>, vector<128x128xf32>
    %concatenate3A = tpu.concatenate %get3A_1, %get3A_4, %get3A_7 in 1 : vector<128x128xf32>, vector<128x128xf32>, vector<128x128xf32> -> vector<128x384xf32>
    %get3A_8 = arith.constant 0 : index
    %get3A_9 = arith.constant 0 : index
    %get3A_10 = vector.load %arg3[%get3A_8, %get3A_9] : memref<384x384xf32, #tpu.memory_space<vmem>>, vector<384x384xf32>
    %dot_general3A = arith.constant dense<0.000000e+00> : vector<128x384xf32>
    %dot_general3A_11 = tpu.matmul %concatenate3A, %get3A_10, %dot_general3A {dimension_numbers = #tpu.dot_dimension_numbers<[1], [0], [0], [1], [0, 0, 1, 1], [], []>, transpose_lhs_hint = false} : vector<128x384xf32>, vector<384x384xf32>, vector<128x384xf32> -> vector<128x384xf32>
    %get3A_12 = arith.constant 0 : index
    %get3A_13 = arith.constant 0 : index
    %get3A_14 = vector.load %arg4[%get3A_12, %get3A_13] : memref<1x384xf32, #tpu.memory_space<vmem>>, vector<1x384xf32>
    %add3A = vector.broadcast %get3A_14 : vector<1x384xf32> to vector<128x384xf32>
    %add3A_15 = arith.addf %dot_general3A_11, %add3A : vector<128x384xf32>
    %max3A = arith.constant 0.000000e+00 : f32
    %max3A_16 = vector.broadcast %max3A : f32 to vector<128x384xf32>
    %max3A_17 = arith.maximumf %add3A_15, %max3A_16 : vector<128x384xf32>
    %get3A_18 = arith.constant 0 : index
    %get3A_19 = arith.constant 0 : index
    %get3A_20 = vector.load %arg5[%get3A_18, %get3A_19] : memref<384x1xf32, #tpu.memory_space<vmem>>, vector<384x1xf32>
    %dot_general3A_21 = arith.constant dense<0.000000e+00> : vector<128x1xf32>
    %dot_general3A_22 = tpu.matmul %max3A_17, %get3A_20, %dot_general3A_21 {dimension_numbers = #tpu.dot_dimension_numbers<[1], [0], [0], [1], [0, 0, 1, 1], [], []>, transpose_lhs_hint = false} : vector<128x384xf32>, vector<384x1xf32>, vector<128x1xf32> -> vector<128x1xf32>
    %get3A_23 = arith.constant 0 : index
    %get3A_24 = arith.constant 0 : index
    %get3A_25 = vector.load %arg6[%get3A_23, %get3A_24] : memref<1x1xf32, #tpu.memory_space<vmem>>, vector<1x1xf32>
    %add3A_26 = vector.broadcast %get3A_25 : vector<1x1xf32> to vector<128x1xf32>
    %add3A_27 = arith.addf %dot_general3A_22, %add3A_26 : vector<128x1xf32>
    %swap3A = arith.constant 0 : index
    %swap3A_28 = arith.constant 0 : index
    %swap3A_29 = vector.load %arg7[%swap3A, %swap3A_28] : memref<128x1xf32, #tpu.memory_space<vmem>>, vector<128x1xf32>
    tpu.vector_store %arg7[%swap3A, %swap3A_28], %add3A_27 {strides = array<i32>} : memref<128x1xf32, #tpu.memory_space<vmem>>, vector<128x1xf32>,
    return
  }
}

</mosaic_0001>

<sc_bundles>
// kernel: kernel.10.cloned.1.call-start
scs
__scs_entry_jumppad:
0x0: {  	(pc) =	sbr.rel $0x88, $3  }
0x1: {  	(tag) =	ssettag $0x0;
	lr =	simm.s32 $0x1  }
0x2: {  	[smem:$0x3F81] =	sst lr;
	_ =	strace $0xD0000000  }
0x3: {  	_ = 	snop  }
0x4: {  	_ = 	snop  }
0x5: {  	_ = 	snop  }
0x6: {  	_ = 	snop  }
0x7: {  	_ = 	snop  }
__scs_overlays_trampoline_lowered:
0x8: {  	[smem:$0x3F90] =	sst s0  }
0x9: {  	[smem:$0x3F91] =	sst s1  }
0xa: {  	[smem:$0x3F92] =	sst s2  }
0xb: {  	[smem:$0x3F93] =	sst s3  }
0xc: {  	[smem:$0x3F94] =	sst s4  }
0xd: {  	[smem:$0x3F95] =	sst s5  }
0xe: {  	[smem:$0x3F96] =	sst s6  }
0xf: {  	[smem:$0x3F97] =	sst s7  }
0x10: {  	[smem:$0x3F98] =	sst s8  }
0x11: {  	[smem:$0x3F99] =	sst s9;
	s0 =	simm.s32 @!p0 $0x0  }
0x12: {  	s1 =	sld [smem:$0x3F7F];
	s0 =	simm.s32 @p0 $0x1  }
0x13: {  	[smem:$0x3F9A] =	sst s0;
	s0 =	simm.s32 @!p1 $0x0  }
0x14: {  	s2 =	sld [smem:$0x3F7E];
	s0 =	simm.s32 @p1 $0x1  }
0x15: {  	[smem:$0x3F9B] =	sst s0;
	s0 =	simm.s32 @!p2 $0x0  }
0x16: {  	s3 =	sld [smem:$0x3FDB];
	s0 =	simm.s32 @p2 $0x1  }
0x17: {  	s4 =	simm.s32 $0x1BF5;
	[smem:$0x3F9D] =	sst s0  }
0x18: {  	s0 =	sld [smem:$0x3F80];
	_ =	swait.ge [sflag:s4], $0x0  }
0x19: {  	s7 =	sld [smem:$0x3F81]  }
0x1a: {  	s8 =	sadd.s32 $0xFFFFE003, lr  }
0x1b: {  	s9 =	sadd.s32 $0xFFFFFEF7, lr;
	s5 =	simm.s32 $0xFFFFFFFF;
	p2 =	slt.u32 s8, $0xFFFFF086  }
0x1c: {  	p1 =	slt.u32 s9, $0xF7A;
	s5 =	simm.s32 @!p2 $0x0  }
0x1d: {  	s5 =	simm.s32 @p1 $0x1;
	p0 =	seq.s32 s7, s2  }
0x1e: {  	s7 =	smul.u32 @!p0 $0xF7A, s2;
	p2 =	seq.s32 @!p0 s5, $0x0  }
0x1f: {  	s9 =	smul.u32 $0xF7A, s1;
	s8 =	simm.s32 @!p0 $0x1BF5;
	p2 =	por !p2, p0  }
0x20: {  	[sflag:s8] =	ssyncset.s32 @!p0 $0xFFFFF086;
	s6 =	sadd.s32 @!p0 s3, s7;
	s7 =	simm.s32 @!p0 $0x108  }
0x21: {  	s3 =	sadd.s32 s3, s9;
	s6 =	sadd.s32 @!p0 $0x88, s6;
	s7 =	simm.s32 @p2 $0x1082  }
0x22: {  	[simem:s7], [sflag:s8] =	dma.local @!p0 [hbm:s6], $0xF7A  }
0x23: {  	s9 =	sor.u32 $0xD0000000, s2;
	s6 =	simm.s32 $0x108;
	_ =	swait.ge @!p0 [sflag:s8], $0x0  }
0x24: {  	s3 =	sadd.s32 $0x88, s3;
	s6 =	simm.s32 @!p1 $0x1082;
	[sflag:s4] =	ssyncset.s32 $0xFFFFF086  }
0x25: {  	[simem:s6], [sflag:s4] =	dma.local [hbm:s3], $0xF7A  }
0x26: {  	[smem:$0x3F81] =	sst s1;
	(tag) =	ssettag s2;
	_ =	strace s9  }
0x27: {  	s1 =	sld [smem:$0x3F91]  }
0x28: {  	s2 =	sld [smem:$0x3F92]  }
0x29: {  	s4 =	sld [smem:$0x3F94]  }
0x2a: {  	p0 =	seq.s32 s5, $0x0;
	s5 =	sld [smem:$0x3F95]  }
0x2b: {  	s6 =	sld [smem:$0x3F96]  }
0x2c: {  	s7 =	sld [smem:$0x3F97]  }
0x2d: {  	s3 =	simm.s32 $0x108;
	s8 =	sld [smem:$0x3F98]  }
0x2e: {  	s3 =	simm.s32 @!p0 $0x1082;
	s9 =	sld [smem:$0x3F99]  }
0x2f: {  	lr =	sadd.s32 s0, s3;
	s0 =	sld [smem:$0x3F90]  }
0x30: {  	s3 =	sld [smem:$0x3F93]  }
0x31: {  	[smem:$0x3F9C] =	sst s10  }
0x32: {  	s10 =	sld [smem:$0x3F9A];
	_ =	sdelay $0x3  }
0x33: {  	p0 =	seq.s32 s10, $0x1;
	s10 =	sld [smem:$0x3F9C];
	_ =	sdelay $0x3  }
0x34: {  	[smem:$0x3F9C] =	sst s10  }
0x35: {  	s10 =	sld [smem:$0x3F9B];
	_ =	sdelay $0x3  }
0x36: {  	p1 =	seq.s32 s10, $0x1;
	s10 =	sld [smem:$0x3F9C];
	_ =	sdelay $0x3  }
0x37: {  	[smem:$0x3F9C] =	sst s10  }
0x38: {  	s10 =	sld [smem:$0x3F9D]  }
0x39: {  	_ = 	snop;
	(pc) =	sbr.ind lr, $3  }
0x3a: {  	_ = 	snop  }
0x3b: {  	_ = 	snop  }
0x3c: {  	p2 =	seq.s32 s10, $0x1;
	s10 =	sld [smem:$0x3F9C]  }
0x3d: {  	_ =	shalt  }
0x3e: {  	_ =	shalt  }
0x3f: {  	_ =	shalt  }
0x40: {  	_ =	shalt  }
0x41: {  	_ =	shalt  }
0x42: {  	_ =	shalt  }
0x43: {  	_ =	shalt  }
0x44: {  	_ =	shalt  }
0x45: {  	_ =	shalt  }
0x46: {  	_ =	shalt  }
0x47: {  	_ =	shalt  }
0x48: {  	_ =	shalt  }
0x49: {  	_ =	shalt  }
0x4a: {  	_ =	shalt  }
0x4b: {  	_ =	shalt  }
0x4c: {  	_ =	shalt  }
0x4d: {  	_ =	shalt  }
0x4e: {  	_ =	shalt  }
0x4f: {  	_ =	shalt  }
0x50: {  	_ =	shalt  }
0x51: {  	_ =	shalt  }
0x52: {  	_ =	shalt  }
0x53: {  	_ =	shalt  }
0x54: {  	_ =	shalt  }
0x55: {  	_ =	shalt  }
0x56: {  	_ =	shalt  }
0x57: {  	_ =	shalt  }
0x58: {  	_ =	shalt  }
0x59: {  	_ =	shalt  }
0x5a: {  	_ =	shalt  }
0x5b: {  	_ =	shalt  }
0x5c: {  	_ =	shalt  }
0x5d: {  	_ =	shalt  }
0x5e: {  	_ =	shalt  }
0x5f: {  	_ =	shalt  }
0x60: {  	_ =	shalt  }
0x61: {  	_ =	shalt  }
0x62: {  	_ =	shalt  }
0x63: {  	_ =	shalt  }
0x64: {  	_ =	shalt  }
0x65: {  	_ =	shalt  }
0x66: {  	_ =	shalt  }
0x67: {  	_ =	shalt  }
0x68: {  	_ =	shalt  }
0x69: {  	_ =	shalt  }
0x6a: {  	_ =	shalt  }
0x6b: {  	_ =	shalt  }
0x6c: {  	_ =	shalt  }
0x6d: {  	_ =	shalt  }
0x6e: {  	_ =	shalt  }
0x6f: {  	_ =	shalt  }
0x70: {  	_ =	shalt  }
0x71: {  	_ =	shalt  }
0x72: {  	_ =	shalt  }
0x73: {  	_ =	shalt  }
0x74: {  	_ =	shalt  }
0x75: {  	_ =	shalt  }
0x76: {  	_ =	shalt  }
0x77: {  	_ =	shalt  }
0x78: {  	_ =	shalt  }
0x79: {  	_ =	shalt  }
0x7a: {  	_ =	shalt  }
0x7b: {  	_ =	shalt  }
0x7c: {  	_ =	shalt  }
0x7d: {  	_ =	shalt  }
0x7e: {  	_ =	shalt  }
0x7f: {  	_ =	shalt  }
0x80: {  	_ =	shalt  }
0x81: {  	_ =	shalt  }
0x82: {  	_ =	shalt  }
0x83: {  	_ =	shalt  }
0x84: {  	_ =	shalt  }
0x85: {  	_ =	shalt  }
0x86: {  	_ =	shalt  }
0x87: {  	_ =	shalt  }
.Lfunc_end0:
.L_simem_size_0:
called_computation_lowered:
.L_overlay_start_0:
0x88: {  	s2 =	sld [smem:$0x3FD9]  }
0x89: {  	s3 =	sld [smem:$0x3FFE];
	_ =	sdelay $0x1  }
0x8a: {  	s1 =	srdreg.scid  }
0x8b: {  	s0 =	sand.u32 $0x1, s1  }
0x8c: {  	s16 =	sshll.u32 s0, $0xA;
	s2 =	sadd.s32 s3, s2  }
0x8d: {  	s2 =	sadd.s32 s2, s16  }
0x8e: {  	[smem:$0x3FA8] =	sst s2  }
0x8f: {  	_ = 	snop  }
0x90: {  	(tm) =	ssettm $0x1  }
0x91: {  	s17 =	sld [smem:$0x3FFB];
	_ =	sdelay $0x3  }
0x92: {  	_ =	strace s17  }
0x93: {  	s2 =	sld [smem:$0x3FFC];
	_ =	sdelay $0x3  }
0x94: {  	_ =	strace s2  }
0x95: {  	s2 =	sld [smem:$0x3FFD];
	_ =	sdelay $0x3  }
0x96: {  	_ =	strace s2  }
0x97: {  	_ =	strace $0x8FFFFFFF  }
0x98: {  	s18 =	sld [smem:$0x3FDB];
	_ =	sdelay $0x1  }
0x99: {  	s19 =	simm.s32 $_scs_section_size  }
0x9a: {  	s4 =	simm.s32 $_size__tile_overlayer_lowered;
	s5 =	simm.s32 $_tile_overlayer_lowered  }
0x9b: {  	s22 =	simm.s32 $0x1BFF;
	s21 =	sshll.u32 s5, $0x1;
	s2 =	sadd.s32 s19, s18  }
0x9c: {  	s6 =	simm.s32 $0x0;
	s20 =	sshll.u32 s4, $0x1;
	s4 =	sadd.s32 s21, s2  }
0x9d: {  	[timem:s6], [sflag:s22] =	dma.local [hbm:s4], s20  }
0x9e: {  	_ =	swait.ge [sflag:s22], s20  }
0x9f: {  	s3 =	ssub.s32 $0x0, s20;
	[sflag:s22] =	ssyncset.done $0x0  }
0xa0: {  	[sflag:s22] =	ssyncadd.s32 s3;
	_ =	sdelay $0x1  }
0xa1: {  	s23 =	simm.s32 $0x1B8B  }
0xa2: {  	_ =	swait.ge [sflag:s23], $0x1  }
0xa3: {  	[sflag:s23] =	ssyncset.done $0x0  }
0xa4: {  	s25 =	simm.s32 $0x1B8E;
	s24 =	sld [smem:$0x3FFE];
	[sflag:s23] =	ssyncadd.s32 $0xFFFFFFFF  }
0xa5: {  	s26 =	simm.s32 $execute0_lowered;
	[smem:$0x3FD2] =	sst s25  }
0xa6: {  	s4 =	sshll.u32 s26, $0x1;
	_ =	strace $0x80000046;
	[dreg:$0x1] =	wrdreg $0xFFFFFFFF  }
0xa7: {  	s28 =	simm.s32 $_size_execute0_lowered;
	s2 =	sadd.s32 s2, s4;
	[dreg:$0x0] =	wrdreg $0x0  }
0xa8: {  	s4 =	sshll.u32 s28, $0x1;
	[dreg:$0x2] =	wrdreg s2  }
0xa9: {  	[dreg:$0x3] =	wrdreg s4  }
0xaa: {  	[dreg:$0x4] =	wrdreg $0xC0  }
0xab: {  	_ =	task [dreg:s6], $0x5FFFF  }
0xac: {  	[dreg:$0x1] =	wrdreg $0xFFFFFFFF  }
0xad: {  	[dreg:$0x0] =	wrdreg $0x60  }
0xae: {  	[dreg:$0x2] =	wrdreg s24  }
0xaf: {  	[dreg:$0x3] =	wrdreg $0x128000  }
0xb0: {  	[dreg:$0x4] =	wrdreg $0x9  }
0xb1: {  	_ =	task.clear_ibuf [dreg:s6], $0x5FFFF;
	_ =	strace $0x90000046  }
0xb2: {  	s29 =	simm.s32 $0x9;
	_ =	strace $0x80000048  }
0xb3: {  	_ =	swait.ge [sflag:s29], $0x1  }
0xb4: {  	[sflag:s29] =	ssyncadd.s32 $0xFFFFFFFF  }
0xb5: {  	_ =	strace $0x90000048  }
0xb6: {  	_ =	sfence  }
0xb7: {  	s30 =	sld [smem:$0x0];
	_ =	sdelay $0x2  }
0xb8: {  	s31 =	sshll.u32 s1, $0xD;
	s1 =	sshrl.u32 s1, $0x2  }
0xb9: {  	s3 =	sand.u32 $0x4000, s31;
	s1 =	sadd.s32 s1, s30  }
0xba: {  	s0 =	sor.u32 s3, s0;
	s1 =	sshll.u32 s1, $0x11  }
0xbb: {  	s0 =	sor.u32 s1, s0  }
0xbc: {  	s0 =	sadd.s32 $0x8F2B, s0  }
0xbd: {  	[sflag:s0] =	ssyncadd.remote.s32 $0x1  }
0xbe: {  	_ =	sfence.sel $0xFFFF  }
0xbf: {  	[dreg:$0x0] =	wrdreg $0xFFFFFFFF;
	(pc) =	sbr.abs _section_cstart, $3  }
0xc0: {  	[dreg:$0x1] =	wrdreg $0xFFFFFFFF  }
0xc1: {  	_ =	task.clear_ibuf [dreg:s6], $0x2FFFF;
	_ =	strace $0x9FFFFFFF  }
0xc2: {  	(tm) =	ssettm $0x7FFFFFFF  }
0xc3: {  	_ =	shalt  }
tec
execute0_lowered:
.L_overlay_start_1:
0x0: {  	(tag) =	ssettag $0x1  }
0x1: {  	s0 =	rddreg [dreg:$0x0];
	s2 =	srdreg.scid  }
0x2: {  	s1 =	rddreg [dreg:$0x1];
	s4 =	simm.s32 $0x0;
	s10 =	stileid.u32  }
0x3: {  	s28 =	simm.s32 $0x800;
	s29 =	simm.s32 $0x2800;
	s31 =	simm.s32 $0x4800  }
0x4: {  	s2 =	sand.u32 $0x1, s2;
	[smem:$0x7FF] =	sst s4;
	s9 =	smul.u32 $0xA000, s10  }
0x5: {  	s4 =	sadd.s32 $0x6A00, s0;
	s5 =	sadd.s32 $0x541800, s0;
	s10 =	smul.u32 $0x5000, s10  }
0x6: {  	s6 =	sadd.s32 $0x1A600, s0;
	s3 =	smul.u32 $0x13880, s2;
	s7 =	ssub.s32 $0x2, s2  }
0x7: {  	_ =	strace $0x80000047;
	s17 =	smul.u32 $0xA0000, s2;
	s8 =	sshrl.u32 s7, $0x1  }
0x8: {  	s19 =	sadd.s32 s9, s1;
	s25 =	sadd.s32 $0x2000, s9;
	s11 =	sadd.s32 $0x4000, s9  }
0x9: {  	s12 =	sadd.s32 $0x6000, s9;
	s16 =	sadd.s32 $0x8000, s9;
	s3 =	sadd.s32 s3, s0  }
0xa: {  	s0 =	sadd.s32 $0x54B800, s0;
	s7 =	ssub.s32 s7, s8;
	s22 =	sadd.s32 s25, s1  }
0xb: {  	s30 =	sadd.s32 s11, s1;
	s13 =	sadd.s32 s12, s1;
	s26 =	sadd.s32 s16, s1  }
0xc: {  	s20 =	sadd.s32 s17, s11;
	s21 =	sadd.s32 s17, s12;
	s23 =	sadd.s32 s17, s16  }
0xd: {  	s16 =	simm.s32 $0x1;
	s8 =	simm.s32 $0x380;
	[dreg:$0x3] =	wrdreg s19  }
0xe: {  	s11 =	simm.s32 $0x680;
	s12 =	simm.s32 $0x700;
	[dreg:$0x6] =	wrdreg s13  }
0xf: {  	[dreg:$0x7] =	wrdreg s26;
	s13 =	smul.u32 $0x1400000, s2;
	s14 =	sadd.s32 $0x51A600, s3  }
0x10: {  	s3 =	sadd.s32 s9, s17;
	s9 =	sadd.s32 s17, s25;
	s24 =	sshrl.u32 s21, $0x3  }
0x11: {  	s25 =	sshrl.u32 s23, $0x3;
	s26 =	smax.u32 s7, $0x1;
	s23 =	simm.s32 $0x2  }
0x12: {  	s21 =	simm.s32 $0x280;
	s7 =	simm.s32 $0x300;
	[dreg:$0x4] =	wrdreg s22  }
0x13: {  	s17 =	simm.s32 $0x0;
	[dreg:$0x5] =	wrdreg s30;
	s2 =	sshrl.u32 s3, $0x3  }
0x14: {  	s3 =	sshrl.u32 s9, $0x3;
	[dreg:$0xd] =	wrdreg s26;
	s26 =	simm.s32 $0x80  }
0x15: {  	s9 =	simm.s32 $0x600;
	s15 =	sor.u32 $0x8000, s13;
	s2 =	sadd.s32 s0, s2  }
0x16: {  	s18 =	sadd.s32 s0, s3;
	[dreg:$0x8] =	wrdreg s2;
	s2 =	sshrl.u32 s20, $0x3  }
0x17: {  	s3 =	simm.s32 $0x6800;
	[dreg:$0x9] =	wrdreg s18;
	s2 =	sadd.s32 s0, s2  }
0x18: {  	s20 =	simm.s32 $0x200;
	[dreg:$0xa] =	wrdreg s2;
	s2 =	sadd.s32 s0, s24  }
0x19: {  	s0 =	sadd.s32 s0, s25;
	s24 =	simm.s32 $0x400;
	[dreg:$0xb] =	wrdreg s2  }
0x1a: {  	v0 =	vimm.f32 $0.0e+00;
	s25 =	simm.s32 $0x8800;
	[dreg:$0xc] =	wrdreg s0;
	s2 =	simm.s32 $0x780  }
.LBB2_1:
0x1b: {  	[dreg:$0xe] =	wrdreg s17;
	s17 =	simm.s32 $0x100;
	s0 =	simm.s32 $0x0  }
.LBB2_2:
0x1c: {  	p0 =	sne.s32 s17, $0x7F00;
	[tilespmem:s0+$0x10830] =	vst v0;
	s18 =	smov.u32 s17;
	s17 =	sadd.s32 $0x100, s17  }
.Ltmp0:
0x1d: {  	[tilespmem:s0+$0x10820] =	vst v0;
	(pc) =	sbr.rel @p0 .LBB2_2-.Ltmp0, $3  }
0x1e: {  	[tilespmem:s0+$0x10800] =	vst v0  }
0x1f: {  	[tilespmem:s0+$0x10810] =	vst v0;
	_ =	sdelay $0x1  }
0x20: {  	s0 =	sshra.s32 s18, $0x2  }
0x21: {  	[tilespmem:s0+$0x10830] =	vst v0  }
0x22: {  	[tilespmem:s0+$0x10820] =	vst v0  }
0x23: {  	[tilespmem:s0+$0x10800] =	vst v0  }
0x24: {  	[tilespmem:s0+$0x10810] =	vst v0;
	s17 =	simm.s32 $0x10800  }
0x25: {  	[spmem:s19] =	stream.linear.scatter [tilespmem:s17], [sflag:$0x2], $0x2000, $0x38;
	[tilespmem:$0x1C800] =	vst v63  }
0x26: {  	_ =	swait.ge [sflag:s23], $0x2000  }
0x27: {  	[sflag:s23] =	ssyncset.done $0x0  }
0x28: {  	[sflag:s23] =	ssyncadd.s32 $0xFFFFE000  }
0x29: {  	[spmem:s22] =	stream.linear.scatter [tilespmem:s17], [sflag:$0x2], $0x2000, $0x38;
	[tilespmem:$0x1C800] =	vst v63  }
0x2a: {  	_ =	swait.ge [sflag:s23], $0x2000  }
0x2b: {  	[sflag:s23] =	ssyncset.done $0x0  }
0x2c: {  	[sflag:s23] =	ssyncadd.s32 $0xFFFFE000  }
0x2d: {  	[spmem:s30] =	stream.linear.scatter [tilespmem:s17], [sflag:$0x2], $0x2000, $0x38;
	[tilespmem:$0x1C800] =	vst v63  }
0x2e: {  	_ =	swait.ge [sflag:s23], $0x2000  }
0x2f: {  	[sflag:s23] =	ssyncset.done $0x0  }
0x30: {  	s19 =	rddreg [dreg:$0x6];
	[sflag:s23] =	ssyncadd.s32 $0xFFFFE000  }
0x31: {  	[spmem:s19] =	stream.linear.scatter [tilespmem:s17], [sflag:$0x2], $0x2000, $0x38;
	[tilespmem:$0x1C800] =	vst v63  }
0x32: {  	_ =	swait.ge [sflag:s23], $0x2000  }
0x33: {  	[sflag:s23] =	ssyncset.done $0x0  }
0x34: {  	s22 =	rddreg [dreg:$0x7];
	[sflag:s23] =	ssyncadd.s32 $0xFFFFE000  }
0x35: {  	[spmem:s22] =	stream.linear.scatter [tilespmem:s17], [sflag:$0x2], $0x2000, $0x38;
	[tilespmem:$0x1C800] =	vst v63  }
0x36: {  	_ =	swait.ge [sflag:s23], $0x2000  }
0x37: {  	[sflag:s23] =	ssyncset.done $0x0  }
0x38: {  	[sflag:s23] =	ssyncadd.s32 $0xFFFFE000  }
0x39: {  	s30 =	simm.s32 $0x0;
	s22 =	simm.s32 $0x0;
	[bflag:$0x0] =	sbarrier.arrive $0xFFFF  }
.LBB2_4:
0x3a: {  	s0 =	sshll.u32 s30, $0xA  }
0x3b: {  	s0 =	sadd.s32 s10, s0  }
0x3c: {  	s17 =	sshrl.u32 s0, $0x3  }
0x3d: {  	s18 =	sadd.s32 s4, s17  }
0x3e: {  	[tilespmem:s22], [sflag:$0x2] =	stream.linear.gather [hbm4b:s18+s22], $0x400, $0x38;
	[tilespmem:$0x1C800] =	vst v63  }
0x3f: {  	_ =	swait.ge [sflag:s23], $0x400  }
0x40: {  	[sflag:s23] =	ssyncset.done $0x0  }
0x41: {  	s0 =	sshll.u32 s0, $0x6;
	s17 =	sadd.s32 s5, s17;
	[sflag:s23] =	ssyncadd.s32 $0xFFFFFC00  }
0x42: {  	[tilespmem:s24], [sflag:$0x2] =	stream.linear.gather [hbm4b:s17+s22], $0x400, $0x38;
	[tilespmem:$0x1C800] =	vst v63  }
0x43: {  	s19 =	sadd.s32 s13, s0;
	_ =	swait.ge [sflag:s23], $0x400  }
0x44: {  	s17 =	sshrl.u32 s19, $0x3;
	[sflag:s23] =	ssyncset.done $0x0  }
0x45: {  	s17 =	sadd.s32 s6, s17;
	[sflag:s23] =	ssyncadd.s32 $0xFFFFFC00  }
0x46: {  	[tilespmem:s25], [sflag:$0x2] =	stream.linear.gather [hbm4b:s17+s22], $0x8000, $0x38;
	[tilespmem:$0x1C800] =	vst v63  }
0x47: {  	_ =	swait.ge [sflag:s23], $0x8000  }
0x48: {  	[sflag:s23] =	ssyncset.done $0x0  }
0x49: {  	[sflag:s23] =	ssyncadd.s32 $0xFFFF8000  }
0x4a: {  	[tilespmem:s28], [sflag:$0x1] =	stream.indirect.gather [hbm4b:s14+s26], $0x40, s22, s26, $0xb8;
	[tilespmem:$0x1C800] =	vst v63  }
0x4b: {  	_ = 	snop  }
0x4c: {  	[tilespmem:s29], [sflag:$0x1] =	stream.indirect.gather [hbm4b:s14+s26], $0x40, s26, s26, $0xb8;
	[tilespmem:$0x1C800] =	vst v63  }
0x4d: {  	s18 =	simm.s32 $0x100  }
0x4e: {  	[tilespmem:s31], [sflag:$0x1] =	stream.indirect.gather [hbm4b:s14+s26], $0x40, s18, s26, $0xb8;
	[tilespmem:$0x1C800] =	vst v63  }
0x4f: {  	s19 =	simm.s32 $0x180  }
0x50: {  	[tilespmem:s3], [sflag:$0x1] =	stream.indirect.gather [hbm4b:s14+s26], $0x40, s19, s26, $0xb8;
	[tilespmem:$0x1C800] =	vst v63  }
0x51: {  	_ =	swait.ge [sflag:s16], $0x2000  }
0x52: {  	[sflag:s16] =	ssyncset.done $0x0  }
0x53: {  	[sflag:s16] =	ssyncadd.s32 $0xFFFFE000  }
0x54: {  	_ =	swait.ge [sflag:s16], $0x2000  }
0x55: {  	[sflag:s16] =	ssyncset.done $0x0  }
0x56: {  	[sflag:s16] =	ssyncadd.s32 $0xFFFFE000  }
0x57: {  	_ =	swait.ge [sflag:s16], $0x2000  }
0x58: {  	[sflag:s16] =	ssyncset.done $0x0  }
0x59: {  	[sflag:s16] =	ssyncadd.s32 $0xFFFFE000  }
0x5a: {  	_ =	swait.ge [sflag:s16], $0x2000  }
0x5b: {  	[sflag:s16] =	ssyncset.done $0x0  }
0x5c: {  	s17 =	simm.s32 $0x0;
	[sflag:s16] =	ssyncadd.s32 $0xFFFFE000  }
0x5d: {  	v3 =	vld [tilespmem:s17+$0x8800]  }
0x5e: {  	v4 =	vld [tilespmem:s17+$0x8810]  }
0x5f: {  	v2 =	vld [tilespmem:s17+$0x8820]  }
0x60: {  	v1 =	vld [tilespmem:s17+$0x8830]  }
0x61: {  	v5 =	vld [tilespmem:s17+$0x800]  }
0x62: {  	v7 =	vld [tilespmem:s17+$0x810]  }
0x63: {  	s18 =	simm.s32 $0x100;
	v6 =	vld [tilespmem:s17+$0x820]  }
.LBB2_5:
0x64: {  	p0 =	sne.s32 s18, $0x1FF00;
	v8 =	vld [tilespmem:s17+$0x830]  }
0x65: {  	s19 =	sshra.s32 s18, $0x2  }
0x66: {  	v5 =	vadd.f32 v3, v5;
	v3 =	vld [tilespmem:s19+$0x8800]  }
0x67: {  	v7 =	vadd.f32 v4, v7;
	v4 =	vld [tilespmem:s19+$0x8810]  }
.Ltmp1:
0x68: {  	v5 =	vmax.f32 v5, $0.0e+00;
	v6 =	vadd.f32 v2, v6;
	v2 =	vld [tilespmem:s19+$0x8820];
	(pc) =	sbr.rel @p0 .LBB2_5-.Ltmp1, $4  }
0x69: {  	[tilespmem:s17+$0x800] =	vst v5;
	v7 =	vmax.f32 v7, $0.0e+00;
	v8 =	vadd.f32 v1, v8;
	v1 =	vld [tilespmem:s19+$0x8830]  }
0x6a: {  	v5 =	vld [tilespmem:s19+$0x800];
	[tilespmem:s17+$0x810] =	vst v7;
	v6 =	vmax.f32 v6, $0.0e+00  }
0x6b: {  	v7 =	vld [tilespmem:s19+$0x810];
	[tilespmem:s17+$0x820] =	vst v6;
	v8 =	vmax.f32 v8, $0.0e+00  }
0x6c: {  	s18 =	sadd.s32 $0x100, s18;
	v6 =	vld [tilespmem:s19+$0x820];
	[tilespmem:s17+$0x830] =	vst v8;
	s17 =	smov.u32 s19  }
0x6d: {  	v8 =	vld [tilespmem:s17+$0x830];
	_ =	sdelay $0x1  }
0x6e: {  	v3 =	vadd.f32 v3, v5  }
0x6f: {  	v4 =	vadd.f32 v4, v7  }
0x70: {  	v3 =	vmax.f32 v3, $0.0e+00;
	v2 =	vadd.f32 v2, v6  }
0x71: {  	[tilespmem:s17+$0x800] =	vst v3;
	v3 =	vmax.f32 v4, $0.0e+00;
	v1 =	vadd.f32 v1, v8  }
0x72: {  	[tilespmem:s17+$0x810] =	vst v3;
	v2 =	vmax.f32 v2, $0.0e+00  }
0x73: {  	[tilespmem:s17+$0x820] =	vst v2;
	v1 =	vmax.f32 v1, $0.0e+00  }
0x74: {  	[tilespmem:s17+$0x830] =	vst v1  }
0x75: {  	[spmem:s1] =	stream.indirect.scatter.add.f32 [tilespmem:s28], [sflag:$0x2], $0x40, s24, s26, $0xb8;
	[tilespmem:$0x1C800] =	vst v63  }
0x76: {  	_ =	swait.ge [sflag:s23], $0x2000  }
0x77: {  	[sflag:s23] =	ssyncset.done $0x0  }
0x78: {  	s18 =	simm.s32 $0x480;
	[sflag:s23] =	ssyncadd.s32 $0xFFFFE000  }
0x79: {  	[spmem:s1] =	stream.indirect.scatter.add.f32 [tilespmem:s29], [sflag:$0x2], $0x40, s18, s26, $0xb8;
	[tilespmem:$0x1C800] =	vst v63  }
0x7a: {  	_ =	swait.ge [sflag:s23], $0x2000  }
0x7b: {  	[sflag:s23] =	ssyncset.done $0x0  }
0x7c: {  	s19 =	simm.s32 $0x500;
	[sflag:s23] =	ssyncadd.s32 $0xFFFFE000  }
0x7d: {  	[spmem:s1] =	stream.indirect.scatter.add.f32 [tilespmem:s31], [sflag:$0x2], $0x40, s19, s26, $0xb8;
	[tilespmem:$0x1C800] =	vst v63  }
0x7e: {  	_ =	swait.ge [sflag:s23], $0x2000  }
0x7f: {  	[sflag:s23] =	ssyncset.done $0x0  }
0x80: {  	s18 =	simm.s32 $0x580;
	[sflag:s23] =	ssyncadd.s32 $0xFFFFE000  }
0x81: {  	[spmem:s1] =	stream.indirect.scatter.add.f32 [tilespmem:s3], [sflag:$0x2], $0x40, s18, s26, $0xb8;
	[tilespmem:$0x1C800] =	vst v63  }
0x82: {  	s0 =	sadd.s32 s0, s15;
	_ =	swait.ge [sflag:s23], $0x2000  }
0x83: {  	s0 =	sshrl.u32 s0, $0x3;
	[sflag:s23] =	ssyncset.done $0x0  }
0x84: {  	s0 =	sadd.s32 s6, s0;
	s19 =	simm.s32 $0x0;
	[sflag:s23] =	ssyncadd.s32 $0xFFFFE000  }
0x85: {  	[tilespmem:s25], [sflag:$0x2] =	stream.linear.gather [hbm4b:s0+s19], $0x8000, $0x38;
	[tilespmem:$0x1C800] =	vst v63  }
0x86: {  	_ =	swait.ge [sflag:s23], $0x8000  }
0x87: {  	[sflag:s23] =	ssyncset.done $0x0  }
0x88: {  	[sflag:s23] =	ssyncadd.s32 $0xFFFF8000  }
0x89: {  	[tilespmem:s28], [sflag:$0x1] =	stream.indirect.gather [hbm4b:s14+s26], $0x40, s20, s26, $0xb8;
	[tilespmem:$0x1C800] =	vst v63  }
0x8a: {  	_ = 	snop  }
0x8b: {  	[tilespmem:s29], [sflag:$0x1] =	stream.indirect.gather [hbm4b:s14+s26], $0x40, s21, s26, $0xb8;
	[tilespmem:$0x1C800] =	vst v63  }
0x8c: {  	_ = 	snop  }
0x8d: {  	[tilespmem:s31], [sflag:$0x1] =	stream.indirect.gather [hbm4b:s14+s26], $0x40, s7, s26, $0xb8;
	[tilespmem:$0x1C800] =	vst v63  }
0x8e: {  	_ = 	snop  }
0x8f: {  	[tilespmem:s3], [sflag:$0x1] =	stream.indirect.gather [hbm4b:s14+s26], $0x40, s8, s26, $0xb8;
	[tilespmem:$0x1C800] =	vst v63  }
0x90: {  	_ =	swait.ge [sflag:s16], $0x2000  }
0x91: {  	[sflag:s16] =	ssyncset.done $0x0  }
0x92: {  	[sflag:s16] =	ssyncadd.s32 $0xFFFFE000  }
0x93: {  	_ =	swait.ge [sflag:s16], $0x2000  }
0x94: {  	[sflag:s16] =	ssyncset.done $0x0  }
0x95: {  	[sflag:s16] =	ssyncadd.s32 $0xFFFFE000  }
0x96: {  	_ =	swait.ge [sflag:s16], $0x2000  }
0x97: {  	[sflag:s16] =	ssyncset.done $0x0  }
0x98: {  	[sflag:s16] =	ssyncadd.s32 $0xFFFFE000  }
0x99: {  	_ =	swait.ge [sflag:s16], $0x2000  }
0x9a: {  	[sflag:s16] =	ssyncset.done $0x0  }
0x9b: {  	s0 =	simm.s32 $0x0;
	[sflag:s16] =	ssyncadd.s32 $0xFFFFE000  }
0x9c: {  	v3 =	vld [tilespmem:s0+$0x8800]  }
0x9d: {  	v4 =	vld [tilespmem:s0+$0x8810]  }
0x9e: {  	v2 =	vld [tilespmem:s0+$0x8820]  }
0x9f: {  	v1 =	vld [tilespmem:s0+$0x8830]  }
0xa0: {  	v5 =	vld [tilespmem:s0+$0x800]  }
0xa1: {  	v7 =	vld [tilespmem:s0+$0x810]  }
0xa2: {  	s17 =	simm.s32 $0x100;
	v6 =	vld [tilespmem:s0+$0x820]  }
.LBB2_7:
0xa3: {  	p0 =	sne.s32 s17, $0x1FF00;
	v8 =	vld [tilespmem:s0+$0x830]  }
0xa4: {  	s18 =	sshra.s32 s17, $0x2  }
0xa5: {  	v5 =	vadd.f32 v3, v5;
	v3 =	vld [tilespmem:s18+$0x8800]  }
0xa6: {  	v7 =	vadd.f32 v4, v7;
	v4 =	vld [tilespmem:s18+$0x8810]  }
.Ltmp2:
0xa7: {  	v5 =	vmax.f32 v5, $0.0e+00;
	v6 =	vadd.f32 v2, v6;
	v2 =	vld [tilespmem:s18+$0x8820];
	(pc) =	sbr.rel @p0 .LBB2_7-.Ltmp2, $4  }
0xa8: {  	[tilespmem:s0+$0x800] =	vst v5;
	v7 =	vmax.f32 v7, $0.0e+00;
	v8 =	vadd.f32 v1, v8;
	v1 =	vld [tilespmem:s18+$0x8830]  }
0xa9: {  	v5 =	vld [tilespmem:s18+$0x800];
	[tilespmem:s0+$0x810] =	vst v7;
	v6 =	vmax.f32 v6, $0.0e+00  }
0xaa: {  	v7 =	vld [tilespmem:s18+$0x810];
	[tilespmem:s0+$0x820] =	vst v6;
	v8 =	vmax.f32 v8, $0.0e+00  }
0xab: {  	s17 =	sadd.s32 $0x100, s17;
	v6 =	vld [tilespmem:s18+$0x820];
	[tilespmem:s0+$0x830] =	vst v8;
	s0 =	smov.u32 s18  }
0xac: {  	v8 =	vld [tilespmem:s0+$0x830];
	_ =	sdelay $0x1  }
0xad: {  	v3 =	vadd.f32 v3, v5  }
0xae: {  	v4 =	vadd.f32 v4, v7  }
0xaf: {  	v3 =	vmax.f32 v3, $0.0e+00;
	v2 =	vadd.f32 v2, v6  }
0xb0: {  	[tilespmem:s0+$0x800] =	vst v3;
	v3 =	vmax.f32 v4, $0.0e+00;
	v1 =	vadd.f32 v1, v8  }
0xb1: {  	[tilespmem:s0+$0x810] =	vst v3;
	v2 =	vmax.f32 v2, $0.0e+00  }
0xb2: {  	[tilespmem:s0+$0x820] =	vst v2;
	v1 =	vmax.f32 v1, $0.0e+00  }
0xb3: {  	[tilespmem:s0+$0x830] =	vst v1  }
0xb4: {  	[spmem:s1] =	stream.indirect.scatter.add.f32 [tilespmem:s28], [sflag:$0x2], $0x40, s9, s26, $0xb8;
	[tilespmem:$0x1C800] =	vst v63  }
0xb5: {  	_ =	swait.ge [sflag:s23], $0x2000  }
0xb6: {  	[sflag:s23] =	ssyncset.done $0x0  }
0xb7: {  	[sflag:s23] =	ssyncadd.s32 $0xFFFFE000  }
0xb8: {  	[spmem:s1] =	stream.indirect.scatter.add.f32 [tilespmem:s29], [sflag:$0x2], $0x40, s11, s26, $0xb8;
	[tilespmem:$0x1C800] =	vst v63  }
0xb9: {  	_ =	swait.ge [sflag:s23], $0x2000  }
0xba: {  	[sflag:s23] =	ssyncset.done $0x0  }
0xbb: {  	[sflag:s23] =	ssyncadd.s32 $0xFFFFE000  }
0xbc: {  	[spmem:s1] =	stream.indirect.scatter.add.f32 [tilespmem:s31], [sflag:$0x2], $0x40, s12, s26, $0xb8;
	[tilespmem:$0x1C800] =	vst v63  }
0xbd: {  	s30 =	sadd.s32 $0x1, s30;
	_ =	swait.ge [sflag:s23], $0x2000  }
0xbe: {  	p0 =	sne.s32 s30, $0x14;
	[sflag:s23] =	ssyncset.done $0x0  }
.Ltmp3:
0xbf: {  	[sflag:s23] =	ssyncadd.s32 $0xFFFFE000;
	(pc) =	sbr.rel @p0 .LBB2_4-.Ltmp3, $4  }
0xc0: {  	[spmem:s1] =	stream.indirect.scatter.add.f32 [tilespmem:s3], [sflag:$0x2], $0x40, s2, s26, $0xb8;
	[tilespmem:$0x1C800] =	vst v63  }
0xc1: {  	_ =	swait.ge [sflag:s23], $0x2000  }
0xc2: {  	[sflag:s23] =	ssyncset.done $0x0  }
0xc3: {  	[sflag:s23] =	ssyncadd.s32 $0xFFFFE000  }
0xc4: {  	[bflag:$0x0] =	sbarrier.arrive $0xFFFF  }
0xc5: {  	s18 =	simm.s32 $0x10800;
	s19 =	rddreg [dreg:$0x3]  }
0xc6: {  	[tilespmem:s18], [sflag:$0x2] =	stream.linear.gather [spmem:s19], $0x2000, $0x38;
	[tilespmem:$0x1C800] =	vst v63  }
0xc7: {  	_ =	swait.ge [sflag:s23], $0x2000  }
0xc8: {  	[sflag:s23] =	ssyncset.done $0x0  }
0xc9: {  	s0 =	simm.s32 $0x0;
	s17 =	rddreg [dreg:$0x8];
	[sflag:s23] =	ssyncadd.s32 $0xFFFFE000  }
0xca: {  	[hbm4b:s17+s0] =	stream.linear.scatter [tilespmem:s18], [sflag:$0x2], $0x2000, $0x38;
	[tilespmem:$0x1C800] =	vst v63  }
0xcb: {  	_ =	swait.ge [sflag:s23], $0x2000  }
0xcc: {  	[sflag:s23] =	ssyncset.done $0x0  }
0xcd: {  	s22 =	rddreg [dreg:$0x4];
	[sflag:s23] =	ssyncadd.s32 $0xFFFFE000  }
0xce: {  	[tilespmem:s18], [sflag:$0x2] =	stream.linear.gather [spmem:s22], $0x2000, $0x38;
	[tilespmem:$0x1C800] =	vst v63  }
0xcf: {  	_ =	swait.ge [sflag:s23], $0x2000  }
0xd0: {  	[sflag:s23] =	ssyncset.done $0x0  }
0xd1: {  	s17 =	rddreg [dreg:$0x9];
	[sflag:s23] =	ssyncadd.s32 $0xFFFFE000  }
0xd2: {  	[hbm4b:s17+s0] =	stream.linear.scatter [tilespmem:s18], [sflag:$0x2], $0x2000, $0x38;
	[tilespmem:$0x1C800] =	vst v63  }
0xd3: {  	_ =	swait.ge [sflag:s23], $0x2000  }
0xd4: {  	[sflag:s23] =	ssyncset.done $0x0  }
0xd5: {  	s30 =	rddreg [dreg:$0x5];
	[sflag:s23] =	ssyncadd.s32 $0xFFFFE000  }
0xd6: {  	[tilespmem:s18], [sflag:$0x2] =	stream.linear.gather [spmem:s30], $0x2000, $0x38;
	[tilespmem:$0x1C800] =	vst v63  }
0xd7: {  	_ =	swait.ge [sflag:s23], $0x2000  }
0xd8: {  	[sflag:s23] =	ssyncset.done $0x0  }
0xd9: {  	s17 =	rddreg [dreg:$0xa];
	[sflag:s23] =	ssyncadd.s32 $0xFFFFE000  }
0xda: {  	[hbm4b:s17+s0] =	stream.linear.scatter [tilespmem:s18], [sflag:$0x2], $0x2000, $0x38;
	[tilespmem:$0x1C800] =	vst v63  }
0xdb: {  	_ =	swait.ge [sflag:s23], $0x2000  }
0xdc: {  	[sflag:s23] =	ssyncset.done $0x0  }
0xdd: {  	s17 =	rddreg [dreg:$0x6];
	[sflag:s23] =	ssyncadd.s32 $0xFFFFE000  }
0xde: {  	[tilespmem:s18], [sflag:$0x2] =	stream.linear.gather [spmem:s17], $0x2000, $0x38;
	[tilespmem:$0x1C800] =	vst v63  }
0xdf: {  	_ =	swait.ge [sflag:s23], $0x2000  }
0xe0: {  	[sflag:s23] =	ssyncset.done $0x0  }
0xe1: {  	s17 =	rddreg [dreg:$0xb];
	[sflag:s23] =	ssyncadd.s32 $0xFFFFE000  }
0xe2: {  	[hbm4b:s17+s0] =	stream.linear.scatter [tilespmem:s18], [sflag:$0x2], $0x2000, $0x38;
	[tilespmem:$0x1C800] =	vst v63  }
0xe3: {  	_ =	swait.ge [sflag:s23], $0x2000  }
0xe4: {  	[sflag:s23] =	ssyncset.done $0x0  }
0xe5: {  	s17 =	rddreg [dreg:$0x7];
	[sflag:s23] =	ssyncadd.s32 $0xFFFFE000  }
0xe6: {  	[tilespmem:s18], [sflag:$0x2] =	stream.linear.gather [spmem:s17], $0x2000, $0x38;
	[tilespmem:$0x1C800] =	vst v63  }
0xe7: {  	_ =	swait.ge [sflag:s23], $0x2000  }
0xe8: {  	[sflag:s23] =	ssyncset.done $0x0  }
0xe9: {  	s17 =	rddreg [dreg:$0xc];
	[sflag:s23] =	ssyncadd.s32 $0xFFFFE000  }
0xea: {  	[hbm4b:s17+s0] =	stream.linear.scatter [tilespmem:s18], [sflag:$0x2], $0x2000, $0x38;
	[tilespmem:$0x1C800] =	vst v63  }
0xeb: {  	_ =	swait.ge [sflag:s23], $0x2000  }
0xec: {  	s0 =	rddreg [dreg:$0xe]  }
0xed: {  	s18 =	rddreg [dreg:$0xd];
	s17 =	sadd.s32 $0x1, s0  }
0xee: {  	p0 =	sne.s32 s17, s18  }
.Ltmp4:
0xef: {  	_ = 	snop;
	(pc) =	sbr.rel @p0 .LBB2_1-.Ltmp4, $3  }
0xf0: {  	_ =	sdelay $0x1  }
0xf1: {  	[sflag:s23] =	ssyncset.done $0x0  }
0xf2: {  	[sflag:s23] =	ssyncadd.s32 $0xFFFFE000  }
0xf3: {  	_ =	sfence.sel $0x180000  }
0xf4: {  	[bflag:$0x0] =	sbarrier.arrive $0xFFFF  }
0xf5: {  	_ =	strace $0x90000047  }
0xf6: {  	s0 =	stileid.u32;
	[bflag:$0x2] =	sbarrier.arrive $0xFFFF  }
0xf7: {  	p0 =	sne.s32 s0, $0x0;
	s0 =	rddreg [dreg:$0x2]  }
0xf8: {  	s0 =	sadd.s32 @!p0 $0x100000, s0  }
0xf9: {  	[sflag:s0] =	ssyncadd.tile.s32 @!p0 $0x1;
	_ =	shalt  }
.Lfunc_end2:
_tile_overlayer_lowered:
.L_overlay_start_2:
0xfa: {  	(tag) =	ssettag $0x2  }
0xfb: {  	s0 =	rddreg [dreg:$0x0];
	s2 =	stileid.u32  }
0xfc: {  	s1 =	rddreg [dreg:$0x1];
	p0 =	sne.s32 s2, $0x0  }
0xfd: {  	s3 =	rddreg [dreg:$0x2];
	[bflag:$0x3] =	sbarrier.arrive $0xFFFF;
	s2 =	simm.s32 @!p0 $0x1C02  }
0xfe: {  	[timem:s3], [sflag:s2] =	dma.local @!p0 [hbm:s0], s1  }
0xff: {  	s0 =	simm.s32 @!p0 $0x2  }
0x100: {  	_ =	swait.ge @!p0 [sflag:s0], s1  }
0x101: {  	s1 =	ssub.s32 @!p0 $0x0, s1;
	[sflag:s0] =	ssyncset.done @!p0 $0x0  }
0x102: {  	[sflag:s0] =	ssyncadd.s32 @!p0 s1  }
0x103: {  	[bflag:$0x3] =	sbarrier.arrive $0xFFFF  }
0x104: {  	_ =	shalt  }

// kernel: kernel.13.cloned.1.call-start
scs
__scs_entry_jumppad:
0x0: {  	(pc) =	sbr.rel $0x88, $3  }
0x1: {  	(tag) =	ssettag $0x0;
	lr =	simm.s32 $0x1  }
0x2: {  	[smem:$0x3F81] =	sst lr;
	_ =	strace $0xD0000000  }
0x3: {  	_ = 	snop  }
0x4: {  	_ = 	snop  }
0x5: {  	_ = 	snop  }
0x6: {  	_ = 	snop  }
0x7: {  	_ = 	snop  }
__scs_overlays_trampoline_lowered:
0x8: {  	[smem:$0x3F90] =	sst s0  }
0x9: {  	[smem:$0x3F91] =	sst s1  }
0xa: {  	[smem:$0x3F92] =	sst s2  }
0xb: {  	[smem:$0x3F93] =	sst s3  }
0xc: {  	[smem:$0x3F94] =	sst s4  }
0xd: {  	[smem:$0x3F95] =	sst s5  }
0xe: {  	[smem:$0x3F96] =	sst s6  }
0xf: {  	[smem:$0x3F97] =	sst s7  }
0x10: {  	[smem:$0x3F98] =	sst s8  }
0x11: {  	[smem:$0x3F99] =	sst s9;
	s0 =	simm.s32 @!p0 $0x0  }
0x12: {  	s1 =	sld [smem:$0x3F7F];
	s0 =	simm.s32 @p0 $0x1  }
0x13: {  	[smem:$0x3F9A] =	sst s0;
	s0 =	simm.s32 @!p1 $0x0  }
0x14: {  	s2 =	sld [smem:$0x3F7E];
	s0 =	simm.s32 @p1 $0x1  }
0x15: {  	[smem:$0x3F9B] =	sst s0;
	s0 =	simm.s32 @!p2 $0x0  }
0x16: {  	s3 =	sld [smem:$0x3FDB];
	s0 =	simm.s32 @p2 $0x1  }
0x17: {  	s4 =	simm.s32 $0x1BF5;
	[smem:$0x3F9D] =	sst s0  }
0x18: {  	s0 =	sld [smem:$0x3F80];
	_ =	swait.ge [sflag:s4], $0x0  }
0x19: {  	s7 =	sld [smem:$0x3F81]  }
0x1a: {  	s8 =	sadd.s32 $0xFFFFE003, lr  }
0x1b: {  	s9 =	sadd.s32 $0xFFFFFEF7, lr;
	s5 =	simm.s32 $0xFFFFFFFF;
	p2 =	slt.u32 s8, $0xFFFFF086  }
0x1c: {  	p1 =	slt.u32 s9, $0xF7A;
	s5 =	simm.s32 @!p2 $0x0  }
0x1d: {  	s5 =	simm.s32 @p1 $0x1;
	p0 =	seq.s32 s7, s2  }
0x1e: {  	s7 =	smul.u32 @!p0 $0xF7A, s2;
	p2 =	seq.s32 @!p0 s5, $0x0  }
0x1f: {  	s9 =	smul.u32 $0xF7A, s1;
	s8 =	simm.s32 @!p0 $0x1BF5;
	p2 =	por !p2, p0  }
0x20: {  	[sflag:s8] =	ssyncset.s32 @!p0 $0xFFFFF086;
	s6 =	sadd.s32 @!p0 s3, s7;
	s7 =	simm.s32 @!p0 $0x108  }
0x21: {  	s3 =	sadd.s32 s3, s9;
	s6 =	sadd.s32 @!p0 $0x88, s6;
	s7 =	simm.s32 @p2 $0x1082  }
0x22: {  	[simem:s7], [sflag:s8] =	dma.local @!p0 [hbm:s6], $0xF7A  }
0x23: {  	s9 =	sor.u32 $0xD0000000, s2;
	s6 =	simm.s32 $0x108;
	_ =	swait.ge @!p0 [sflag:s8], $0x0  }
0x24: {  	s3 =	sadd.s32 $0x88, s3;
	s6 =	simm.s32 @!p1 $0x1082;
	[sflag:s4] =	ssyncset.s32 $0xFFFFF086  }
0x25: {  	[simem:s6], [sflag:s4] =	dma.local [hbm:s3], $0xF7A  }
0x26: {  	[smem:$0x3F81] =	sst s1;
	(tag) =	ssettag s2;
	_ =	strace s9  }
0x27: {  	s1 =	sld [smem:$0x3F91]  }
0x28: {  	s2 =	sld [smem:$0x3F92]  }
0x29: {  	s4 =	sld [smem:$0x3F94]  }
0x2a: {  	p0 =	seq.s32 s5, $0x0;
	s5 =	sld [smem:$0x3F95]  }
0x2b: {  	s6 =	sld [smem:$0x3F96]  }
0x2c: {  	s7 =	sld [smem:$0x3F97]  }
0x2d: {  	s3 =	simm.s32 $0x108;
	s8 =	sld [smem:$0x3F98]  }
0x2e: {  	s3 =	simm.s32 @!p0 $0x1082;
	s9 =	sld [smem:$0x3F99]  }
0x2f: {  	lr =	sadd.s32 s0, s3;
	s0 =	sld [smem:$0x3F90]  }
0x30: {  	s3 =	sld [smem:$0x3F93]  }
0x31: {  	[smem:$0x3F9C] =	sst s10  }
0x32: {  	s10 =	sld [smem:$0x3F9A];
	_ =	sdelay $0x3  }
0x33: {  	p0 =	seq.s32 s10, $0x1;
	s10 =	sld [smem:$0x3F9C];
	_ =	sdelay $0x3  }
0x34: {  	[smem:$0x3F9C] =	sst s10  }
0x35: {  	s10 =	sld [smem:$0x3F9B];
	_ =	sdelay $0x3  }
0x36: {  	p1 =	seq.s32 s10, $0x1;
	s10 =	sld [smem:$0x3F9C];
	_ =	sdelay $0x3  }
0x37: {  	[smem:$0x3F9C] =	sst s10  }
0x38: {  	s10 =	sld [smem:$0x3F9D]  }
0x39: {  	_ = 	snop;
	(pc) =	sbr.ind lr, $3  }
0x3a: {  	_ = 	snop  }
0x3b: {  	_ = 	snop  }
0x3c: {  	p2 =	seq.s32 s10, $0x1;
	s10 =	sld [smem:$0x3F9C]  }
0x3d: {  	_ =	shalt  }
0x3e: {  	_ =	shalt  }
0x3f: {  	_ =	shalt  }
0x40: {  	_ =	shalt  }
0x41: {  	_ =	shalt  }
0x42: {  	_ =	shalt  }
0x43: {  	_ =	shalt  }
0x44: {  	_ =	shalt  }
0x45: {  	_ =	shalt  }
0x46: {  	_ =	shalt  }
0x47: {  	_ =	shalt  }
0x48: {  	_ =	shalt  }
0x49: {  	_ =	shalt  }
0x4a: {  	_ =	shalt  }
0x4b: {  	_ =	shalt  }
0x4c: {  	_ =	shalt  }
0x4d: {  	_ =	shalt  }
0x4e: {  	_ =	shalt  }
0x4f: {  	_ =	shalt  }
0x50: {  	_ =	shalt  }
0x51: {  	_ =	shalt  }
0x52: {  	_ =	shalt  }
0x53: {  	_ =	shalt  }
0x54: {  	_ =	shalt  }
0x55: {  	_ =	shalt  }
0x56: {  	_ =	shalt  }
0x57: {  	_ =	shalt  }
0x58: {  	_ =	shalt  }
0x59: {  	_ =	shalt  }
0x5a: {  	_ =	shalt  }
0x5b: {  	_ =	shalt  }
0x5c: {  	_ =	shalt  }
0x5d: {  	_ =	shalt  }
0x5e: {  	_ =	shalt  }
0x5f: {  	_ =	shalt  }
0x60: {  	_ =	shalt  }
0x61: {  	_ =	shalt  }
0x62: {  	_ =	shalt  }
0x63: {  	_ =	shalt  }
0x64: {  	_ =	shalt  }
0x65: {  	_ =	shalt  }
0x66: {  	_ =	shalt  }
0x67: {  	_ =	shalt  }
0x68: {  	_ =	shalt  }
0x69: {  	_ =	shalt  }
0x6a: {  	_ =	shalt  }
0x6b: {  	_ =	shalt  }
0x6c: {  	_ =	shalt  }
0x6d: {  	_ =	shalt  }
0x6e: {  	_ =	shalt  }
0x6f: {  	_ =	shalt  }
0x70: {  	_ =	shalt  }
0x71: {  	_ =	shalt  }
0x72: {  	_ =	shalt  }
0x73: {  	_ =	shalt  }
0x74: {  	_ =	shalt  }
0x75: {  	_ =	shalt  }
0x76: {  	_ =	shalt  }
0x77: {  	_ =	shalt  }
0x78: {  	_ =	shalt  }
0x79: {  	_ =	shalt  }
0x7a: {  	_ =	shalt  }
0x7b: {  	_ =	shalt  }
0x7c: {  	_ =	shalt  }
0x7d: {  	_ =	shalt  }
0x7e: {  	_ =	shalt  }
0x7f: {  	_ =	shalt  }
0x80: {  	_ =	shalt  }
0x81: {  	_ =	shalt  }
0x82: {  	_ =	shalt  }
0x83: {  	_ =	shalt  }
0x84: {  	_ =	shalt  }
0x85: {  	_ =	shalt  }
0x86: {  	_ =	shalt  }
0x87: {  	_ =	shalt  }
.Lfunc_end0:
.L_simem_size_0:
called_computation.1_lowered:
.L_overlay_start_0:
0x88: {  	s2 =	sld [smem:$0x3FD9]  }
0x89: {  	s3 =	sld [smem:$0x3FFE];
	_ =	sdelay $0x1  }
0x8a: {  	s1 =	srdreg.scid  }
0x8b: {  	s0 =	sand.u32 $0x1, s1  }
0x8c: {  	s16 =	sshll.u32 s0, $0xA;
	s2 =	sadd.s32 s3, s2  }
0x8d: {  	s2 =	sadd.s32 s2, s16  }
0x8e: {  	[smem:$0x3FA8] =	sst s2  }
0x8f: {  	_ = 	snop  }
0x90: {  	(tm) =	ssettm $0x1  }
0x91: {  	s17 =	sld [smem:$0x3FFB];
	_ =	sdelay $0x3  }
0x92: {  	_ =	strace s17  }
0x93: {  	s2 =	sld [smem:$0x3FFC];
	_ =	sdelay $0x3  }
0x94: {  	_ =	strace s2  }
0x95: {  	s2 =	sld [smem:$0x3FFD];
	_ =	sdelay $0x3  }
0x96: {  	_ =	strace s2  }
0x97: {  	_ =	strace $0x8FFFFFFF  }
0x98: {  	s18 =	sld [smem:$0x3FDB];
	_ =	sdelay $0x1  }
0x99: {  	s19 =	simm.s32 $_scs_section_size  }
0x9a: {  	s4 =	simm.s32 $_size__tile_overlayer_lowered;
	s5 =	simm.s32 $_tile_overlayer_lowered  }
0x9b: {  	s22 =	simm.s32 $0x1BFF;
	s21 =	sshll.u32 s5, $0x1;
	s2 =	sadd.s32 s19, s18  }
0x9c: {  	s6 =	simm.s32 $0x0;
	s20 =	sshll.u32 s4, $0x1;
	s4 =	sadd.s32 s21, s2  }
0x9d: {  	[timem:s6], [sflag:s22] =	dma.local [hbm:s4], s20  }
0x9e: {  	_ =	swait.ge [sflag:s22], s20  }
0x9f: {  	s3 =	ssub.s32 $0x0, s20;
	[sflag:s22] =	ssyncset.done $0x0  }
0xa0: {  	[sflag:s22] =	ssyncadd.s32 s3;
	_ =	sdelay $0x1  }
0xa1: {  	s23 =	simm.s32 $0x1B8B  }
0xa2: {  	_ =	swait.ge [sflag:s23], $0x1  }
0xa3: {  	[sflag:s23] =	ssyncset.done $0x0  }
0xa4: {  	s25 =	simm.s32 $0x1B8E;
	s24 =	sld [smem:$0x3FFE];
	[sflag:s23] =	ssyncadd.s32 $0xFFFFFFFF  }
0xa5: {  	s26 =	simm.s32 $execute0_lowered;
	[smem:$0x3FD2] =	sst s25  }
0xa6: {  	s4 =	sshll.u32 s26, $0x1;
	_ =	strace $0x80000049;
	[dreg:$0x1] =	wrdreg $0xFFFFFFFF  }
0xa7: {  	s28 =	simm.s32 $_size_execute0_lowered;
	s2 =	sadd.s32 s2, s4;
	[dreg:$0x0] =	wrdreg $0x0  }
0xa8: {  	s4 =	sshll.u32 s28, $0x1;
	[dreg:$0x2] =	wrdreg s2  }
0xa9: {  	[dreg:$0x3] =	wrdreg s4  }
0xaa: {  	[dreg:$0x4] =	wrdreg $0xC0  }
0xab: {  	_ =	task [dreg:s6], $0x5FFFF  }
0xac: {  	[dreg:$0x1] =	wrdreg $0xFFFFFFFF  }
0xad: {  	[dreg:$0x0] =	wrdreg $0x60  }
0xae: {  	[dreg:$0x2] =	wrdreg s24  }
0xaf: {  	[dreg:$0x3] =	wrdreg $0x128000  }
0xb0: {  	[dreg:$0x4] =	wrdreg $0x9  }
0xb1: {  	_ =	task.clear_ibuf [dreg:s6], $0x5FFFF;
	_ =	strace $0x90000049  }
0xb2: {  	s29 =	simm.s32 $0x9;
	_ =	strace $0x8000004B  }
0xb3: {  	_ =	swait.ge [sflag:s29], $0x1  }
0xb4: {  	[sflag:s29] =	ssyncadd.s32 $0xFFFFFFFF  }
0xb5: {  	_ =	strace $0x9000004B  }
0xb6: {  	_ =	sfence  }
0xb7: {  	s30 =	sld [smem:$0x0];
	_ =	sdelay $0x2  }
0xb8: {  	s31 =	sshll.u32 s1, $0xD;
	s1 =	sshrl.u32 s1, $0x2  }
0xb9: {  	s3 =	sand.u32 $0x4000, s31;
	s1 =	sadd.s32 s1, s30  }
0xba: {  	s0 =	sor.u32 s3, s0;
	s1 =	sshll.u32 s1, $0x11  }
0xbb: {  	s0 =	sor.u32 s1, s0  }
0xbc: {  	s0 =	sadd.s32 $0x8F2B, s0  }
0xbd: {  	[sflag:s0] =	ssyncadd.remote.s32 $0x1  }
0xbe: {  	_ =	sfence.sel $0xFFFF  }
0xbf: {  	[dreg:$0x0] =	wrdreg $0xFFFFFFFF;
	(pc) =	sbr.abs _section_cstart, $3  }
0xc0: {  	[dreg:$0x1] =	wrdreg $0xFFFFFFFF  }
0xc1: {  	_ =	task.clear_ibuf [dreg:s6], $0x2FFFF;
	_ =	strace $0x9FFFFFFF  }
0xc2: {  	(tm) =	ssettm $0x7FFFFFFF  }
0xc3: {  	_ =	shalt  }
tec
execute0_lowered:
.L_overlay_start_1:
0x0: {  	(tag) =	ssettag $0x1  }
0x1: {  	s0 =	rddreg [dreg:$0x0];
	s2 =	srdreg.scid  }
0x2: {  	s1 =	rddreg [dreg:$0x1];
	s4 =	simm.s32 $0x0;
	s10 =	stileid.u32  }
0x3: {  	s28 =	simm.s32 $0x800;
	s29 =	simm.s32 $0x2800;
	s31 =	simm.s32 $0x4800  }
0x4: {  	s2 =	sand.u32 $0x1, s2;
	[smem:$0x7FF] =	sst s4;
	s9 =	smul.u32 $0xA000, s10  }
0x5: {  	s4 =	sadd.s32 $0x6A00, s0;
	s5 =	sadd.s32 $0x541800, s0;
	s10 =	smul.u32 $0x5000, s10  }
0x6: {  	s6 =	sadd.s32 $0x573800, s0;
	s3 =	smul.u32 $0x13880, s2;
	s7 =	ssub.s32 $0x2, s2  }
0x7: {  	_ =	strace $0x8000004A;
	s17 =	smul.u32 $0xA0000, s2;
	s8 =	sshrl.u32 s7, $0x1  }
0x8: {  	s19 =	sadd.s32 s9, s1;
	s25 =	sadd.s32 $0x2000, s9;
	s11 =	sadd.s32 $0x4000, s9  }
0x9: {  	s12 =	sadd.s32 $0x6000, s9;
	s16 =	sadd.s32 $0x8000, s9;
	s3 =	sadd.s32 s3, s0  }
0xa: {  	s0 =	sadd.s32 $0x38200, s0;
	s7 =	ssub.s32 s7, s8;
	s22 =	sadd.s32 s25, s1  }
0xb: {  	s30 =	sadd.s32 s11, s1;
	s13 =	sadd.s32 s12, s1;
	s26 =	sadd.s32 s16, s1  }
0xc: {  	s20 =	sadd.s32 s17, s11;
	s21 =	sadd.s32 s17, s12;
	s23 =	sadd.s32 s17, s16  }
0xd: {  	s16 =	simm.s32 $0x1;
	s8 =	simm.s32 $0x380;
	[dreg:$0x3] =	wrdreg s19  }
0xe: {  	s11 =	simm.s32 $0x680;
	s12 =	simm.s32 $0x700;
	[dreg:$0x6] =	wrdreg s13  }
0xf: {  	[dreg:$0x7] =	wrdreg s26;
	s13 =	smul.u32 $0x1400000, s2;
	s14 =	sadd.s32 $0x11000, s3  }
0x10: {  	s3 =	sadd.s32 s9, s17;
	s9 =	sadd.s32 s17, s25;
	s24 =	sshrl.u32 s21, $0x3  }
0x11: {  	s25 =	sshrl.u32 s23, $0x3;
	s26 =	smax.u32 s7, $0x1;
	s23 =	simm.s32 $0x2  }
0x12: {  	s21 =	simm.s32 $0x280;
	s7 =	simm.s32 $0x300;
	[dreg:$0x4] =	wrdreg s22  }
0x13: {  	s17 =	simm.s32 $0x0;
	[dreg:$0x5] =	wrdreg s30;
	s2 =	sshrl.u32 s3, $0x3  }
0x14: {  	s3 =	sshrl.u32 s9, $0x3;
	[dreg:$0xd] =	wrdreg s26;
	s26 =	simm.s32 $0x80  }
0x15: {  	s9 =	simm.s32 $0x600;
	s15 =	sor.u32 $0x8000, s13;
	s2 =	sadd.s32 s0, s2  }
0x16: {  	s18 =	sadd.s32 s0, s3;
	[dreg:$0x8] =	wrdreg s2;
	s2 =	sshrl.u32 s20, $0x3  }
0x17: {  	s3 =	simm.s32 $0x6800;
	[dreg:$0x9] =	wrdreg s18;
	s2 =	sadd.s32 s0, s2  }
0x18: {  	s20 =	simm.s32 $0x200;
	[dreg:$0xa] =	wrdreg s2;
	s2 =	sadd.s32 s0, s24  }
0x19: {  	s0 =	sadd.s32 s0, s25;
	s24 =	simm.s32 $0x400;
	[dreg:$0xb] =	wrdreg s2  }
0x1a: {  	v0 =	vimm.f32 $0.0e+00;
	s25 =	simm.s32 $0x8800;
	[dreg:$0xc] =	wrdreg s0;
	s2 =	simm.s32 $0x780  }
.LBB2_1:
0x1b: {  	[dreg:$0xe] =	wrdreg s17;
	s17 =	simm.s32 $0x100;
	s0 =	simm.s32 $0x0  }
.LBB2_2:
0x1c: {  	p0 =	sne.s32 s17, $0x7F00;
	[tilespmem:s0+$0x10830] =	vst v0;
	s18 =	smov.u32 s17;
	s17 =	sadd.s32 $0x100, s17  }
.Ltmp0:
0x1d: {  	[tilespmem:s0+$0x10820] =	vst v0;
	(pc) =	sbr.rel @p0 .LBB2_2-.Ltmp0, $3  }
0x1e: {  	[tilespmem:s0+$0x10800] =	vst v0  }
0x1f: {  	[tilespmem:s0+$0x10810] =	vst v0;
	_ =	sdelay $0x1  }
0x20: {  	s0 =	sshra.s32 s18, $0x2  }
0x21: {  	[tilespmem:s0+$0x10830] =	vst v0  }
0x22: {  	[tilespmem:s0+$0x10820] =	vst v0  }
0x23: {  	[tilespmem:s0+$0x10800] =	vst v0  }
0x24: {  	[tilespmem:s0+$0x10810] =	vst v0;
	s17 =	simm.s32 $0x10800  }
0x25: {  	[spmem:s19] =	stream.linear.scatter [tilespmem:s17], [sflag:$0x2], $0x2000, $0x38;
	[tilespmem:$0x1C800] =	vst v63  }
0x26: {  	_ =	swait.ge [sflag:s23], $0x2000  }
0x27: {  	[sflag:s23] =	ssyncset.done $0x0  }
0x28: {  	[sflag:s23] =	ssyncadd.s32 $0xFFFFE000  }
0x29: {  	[spmem:s22] =	stream.linear.scatter [tilespmem:s17], [sflag:$0x2], $0x2000, $0x38;
	[tilespmem:$0x1C800] =	vst v63  }
0x2a: {  	_ =	swait.ge [sflag:s23], $0x2000  }
0x2b: {  	[sflag:s23] =	ssyncset.done $0x0  }
0x2c: {  	[sflag:s23] =	ssyncadd.s32 $0xFFFFE000  }
0x2d: {  	[spmem:s30] =	stream.linear.scatter [tilespmem:s17], [sflag:$0x2], $0x2000, $0x38;
	[tilespmem:$0x1C800] =	vst v63  }
0x2e: {  	_ =	swait.ge [sflag:s23], $0x2000  }
0x2f: {  	[sflag:s23] =	ssyncset.done $0x0  }
0x30: {  	s19 =	rddreg [dreg:$0x6];
	[sflag:s23] =	ssyncadd.s32 $0xFFFFE000  }
0x31: {  	[spmem:s19] =	stream.linear.scatter [tilespmem:s17], [sflag:$0x2], $0x2000, $0x38;
	[tilespmem:$0x1C800] =	vst v63  }
0x32: {  	_ =	swait.ge [sflag:s23], $0x2000  }
0x33: {  	[sflag:s23] =	ssyncset.done $0x0  }
0x34: {  	s22 =	rddreg [dreg:$0x7];
	[sflag:s23] =	ssyncadd.s32 $0xFFFFE000  }
0x35: {  	[spmem:s22] =	stream.linear.scatter [tilespmem:s17], [sflag:$0x2], $0x2000, $0x38;
	[tilespmem:$0x1C800] =	vst v63  }
0x36: {  	_ =	swait.ge [sflag:s23], $0x2000  }
0x37: {  	[sflag:s23] =	ssyncset.done $0x0  }
0x38: {  	[sflag:s23] =	ssyncadd.s32 $0xFFFFE000  }
0x39: {  	s30 =	simm.s32 $0x0;
	s22 =	simm.s32 $0x0;
	[bflag:$0x0] =	sbarrier.arrive $0xFFFF  }
.LBB2_4:
0x3a: {  	s0 =	sshll.u32 s30, $0xA  }
0x3b: {  	s0 =	sadd.s32 s10, s0  }
0x3c: {  	s17 =	sshrl.u32 s0, $0x3  }
0x3d: {  	s18 =	sadd.s32 s4, s17  }
0x3e: {  	[tilespmem:s22], [sflag:$0x2] =	stream.linear.gather [hbm4b:s18+s22], $0x400, $0x38;
	[tilespmem:$0x1C800] =	vst v63  }
0x3f: {  	_ =	swait.ge [sflag:s23], $0x400  }
0x40: {  	[sflag:s23] =	ssyncset.done $0x0  }
0x41: {  	s0 =	sshll.u32 s0, $0x6;
	s17 =	sadd.s32 s5, s17;
	[sflag:s23] =	ssyncadd.s32 $0xFFFFFC00  }
0x42: {  	[tilespmem:s24], [sflag:$0x2] =	stream.linear.gather [hbm4b:s17+s22], $0x400, $0x38;
	[tilespmem:$0x1C800] =	vst v63  }
0x43: {  	s19 =	sadd.s32 s13, s0;
	_ =	swait.ge [sflag:s23], $0x400  }
0x44: {  	s17 =	sshrl.u32 s19, $0x3;
	[sflag:s23] =	ssyncset.done $0x0  }
0x45: {  	s17 =	sadd.s32 s6, s17;
	[sflag:s23] =	ssyncadd.s32 $0xFFFFFC00  }
0x46: {  	[tilespmem:s25], [sflag:$0x2] =	stream.linear.gather [hbm4b:s17+s22], $0x8000, $0x38;
	[tilespmem:$0x1C800] =	vst v63  }
0x47: {  	_ =	swait.ge [sflag:s23], $0x8000  }
0x48: {  	[sflag:s23] =	ssyncset.done $0x0  }
0x49: {  	[sflag:s23] =	ssyncadd.s32 $0xFFFF8000  }
0x4a: {  	[tilespmem:s28], [sflag:$0x1] =	stream.indirect.gather [hbm4b:s14+s26], $0x40, s22, s26, $0xb8;
	[tilespmem:$0x1C800] =	vst v63  }
0x4b: {  	_ = 	snop  }
0x4c: {  	[tilespmem:s29], [sflag:$0x1] =	stream.indirect.gather [hbm4b:s14+s26], $0x40, s26, s26, $0xb8;
	[tilespmem:$0x1C800] =	vst v63  }
0x4d: {  	s18 =	simm.s32 $0x100  }
0x4e: {  	[tilespmem:s31], [sflag:$0x1] =	stream.indirect.gather [hbm4b:s14+s26], $0x40, s18, s26, $0xb8;
	[tilespmem:$0x1C800] =	vst v63  }
0x4f: {  	s19 =	simm.s32 $0x180  }
0x50: {  	[tilespmem:s3], [sflag:$0x1] =	stream.indirect.gather [hbm4b:s14+s26], $0x40, s19, s26, $0xb8;
	[tilespmem:$0x1C800] =	vst v63  }
0x51: {  	_ =	swait.ge [sflag:s16], $0x2000  }
0x52: {  	[sflag:s16] =	ssyncset.done $0x0  }
0x53: {  	[sflag:s16] =	ssyncadd.s32 $0xFFFFE000  }
0x54: {  	_ =	swait.ge [sflag:s16], $0x2000  }
0x55: {  	[sflag:s16] =	ssyncset.done $0x0  }
0x56: {  	[sflag:s16] =	ssyncadd.s32 $0xFFFFE000  }
0x57: {  	_ =	swait.ge [sflag:s16], $0x2000  }
0x58: {  	[sflag:s16] =	ssyncset.done $0x0  }
0x59: {  	[sflag:s16] =	ssyncadd.s32 $0xFFFFE000  }
0x5a: {  	_ =	swait.ge [sflag:s16], $0x2000  }
0x5b: {  	[sflag:s16] =	ssyncset.done $0x0  }
0x5c: {  	s17 =	simm.s32 $0x0;
	[sflag:s16] =	ssyncadd.s32 $0xFFFFE000  }
0x5d: {  	v3 =	vld [tilespmem:s17+$0x8800]  }
0x5e: {  	v4 =	vld [tilespmem:s17+$0x8810]  }
0x5f: {  	v2 =	vld [tilespmem:s17+$0x8820]  }
0x60: {  	v1 =	vld [tilespmem:s17+$0x8830]  }
0x61: {  	v5 =	vld [tilespmem:s17+$0x800]  }
0x62: {  	v7 =	vld [tilespmem:s17+$0x810]  }
0x63: {  	s18 =	simm.s32 $0x100;
	v6 =	vld [tilespmem:s17+$0x820]  }
.LBB2_5:
0x64: {  	p0 =	sne.s32 s18, $0x1FF00;
	v8 =	vld [tilespmem:s17+$0x830]  }
0x65: {  	s19 =	sshra.s32 s18, $0x2  }
0x66: {  	v5 =	vadd.f32 v3, v5;
	v3 =	vld [tilespmem:s19+$0x8800]  }
0x67: {  	v7 =	vadd.f32 v4, v7;
	v4 =	vld [tilespmem:s19+$0x8810]  }
.Ltmp1:
0x68: {  	v5 =	vmax.f32 v5, $0.0e+00;
	v6 =	vadd.f32 v2, v6;
	v2 =	vld [tilespmem:s19+$0x8820];
	(pc) =	sbr.rel @p0 .LBB2_5-.Ltmp1, $4  }
0x69: {  	[tilespmem:s17+$0x800] =	vst v5;
	v7 =	vmax.f32 v7, $0.0e+00;
	v8 =	vadd.f32 v1, v8;
	v1 =	vld [tilespmem:s19+$0x8830]  }
0x6a: {  	v5 =	vld [tilespmem:s19+$0x800];
	[tilespmem:s17+$0x810] =	vst v7;
	v6 =	vmax.f32 v6, $0.0e+00  }
0x6b: {  	v7 =	vld [tilespmem:s19+$0x810];
	[tilespmem:s17+$0x820] =	vst v6;
	v8 =	vmax.f32 v8, $0.0e+00  }
0x6c: {  	s18 =	sadd.s32 $0x100, s18;
	v6 =	vld [tilespmem:s19+$0x820];
	[tilespmem:s17+$0x830] =	vst v8;
	s17 =	smov.u32 s19  }
0x6d: {  	v8 =	vld [tilespmem:s17+$0x830];
	_ =	sdelay $0x1  }
0x6e: {  	v3 =	vadd.f32 v3, v5  }
0x6f: {  	v4 =	vadd.f32 v4, v7  }
0x70: {  	v3 =	vmax.f32 v3, $0.0e+00;
	v2 =	vadd.f32 v2, v6  }
0x71: {  	[tilespmem:s17+$0x800] =	vst v3;
	v3 =	vmax.f32 v4, $0.0e+00;
	v1 =	vadd.f32 v1, v8  }
0x72: {  	[tilespmem:s17+$0x810] =	vst v3;
	v2 =	vmax.f32 v2, $0.0e+00  }
0x73: {  	[tilespmem:s17+$0x820] =	vst v2;
	v1 =	vmax.f32 v1, $0.0e+00  }
0x74: {  	[tilespmem:s17+$0x830] =	vst v1  }
0x75: {  	[spmem:s1] =	stream.indirect.scatter.add.f32 [tilespmem:s28], [sflag:$0x2], $0x40, s24, s26, $0xb8;
	[tilespmem:$0x1C800] =	vst v63  }
0x76: {  	_ =	swait.ge [sflag:s23], $0x2000  }
0x77: {  	[sflag:s23] =	ssyncset.done $0x0  }
0x78: {  	s18 =	simm.s32 $0x480;
	[sflag:s23] =	ssyncadd.s32 $0xFFFFE000  }
0x79: {  	[spmem:s1] =	stream.indirect.scatter.add.f32 [tilespmem:s29], [sflag:$0x2], $0x40, s18, s26, $0xb8;
	[tilespmem:$0x1C800] =	vst v63  }
0x7a: {  	_ =	swait.ge [sflag:s23], $0x2000  }
0x7b: {  	[sflag:s23] =	ssyncset.done $0x0  }
0x7c: {  	s19 =	simm.s32 $0x500;
	[sflag:s23] =	ssyncadd.s32 $0xFFFFE000  }
0x7d: {  	[spmem:s1] =	stream.indirect.scatter.add.f32 [tilespmem:s31], [sflag:$0x2], $0x40, s19, s26, $0xb8;
	[tilespmem:$0x1C800] =	vst v63  }
0x7e: {  	_ =	swait.ge [sflag:s23], $0x2000  }
0x7f: {  	[sflag:s23] =	ssyncset.done $0x0  }
0x80: {  	s18 =	simm.s32 $0x580;
	[sflag:s23] =	ssyncadd.s32 $0xFFFFE000  }
0x81: {  	[spmem:s1] =	stream.indirect.scatter.add.f32 [tilespmem:s3], [sflag:$0x2], $0x40, s18, s26, $0xb8;
	[tilespmem:$0x1C800] =	vst v63  }
0x82: {  	s0 =	sadd.s32 s0, s15;
	_ =	swait.ge [sflag:s23], $0x2000  }
0x83: {  	s0 =	sshrl.u32 s0, $0x3;
	[sflag:s23] =	ssyncset.done $0x0  }
0x84: {  	s0 =	sadd.s32 s6, s0;
	s19 =	simm.s32 $0x0;
	[sflag:s23] =	ssyncadd.s32 $0xFFFFE000  }
0x85: {  	[tilespmem:s25], [sflag:$0x2] =	stream.linear.gather [hbm4b:s0+s19], $0x8000, $0x38;
	[tilespmem:$0x1C800] =	vst v63  }
0x86: {  	_ =	swait.ge [sflag:s23], $0x8000  }
0x87: {  	[sflag:s23] =	ssyncset.done $0x0  }
0x88: {  	[sflag:s23] =	ssyncadd.s32 $0xFFFF8000  }
0x89: {  	[tilespmem:s28], [sflag:$0x1] =	stream.indirect.gather [hbm4b:s14+s26], $0x40, s20, s26, $0xb8;
	[tilespmem:$0x1C800] =	vst v63  }
0x8a: {  	_ = 	snop  }
0x8b: {  	[tilespmem:s29], [sflag:$0x1] =	stream.indirect.gather [hbm4b:s14+s26], $0x40, s21, s26, $0xb8;
	[tilespmem:$0x1C800] =	vst v63  }
0x8c: {  	_ = 	snop  }
0x8d: {  	[tilespmem:s31], [sflag:$0x1] =	stream.indirect.gather [hbm4b:s14+s26], $0x40, s7, s26, $0xb8;
	[tilespmem:$0x1C800] =	vst v63  }
0x8e: {  	_ = 	snop  }
0x8f: {  	[tilespmem:s3], [sflag:$0x1] =	stream.indirect.gather [hbm4b:s14+s26], $0x40, s8, s26, $0xb8;
	[tilespmem:$0x1C800] =	vst v63  }
0x90: {  	_ =	swait.ge [sflag:s16], $0x2000  }
0x91: {  	[sflag:s16] =	ssyncset.done $0x0  }
0x92: {  	[sflag:s16] =	ssyncadd.s32 $0xFFFFE000  }
0x93: {  	_ =	swait.ge [sflag:s16], $0x2000  }
0x94: {  	[sflag:s16] =	ssyncset.done $0x0  }
0x95: {  	[sflag:s16] =	ssyncadd.s32 $0xFFFFE000  }
0x96: {  	_ =	swait.ge [sflag:s16], $0x2000  }
0x97: {  	[sflag:s16] =	ssyncset.done $0x0  }
0x98: {  	[sflag:s16] =	ssyncadd.s32 $0xFFFFE000  }
0x99: {  	_ =	swait.ge [sflag:s16], $0x2000  }
0x9a: {  	[sflag:s16] =	ssyncset.done $0x0  }
0x9b: {  	s0 =	simm.s32 $0x0;
	[sflag:s16] =	ssyncadd.s32 $0xFFFFE000  }
0x9c: {  	v3 =	vld [tilespmem:s0+$0x8800]  }
0x9d: {  	v4 =	vld [tilespmem:s0+$0x8810]  }
0x9e: {  	v2 =	vld [tilespmem:s0+$0x8820]  }
0x9f: {  	v1 =	vld [tilespmem:s0+$0x8830]  }
0xa0: {  	v5 =	vld [tilespmem:s0+$0x800]  }
0xa1: {  	v7 =	vld [tilespmem:s0+$0x810]  }
0xa2: {  	s17 =	simm.s32 $0x100;
	v6 =	vld [tilespmem:s0+$0x820]  }
.LBB2_7:
0xa3: {  	p0 =	sne.s32 s17, $0x1FF00;
	v8 =	vld [tilespmem:s0+$0x830]  }
0xa4: {  	s18 =	sshra.s32 s17, $0x2  }
0xa5: {  	v5 =	vadd.f32 v3, v5;
	v3 =	vld [tilespmem:s18+$0x8800]  }
0xa6: {  	v7 =	vadd.f32 v4, v7;
	v4 =	vld [tilespmem:s18+$0x8810]  }
.Ltmp2:
0xa7: {  	v5 =	vmax.f32 v5, $0.0e+00;
	v6 =	vadd.f32 v2, v6;
	v2 =	vld [tilespmem:s18+$0x8820];
	(pc) =	sbr.rel @p0 .LBB2_7-.Ltmp2, $4  }
0xa8: {  	[tilespmem:s0+$0x800] =	vst v5;
	v7 =	vmax.f32 v7, $0.0e+00;
	v8 =	vadd.f32 v1, v8;
	v1 =	vld [tilespmem:s18+$0x8830]  }
0xa9: {  	v5 =	vld [tilespmem:s18+$0x800];
	[tilespmem:s0+$0x810] =	vst v7;
	v6 =	vmax.f32 v6, $0.0e+00  }
0xaa: {  	v7 =	vld [tilespmem:s18+$0x810];
	[tilespmem:s0+$0x820] =	vst v6;
	v8 =	vmax.f32 v8, $0.0e+00  }
0xab: {  	s17 =	sadd.s32 $0x100, s17;
	v6 =	vld [tilespmem:s18+$0x820];
	[tilespmem:s0+$0x830] =	vst v8;
	s0 =	smov.u32 s18  }
0xac: {  	v8 =	vld [tilespmem:s0+$0x830];
	_ =	sdelay $0x1  }
0xad: {  	v3 =	vadd.f32 v3, v5  }
0xae: {  	v4 =	vadd.f32 v4, v7  }
0xaf: {  	v3 =	vmax.f32 v3, $0.0e+00;
	v2 =	vadd.f32 v2, v6  }
0xb0: {  	[tilespmem:s0+$0x800] =	vst v3;
	v3 =	vmax.f32 v4, $0.0e+00;
	v1 =	vadd.f32 v1, v8  }
0xb1: {  	[tilespmem:s0+$0x810] =	vst v3;
	v2 =	vmax.f32 v2, $0.0e+00  }
0xb2: {  	[tilespmem:s0+$0x820] =	vst v2;
	v1 =	vmax.f32 v1, $0.0e+00  }
0xb3: {  	[tilespmem:s0+$0x830] =	vst v1  }
0xb4: {  	[spmem:s1] =	stream.indirect.scatter.add.f32 [tilespmem:s28], [sflag:$0x2], $0x40, s9, s26, $0xb8;
	[tilespmem:$0x1C800] =	vst v63  }
0xb5: {  	_ =	swait.ge [sflag:s23], $0x2000  }
0xb6: {  	[sflag:s23] =	ssyncset.done $0x0  }
0xb7: {  	[sflag:s23] =	ssyncadd.s32 $0xFFFFE000  }
0xb8: {  	[spmem:s1] =	stream.indirect.scatter.add.f32 [tilespmem:s29], [sflag:$0x2], $0x40, s11, s26, $0xb8;
	[tilespmem:$0x1C800] =	vst v63  }
0xb9: {  	_ =	swait.ge [sflag:s23], $0x2000  }
0xba: {  	[sflag:s23] =	ssyncset.done $0x0  }
0xbb: {  	[sflag:s23] =	ssyncadd.s32 $0xFFFFE000  }
0xbc: {  	[spmem:s1] =	stream.indirect.scatter.add.f32 [tilespmem:s31], [sflag:$0x2], $0x40, s12, s26, $0xb8;
	[tilespmem:$0x1C800] =	vst v63  }
0xbd: {  	s30 =	sadd.s32 $0x1, s30;
	_ =	swait.ge [sflag:s23], $0x2000  }
0xbe: {  	p0 =	sne.s32 s30, $0x14;
	[sflag:s23] =	ssyncset.done $0x0  }
.Ltmp3:
0xbf: {  	[sflag:s23] =	ssyncadd.s32 $0xFFFFE000;
	(pc) =	sbr.rel @p0 .LBB2_4-.Ltmp3, $4  }
0xc0: {  	[spmem:s1] =	stream.indirect.scatter.add.f32 [tilespmem:s3], [sflag:$0x2], $0x40, s2, s26, $0xb8;
	[tilespmem:$0x1C800] =	vst v63  }
0xc1: {  	_ =	swait.ge [sflag:s23], $0x2000  }
0xc2: {  	[sflag:s23] =	ssyncset.done $0x0  }
0xc3: {  	[sflag:s23] =	ssyncadd.s32 $0xFFFFE000  }
0xc4: {  	[bflag:$0x0] =	sbarrier.arrive $0xFFFF  }
0xc5: {  	s18 =	simm.s32 $0x10800;
	s19 =	rddreg [dreg:$0x3]  }
0xc6: {  	[tilespmem:s18], [sflag:$0x2] =	stream.linear.gather [spmem:s19], $0x2000, $0x38;
	[tilespmem:$0x1C800] =	vst v63  }
0xc7: {  	_ =	swait.ge [sflag:s23], $0x2000  }
0xc8: {  	[sflag:s23] =	ssyncset.done $0x0  }
0xc9: {  	s0 =	simm.s32 $0x0;
	s17 =	rddreg [dreg:$0x8];
	[sflag:s23] =	ssyncadd.s32 $0xFFFFE000  }
0xca: {  	[hbm4b:s17+s0] =	stream.linear.scatter [tilespmem:s18], [sflag:$0x2], $0x2000, $0x38;
	[tilespmem:$0x1C800] =	vst v63  }
0xcb: {  	_ =	swait.ge [sflag:s23], $0x2000  }
0xcc: {  	[sflag:s23] =	ssyncset.done $0x0  }
0xcd: {  	s22 =	rddreg [dreg:$0x4];
	[sflag:s23] =	ssyncadd.s32 $0xFFFFE000  }
0xce: {  	[tilespmem:s18], [sflag:$0x2] =	stream.linear.gather [spmem:s22], $0x2000, $0x38;
	[tilespmem:$0x1C800] =	vst v63  }
0xcf: {  	_ =	swait.ge [sflag:s23], $0x2000  }
0xd0: {  	[sflag:s23] =	ssyncset.done $0x0  }
0xd1: {  	s17 =	rddreg [dreg:$0x9];
	[sflag:s23] =	ssyncadd.s32 $0xFFFFE000  }
0xd2: {  	[hbm4b:s17+s0] =	stream.linear.scatter [tilespmem:s18], [sflag:$0x2], $0x2000, $0x38;
	[tilespmem:$0x1C800] =	vst v63  }
0xd3: {  	_ =	swait.ge [sflag:s23], $0x2000  }
0xd4: {  	[sflag:s23] =	ssyncset.done $0x0  }
0xd5: {  	s30 =	rddreg [dreg:$0x5];
	[sflag:s23] =	ssyncadd.s32 $0xFFFFE000  }
0xd6: {  	[tilespmem:s18], [sflag:$0x2] =	stream.linear.gather [spmem:s30], $0x2000, $0x38;
	[tilespmem:$0x1C800] =	vst v63  }
0xd7: {  	_ =	swait.ge [sflag:s23], $0x2000  }
0xd8: {  	[sflag:s23] =	ssyncset.done $0x0  }
0xd9: {  	s17 =	rddreg [dreg:$0xa];
	[sflag:s23] =	ssyncadd.s32 $0xFFFFE000  }
0xda: {  	[hbm4b:s17+s0] =	stream.linear.scatter [tilespmem:s18], [sflag:$0x2], $0x2000, $0x38;
	[tilespmem:$0x1C800] =	vst v63  }
0xdb: {  	_ =	swait.ge [sflag:s23], $0x2000  }
0xdc: {  	[sflag:s23] =	ssyncset.done $0x0  }
0xdd: {  	s17 =	rddreg [dreg:$0x6];
	[sflag:s23] =	ssyncadd.s32 $0xFFFFE000  }
0xde: {  	[tilespmem:s18], [sflag:$0x2] =	stream.linear.gather [spmem:s17], $0x2000, $0x38;
	[tilespmem:$0x1C800] =	vst v63  }
0xdf: {  	_ =	swait.ge [sflag:s23], $0x2000  }
0xe0: {  	[sflag:s23] =	ssyncset.done $0x0  }
0xe1: {  	s17 =	rddreg [dreg:$0xb];
	[sflag:s23] =	ssyncadd.s32 $0xFFFFE000  }
0xe2: {  	[hbm4b:s17+s0] =	stream.linear.scatter [tilespmem:s18], [sflag:$0x2], $0x2000, $0x38;
	[tilespmem:$0x1C800] =	vst v63  }
0xe3: {  	_ =	swait.ge [sflag:s23], $0x2000  }
0xe4: {  	[sflag:s23] =	ssyncset.done $0x0  }
0xe5: {  	s17 =	rddreg [dreg:$0x7];
	[sflag:s23] =	ssyncadd.s32 $0xFFFFE000  }
0xe6: {  	[tilespmem:s18], [sflag:$0x2] =	stream.linear.gather [spmem:s17], $0x2000, $0x38;
	[tilespmem:$0x1C800] =	vst v63  }
0xe7: {  	_ =	swait.ge [sflag:s23], $0x2000  }
0xe8: {  	[sflag:s23] =	ssyncset.done $0x0  }
0xe9: {  	s17 =	rddreg [dreg:$0xc];
	[sflag:s23] =	ssyncadd.s32 $0xFFFFE000  }
0xea: {  	[hbm4b:s17+s0] =	stream.linear.scatter [tilespmem:s18], [sflag:$0x2], $0x2000, $0x38;
	[tilespmem:$0x1C800] =	vst v63  }
0xeb: {  	_ =	swait.ge [sflag:s23], $0x2000  }
0xec: {  	s0 =	rddreg [dreg:$0xe]  }
0xed: {  	s18 =	rddreg [dreg:$0xd];
	s17 =	sadd.s32 $0x1, s0  }
0xee: {  	p0 =	sne.s32 s17, s18  }
.Ltmp4:
0xef: {  	_ = 	snop;
	(pc) =	sbr.rel @p0 .LBB2_1-.Ltmp4, $3  }
0xf0: {  	_ =	sdelay $0x1  }
0xf1: {  	[sflag:s23] =	ssyncset.done $0x0  }
0xf2: {  	[sflag:s23] =	ssyncadd.s32 $0xFFFFE000  }
0xf3: {  	_ =	sfence.sel $0x180000  }
0xf4: {  	[bflag:$0x0] =	sbarrier.arrive $0xFFFF  }
0xf5: {  	_ =	strace $0x9000004A  }
0xf6: {  	s0 =	stileid.u32;
	[bflag:$0x2] =	sbarrier.arrive $0xFFFF  }
0xf7: {  	p0 =	sne.s32 s0, $0x0;
	s0 =	rddreg [dreg:$0x2]  }
0xf8: {  	s0 =	sadd.s32 @!p0 $0x100000, s0  }
0xf9: {  	[sflag:s0] =	ssyncadd.tile.s32 @!p0 $0x1;
	_ =	shalt  }
.Lfunc_end2:
_tile_overlayer_lowered:
.L_overlay_start_2:
0xfa: {  	(tag) =	ssettag $0x2  }
0xfb: {  	s0 =	rddreg [dreg:$0x0];
	s2 =	stileid.u32  }
0xfc: {  	s1 =	rddreg [dreg:$0x1];
	p0 =	sne.s32 s2, $0x0  }
0xfd: {  	s3 =	rddreg [dreg:$0x2];
	[bflag:$0x3] =	sbarrier.arrive $0xFFFF;
	s2 =	simm.s32 @!p0 $0x1C02  }
0xfe: {  	[timem:s3], [sflag:s2] =	dma.local @!p0 [hbm:s0], s1  }
0xff: {  	s0 =	simm.s32 @!p0 $0x2  }
0x100: {  	_ =	swait.ge @!p0 [sflag:s0], s1  }
0x101: {  	s1 =	ssub.s32 @!p0 $0x0, s1;
	[sflag:s0] =	ssyncset.done @!p0 $0x0  }
0x102: {  	[sflag:s0] =	ssyncadd.s32 @!p0 s1  }
0x103: {  	[bflag:$0x3] =	sbarrier.arrive $0xFFFF  }
0x104: {  	_ =	shalt  }

// kernel: kernel.16.cloned.1.call-start
scs
__scs_entry_jumppad:
0x0: {  	(pc) =	sbr.rel $0x88, $3  }
0x1: {  	(tag) =	ssettag $0x0;
	lr =	simm.s32 $0x1  }
0x2: {  	[smem:$0x3F81] =	sst lr;
	_ =	strace $0xD0000000  }
0x3: {  	_ = 	snop  }
0x4: {  	_ = 	snop  }
0x5: {  	_ = 	snop  }
0x6: {  	_ = 	snop  }
0x7: {  	_ = 	snop  }
__scs_overlays_trampoline_lowered:
0x8: {  	[smem:$0x3F90] =	sst s0  }
0x9: {  	[smem:$0x3F91] =	sst s1  }
0xa: {  	[smem:$0x3F92] =	sst s2  }
0xb: {  	[smem:$0x3F93] =	sst s3  }
0xc: {  	[smem:$0x3F94] =	sst s4  }
0xd: {  	[smem:$0x3F95] =	sst s5  }
0xe: {  	[smem:$0x3F96] =	sst s6  }
0xf: {  	[smem:$0x3F97] =	sst s7  }
0x10: {  	[smem:$0x3F98] =	sst s8  }
0x11: {  	[smem:$0x3F99] =	sst s9;
	s0 =	simm.s32 @!p0 $0x0  }
0x12: {  	s1 =	sld [smem:$0x3F7F];
	s0 =	simm.s32 @p0 $0x1  }
0x13: {  	[smem:$0x3F9A] =	sst s0;
	s0 =	simm.s32 @!p1 $0x0  }
0x14: {  	s2 =	sld [smem:$0x3F7E];
	s0 =	simm.s32 @p1 $0x1  }
0x15: {  	[smem:$0x3F9B] =	sst s0;
	s0 =	simm.s32 @!p2 $0x0  }
0x16: {  	s3 =	sld [smem:$0x3FDB];
	s0 =	simm.s32 @p2 $0x1  }
0x17: {  	s4 =	simm.s32 $0x1BF5;
	[smem:$0x3F9D] =	sst s0  }
0x18: {  	s0 =	sld [smem:$0x3F80];
	_ =	swait.ge [sflag:s4], $0x0  }
0x19: {  	s7 =	sld [smem:$0x3F81]  }
0x1a: {  	s8 =	sadd.s32 $0xFFFFE003, lr  }
0x1b: {  	s9 =	sadd.s32 $0xFFFFFEF7, lr;
	s5 =	simm.s32 $0xFFFFFFFF;
	p2 =	slt.u32 s8, $0xFFFFF086  }
0x1c: {  	p1 =	slt.u32 s9, $0xF7A;
	s5 =	simm.s32 @!p2 $0x0  }
0x1d: {  	s5 =	simm.s32 @p1 $0x1;
	p0 =	seq.s32 s7, s2  }
0x1e: {  	s7 =	smul.u32 @!p0 $0xF7A, s2;
	p2 =	seq.s32 @!p0 s5, $0x0  }
0x1f: {  	s9 =	smul.u32 $0xF7A, s1;
	s8 =	simm.s32 @!p0 $0x1BF5;
	p2 =	por !p2, p0  }
0x20: {  	[sflag:s8] =	ssyncset.s32 @!p0 $0xFFFFF086;
	s6 =	sadd.s32 @!p0 s3, s7;
	s7 =	simm.s32 @!p0 $0x108  }
0x21: {  	s3 =	sadd.s32 s3, s9;
	s6 =	sadd.s32 @!p0 $0x88, s6;
	s7 =	simm.s32 @p2 $0x1082  }
0x22: {  	[simem:s7], [sflag:s8] =	dma.local @!p0 [hbm:s6], $0xF7A  }
0x23: {  	s9 =	sor.u32 $0xD0000000, s2;
	s6 =	simm.s32 $0x108;
	_ =	swait.ge @!p0 [sflag:s8], $0x0  }
0x24: {  	s3 =	sadd.s32 $0x88, s3;
	s6 =	simm.s32 @!p1 $0x1082;
	[sflag:s4] =	ssyncset.s32 $0xFFFFF086  }
0x25: {  	[simem:s6], [sflag:s4] =	dma.local [hbm:s3], $0xF7A  }
0x26: {  	[smem:$0x3F81] =	sst s1;
	(tag) =	ssettag s2;
	_ =	strace s9  }
0x27: {  	s1 =	sld [smem:$0x3F91]  }
0x28: {  	s2 =	sld [smem:$0x3F92]  }
0x29: {  	s4 =	sld [smem:$0x3F94]  }
0x2a: {  	p0 =	seq.s32 s5, $0x0;
	s5 =	sld [smem:$0x3F95]  }
0x2b: {  	s6 =	sld [smem:$0x3F96]  }
0x2c: {  	s7 =	sld [smem:$0x3F97]  }
0x2d: {  	s3 =	simm.s32 $0x108;
	s8 =	sld [smem:$0x3F98]  }
0x2e: {  	s3 =	simm.s32 @!p0 $0x1082;
	s9 =	sld [smem:$0x3F99]  }
0x2f: {  	lr =	sadd.s32 s0, s3;
	s0 =	sld [smem:$0x3F90]  }
0x30: {  	s3 =	sld [smem:$0x3F93]  }
0x31: {  	[smem:$0x3F9C] =	sst s10  }
0x32: {  	s10 =	sld [smem:$0x3F9A];
	_ =	sdelay $0x3  }
0x33: {  	p0 =	seq.s32 s10, $0x1;
	s10 =	sld [smem:$0x3F9C];
	_ =	sdelay $0x3  }
0x34: {  	[smem:$0x3F9C] =	sst s10  }
0x35: {  	s10 =	sld [smem:$0x3F9B];
	_ =	sdelay $0x3  }
0x36: {  	p1 =	seq.s32 s10, $0x1;
	s10 =	sld [smem:$0x3F9C];
	_ =	sdelay $0x3  }
0x37: {  	[smem:$0x3F9C] =	sst s10  }
0x38: {  	s10 =	sld [smem:$0x3F9D]  }
0x39: {  	_ = 	snop;
	(pc) =	sbr.ind lr, $3  }
0x3a: {  	_ = 	snop  }
0x3b: {  	_ = 	snop  }
0x3c: {  	p2 =	seq.s32 s10, $0x1;
	s10 =	sld [smem:$0x3F9C]  }
0x3d: {  	_ =	shalt  }
0x3e: {  	_ =	shalt  }
0x3f: {  	_ =	shalt  }
0x40: {  	_ =	shalt  }
0x41: {  	_ =	shalt  }
0x42: {  	_ =	shalt  }
0x43: {  	_ =	shalt  }
0x44: {  	_ =	shalt  }
0x45: {  	_ =	shalt  }
0x46: {  	_ =	shalt  }
0x47: {  	_ =	shalt  }
0x48: {  	_ =	shalt  }
0x49: {  	_ =	shalt  }
0x4a: {  	_ =	shalt  }
0x4b: {  	_ =	shalt  }
0x4c: {  	_ =	shalt  }
0x4d: {  	_ =	shalt  }
0x4e: {  	_ =	shalt  }
0x4f: {  	_ =	shalt  }
0x50: {  	_ =	shalt  }
0x51: {  	_ =	shalt  }
0x52: {  	_ =	shalt  }
0x53: {  	_ =	shalt  }
0x54: {  	_ =	shalt  }
0x55: {  	_ =	shalt  }
0x56: {  	_ =	shalt  }
0x57: {  	_ =	shalt  }
0x58: {  	_ =	shalt  }
0x59: {  	_ =	shalt  }
0x5a: {  	_ =	shalt  }
0x5b: {  	_ =	shalt  }
0x5c: {  	_ =	shalt  }
0x5d: {  	_ =	shalt  }
0x5e: {  	_ =	shalt  }
0x5f: {  	_ =	shalt  }
0x60: {  	_ =	shalt  }
0x61: {  	_ =	shalt  }
0x62: {  	_ =	shalt  }
0x63: {  	_ =	shalt  }
0x64: {  	_ =	shalt  }
0x65: {  	_ =	shalt  }
0x66: {  	_ =	shalt  }
0x67: {  	_ =	shalt  }
0x68: {  	_ =	shalt  }
0x69: {  	_ =	shalt  }
0x6a: {  	_ =	shalt  }
0x6b: {  	_ =	shalt  }
0x6c: {  	_ =	shalt  }
0x6d: {  	_ =	shalt  }
0x6e: {  	_ =	shalt  }
0x6f: {  	_ =	shalt  }
0x70: {  	_ =	shalt  }
0x71: {  	_ =	shalt  }
0x72: {  	_ =	shalt  }
0x73: {  	_ =	shalt  }
0x74: {  	_ =	shalt  }
0x75: {  	_ =	shalt  }
0x76: {  	_ =	shalt  }
0x77: {  	_ =	shalt  }
0x78: {  	_ =	shalt  }
0x79: {  	_ =	shalt  }
0x7a: {  	_ =	shalt  }
0x7b: {  	_ =	shalt  }
0x7c: {  	_ =	shalt  }
0x7d: {  	_ =	shalt  }
0x7e: {  	_ =	shalt  }
0x7f: {  	_ =	shalt  }
0x80: {  	_ =	shalt  }
0x81: {  	_ =	shalt  }
0x82: {  	_ =	shalt  }
0x83: {  	_ =	shalt  }
0x84: {  	_ =	shalt  }
0x85: {  	_ =	shalt  }
0x86: {  	_ =	shalt  }
0x87: {  	_ =	shalt  }
.Lfunc_end0:
.L_simem_size_0:
called_computation.2_lowered:
.L_overlay_start_0:
0x88: {  	s2 =	sld [smem:$0x3FD9]  }
0x89: {  	s3 =	sld [smem:$0x3FFE];
	_ =	sdelay $0x1  }
0x8a: {  	s1 =	srdreg.scid  }
0x8b: {  	s0 =	sand.u32 $0x1, s1  }
0x8c: {  	s16 =	sshll.u32 s0, $0xA;
	s2 =	sadd.s32 s3, s2  }
0x8d: {  	s2 =	sadd.s32 s2, s16  }
0x8e: {  	[smem:$0x3FA8] =	sst s2  }
0x8f: {  	_ = 	snop  }
0x90: {  	(tm) =	ssettm $0x1  }
0x91: {  	s17 =	sld [smem:$0x3FFB];
	_ =	sdelay $0x3  }
0x92: {  	_ =	strace s17  }
0x93: {  	s2 =	sld [smem:$0x3FFC];
	_ =	sdelay $0x3  }
0x94: {  	_ =	strace s2  }
0x95: {  	s2 =	sld [smem:$0x3FFD];
	_ =	sdelay $0x3  }
0x96: {  	_ =	strace s2  }
0x97: {  	_ =	strace $0x8FFFFFFF  }
0x98: {  	s18 =	sld [smem:$0x3FDB];
	_ =	sdelay $0x1  }
0x99: {  	s19 =	simm.s32 $_scs_section_size  }
0x9a: {  	s4 =	simm.s32 $_size__tile_overlayer_lowered;
	s5 =	simm.s32 $_tile_overlayer_lowered  }
0x9b: {  	s22 =	simm.s32 $0x1BFF;
	s21 =	sshll.u32 s5, $0x1;
	s2 =	sadd.s32 s19, s18  }
0x9c: {  	s6 =	simm.s32 $0x0;
	s20 =	sshll.u32 s4, $0x1;
	s4 =	sadd.s32 s21, s2  }
0x9d: {  	[timem:s6], [sflag:s22] =	dma.local [hbm:s4], s20  }
0x9e: {  	_ =	swait.ge [sflag:s22], s20  }
0x9f: {  	s3 =	ssub.s32 $0x0, s20;
	[sflag:s22] =	ssyncset.done $0x0  }
0xa0: {  	[sflag:s22] =	ssyncadd.s32 s3;
	_ =	sdelay $0x1  }
0xa1: {  	s23 =	simm.s32 $0x1B8B  }
0xa2: {  	_ =	swait.ge [sflag:s23], $0x1  }
0xa3: {  	[sflag:s23] =	ssyncset.done $0x0  }
0xa4: {  	s25 =	simm.s32 $0x1B8E;
	s24 =	sld [smem:$0x3FFE];
	[sflag:s23] =	ssyncadd.s32 $0xFFFFFFFF  }
0xa5: {  	s26 =	simm.s32 $execute0_lowered;
	[smem:$0x3FD2] =	sst s25  }
0xa6: {  	s4 =	sshll.u32 s26, $0x1;
	_ =	strace $0x8000004C;
	[dreg:$0x1] =	wrdreg $0xFFFFFFFF  }
0xa7: {  	s28 =	simm.s32 $_size_execute0_lowered;
	s2 =	sadd.s32 s2, s4;
	[dreg:$0x0] =	wrdreg $0x0  }
0xa8: {  	s4 =	sshll.u32 s28, $0x1;
	[dreg:$0x2] =	wrdreg s2  }
0xa9: {  	[dreg:$0x3] =	wrdreg s4  }
0xaa: {  	[dreg:$0x4] =	wrdreg $0xC0  }
0xab: {  	_ =	task [dreg:s6], $0x5FFFF  }
0xac: {  	[dreg:$0x1] =	wrdreg $0xFFFFFFFF  }
0xad: {  	[dreg:$0x0] =	wrdreg $0x60  }
0xae: {  	[dreg:$0x2] =	wrdreg s24  }
0xaf: {  	[dreg:$0x3] =	wrdreg $0x128000  }
0xb0: {  	[dreg:$0x4] =	wrdreg $0x9  }
0xb1: {  	_ =	task.clear_ibuf [dreg:s6], $0x5FFFF;
	_ =	strace $0x9000004C  }
0xb2: {  	s29 =	simm.s32 $0x9;
	_ =	strace $0x8000004E  }
0xb3: {  	_ =	swait.ge [sflag:s29], $0x1  }
0xb4: {  	[sflag:s29] =	ssyncadd.s32 $0xFFFFFFFF  }
0xb5: {  	_ =	strace $0x9000004E  }
0xb6: {  	_ =	sfence  }
0xb7: {  	s30 =	sld [smem:$0x0];
	_ =	sdelay $0x2  }
0xb8: {  	s31 =	sshll.u32 s1, $0xD;
	s1 =	sshrl.u32 s1, $0x2  }
0xb9: {  	s3 =	sand.u32 $0x4000, s31;
	s1 =	sadd.s32 s1, s30  }
0xba: {  	s0 =	sor.u32 s3, s0;
	s1 =	sshll.u32 s1, $0x11  }
0xbb: {  	s0 =	sor.u32 s1, s0  }
0xbc: {  	s0 =	sadd.s32 $0x8F2B, s0  }
0xbd: {  	[sflag:s0] =	ssyncadd.remote.s32 $0x1  }
0xbe: {  	_ =	sfence.sel $0xFFFF  }
0xbf: {  	[dreg:$0x0] =	wrdreg $0xFFFFFFFF;
	(pc) =	sbr.abs _section_cstart, $3  }
0xc0: {  	[dreg:$0x1] =	wrdreg $0xFFFFFFFF  }
0xc1: {  	_ =	task.clear_ibuf [dreg:s6], $0x2FFFF;
	_ =	strace $0x9FFFFFFF  }
0xc2: {  	(tm) =	ssettm $0x7FFFFFFF  }
0xc3: {  	_ =	shalt  }
tec
execute0_lowered:
.L_overlay_start_1:
0x0: {  	(tag) =	ssettag $0x1  }
0x1: {  	s0 =	rddreg [dreg:$0x0];
	s2 =	srdreg.scid  }
0x2: {  	s1 =	rddreg [dreg:$0x1];
	s4 =	simm.s32 $0x0;
	s10 =	stileid.u32  }
0x3: {  	s28 =	simm.s32 $0x800;
	s29 =	simm.s32 $0x2800;
	s31 =	simm.s32 $0x4800  }
0x4: {  	s2 =	sand.u32 $0x1, s2;
	[smem:$0x7FF] =	sst s4;
	s9 =	smul.u32 $0xA000, s10  }
0x5: {  	s4 =	sadd.s32 $0x6A00, s0;
	s5 =	sadd.s32 $0x541800, s0;
	s10 =	smul.u32 $0x5000, s10  }
0x6: {  	s6 =	sadd.s32 $0xA73800, s0;
	s3 =	smul.u32 $0x13880, s2;
	s7 =	ssub.s32 $0x2, s2  }
0x7: {  	_ =	strace $0x8000004D;
	s17 =	smul.u32 $0xA0000, s2;
	s8 =	sshrl.u32 s7, $0x1  }
0x8: {  	s19 =	sadd.s32 s9, s1;
	s25 =	sadd.s32 $0x2000, s9;
	s11 =	sadd.s32 $0x4000, s9  }
0x9: {  	s12 =	sadd.s32 $0x6000, s9;
	s16 =	sadd.s32 $0x8000, s9;
	s3 =	sadd.s32 s3, s0  }
0xa: {  	s0 =	sadd.s32 $0x59AC00, s0;
	s7 =	ssub.s32 s7, s8;
	s22 =	sadd.s32 s25, s1  }
0xb: {  	s30 =	sadd.s32 s11, s1;
	s13 =	sadd.s32 s12, s1;
	s26 =	sadd.s32 s16, s1  }
0xc: {  	s20 =	sadd.s32 s17, s11;
	s21 =	sadd.s32 s17, s12;
	s23 =	sadd.s32 s17, s16  }
0xd: {  	s16 =	simm.s32 $0x1;
	s8 =	simm.s32 $0x380;
	[dreg:$0x3] =	wrdreg s19  }
0xe: {  	s11 =	simm.s32 $0x680;
	s12 =	simm.s32 $0x700;
	[dreg:$0x6] =	wrdreg s13  }
0xf: {  	[dreg:$0x7] =	wrdreg s26;
	s13 =	smul.u32 $0x1400000, s2;
	s14 =	sadd.s32 $0x573A00, s3  }
0x10: {  	s3 =	sadd.s32 s9, s17;
	s9 =	sadd.s32 s17, s25;
	s24 =	sshrl.u32 s21, $0x3  }
0x11: {  	s25 =	sshrl.u32 s23, $0x3;
	s26 =	smax.u32 s7, $0x1;
	s23 =	simm.s32 $0x2  }
0x12: {  	s21 =	simm.s32 $0x280;
	s7 =	simm.s32 $0x300;
	[dreg:$0x4] =	wrdreg s22  }
0x13: {  	s17 =	simm.s32 $0x0;
	[dreg:$0x5] =	wrdreg s30;
	s2 =	sshrl.u32 s3, $0x3  }
0x14: {  	s3 =	sshrl.u32 s9, $0x3;
	[dreg:$0xd] =	wrdreg s26;
	s26 =	simm.s32 $0x80  }
0x15: {  	s9 =	simm.s32 $0x600;
	s15 =	sor.u32 $0x8000, s13;
	s2 =	sadd.s32 s0, s2  }
0x16: {  	s18 =	sadd.s32 s0, s3;
	[dreg:$0x8] =	wrdreg s2;
	s2 =	sshrl.u32 s20, $0x3  }
0x17: {  	s3 =	simm.s32 $0x6800;
	[dreg:$0x9] =	wrdreg s18;
	s2 =	sadd.s32 s0, s2  }
0x18: {  	s20 =	simm.s32 $0x200;
	[dreg:$0xa] =	wrdreg s2;
	s2 =	sadd.s32 s0, s24  }
0x19: {  	s0 =	sadd.s32 s0, s25;
	s24 =	simm.s32 $0x400;
	[dreg:$0xb] =	wrdreg s2  }
0x1a: {  	v0 =	vimm.f32 $0.0e+00;
	s25 =	simm.s32 $0x8800;
	[dreg:$0xc] =	wrdreg s0;
	s2 =	simm.s32 $0x780  }
.LBB2_1:
0x1b: {  	[dreg:$0xe] =	wrdreg s17;
	s17 =	simm.s32 $0x100;
	s0 =	simm.s32 $0x0  }
.LBB2_2:
0x1c: {  	p0 =	sne.s32 s17, $0x7F00;
	[tilespmem:s0+$0x10830] =	vst v0;
	s18 =	smov.u32 s17;
	s17 =	sadd.s32 $0x100, s17  }
.Ltmp0:
0x1d: {  	[tilespmem:s0+$0x10820] =	vst v0;
	(pc) =	sbr.rel @p0 .LBB2_2-.Ltmp0, $3  }
0x1e: {  	[tilespmem:s0+$0x10800] =	vst v0  }
0x1f: {  	[tilespmem:s0+$0x10810] =	vst v0;
	_ =	sdelay $0x1  }
0x20: {  	s0 =	sshra.s32 s18, $0x2  }
0x21: {  	[tilespmem:s0+$0x10830] =	vst v0  }
0x22: {  	[tilespmem:s0+$0x10820] =	vst v0  }
0x23: {  	[tilespmem:s0+$0x10800] =	vst v0  }
0x24: {  	[tilespmem:s0+$0x10810] =	vst v0;
	s17 =	simm.s32 $0x10800  }
0x25: {  	[spmem:s19] =	stream.linear.scatter [tilespmem:s17], [sflag:$0x2], $0x2000, $0x38;
	[tilespmem:$0x1C800] =	vst v63  }
0x26: {  	_ =	swait.ge [sflag:s23], $0x2000  }
0x27: {  	[sflag:s23] =	ssyncset.done $0x0  }
0x28: {  	[sflag:s23] =	ssyncadd.s32 $0xFFFFE000  }
0x29: {  	[spmem:s22] =	stream.linear.scatter [tilespmem:s17], [sflag:$0x2], $0x2000, $0x38;
	[tilespmem:$0x1C800] =	vst v63  }
0x2a: {  	_ =	swait.ge [sflag:s23], $0x2000  }
0x2b: {  	[sflag:s23] =	ssyncset.done $0x0  }
0x2c: {  	[sflag:s23] =	ssyncadd.s32 $0xFFFFE000  }
0x2d: {  	[spmem:s30] =	stream.linear.scatter [tilespmem:s17], [sflag:$0x2], $0x2000, $0x38;
	[tilespmem:$0x1C800] =	vst v63  }
0x2e: {  	_ =	swait.ge [sflag:s23], $0x2000  }
0x2f: {  	[sflag:s23] =	ssyncset.done $0x0  }
0x30: {  	s19 =	rddreg [dreg:$0x6];
	[sflag:s23] =	ssyncadd.s32 $0xFFFFE000  }
0x31: {  	[spmem:s19] =	stream.linear.scatter [tilespmem:s17], [sflag:$0x2], $0x2000, $0x38;
	[tilespmem:$0x1C800] =	vst v63  }
0x32: {  	_ =	swait.ge [sflag:s23], $0x2000  }
0x33: {  	[sflag:s23] =	ssyncset.done $0x0  }
0x34: {  	s22 =	rddreg [dreg:$0x7];
	[sflag:s23] =	ssyncadd.s32 $0xFFFFE000  }
0x35: {  	[spmem:s22] =	stream.linear.scatter [tilespmem:s17], [sflag:$0x2], $0x2000, $0x38;
	[tilespmem:$0x1C800] =	vst v63  }
0x36: {  	_ =	swait.ge [sflag:s23], $0x2000  }
0x37: {  	[sflag:s23] =	ssyncset.done $0x0  }
0x38: {  	[sflag:s23] =	ssyncadd.s32 $0xFFFFE000  }
0x39: {  	s30 =	simm.s32 $0x0;
	s22 =	simm.s32 $0x0;
	[bflag:$0x0] =	sbarrier.arrive $0xFFFF  }
.LBB2_4:
0x3a: {  	s0 =	sshll.u32 s30, $0xA  }
0x3b: {  	s0 =	sadd.s32 s10, s0  }
0x3c: {  	s17 =	sshrl.u32 s0, $0x3  }
0x3d: {  	s18 =	sadd.s32 s4, s17  }
0x3e: {  	[tilespmem:s22], [sflag:$0x2] =	stream.linear.gather [hbm4b:s18+s22], $0x400, $0x38;
	[tilespmem:$0x1C800] =	vst v63  }
0x3f: {  	_ =	swait.ge [sflag:s23], $0x400  }
0x40: {  	[sflag:s23] =	ssyncset.done $0x0  }
0x41: {  	s0 =	sshll.u32 s0, $0x6;
	s17 =	sadd.s32 s5, s17;
	[sflag:s23] =	ssyncadd.s32 $0xFFFFFC00  }
0x42: {  	[tilespmem:s24], [sflag:$0x2] =	stream.linear.gather [hbm4b:s17+s22], $0x400, $0x38;
	[tilespmem:$0x1C800] =	vst v63  }
0x43: {  	s19 =	sadd.s32 s13, s0;
	_ =	swait.ge [sflag:s23], $0x400  }
0x44: {  	s17 =	sshrl.u32 s19, $0x3;
	[sflag:s23] =	ssyncset.done $0x0  }
0x45: {  	s17 =	sadd.s32 s6, s17;
	[sflag:s23] =	ssyncadd.s32 $0xFFFFFC00  }
0x46: {  	[tilespmem:s25], [sflag:$0x2] =	stream.linear.gather [hbm4b:s17+s22], $0x8000, $0x38;
	[tilespmem:$0x1C800] =	vst v63  }
0x47: {  	_ =	swait.ge [sflag:s23], $0x8000  }
0x48: {  	[sflag:s23] =	ssyncset.done $0x0  }
0x49: {  	[sflag:s23] =	ssyncadd.s32 $0xFFFF8000  }
0x4a: {  	[tilespmem:s28], [sflag:$0x1] =	stream.indirect.gather [hbm4b:s14+s26], $0x40, s22, s26, $0xb8;
	[tilespmem:$0x1C800] =	vst v63  }
0x4b: {  	_ = 	snop  }
0x4c: {  	[tilespmem:s29], [sflag:$0x1] =	stream.indirect.gather [hbm4b:s14+s26], $0x40, s26, s26, $0xb8;
	[tilespmem:$0x1C800] =	vst v63  }
0x4d: {  	s18 =	simm.s32 $0x100  }
0x4e: {  	[tilespmem:s31], [sflag:$0x1] =	stream.indirect.gather [hbm4b:s14+s26], $0x40, s18, s26, $0xb8;
	[tilespmem:$0x1C800] =	vst v63  }
0x4f: {  	s19 =	simm.s32 $0x180  }
0x50: {  	[tilespmem:s3], [sflag:$0x1] =	stream.indirect.gather [hbm4b:s14+s26], $0x40, s19, s26, $0xb8;
	[tilespmem:$0x1C800] =	vst v63  }
0x51: {  	_ =	swait.ge [sflag:s16], $0x2000  }
0x52: {  	[sflag:s16] =	ssyncset.done $0x0  }
0x53: {  	[sflag:s16] =	ssyncadd.s32 $0xFFFFE000  }
0x54: {  	_ =	swait.ge [sflag:s16], $0x2000  }
0x55: {  	[sflag:s16] =	ssyncset.done $0x0  }
0x56: {  	[sflag:s16] =	ssyncadd.s32 $0xFFFFE000  }
0x57: {  	_ =	swait.ge [sflag:s16], $0x2000  }
0x58: {  	[sflag:s16] =	ssyncset.done $0x0  }
0x59: {  	[sflag:s16] =	ssyncadd.s32 $0xFFFFE000  }
0x5a: {  	_ =	swait.ge [sflag:s16], $0x2000  }
0x5b: {  	[sflag:s16] =	ssyncset.done $0x0  }
0x5c: {  	s17 =	simm.s32 $0x0;
	[sflag:s16] =	ssyncadd.s32 $0xFFFFE000  }
0x5d: {  	v3 =	vld [tilespmem:s17+$0x8800]  }
0x5e: {  	v4 =	vld [tilespmem:s17+$0x8810]  }
0x5f: {  	v2 =	vld [tilespmem:s17+$0x8820]  }
0x60: {  	v1 =	vld [tilespmem:s17+$0x8830]  }
0x61: {  	v5 =	vld [tilespmem:s17+$0x800]  }
0x62: {  	v7 =	vld [tilespmem:s17+$0x810]  }
0x63: {  	s18 =	simm.s32 $0x100;
	v6 =	vld [tilespmem:s17+$0x820]  }
.LBB2_5:
0x64: {  	p0 =	sne.s32 s18, $0x1FF00;
	v8 =	vld [tilespmem:s17+$0x830]  }
0x65: {  	s19 =	sshra.s32 s18, $0x2  }
0x66: {  	v5 =	vadd.f32 v3, v5;
	v3 =	vld [tilespmem:s19+$0x8800]  }
0x67: {  	v7 =	vadd.f32 v4, v7;
	v4 =	vld [tilespmem:s19+$0x8810]  }
.Ltmp1:
0x68: {  	v5 =	vmax.f32 v5, $0.0e+00;
	v6 =	vadd.f32 v2, v6;
	v2 =	vld [tilespmem:s19+$0x8820];
	(pc) =	sbr.rel @p0 .LBB2_5-.Ltmp1, $4  }
0x69: {  	[tilespmem:s17+$0x800] =	vst v5;
	v7 =	vmax.f32 v7, $0.0e+00;
	v8 =	vadd.f32 v1, v8;
	v1 =	vld [tilespmem:s19+$0x8830]  }
0x6a: {  	v5 =	vld [tilespmem:s19+$0x800];
	[tilespmem:s17+$0x810] =	vst v7;
	v6 =	vmax.f32 v6, $0.0e+00  }
0x6b: {  	v7 =	vld [tilespmem:s19+$0x810];
	[tilespmem:s17+$0x820] =	vst v6;
	v8 =	vmax.f32 v8, $0.0e+00  }
0x6c: {  	s18 =	sadd.s32 $0x100, s18;
	v6 =	vld [tilespmem:s19+$0x820];
	[tilespmem:s17+$0x830] =	vst v8;
	s17 =	smov.u32 s19  }
0x6d: {  	v8 =	vld [tilespmem:s17+$0x830];
	_ =	sdelay $0x1  }
0x6e: {  	v3 =	vadd.f32 v3, v5  }
0x6f: {  	v4 =	vadd.f32 v4, v7  }
0x70: {  	v3 =	vmax.f32 v3, $0.0e+00;
	v2 =	vadd.f32 v2, v6  }
0x71: {  	[tilespmem:s17+$0x800] =	vst v3;
	v3 =	vmax.f32 v4, $0.0e+00;
	v1 =	vadd.f32 v1, v8  }
0x72: {  	[tilespmem:s17+$0x810] =	vst v3;
	v2 =	vmax.f32 v2, $0.0e+00  }
0x73: {  	[tilespmem:s17+$0x820] =	vst v2;
	v1 =	vmax.f32 v1, $0.0e+00  }
0x74: {  	[tilespmem:s17+$0x830] =	vst v1  }
0x75: {  	[spmem:s1] =	stream.indirect.scatter.add.f32 [tilespmem:s28], [sflag:$0x2], $0x40, s24, s26, $0xb8;
	[tilespmem:$0x1C800] =	vst v63  }
0x76: {  	_ =	swait.ge [sflag:s23], $0x2000  }
0x77: {  	[sflag:s23] =	ssyncset.done $0x0  }
0x78: {  	s18 =	simm.s32 $0x480;
	[sflag:s23] =	ssyncadd.s32 $0xFFFFE000  }
0x79: {  	[spmem:s1] =	stream.indirect.scatter.add.f32 [tilespmem:s29], [sflag:$0x2], $0x40, s18, s26, $0xb8;
	[tilespmem:$0x1C800] =	vst v63  }
0x7a: {  	_ =	swait.ge [sflag:s23], $0x2000  }
0x7b: {  	[sflag:s23] =	ssyncset.done $0x0  }
0x7c: {  	s19 =	simm.s32 $0x500;
	[sflag:s23] =	ssyncadd.s32 $0xFFFFE000  }
0x7d: {  	[spmem:s1] =	stream.indirect.scatter.add.f32 [tilespmem:s31], [sflag:$0x2], $0x40, s19, s26, $0xb8;
	[tilespmem:$0x1C800] =	vst v63  }
0x7e: {  	_ =	swait.ge [sflag:s23], $0x2000  }
0x7f: {  	[sflag:s23] =	ssyncset.done $0x0  }
0x80: {  	s18 =	simm.s32 $0x580;
	[sflag:s23] =	ssyncadd.s32 $0xFFFFE000  }
0x81: {  	[spmem:s1] =	stream.indirect.scatter.add.f32 [tilespmem:s3], [sflag:$0x2], $0x40, s18, s26, $0xb8;
	[tilespmem:$0x1C800] =	vst v63  }
0x82: {  	s0 =	sadd.s32 s0, s15;
	_ =	swait.ge [sflag:s23], $0x2000  }
0x83: {  	s0 =	sshrl.u32 s0, $0x3;
	[sflag:s23] =	ssyncset.done $0x0  }
0x84: {  	s0 =	sadd.s32 s6, s0;
	s19 =	simm.s32 $0x0;
	[sflag:s23] =	ssyncadd.s32 $0xFFFFE000  }
0x85: {  	[tilespmem:s25], [sflag:$0x2] =	stream.linear.gather [hbm4b:s0+s19], $0x8000, $0x38;
	[tilespmem:$0x1C800] =	vst v63  }
0x86: {  	_ =	swait.ge [sflag:s23], $0x8000  }
0x87: {  	[sflag:s23] =	ssyncset.done $0x0  }
0x88: {  	[sflag:s23] =	ssyncadd.s32 $0xFFFF8000  }
0x89: {  	[tilespmem:s28], [sflag:$0x1] =	stream.indirect.gather [hbm4b:s14+s26], $0x40, s20, s26, $0xb8;
	[tilespmem:$0x1C800] =	vst v63  }
0x8a: {  	_ = 	snop  }
0x8b: {  	[tilespmem:s29], [sflag:$0x1] =	stream.indirect.gather [hbm4b:s14+s26], $0x40, s21, s26, $0xb8;
	[tilespmem:$0x1C800] =	vst v63  }
0x8c: {  	_ = 	snop  }
0x8d: {  	[tilespmem:s31], [sflag:$0x1] =	stream.indirect.gather [hbm4b:s14+s26], $0x40, s7, s26, $0xb8;
	[tilespmem:$0x1C800] =	vst v63  }
0x8e: {  	_ = 	snop  }
0x8f: {  	[tilespmem:s3], [sflag:$0x1] =	stream.indirect.gather [hbm4b:s14+s26], $0x40, s8, s26, $0xb8;
	[tilespmem:$0x1C800] =	vst v63  }
0x90: {  	_ =	swait.ge [sflag:s16], $0x2000  }
0x91: {  	[sflag:s16] =	ssyncset.done $0x0  }
0x92: {  	[sflag:s16] =	ssyncadd.s32 $0xFFFFE000  }
0x93: {  	_ =	swait.ge [sflag:s16], $0x2000  }
0x94: {  	[sflag:s16] =	ssyncset.done $0x0  }
0x95: {  	[sflag:s16] =	ssyncadd.s32 $0xFFFFE000  }
0x96: {  	_ =	swait.ge [sflag:s16], $0x2000  }
0x97: {  	[sflag:s16] =	ssyncset.done $0x0  }
0x98: {  	[sflag:s16] =	ssyncadd.s32 $0xFFFFE000  }
0x99: {  	_ =	swait.ge [sflag:s16], $0x2000  }
0x9a: {  	[sflag:s16] =	ssyncset.done $0x0  }
0x9b: {  	s0 =	simm.s32 $0x0;
	[sflag:s16] =	ssyncadd.s32 $0xFFFFE000  }
0x9c: {  	v3 =	vld [tilespmem:s0+$0x8800]  }
0x9d: {  	v4 =	vld [tilespmem:s0+$0x8810]  }
0x9e: {  	v2 =	vld [tilespmem:s0+$0x8820]  }
0x9f: {  	v1 =	vld [tilespmem:s0+$0x8830]  }
0xa0: {  	v5 =	vld [tilespmem:s0+$0x800]  }
0xa1: {  	v7 =	vld [tilespmem:s0+$0x810]  }
0xa2: {  	s17 =	simm.s32 $0x100;
	v6 =	vld [tilespmem:s0+$0x820]  }
.LBB2_7:
0xa3: {  	p0 =	sne.s32 s17, $0x1FF00;
	v8 =	vld [tilespmem:s0+$0x830]  }
0xa4: {  	s18 =	sshra.s32 s17, $0x2  }
0xa5: {  	v5 =	vadd.f32 v3, v5;
	v3 =	vld [tilespmem:s18+$0x8800]  }
0xa6: {  	v7 =	vadd.f32 v4, v7;
	v4 =	vld [tilespmem:s18+$0x8810]  }
.Ltmp2:
0xa7: {  	v5 =	vmax.f32 v5, $0.0e+00;
	v6 =	vadd.f32 v2, v6;
	v2 =	vld [tilespmem:s18+$0x8820];
	(pc) =	sbr.rel @p0 .LBB2_7-.Ltmp2, $4  }
0xa8: {  	[tilespmem:s0+$0x800] =	vst v5;
	v7 =	vmax.f32 v7, $0.0e+00;
	v8 =	vadd.f32 v1, v8;
	v1 =	vld [tilespmem:s18+$0x8830]  }
0xa9: {  	v5 =	vld [tilespmem:s18+$0x800];
	[tilespmem:s0+$0x810] =	vst v7;
	v6 =	vmax.f32 v6, $0.0e+00  }
0xaa: {  	v7 =	vld [tilespmem:s18+$0x810];
	[tilespmem:s0+$0x820] =	vst v6;
	v8 =	vmax.f32 v8, $0.0e+00  }
0xab: {  	s17 =	sadd.s32 $0x100, s17;
	v6 =	vld [tilespmem:s18+$0x820];
	[tilespmem:s0+$0x830] =	vst v8;
	s0 =	smov.u32 s18  }
0xac: {  	v8 =	vld [tilespmem:s0+$0x830];
	_ =	sdelay $0x1  }
0xad: {  	v3 =	vadd.f32 v3, v5  }
0xae: {  	v4 =	vadd.f32 v4, v7  }
0xaf: {  	v3 =	vmax.f32 v3, $0.0e+00;
	v2 =	vadd.f32 v2, v6  }
0xb0: {  	[tilespmem:s0+$0x800] =	vst v3;
	v3 =	vmax.f32 v4, $0.0e+00;
	v1 =	vadd.f32 v1, v8  }
0xb1: {  	[tilespmem:s0+$0x810] =	vst v3;
	v2 =	vmax.f32 v2, $0.0e+00  }
0xb2: {  	[tilespmem:s0+$0x820] =	vst v2;
	v1 =	vmax.f32 v1, $0.0e+00  }
0xb3: {  	[tilespmem:s0+$0x830] =	vst v1  }
0xb4: {  	[spmem:s1] =	stream.indirect.scatter.add.f32 [tilespmem:s28], [sflag:$0x2], $0x40, s9, s26, $0xb8;
	[tilespmem:$0x1C800] =	vst v63  }
0xb5: {  	_ =	swait.ge [sflag:s23], $0x2000  }
0xb6: {  	[sflag:s23] =	ssyncset.done $0x0  }
0xb7: {  	[sflag:s23] =	ssyncadd.s32 $0xFFFFE000  }
0xb8: {  	[spmem:s1] =	stream.indirect.scatter.add.f32 [tilespmem:s29], [sflag:$0x2], $0x40, s11, s26, $0xb8;
	[tilespmem:$0x1C800] =	vst v63  }
0xb9: {  	_ =	swait.ge [sflag:s23], $0x2000  }
0xba: {  	[sflag:s23] =	ssyncset.done $0x0  }
0xbb: {  	[sflag:s23] =	ssyncadd.s32 $0xFFFFE000  }
0xbc: {  	[spmem:s1] =	stream.indirect.scatter.add.f32 [tilespmem:s31], [sflag:$0x2], $0x40, s12, s26, $0xb8;
	[tilespmem:$0x1C800] =	vst v63  }
0xbd: {  	s30 =	sadd.s32 $0x1, s30;
	_ =	swait.ge [sflag:s23], $0x2000  }
0xbe: {  	p0 =	sne.s32 s30, $0x14;
	[sflag:s23] =	ssyncset.done $0x0  }
.Ltmp3:
0xbf: {  	[sflag:s23] =	ssyncadd.s32 $0xFFFFE000;
	(pc) =	sbr.rel @p0 .LBB2_4-.Ltmp3, $4  }
0xc0: {  	[spmem:s1] =	stream.indirect.scatter.add.f32 [tilespmem:s3], [sflag:$0x2], $0x40, s2, s26, $0xb8;
	[tilespmem:$0x1C800] =	vst v63  }
0xc1: {  	_ =	swait.ge [sflag:s23], $0x2000  }
0xc2: {  	[sflag:s23] =	ssyncset.done $0x0  }
0xc3: {  	[sflag:s23] =	ssyncadd.s32 $0xFFFFE000  }
0xc4: {  	[bflag:$0x0] =	sbarrier.arrive $0xFFFF  }
0xc5: {  	s18 =	simm.s32 $0x10800;
	s19 =	rddreg [dreg:$0x3]  }
0xc6: {  	[tilespmem:s18], [sflag:$0x2] =	stream.linear.gather [spmem:s19], $0x2000, $0x38;
	[tilespmem:$0x1C800] =	vst v63  }
0xc7: {  	_ =	swait.ge [sflag:s23], $0x2000  }
0xc8: {  	[sflag:s23] =	ssyncset.done $0x0  }
0xc9: {  	s0 =	simm.s32 $0x0;
	s17 =	rddreg [dreg:$0x8];
	[sflag:s23] =	ssyncadd.s32 $0xFFFFE000  }
0xca: {  	[hbm4b:s17+s0] =	stream.linear.scatter [tilespmem:s18], [sflag:$0x2], $0x2000, $0x38;
	[tilespmem:$0x1C800] =	vst v63  }
0xcb: {  	_ =	swait.ge [sflag:s23], $0x2000  }
0xcc: {  	[sflag:s23] =	ssyncset.done $0x0  }
0xcd: {  	s22 =	rddreg [dreg:$0x4];
	[sflag:s23] =	ssyncadd.s32 $0xFFFFE000  }
0xce: {  	[tilespmem:s18], [sflag:$0x2] =	stream.linear.gather [spmem:s22], $0x2000, $0x38;
	[tilespmem:$0x1C800] =	vst v63  }
0xcf: {  	_ =	swait.ge [sflag:s23], $0x2000  }
0xd0: {  	[sflag:s23] =	ssyncset.done $0x0  }
0xd1: {  	s17 =	rddreg [dreg:$0x9];
	[sflag:s23] =	ssyncadd.s32 $0xFFFFE000  }
0xd2: {  	[hbm4b:s17+s0] =	stream.linear.scatter [tilespmem:s18], [sflag:$0x2], $0x2000, $0x38;
	[tilespmem:$0x1C800] =	vst v63  }
0xd3: {  	_ =	swait.ge [sflag:s23], $0x2000  }
0xd4: {  	[sflag:s23] =	ssyncset.done $0x0  }
0xd5: {  	s30 =	rddreg [dreg:$0x5];
	[sflag:s23] =	ssyncadd.s32 $0xFFFFE000  }
0xd6: {  	[tilespmem:s18], [sflag:$0x2] =	stream.linear.gather [spmem:s30], $0x2000, $0x38;
	[tilespmem:$0x1C800] =	vst v63  }
0xd7: {  	_ =	swait.ge [sflag:s23], $0x2000  }
0xd8: {  	[sflag:s23] =	ssyncset.done $0x0  }
0xd9: {  	s17 =	rddreg [dreg:$0xa];
	[sflag:s23] =	ssyncadd.s32 $0xFFFFE000  }
0xda: {  	[hbm4b:s17+s0] =	stream.linear.scatter [tilespmem:s18], [sflag:$0x2], $0x2000, $0x38;
	[tilespmem:$0x1C800] =	vst v63  }
0xdb: {  	_ =	swait.ge [sflag:s23], $0x2000  }
0xdc: {  	[sflag:s23] =	ssyncset.done $0x0  }
0xdd: {  	s17 =	rddreg [dreg:$0x6];
	[sflag:s23] =	ssyncadd.s32 $0xFFFFE000  }
0xde: {  	[tilespmem:s18], [sflag:$0x2] =	stream.linear.gather [spmem:s17], $0x2000, $0x38;
	[tilespmem:$0x1C800] =	vst v63  }
0xdf: {  	_ =	swait.ge [sflag:s23], $0x2000  }
0xe0: {  	[sflag:s23] =	ssyncset.done $0x0  }
0xe1: {  	s17 =	rddreg [dreg:$0xb];
	[sflag:s23] =	ssyncadd.s32 $0xFFFFE000  }
0xe2: {  	[hbm4b:s17+s0] =	stream.linear.scatter [tilespmem:s18], [sflag:$0x2], $0x2000, $0x38;
	[tilespmem:$0x1C800] =	vst v63  }
0xe3: {  	_ =	swait.ge [sflag:s23], $0x2000  }
0xe4: {  	[sflag:s23] =	ssyncset.done $0x0  }
0xe5: {  	s17 =	rddreg [dreg:$0x7];
	[sflag:s23] =	ssyncadd.s32 $0xFFFFE000  }
0xe6: {  	[tilespmem:s18], [sflag:$0x2] =	stream.linear.gather [spmem:s17], $0x2000, $0x38;
	[tilespmem:$0x1C800] =	vst v63  }
0xe7: {  	_ =	swait.ge [sflag:s23], $0x2000  }
0xe8: {  	[sflag:s23] =	ssyncset.done $0x0  }
0xe9: {  	s17 =	rddreg [dreg:$0xc];
	[sflag:s23] =	ssyncadd.s32 $0xFFFFE000  }
0xea: {  	[hbm4b:s17+s0] =	stream.linear.scatter [tilespmem:s18], [sflag:$0x2], $0x2000, $0x38;
	[tilespmem:$0x1C800] =	vst v63  }
0xeb: {  	_ =	swait.ge [sflag:s23], $0x2000  }
0xec: {  	s0 =	rddreg [dreg:$0xe]  }
0xed: {  	s18 =	rddreg [dreg:$0xd];
	s17 =	sadd.s32 $0x1, s0  }
0xee: {  	p0 =	sne.s32 s17, s18  }
.Ltmp4:
0xef: {  	_ = 	snop;
	(pc) =	sbr.rel @p0 .LBB2_1-.Ltmp4, $3  }
0xf0: {  	_ =	sdelay $0x1  }
0xf1: {  	[sflag:s23] =	ssyncset.done $0x0  }
0xf2: {  	[sflag:s23] =	ssyncadd.s32 $0xFFFFE000  }
0xf3: {  	_ =	sfence.sel $0x180000  }
0xf4: {  	[bflag:$0x0] =	sbarrier.arrive $0xFFFF  }
0xf5: {  	_ =	strace $0x9000004D  }
0xf6: {  	s0 =	stileid.u32;
	[bflag:$0x2] =	sbarrier.arrive $0xFFFF  }
0xf7: {  	p0 =	sne.s32 s0, $0x0;
	s0 =	rddreg [dreg:$0x2]  }
0xf8: {  	s0 =	sadd.s32 @!p0 $0x100000, s0  }
0xf9: {  	[sflag:s0] =	ssyncadd.tile.s32 @!p0 $0x1;
	_ =	shalt  }
.Lfunc_end2:
_tile_overlayer_lowered:
.L_overlay_start_2:
0xfa: {  	(tag) =	ssettag $0x2  }
0xfb: {  	s0 =	rddreg [dreg:$0x0];
	s2 =	stileid.u32  }
0xfc: {  	s1 =	rddreg [dreg:$0x1];
	p0 =	sne.s32 s2, $0x0  }
0xfd: {  	s3 =	rddreg [dreg:$0x2];
	[bflag:$0x3] =	sbarrier.arrive $0xFFFF;
	s2 =	simm.s32 @!p0 $0x1C02  }
0xfe: {  	[timem:s3], [sflag:s2] =	dma.local @!p0 [hbm:s0], s1  }
0xff: {  	s0 =	simm.s32 @!p0 $0x2  }
0x100: {  	_ =	swait.ge @!p0 [sflag:s0], s1  }
0x101: {  	s1 =	ssub.s32 @!p0 $0x0, s1;
	[sflag:s0] =	ssyncset.done @!p0 $0x0  }
0x102: {  	[sflag:s0] =	ssyncadd.s32 @!p0 s1  }
0x103: {  	[bflag:$0x3] =	sbarrier.arrive $0xFFFF  }
0x104: {  	_ =	shalt  }

</sc_bundles>
